<compile_context>
chip_gen: v7x
topology: tpu7x:2x2x1
jax: 0.10.2.dev20260603
libtpu: 0.0.44.dev20260713+nightly
codegen_flags: <defaults>
</compile_context>

<pallas_src>
import functools

import jax
import jax.numpy as jnp
from jax import lax
from jax.experimental import pallas as pl
from jax.experimental.pallas import tpu as pltpu
from jax.experimental.pallas import tpu_sc as plsc

H = 256
NC_N, NS_N, NW_N, E = 10000, 20000, 50000, 50000
NH = NC_N + NS_N + NW_N
CH = 2000
CHP = 2048
EST = 3136
EP = 16 * EST
NV = EST // 16
K = 64
MAXB = 50
NPASS = 85
NTOT = NPASS * CH
BN = 1000

AGG_BASE = (0, 20000, 40000, 60000, 110000, 160000)
HB_CONV, HB_SENT, HB_WORD = 0, NC_N, NC_N + NS_N



def _proj_body(xc, xs, xw, wc, ws, ww, bc, bs, bw, out):
    g = pl.program_id(0)

    @pl.when(g < 10)
    def _():
        out[...] = jnp.dot(xc[...], wc[...], preferred_element_type=jnp.float32) + bc[...]

    @pl.when((g >= 10) & (g < 30))
    def _():
        out[...] = jnp.dot(xs[...], ws[...], preferred_element_type=jnp.float32) + bs[...]

    @pl.when(g >= 30)
    def _():
        out[...] = jnp.dot(xw[...], ww[...], preferred_element_type=jnp.float32) + bw[...]


def _project(x_conv, x_sent, x_word, wtc, wts, wtw, bc, bs, bw):
    grid = (NH // BN,)
    return pl.pallas_call(
        _proj_body,
        grid=grid,
        in_specs=[
            pl.BlockSpec((BN, 1280), lambda g: (jnp.minimum(g, 9), 0)),
            pl.BlockSpec((BN, 1280), lambda g: (jnp.clip(g - 10, 0, 19), 0)),
            pl.BlockSpec((BN, 768), lambda g: (jnp.clip(g - 30, 0, 49), 0)),
            pl.BlockSpec((1280, H), lambda g: (0, 0)),
            pl.BlockSpec((1280, H), lambda g: (0, 0)),
            pl.BlockSpec((768, H), lambda g: (0, 0)),
            pl.BlockSpec((1, H), lambda g: (0, 0)),
            pl.BlockSpec((1, H), lambda g: (0, 0)),
            pl.BlockSpec((1, H), lambda g: (0, 0)),
        ],
        out_specs=pl.BlockSpec((BN, H), lambda g: (g, 0)),
        out_shape=jax.ShapeDtypeStruct((NH, H), jnp.float32),
    )(x_conv, x_sent, x_word, wtc, wts, wtw, bc, bs, bw)



def _sc_body(src_hbm, dst_hbm, h_hbm, agg_hbm, cnt_hbm,
             src_sl, dst_sl, pbuf, cnt16, cbuf, pseg, sg, lg, rows2,
             acc_l, cnt_l, zero_buf, stage, cnts_s, zspm, sem, sem2, sem3):
    t = lax.axis_index("s")
    sc = lax.axis_index("c")
    row0 = t * 128

    def _zb(i, _):
        zero_buf[i // 16, pl.ds((i % 16) * 16, 16)] = jnp.zeros((16,), jnp.float32)
        return 0
    lax.fori_loop(0, 32 * (H // 16), _zb, 0)

    @pl.when(t == 0)
    def _():
        pltpu.sync_copy(zero_buf, zspm)
    plsc.subcore_barrier()

    def outer_body(i, _):
        p = 2 * i + sc

        @pl.when(p < NPASS)
        def _():
            _one_pass(p)
        return 0

    def _one_pass(p):
        lo = p * CH
        rel = ((p >= 10).astype(jnp.int32) + (p >= 20).astype(jnp.int32)
               + (p >= 30).astype(jnp.int32) + (p >= 55).astype(jnp.int32)
               + (p >= 80).astype(jnp.int32))
        e_base = rel * EP + t * EST

        plsc.subcore_barrier()

        pltpu.async_copy(src_hbm.at[pl.ds(e_base, EST)], src_sl, sem2)
        pltpu.async_copy(dst_hbm.at[pl.ds(e_base, EST)], dst_sl, sem2)

        for j in range(4):
            pltpu.sync_copy(zspm, acc_l.at[pl.ds(j * 32, 32)])
        pltpu.sync_copy(zspm.at[pl.ds(0, 16)], acc_l.at[pl.ds(128, 16)])

        def _zc(j, _):
            cnt_l[pl.ds(j * 16, 16)] = jnp.zeros((16,), jnp.float32)
            return 0
        lax.fori_loop(0, 256 // 16, _zc, 0)

        pltpu.make_async_copy(src_hbm.at[pl.ds(0, EST)], src_sl, sem2).wait()
        pltpu.make_async_copy(src_hbm.at[pl.ds(0, EST)], dst_sl, sem2).wait()

        def scan_body(v, nv):
            d = dst_sl[pl.ds(v * 16, 16)]
            s = src_sl[pl.ds(v * 16, 16)]
            ld = d - lo
            m = (ld >= 0) & (ld < CH)
            mf = jnp.where(m, 1.0, 0.0).astype(jnp.float32)
            pre = plsc.cumsum(mf)
            pos = nv + pre.astype(jnp.int32) - 1
            packed = ld * 131072 + s
            plsc.store_scatter(pbuf, [pos], packed, mask=m)
            return nv + plsc.all_reduce_population_count(m)
        nv16 = lax.fori_loop(0, NV, scan_body, jnp.zeros((16,), jnp.int32))
        n = nv16[0]

        pltpu.sync_copy(pbuf, stage.at[pl.ds(t * EST, EST)])
        cnt16[...] = jnp.full((16,), n, jnp.int32)
        pltpu.sync_copy(cnt16, cnts_s.at[pl.ds(t * 16, 16)])
        plsc.subcore_barrier()

        pltpu.sync_copy(cnts_s, cbuf)

        def _accum_rows(b0, par):
            def row_body(r, _):
                lv = lg[pl.ds(b0 + r, 16)]
                ldr = lv[0]
                for c in range(H // 16):
                    plsc.addupdate(acc_l.at[ldr, pl.ds(c * 16, 16)],
                                   rows2[par, r, pl.ds(c * 16, 16)])
                return 0
            lax.fori_loop(0, 64, row_body, 0, unroll=2)

        pltpu.async_copy(stage.at[pl.ds(0, 512)], pseg.at[pl.ds(0, 512)], sem3)

        def writer_body(w, ns):
            cw_v = cbuf[pl.ds(w * 16, 16)]
            c_w = cw_v[0]
            nseg = (c_w + 511) // 512
            par = lax.rem(w, 2) * 512
            pltpu.make_async_copy(stage.at[pl.ds(0, 512)],
                                  pseg.at[pl.ds(par, 512)], sem3).wait()

            @pl.when(w + 1 < 16)
            def _():
                pltpu.async_copy(stage.at[pl.ds((w + 1) * EST, 512)],
                                 pseg.at[pl.ds(512 - par, 512)], sem3)

            def seg_body(sgi, ns):
                base = sgi * 512

                @pl.when(sgi > 0)
                def _():
                    pltpu.sync_copy(stage.at[pl.ds(w * EST + base, 512)],
                                    pseg.at[pl.ds(par, 512)])
                rem = jnp.minimum(c_w - base, 512)
                nvr = (rem + 15) // 16

                def fil_body(v, nsv):
                    pk = pseg[pl.ds(par + v * 16, 16)]
                    ld = pk // 131072
                    src = pk - ld * 131072
                    ldl = ld - row0
                    io = lax.iota(jnp.int32, 16)
                    valid = (v * 16 + io) < rem
                    mine = valid & (ldl >= 0) & (ldl < 128)
                    mf = jnp.where(mine, 1.0, 0.0).astype(jnp.float32)
                    pre = plsc.cumsum(mf)
                    pos = nsv + pre.astype(jnp.int32) - 1
                    plsc.store_scatter(sg, [pos], src, mask=mine)
                    plsc.store_scatter(lg, [pos], ldl, mask=mine)
                    plsc.addupdate_scatter(cnt_l, [ldl],
                                           jnp.ones((16,), jnp.float32),
                                           mask=mine)
                    return nsv + plsc.all_reduce_population_count(mine)
                nsv = lax.fori_loop(0, nvr, fil_body,
                                    jnp.full((16,), ns, jnp.int32))
                ns = nsv[0]

                nfull = ns // 64

                @pl.when(nfull > 0)
                def _():
                    pltpu.async_copy(h_hbm.at[sg.at[pl.ds(0, 64)]],
                                     rows2.at[0], sem)

                def drain_body(b, _):
                    par = lax.rem(b, 2)
                    pltpu.make_async_copy(h_hbm.at[pl.ds(0, 64)],
                                          rows2.at[par], sem).wait()

                    @pl.when(b + 1 < nfull)
                    def _():
                        pltpu.async_copy(
                            h_hbm.at[sg.at[pl.ds((b + 1) * 64, 64)]],
                            rows2.at[1 - par], sem)
                    _accum_rows(b * 64, par)
                    return 0
                lax.fori_loop(0, nfull, drain_body, 0)

                @pl.when(nfull > 0)
                def _():
                    for j in range(4):
                        sv = sg[pl.ds(nfull * 64 + j * 16, 16)]
                        lv = lg[pl.ds(nfull * 64 + j * 16, 16)]
                        sg[pl.ds(j * 16, 16)] = sv
                        lg[pl.ds(j * 16, 16)] = lv
                return ns - nfull * 64
            return lax.fori_loop(0, nseg, seg_body, ns)
        ns = lax.fori_loop(0, 16, writer_body, jnp.int32(0))

        @pl.when(ns > 0)
        def _():
            for j in range(4):
                io16 = lax.iota(jnp.int32, 16)
                sg[pl.ds(ns + j * 16, 16)] = io16
                lg[pl.ds(ns + j * 16, 16)] = 128 + io16
            pltpu.async_copy(h_hbm.at[sg.at[pl.ds(0, 64)]], rows2.at[0], sem)
            pltpu.make_async_copy(h_hbm.at[pl.ds(0, 64)], rows2.at[0],
                                  sem).wait()
            _accum_rows(0, 0)

        @pl.when(t < 15)
        def _():
            pltpu.sync_copy(acc_l.at[pl.ds(0, 128)],
                            agg_hbm.at[pl.ds(lo + row0, 128)])
            pltpu.sync_copy(cnt_l.at[pl.ds(0, 128)],
                            cnt_hbm.at[pl.ds(lo + row0, 128)])

        @pl.when(t == 15)
        def _():
            pltpu.sync_copy(acc_l.at[pl.ds(0, 80)],
                            agg_hbm.at[pl.ds(lo + 1920, 80)])
            pltpu.sync_copy(cnt_l.at[pl.ds(0, 80)],
                            cnt_hbm.at[pl.ds(lo + 1920, 80)])

    lax.fori_loop(0, (NPASS + 1) // 2, outer_body, 0)


def _sc_segment_sum(srcg, dstg, h_all):
    mesh = plsc.VectorSubcoreMesh(core_axis_name="c", subcore_axis_name="s")
    kern = pl.kernel(
        _sc_body,
        out_type=(jax.ShapeDtypeStruct((NTOT, H), jnp.float32),
                  jax.ShapeDtypeStruct((NTOT,), jnp.float32)),
        mesh=mesh,
        scratch_types=[
            pltpu.VMEM((EST,), jnp.int32),
            pltpu.VMEM((EST,), jnp.int32),
            pltpu.VMEM((EST,), jnp.int32),
            pltpu.VMEM((16,), jnp.int32),
            pltpu.VMEM((256,), jnp.int32),
            pltpu.VMEM((1024,), jnp.int32),
            pltpu.VMEM((576,), jnp.int32),
            pltpu.VMEM((576,), jnp.int32),
            pltpu.VMEM((2, 64, H), jnp.float32),
            pltpu.VMEM((144, H), jnp.float32),
            pltpu.VMEM((256,), jnp.float32),
            pltpu.VMEM((32, H), jnp.float32),
            pltpu.VMEM_SHARED((16 * EST,), jnp.int32),
            pltpu.VMEM_SHARED((256,), jnp.int32),
            pltpu.VMEM_SHARED((32, H), jnp.float32),
            pltpu.SemaphoreType.DMA,
            pltpu.SemaphoreType.DMA,
            pltpu.SemaphoreType.DMA,
        ],
        compiler_params=pltpu.CompilerParams(needs_layout_passes=False),
    )
    return kern(srcg, dstg, h_all)



def _combine3_body(a1, a2, a3, c1, c2, c3, h, w1, w2, w3, wr, bl, out):
    i1 = 1.0 / jnp.maximum(c1[...], 1.0)
    i2 = 1.0 / jnp.maximum(c2[...], 1.0)
    i3 = 1.0 / jnp.maximum(c3[...], 1.0)
    out[...] = (jnp.dot(a1[...], w1[...], preferred_element_type=jnp.float32) * i1
                + jnp.dot(a2[...], w2[...], preferred_element_type=jnp.float32) * i2
                + jnp.dot(a3[...], w3[...], preferred_element_type=jnp.float32) * i3
                + jnp.dot(h[...], wr[...], preferred_element_type=jnp.float32)
                + bl[...])


def _combine2_body(a1, a2, c1, c2, h, w1, w2, wr, bl, out):
    i1 = 1.0 / jnp.maximum(c1[...], 1.0)
    i2 = 1.0 / jnp.maximum(c2[...], 1.0)
    out[...] = (jnp.dot(a1[...], w1[...], preferred_element_type=jnp.float32) * i1
                + jnp.dot(a2[...], w2[...], preferred_element_type=jnp.float32) * i2
                + jnp.dot(h[...], wr[...], preferred_element_type=jnp.float32)
                + bl[...])


def _combine1_body(a1, c1, h, w1, wr, bl, out):
    i1 = 1.0 / jnp.maximum(c1[...], 1.0)
    out[...] = (jnp.dot(a1[...], w1[...], preferred_element_type=jnp.float32) * i1
                + jnp.dot(h[...], wr[...], preferred_element_type=jnp.float32)
                + bl[...])


def _agg_spec(base):
    return pl.BlockSpec((BN, H), lambda g, b=base // BN: (g + b, 0))


def _cnt_spec(base):
    return pl.BlockSpec((BN, 1), lambda g, b=base // BN: (g + b, 0))


def _w_spec():
    return pl.BlockSpec((H, H), lambda g: (0, 0))


def _combine(body, n_rows, agg_bases, h_base, agg, cnt2, h_all, wls, wr, bl):
    grid = (n_rows // BN,)
    in_specs = ([_agg_spec(b) for b in agg_bases]
                + [_cnt_spec(b) for b in agg_bases]
                + [pl.BlockSpec((BN, H), lambda g, hb=h_base // BN: (g + hb, 0))]
                + [_w_spec() for _ in wls]
                + [_w_spec(), pl.BlockSpec((1, H), lambda g: (0, 0))])
    args = ([agg] * len(agg_bases) + [cnt2] * len(agg_bases) + [h_all]
            + list(wls) + [wr, bl])
    return pl.pallas_call(
        body,
        grid=grid,
        in_specs=in_specs,
        out_specs=pl.BlockSpec((BN, H), lambda g: (g, 0)),
        out_shape=jax.ShapeDtypeStruct((n_rows, H), jnp.float32),
    )(*args)



def kernel(x_coversation, x_sentence, x_word,
           ei_cs, ei_ss, ei_sw, ei_ww, ei_sc, ei_ws,
           W_conv, b_conv, W_sent, b_sent, W_word, b_word,
           Wl_cs, bl_cs, Wr_cs,
           Wl_ss, bl_ss, Wr_ss,
           Wl_sw, bl_sw, Wr_sw,
           Wl_ww, bl_ww, Wr_ww,
           Wl_sc, bl_sc, Wr_sc,
           Wl_ws, bl_ws, Wr_ws):
    f32 = jnp.float32

    h_all = _project(x_coversation, x_sentence, x_word,
                     W_conv.T, W_sent.T, W_word.T,
                     b_conv.reshape(1, H), b_sent.reshape(1, H),
                     b_word.reshape(1, H))

    srcs = (ei_cs[0] + HB_CONV, ei_ss[0] + HB_SENT, ei_ws[0] + HB_WORD,
            ei_sw[0] + HB_SENT, ei_ww[0] + HB_WORD, ei_sc[0] + HB_SENT)
    dsts = (ei_cs[1] + AGG_BASE[0], ei_ss[1] + AGG_BASE[1],
            ei_ws[1] + AGG_BASE[2], ei_sw[1] + AGG_BASE[3],
            ei_ww[1] + AGG_BASE[4], ei_sc[1] + AGG_BASE[5])
    pad_src = jnp.zeros((EP - E,), jnp.int32)
    pad_dst = jnp.full((EP - E,), 1 << 30, jnp.int32)
    srcg = jnp.concatenate([jnp.concatenate([s.astype(jnp.int32), pad_src])
                            for s in srcs])
    dstg = jnp.concatenate([jnp.concatenate([d.astype(jnp.int32), pad_dst])
                            for d in dsts])

    agg, cnt = _sc_segment_sum(srcg, dstg, h_all)
    cnt2 = cnt.reshape(NTOT, 1)

    out_sent = _combine(
        _combine3_body, NS_N, (AGG_BASE[0], AGG_BASE[1], AGG_BASE[2]), HB_SENT,
        agg, cnt2, h_all, (Wl_cs.T, Wl_ss.T, Wl_ws.T),
        (Wr_cs + Wr_ss + Wr_ws).T, (bl_cs + bl_ss + bl_ws).reshape(1, H))
    out_word = _combine(
        _combine2_body, NW_N, (AGG_BASE[3], AGG_BASE[4]), HB_WORD,
        agg, cnt2, h_all, (Wl_sw.T, Wl_ww.T),
        (Wr_sw + Wr_ww).T, (bl_sw + bl_ww).reshape(1, H))
    out_conv = _combine(
        _combine1_body, NC_N, (AGG_BASE[5],), HB_CONV,
        agg, cnt2, h_all, (Wl_sc.T,),
        Wr_sc.T, bl_sc.reshape(1, H))

    return (out_conv, out_sent, out_word)

# --- scband reference (transcript-rebuilt; emitter-appended) ---
"""Pipeline reference for scband-style-multi-granularity-hetero-graph-66133906424422 (READ-ONLY COPY).

The authoritative reference and input builder live on the scoring server;
editing this copy changes nothing except your own understanding.
"""

import jax, jax.numpy as jnp
import numpy as np

H = 256


def _sage(x_src, x_dst, ei, Wl, bl, Wr):
    # PyG SAGEConv with mean aggregation (bipartite form):
    # out = lin_l(mean_{j in N(i)} x_src_j) + lin_r(x_dst_i)
    src = ei[0]
    dst = ei[1]
    msgs = x_src[src]
    n_dst = x_dst.shape[0]
    agg = jax.ops.segment_sum(msgs, dst, num_segments=n_dst)
    cnt = jax.ops.segment_sum(jnp.ones((ei.shape[1],), dtype=x_src.dtype), dst, num_segments=n_dst)
    mean = agg / jnp.clip(cnt, 1.0, None)[:, None]
    return mean @ Wl.T + bl + x_dst @ Wr.T


def setup_inputs(seed: int = 0):
    key = jax.random.key(seed)
    ks = jax.random.split(key, 40)
    Nc, Ns, Nw, E = 10000, 20000, 50000, 50000
    inp = {}
    inp['x_coversation'] = jax.random.normal(ks[0], (Nc, 1280), dtype=jnp.float32)
    inp['x_sentence'] = jax.random.normal(ks[1], (Ns, 1280), dtype=jnp.float32)
    inp['x_word'] = jax.random.normal(ks[2], (Nw, 768), dtype=jnp.float32)
    inp['ei_cs'] = jax.random.randint(ks[3], (2, E), 0, Nc)
    inp['ei_ss'] = jax.random.randint(ks[4], (2, E), 0, Ns)
    inp['ei_sw'] = jax.random.randint(ks[5], (2, E), 0, Ns)
    inp['ei_ww'] = jax.random.randint(ks[6], (2, E), 0, Nw)
    inp['ei_sc'] = jax.random.randint(ks[7], (2, E), 0, Nc)
    inp['ei_ws'] = jax.random.randint(ks[8], (2, E), 0, Ns)

    def lin(k, o, i):
        return jax.random.normal(k, (o, i), dtype=jnp.float32) * 0.02

    inp['W_conv'] = lin(ks[9], H, 1280)
    inp['b_conv'] = jnp.zeros((H,), dtype=jnp.float32)
    inp['W_sent'] = lin(ks[10], H, 1280)
    inp['b_sent'] = jnp.zeros((H,), dtype=jnp.float32)
    inp['W_word'] = lin(ks[11], H, 768)
    inp['b_word'] = jnp.zeros((H,), dtype=jnp.float32)
    rels = ['cs', 'ss', 'sw', 'ww', 'sc', 'ws']
    for i, r in enumerate(rels):
        inp['Wl_' + r] = lin(ks[12 + 2 * i], H, H)
        inp['bl_' + r] = jnp.zeros((H,), dtype=jnp.float32)
        inp['Wr_' + r] = lin(ks[13 + 2 * i], H, H)
    return inp


def reference(x_coversation, x_sentence, x_word,
              ei_cs, ei_ss, ei_sw, ei_ww, ei_sc, ei_ws,
              W_conv, b_conv, W_sent, b_sent, W_word, b_word,
              Wl_cs, bl_cs, Wr_cs,
              Wl_ss, bl_ss, Wr_ss,
              Wl_sw, bl_sw, Wr_sw,
              Wl_ww, bl_ww, Wr_ww,
              Wl_sc, bl_sc, Wr_sc,
              Wl_ws, bl_ws, Wr_ws):
    h_conv = x_coversation @ W_conv.T + b_conv
    h_sent = x_sentence @ W_sent.T + b_sent
    h_word = x_word @ W_word.T + b_word
    # HeteroConv with aggr='sum': sum conv outputs per destination node type
    out_sent = (_sage(h_conv, h_sent, ei_cs, Wl_cs, bl_cs, Wr_cs)
                + _sage(h_sent, h_sent, ei_ss, Wl_ss, bl_ss, Wr_ss)
                + _sage(h_word, h_sent, ei_ws, Wl_ws, bl_ws, Wr_ws))
    out_word = (_sage(h_sent, h_word, ei_sw, Wl_sw, bl_sw, Wr_sw)
                + _sage(h_word, h_word, ei_ww, Wl_ww, bl_ww, Wr_ww))
    out_conv = _sage(h_sent, h_conv, ei_sc, Wl_sc, bl_sc, Wr_sc)
    return (out_conv, out_sent, out_word)

if __name__ == "__main__":
    import jax
    _d = setup_inputs()
    print(jax.jit(kernel)(*tuple(_d.values())))

</pallas_src>

<mosaic_0001>
#map = affine_map<(d0, d1) -> (0)>
#map1 = affine_map<(d0, d1) -> (0, 0)>
module attributes {stable_mosaic.version = 14 : i64} {
  func.func @_sc_body(%arg0: i32, %arg1: i32, %arg2: memref<301056xi32, #tpu.memory_space<hbm>>, %arg3: memref<301056xi32, #tpu.memory_space<hbm>>, %arg4: memref<80000x256xf32, #tpu.memory_space<hbm>>, %arg5: memref<170000x256xf32, #tpu.memory_space<hbm>>, %arg6: memref<170000xf32, #tpu.memory_space<hbm>>, %arg7: memref<3136xi32, #tpu.memory_space<vmem>>, %arg8: memref<3136xi32, #tpu.memory_space<vmem>>, %arg9: memref<3136xi32, #tpu.memory_space<vmem>>, %arg10: memref<16xi32, #tpu.memory_space<vmem>>, %arg11: memref<256xi32, #tpu.memory_space<vmem>>, %arg12: memref<1024xi32, #tpu.memory_space<vmem>>, %arg13: memref<576xi32, #tpu.memory_space<vmem>>, %arg14: memref<576xi32, #tpu.memory_space<vmem>>, %arg15: memref<2x64x256xf32, #tpu.memory_space<vmem>>, %arg16: memref<144x256xf32, #tpu.memory_space<vmem>>, %arg17: memref<256xf32, #tpu.memory_space<vmem>>, %arg18: memref<32x256xf32, #tpu.memory_space<vmem>>, %arg19: memref<50176xi32, #tpu.memory_space<vmem_shared>>, %arg20: memref<256xi32, #tpu.memory_space<vmem_shared>>, %arg21: memref<32x256xf32, #tpu.memory_space<vmem_shared>>, %arg22: memref<!tpu.dma_semaphore, #tpu.memory_space<semaphore_mem>>, %arg23: memref<!tpu.dma_semaphore, #tpu.memory_space<semaphore_mem>>, %arg24: memref<!tpu.dma_semaphore, #tpu.memory_space<semaphore_mem>>) attributes {dimension_semantics = [#tpu.dimension_semantics<core_parallel>, #tpu.dimension_semantics<subcore_parallel>], iteration_bounds = array<i64: 2, 16>, scalar_prefetch = 0 : i64, scratch_operands = 18 : i64, tpu.core_type = #tpu.core_type<sc_vector_subcore>, window_params = [{transform_indices = #map}, {transform_indices = #map}, {transform_indices = #map1}, {transform_indices = #map1}, {transform_indices = #map}]} {
    %mul3A = arith.constant 128 : i32
    %mul3A_0 = arith.muli %arg1, %mul3A : i32
    %scan3A = arith.constant 0 : i32
    %scan3A_1 = arith.constant 0 : i32
    %scan3A_2 = arith.constant 512 : i32
    %scan3A_3 = arith.addi %scan3A_1, %scan3A_2 : i32
    %scan3A_4 = arith.constant 1 : i32
    %scan3A_5 = scf.for %scan3A_16 = %scan3A_1 to %scan3A_3 step %scan3A_4 iter_args(%scan3A_17 = %scan3A) -> (i32)  : i32 {
      %broadcast_in_dim3A = arith.constant 0.000000e+00 : f32
      %broadcast_in_dim3A_18 = vector.broadcast %broadcast_in_dim3A : f32 to vector<16xf32>
      %jit3A = arith.constant 16 : i32
      %div3A = arith.divsi %scan3A_16, %jit3A : i32
      %sign3A = arith.constant 0 : i32
      %sign3A_19 = arith.cmpi sgt, %scan3A_16, %sign3A : i32
      %sign3A_20 = arith.extui %sign3A_19 : i1 to i32
      %sign3A_21 = arith.constant 0 : i32
      %sign3A_22 = arith.cmpi slt, %scan3A_16, %sign3A_21 : i32
      %sign3A_23 = arith.extui %sign3A_22 : i1 to i32
      %sign3A_24 = arith.subi %sign3A_20, %sign3A_23 : i32
      %sign3A_25 = arith.constant 0 : i32
      %sign3A_26 = arith.cmpi sgt, %jit3A, %sign3A_25 : i32
      %sign3A_27 = arith.extui %sign3A_26 : i1 to i32
      %sign3A_28 = arith.constant 0 : i32
      %sign3A_29 = arith.cmpi slt, %jit3A, %sign3A_28 : i32
      %sign3A_30 = arith.extui %sign3A_29 : i1 to i32
      %sign3A_31 = arith.subi %sign3A_27, %sign3A_30 : i32
      %ne3A = arith.cmpi ne, %sign3A_24, %sign3A_31 : i32
      %rem3A = arith.remsi %scan3A_16, %jit3A : i32
      %ne3A_32 = arith.constant 0 : i32
      %ne3A_33 = arith.cmpi ne, %rem3A, %ne3A_32 : i32
      %and3A = arith.andi %ne3A, %ne3A_33 : i1
      %sub3A = arith.constant 1 : i32
      %sub3A_34 = arith.subi %div3A, %sub3A : i32
      %select_n3A = arith.select %and3A, %sub3A_34, %div3A : i32
      %jit3A_35 = arith.constant 16 : i32
      %eq3A_36 = arith.constant 0 : i32
      %eq3A_37 = arith.cmpi eq, %jit3A_35, %eq3A_36 : i32
      %jit3A_38 = arith.constant 1 : i32
      %select_n3A_39 = arith.select %eq3A_37, %jit3A_38, %jit3A_35 : i32
      %rem3A_40 = arith.remsi %scan3A_16, %select_n3A_39 : i32
      %ne3A_41 = arith.constant 0 : i32
      %ne3A_42 = arith.cmpi ne, %rem3A_40, %ne3A_41 : i32
      %lt3A = arith.constant 0 : i32
      %lt3A_43 = arith.cmpi slt, %rem3A_40, %lt3A : i32
      %lt3A_44 = arith.constant 0 : i32
      %lt3A_45 = arith.cmpi slt, %select_n3A_39, %lt3A_44 : i32
      %ne3A_46 = arith.xori %lt3A_43, %lt3A_45 : i1
      %and3A_47 = arith.andi %ne3A_46, %ne3A_42 : i1
      %add3A = arith.addi %rem3A_40, %select_n3A_39 : i32
      %select_n3A_48 = arith.select %and3A_47, %add3A, %rem3A_40 : i32
      %mul3A_49 = arith.constant 16 : i32
      %mul3A_50 = arith.muli %select_n3A_48, %mul3A_49 : i32
      %swap3A = arith.index_cast %select_n3A : i32 to index
      %swap3A_51 = arith.index_cast %mul3A_50 : i32 to index
      %swap3A_52 = tpu.vector_load %arg18[%swap3A, %swap3A_51] {strides = array<i32>} : memref<32x256xf32, #tpu.memory_space<vmem>>, vector<16xf32>,
      tpu.vector_store %arg18[%swap3A, %swap3A_51], %broadcast_in_dim3A_18 {strides = array<i32>} : memref<32x256xf32, #tpu.memory_space<vmem>>, vector<16xf32>,
      %scan3A_53 = arith.constant 0 : i32
      scf.yield %scan3A_53 : i32
    }
    %scan3A_6 = arith.constant 512 : i32
    %eq3A = arith.constant 0 : i32
    %eq3A_7 = arith.cmpi eq, %arg1, %eq3A : i32
    %convert_element_type3A = arith.extui %eq3A_7 : i1 to i32
    %cond3A = arith.constant 0 : i32
    %cond3A_8 = arith.cmpi ne, %convert_element_type3A, %cond3A : i32
    scf.if %cond3A_8 {
      "tpu.region"() ({
        %run_scoped3A = tpu.sem_alloc : memref<!tpu.dma_semaphore, #tpu.memory_space<semaphore_mem>>
        tpu.enqueue_dma source(%arg18 : memref<32x256xf32, #tpu.memory_space<vmem>>) target(%arg21 : memref<32x256xf32, #tpu.memory_space<vmem_shared>>) target_semaphore(%run_scoped3A : memref<!tpu.dma_semaphore, #tpu.memory_space<semaphore_mem>>)
        tpu.wait_dma2 semaphore(%run_scoped3A : memref<!tpu.dma_semaphore, #tpu.memory_space<semaphore_mem>>) src(%arg18 : memref<32x256xf32, #tpu.memory_space<vmem>>) dst(%arg21 : memref<32x256xf32, #tpu.memory_space<vmem_shared>>)
        tpu.yield
      }) : () -> ()
    } else {
    }
    %barrier3A = arith.constant 0 : index
    tpu.barrier barrier_id(%barrier3A)
    %scan3A_9 = arith.constant 0 : i32
    %scan3A_10 = arith.constant 0 : i32
    %scan3A_11 = arith.constant 43 : i32
    %scan3A_12 = arith.addi %scan3A_10, %scan3A_11 : i32
    %scan3A_13 = arith.constant 1 : i32
    %scan3A_14 = scf.for %scan3A_16 = %scan3A_10 to %scan3A_12 step %scan3A_13 iter_args(%scan3A_17 = %scan3A_9) -> (i32)  : i32 {
      %mul3A_18 = arith.constant 2 : i32
      %mul3A_19 = arith.muli %mul3A_18, %scan3A_16 : i32
      %add3A = arith.addi %mul3A_19, %arg0 : i32
      %lt3A = arith.constant 85 : i32
      %lt3A_20 = arith.cmpi slt, %add3A, %lt3A : i32
      %convert_element_type3A_21 = arith.extui %lt3A_20 : i1 to i32
      %cond3A_22 = arith.constant 0 : i32
      %cond3A_23 = arith.cmpi ne, %convert_element_type3A_21, %cond3A_22 : i32
      scf.if %cond3A_23 {
        %mul3A_25 = arith.constant 2000 : i32
        %mul3A_26 = arith.muli %add3A, %mul3A_25 : i32
        %ge3A = arith.constant 10 : i32
        %ge3A_27 = arith.cmpi sge, %add3A, %ge3A : i32
        %convert_element_type3A_28 = arith.extui %ge3A_27 : i1 to i32
        %ge3A_29 = arith.constant 20 : i32
        %ge3A_30 = arith.cmpi sge, %add3A, %ge3A_29 : i32
        %convert_element_type3A_31 = arith.extui %ge3A_30 : i1 to i32
        %add3A_32 = arith.addi %convert_element_type3A_28, %convert_element_type3A_31 : i32
        %ge3A_33 = arith.constant 30 : i32
        %ge3A_34 = arith.cmpi sge, %add3A, %ge3A_33 : i32
        %convert_element_type3A_35 = arith.extui %ge3A_34 : i1 to i32
        %add3A_36 = arith.addi %add3A_32, %convert_element_type3A_35 : i32
        %ge3A_37 = arith.constant 55 : i32
        %ge3A_38 = arith.cmpi sge, %add3A, %ge3A_37 : i32
        %convert_element_type3A_39 = arith.extui %ge3A_38 : i1 to i32
        %add3A_40 = arith.addi %add3A_36, %convert_element_type3A_39 : i32
        %ge3A_41 = arith.constant 80 : i32
        %ge3A_42 = arith.cmpi sge, %add3A, %ge3A_41 : i32
        %convert_element_type3A_43 = arith.extui %ge3A_42 : i1 to i32
        %add3A_44 = arith.addi %add3A_40, %convert_element_type3A_43 : i32
        %mul3A_45 = arith.constant 50176 : i32
        %mul3A_46 = arith.muli %add3A_44, %mul3A_45 : i32
        %mul3A_47 = arith.constant 3136 : i32
        %mul3A_48 = arith.muli %arg1, %mul3A_47 : i32
        %add3A_49 = arith.addi %mul3A_46, %mul3A_48 : i32
        %barrier3A_50 = arith.constant 0 : index
        tpu.barrier barrier_id(%barrier3A_50)
        %dma_start3A = tpu.memref_slice %arg2[%add3A_49] : memref<301056xi32, #tpu.memory_space<hbm>> -> memref<3136xi32, #tpu.memory_space<hbm>>
        %dma_start3A_51 = tpu.memref_slice %arg2[%add3A_49] : memref<301056xi32, #tpu.memory_space<hbm>> -> memref<3136xi32, #tpu.memory_space<hbm>>
        tpu.enqueue_dma source(%dma_start3A_51 : memref<3136xi32, #tpu.memory_space<hbm>>) target(%arg7 : memref<3136xi32, #tpu.memory_space<vmem>>) target_semaphore(%arg23 : memref<!tpu.dma_semaphore, #tpu.memory_space<semaphore_mem>>)
        %dma_start3A_52 = tpu.memref_slice %arg3[%add3A_49] : memref<301056xi32, #tpu.memory_space<hbm>> -> memref<3136xi32, #tpu.memory_space<hbm>>
        %dma_start3A_53 = tpu.memref_slice %arg3[%add3A_49] : memref<301056xi32, #tpu.memory_space<hbm>> -> memref<3136xi32, #tpu.memory_space<hbm>>
        tpu.enqueue_dma source(%dma_start3A_53 : memref<3136xi32, #tpu.memory_space<hbm>>) target(%arg8 : memref<3136xi32, #tpu.memory_space<vmem>>) target_semaphore(%arg23 : memref<!tpu.dma_semaphore, #tpu.memory_space<semaphore_mem>>)
        "tpu.region"() ({
          %run_scoped3A = tpu.sem_alloc : memref<!tpu.dma_semaphore, #tpu.memory_space<semaphore_mem>>
          %dma_start3A_111 = arith.constant 0 : i32
          %dma_start3A_112 = arith.constant 0 : i32
          %dma_start3A_113 = tpu.memref_slice %arg16[%dma_start3A_111, %dma_start3A_112] : memref<144x256xf32, #tpu.memory_space<vmem>> -> memref<32x256xf32, #tpu.memory_space<vmem>>
          %dma_start3A_114 = arith.constant 0 : i32
          %dma_start3A_115 = arith.constant 0 : i32
          %dma_start3A_116 = tpu.memref_slice %arg16[%dma_start3A_114, %dma_start3A_115] : memref<144x256xf32, #tpu.memory_space<vmem>> -> memref<32x256xf32, #tpu.memory_space<vmem>>
          tpu.enqueue_dma source(%arg21 : memref<32x256xf32, #tpu.memory_space<vmem_shared>>) target(%dma_start3A_116 : memref<32x256xf32, #tpu.memory_space<vmem>>) target_semaphore(%run_scoped3A : memref<!tpu.dma_semaphore, #tpu.memory_space<semaphore_mem>>)
          %dma_wait3A_117 = arith.constant 0 : i32
          %dma_wait3A_118 = arith.constant 0 : i32
          %dma_wait3A_119 = tpu.memref_slice %arg16[%dma_wait3A_117, %dma_wait3A_118] : memref<144x256xf32, #tpu.memory_space<vmem>> -> memref<32x256xf32, #tpu.memory_space<vmem>>
          %dma_wait3A_120 = arith.constant 0 : i32
          %dma_wait3A_121 = arith.constant 0 : i32
          %dma_wait3A_122 = tpu.memref_slice %arg16[%dma_wait3A_120, %dma_wait3A_121] : memref<144x256xf32, #tpu.memory_space<vmem>> -> memref<32x256xf32, #tpu.memory_space<vmem>>
          tpu.wait_dma2 semaphore(%run_scoped3A : memref<!tpu.dma_semaphore, #tpu.memory_space<semaphore_mem>>) src(%arg21 : memref<32x256xf32, #tpu.memory_space<vmem_shared>>) dst(%dma_wait3A_122 : memref<32x256xf32, #tpu.memory_space<vmem>>)
          tpu.yield
        }) : () -> ()
        "tpu.region"() ({
          %run_scoped3A = tpu.sem_alloc : memref<!tpu.dma_semaphore, #tpu.memory_space<semaphore_mem>>
          %dma_start3A_111 = arith.constant 32 : i32
          %dma_start3A_112 = arith.constant 0 : i32
          %dma_start3A_113 = tpu.memref_slice %arg16[%dma_start3A_111, %dma_start3A_112] : memref<144x256xf32, #tpu.memory_space<vmem>> -> memref<32x256xf32, #tpu.memory_space<vmem>>
          %dma_start3A_114 = arith.constant 32 : i32
          %dma_start3A_115 = arith.constant 0 : i32
          %dma_start3A_116 = tpu.memref_slice %arg16[%dma_start3A_114, %dma_start3A_115] : memref<144x256xf32, #tpu.memory_space<vmem>> -> memref<32x256xf32, #tpu.memory_space<vmem>>
          tpu.enqueue_dma source(%arg21 : memref<32x256xf32, #tpu.memory_space<vmem_shared>>) target(%dma_start3A_116 : memref<32x256xf32, #tpu.memory_space<vmem>>) target_semaphore(%run_scoped3A : memref<!tpu.dma_semaphore, #tpu.memory_space<semaphore_mem>>)
          %dma_wait3A_117 = arith.constant 32 : i32
          %dma_wait3A_118 = arith.constant 0 : i32
          %dma_wait3A_119 = tpu.memref_slice %arg16[%dma_wait3A_117, %dma_wait3A_118] : memref<144x256xf32, #tpu.memory_space<vmem>> -> memref<32x256xf32, #tpu.memory_space<vmem>>
          %dma_wait3A_120 = arith.constant 32 : i32
          %dma_wait3A_121 = arith.constant 0 : i32
          %dma_wait3A_122 = tpu.memref_slice %arg16[%dma_wait3A_120, %dma_wait3A_121] : memref<144x256xf32, #tpu.memory_space<vmem>> -> memref<32x256xf32, #tpu.memory_space<vmem>>
          tpu.wait_dma2 semaphore(%run_scoped3A : memref<!tpu.dma_semaphore, #tpu.memory_space<semaphore_mem>>) src(%arg21 : memref<32x256xf32, #tpu.memory_space<vmem_shared>>) dst(%dma_wait3A_122 : memref<32x256xf32, #tpu.memory_space<vmem>>)
          tpu.yield
        }) : () -> ()
        "tpu.region"() ({
          %run_scoped3A = tpu.sem_alloc : memref<!tpu.dma_semaphore, #tpu.memory_space<semaphore_mem>>
          %dma_start3A_111 = arith.constant 64 : i32
          %dma_start3A_112 = arith.constant 0 : i32
          %dma_start3A_113 = tpu.memref_slice %arg16[%dma_start3A_111, %dma_start3A_112] : memref<144x256xf32, #tpu.memory_space<vmem>> -> memref<32x256xf32, #tpu.memory_space<vmem>>
          %dma_start3A_114 = arith.constant 64 : i32
          %dma_start3A_115 = arith.constant 0 : i32
          %dma_start3A_116 = tpu.memref_slice %arg16[%dma_start3A_114, %dma_start3A_115] : memref<144x256xf32, #tpu.memory_space<vmem>> -> memref<32x256xf32, #tpu.memory_space<vmem>>
          tpu.enqueue_dma source(%arg21 : memref<32x256xf32, #tpu.memory_space<vmem_shared>>) target(%dma_start3A_116 : memref<32x256xf32, #tpu.memory_space<vmem>>) target_semaphore(%run_scoped3A : memref<!tpu.dma_semaphore, #tpu.memory_space<semaphore_mem>>)
          %dma_wait3A_117 = arith.constant 64 : i32
          %dma_wait3A_118 = arith.constant 0 : i32
          %dma_wait3A_119 = tpu.memref_slice %arg16[%dma_wait3A_117, %dma_wait3A_118] : memref<144x256xf32, #tpu.memory_space<vmem>> -> memref<32x256xf32, #tpu.memory_space<vmem>>
          %dma_wait3A_120 = arith.constant 64 : i32
          %dma_wait3A_121 = arith.constant 0 : i32
          %dma_wait3A_122 = tpu.memref_slice %arg16[%dma_wait3A_120, %dma_wait3A_121] : memref<144x256xf32, #tpu.memory_space<vmem>> -> memref<32x256xf32, #tpu.memory_space<vmem>>
          tpu.wait_dma2 semaphore(%run_scoped3A : memref<!tpu.dma_semaphore, #tpu.memory_space<semaphore_mem>>) src(%arg21 : memref<32x256xf32, #tpu.memory_space<vmem_shared>>) dst(%dma_wait3A_122 : memref<32x256xf32, #tpu.memory_space<vmem>>)
          tpu.yield
        }) : () -> ()
        "tpu.region"() ({
          %run_scoped3A = tpu.sem_alloc : memref<!tpu.dma_semaphore, #tpu.memory_space<semaphore_mem>>
          %dma_start3A_111 = arith.constant 96 : i32
          %dma_start3A_112 = arith.constant 0 : i32
          %dma_start3A_113 = tpu.memref_slice %arg16[%dma_start3A_111, %dma_start3A_112] : memref<144x256xf32, #tpu.memory_space<vmem>> -> memref<32x256xf32, #tpu.memory_space<vmem>>
          %dma_start3A_114 = arith.constant 96 : i32
          %dma_start3A_115 = arith.constant 0 : i32
          %dma_start3A_116 = tpu.memref_slice %arg16[%dma_start3A_114, %dma_start3A_115] : memref<144x256xf32, #tpu.memory_space<vmem>> -> memref<32x256xf32, #tpu.memory_space<vmem>>
          tpu.enqueue_dma source(%arg21 : memref<32x256xf32, #tpu.memory_space<vmem_shared>>) target(%dma_start3A_116 : memref<32x256xf32, #tpu.memory_space<vmem>>) target_semaphore(%run_scoped3A : memref<!tpu.dma_semaphore, #tpu.memory_space<semaphore_mem>>)
          %dma_wait3A_117 = arith.constant 96 : i32
          %dma_wait3A_118 = arith.constant 0 : i32
          %dma_wait3A_119 = tpu.memref_slice %arg16[%dma_wait3A_117, %dma_wait3A_118] : memref<144x256xf32, #tpu.memory_space<vmem>> -> memref<32x256xf32, #tpu.memory_space<vmem>>
          %dma_wait3A_120 = arith.constant 96 : i32
          %dma_wait3A_121 = arith.constant 0 : i32
          %dma_wait3A_122 = tpu.memref_slice %arg16[%dma_wait3A_120, %dma_wait3A_121] : memref<144x256xf32, #tpu.memory_space<vmem>> -> memref<32x256xf32, #tpu.memory_space<vmem>>
          tpu.wait_dma2 semaphore(%run_scoped3A : memref<!tpu.dma_semaphore, #tpu.memory_space<semaphore_mem>>) src(%arg21 : memref<32x256xf32, #tpu.memory_space<vmem_shared>>) dst(%dma_wait3A_122 : memref<32x256xf32, #tpu.memory_space<vmem>>)
          tpu.yield
        }) : () -> ()
        "tpu.region"() ({
          %run_scoped3A = tpu.sem_alloc : memref<!tpu.dma_semaphore, #tpu.memory_space<semaphore_mem>>
          %dma_start3A_111 = arith.constant 128 : i32
          %dma_start3A_112 = arith.constant 0 : i32
          %dma_start3A_113 = tpu.memref_slice %arg16[%dma_start3A_111, %dma_start3A_112] : memref<144x256xf32, #tpu.memory_space<vmem>> -> memref<16x256xf32, #tpu.memory_space<vmem>>
          %dma_start3A_114 = arith.constant 0 : i32
          %dma_start3A_115 = arith.constant 0 : i32
          %dma_start3A_116 = tpu.memref_slice %arg21[%dma_start3A_114, %dma_start3A_115] : memref<32x256xf32, #tpu.memory_space<vmem_shared>> -> memref<16x256xf32, #tpu.memory_space<vmem_shared>>
          %dma_start3A_117 = arith.constant 128 : i32
          %dma_start3A_118 = arith.constant 0 : i32
          %dma_start3A_119 = tpu.memref_slice %arg16[%dma_start3A_117, %dma_start3A_118] : memref<144x256xf32, #tpu.memory_space<vmem>> -> memref<16x256xf32, #tpu.memory_space<vmem>>
          %dma_start3A_120 = arith.constant 0 : i32
          %dma_start3A_121 = arith.constant 0 : i32
          %dma_start3A_122 = tpu.memref_slice %arg21[%dma_start3A_120, %dma_start3A_121] : memref<32x256xf32, #tpu.memory_space<vmem_shared>> -> memref<16x256xf32, #tpu.memory_space<vmem_shared>>
          tpu.enqueue_dma source(%dma_start3A_122 : memref<16x256xf32, #tpu.memory_space<vmem_shared>>) target(%dma_start3A_119 : memref<16x256xf32, #tpu.memory_space<vmem>>) target_semaphore(%run_scoped3A : memref<!tpu.dma_semaphore, #tpu.memory_space<semaphore_mem>>)
          %dma_wait3A_123 = arith.constant 128 : i32
          %dma_wait3A_124 = arith.constant 0 : i32
          %dma_wait3A_125 = tpu.memref_slice %arg16[%dma_wait3A_123, %dma_wait3A_124] : memref<144x256xf32, #tpu.memory_space<vmem>> -> memref<16x256xf32, #tpu.memory_space<vmem>>
          %dma_wait3A_126 = arith.constant 0 : i32
          %dma_wait3A_127 = arith.constant 0 : i32
          %dma_wait3A_128 = tpu.memref_slice %arg21[%dma_wait3A_126, %dma_wait3A_127] : memref<32x256xf32, #tpu.memory_space<vmem_shared>> -> memref<16x256xf32, #tpu.memory_space<vmem_shared>>
          %dma_wait3A_129 = arith.constant 128 : i32
          %dma_wait3A_130 = arith.constant 0 : i32
          %dma_wait3A_131 = tpu.memref_slice %arg16[%dma_wait3A_129, %dma_wait3A_130] : memref<144x256xf32, #tpu.memory_space<vmem>> -> memref<16x256xf32, #tpu.memory_space<vmem>>
          %dma_wait3A_132 = arith.constant 0 : i32
          %dma_wait3A_133 = arith.constant 0 : i32
          %dma_wait3A_134 = tpu.memref_slice %arg21[%dma_wait3A_132, %dma_wait3A_133] : memref<32x256xf32, #tpu.memory_space<vmem_shared>> -> memref<16x256xf32, #tpu.memory_space<vmem_shared>>
          tpu.wait_dma2 semaphore(%run_scoped3A : memref<!tpu.dma_semaphore, #tpu.memory_space<semaphore_mem>>) src(%dma_wait3A_134 : memref<16x256xf32, #tpu.memory_space<vmem_shared>>) dst(%dma_wait3A_131 : memref<16x256xf32, #tpu.memory_space<vmem>>)
          tpu.yield
        }) : () -> ()
        %scan3A_54 = arith.constant 0 : i32
        %scan3A_55 = arith.constant 0 : i32
        %scan3A_56 = arith.constant 16 : i32
        %scan3A_57 = arith.addi %scan3A_55, %scan3A_56 : i32
        %scan3A_58 = arith.constant 1 : i32
        %scan3A_59 = scf.for %scan3A_111 = %scan3A_55 to %scan3A_57 step %scan3A_58 iter_args(%scan3A_112 = %scan3A_54) -> (i32)  : i32 {
          %broadcast_in_dim3A_113 = arith.constant 0.000000e+00 : f32
          %broadcast_in_dim3A_114 = vector.broadcast %broadcast_in_dim3A_113 : f32 to vector<16xf32>
          %mul3A_115 = arith.constant 16 : i32
          %mul3A_116 = arith.muli %scan3A_111, %mul3A_115 : i32
          %swap3A_117 = arith.index_cast %mul3A_116 : i32 to index
          %swap3A_118 = tpu.vector_load %arg17[%swap3A_117] {strides = array<i32>} : memref<256xf32, #tpu.memory_space<vmem>>, vector<16xf32>,
          tpu.vector_store %arg17[%swap3A_117], %broadcast_in_dim3A_114 {strides = array<i32>} : memref<256xf32, #tpu.memory_space<vmem>>, vector<16xf32>,
          %scan3A_119 = arith.constant 0 : i32
          scf.yield %scan3A_119 : i32
        }
        %scan3A_60 = arith.constant 16 : i32
        %dma_wait3A = arith.constant 0 : i32
        %dma_wait3A_61 = tpu.memref_slice %arg2[%dma_wait3A] : memref<301056xi32, #tpu.memory_space<hbm>> -> memref<3136xi32, #tpu.memory_space<hbm>>
        %dma_wait3A_62 = arith.constant 0 : i32
        %dma_wait3A_63 = tpu.memref_slice %arg2[%dma_wait3A_62] : memref<301056xi32, #tpu.memory_space<hbm>> -> memref<3136xi32, #tpu.memory_space<hbm>>
        tpu.wait_dma2 semaphore(%arg23 : memref<!tpu.dma_semaphore, #tpu.memory_space<semaphore_mem>>) src(%dma_wait3A_63 : memref<3136xi32, #tpu.memory_space<hbm>>) dst(%arg7 : memref<3136xi32, #tpu.memory_space<vmem>>)
        %dma_wait3A_64 = arith.constant 0 : i32
        %dma_wait3A_65 = tpu.memref_slice %arg2[%dma_wait3A_64] : memref<301056xi32, #tpu.memory_space<hbm>> -> memref<3136xi32, #tpu.memory_space<hbm>>
        %dma_wait3A_66 = arith.constant 0 : i32
        %dma_wait3A_67 = tpu.memref_slice %arg2[%dma_wait3A_66] : memref<301056xi32, #tpu.memory_space<hbm>> -> memref<3136xi32, #tpu.memory_space<hbm>>
        tpu.wait_dma2 semaphore(%arg23 : memref<!tpu.dma_semaphore, #tpu.memory_space<semaphore_mem>>) src(%dma_wait3A_67 : memref<3136xi32, #tpu.memory_space<hbm>>) dst(%arg8 : memref<3136xi32, #tpu.memory_space<vmem>>)
        %broadcast_in_dim3A = arith.constant 0 : i32
        %broadcast_in_dim3A_68 = vector.broadcast %broadcast_in_dim3A : i32 to vector<16xi32>
        %scan3A_69 = arith.constant 0 : i32
        %scan3A_70 = arith.constant 196 : i32
        %scan3A_71 = arith.addi %scan3A_69, %scan3A_70 : i32
        %scan3A_72 = arith.constant 1 : i32
        %scan3A_73 = scf.for %scan3A_111 = %scan3A_69 to %scan3A_71 step %scan3A_72 iter_args(%scan3A_112 = %broadcast_in_dim3A_68) -> (vector<16xi32>)  : i32 {
          %mul3A_113 = arith.constant 16 : i32
          %mul3A_114 = arith.muli %scan3A_111, %mul3A_113 : i32
          %get3A = arith.index_cast %mul3A_114 : i32 to index
          %get3A_115 = tpu.vector_load %arg8[%get3A] {strides = array<i32>} : memref<3136xi32, #tpu.memory_space<vmem>>, vector<16xi32>,
          %mul3A_116 = arith.constant 16 : i32
          %mul3A_117 = arith.muli %scan3A_111, %mul3A_116 : i32
          %get3A_118 = arith.index_cast %mul3A_117 : i32 to index
          %get3A_119 = tpu.vector_load %arg7[%get3A_118] {strides = array<i32>} : memref<3136xi32, #tpu.memory_space<vmem>>, vector<16xi32>,
          %sub3A = vector.broadcast %mul3A_26 : i32 to vector<16xi32>
          %sub3A_120 = arith.subi %get3A_115, %sub3A : vector<16xi32>
          %ge3A_121 = arith.constant 0 : i32
          %ge3A_122 = vector.broadcast %ge3A_121 : i32 to vector<16xi32>
          %ge3A_123 = arith.cmpi sge, %sub3A_120, %ge3A_122 : vector<16xi32>
          %lt3A_124 = arith.constant 2000 : i32
          %lt3A_125 = vector.broadcast %lt3A_124 : i32 to vector<16xi32>
          %lt3A_126 = arith.cmpi slt, %sub3A_120, %lt3A_125 : vector<16xi32>
          %and3A = arith.andi %ge3A_123, %lt3A_126 : vector<16xi1>
          %jit3A = arith.constant 1.000000e+00 : f32
          %jit3A_127 = arith.constant 0.000000e+00 : f32
          %broadcast_in_dim3A_128 = vector.broadcast %jit3A : f32 to vector<16xf32>
          %broadcast_in_dim3A_129 = vector.broadcast %jit3A_127 : f32 to vector<16xf32>
          %select_n3A = arith.select %and3A, %broadcast_in_dim3A_128, %broadcast_in_dim3A_129 : vector<16xi1>, vector<16xf32>
          %broadcast_in_dim3A_130 = arith.constant true
          %broadcast_in_dim3A_131 = vector.broadcast %broadcast_in_dim3A_130 : i1 to vector<16xi1>
          %masked_cumsum3A = tpu.scan <sum>, %select_n3A masked %broadcast_in_dim3A_131 : vector<16xf32>, vector<16xi1> -> vector<16xf32>
          %convert_element_type3A_132 = arith.fptosi %masked_cumsum3A : vector<16xf32> to vector<16xi32>
          %add3A_133 = arith.addi %scan3A_112, %convert_element_type3A_132 : vector<16xi32>
          %sub3A_134 = arith.constant 1 : i32
          %sub3A_135 = vector.broadcast %sub3A_134 : i32 to vector<16xi32>
          %sub3A_136 = arith.subi %add3A_133, %sub3A_135 : vector<16xi32>
          %mul3A_137 = arith.constant 131072 : i32
          %mul3A_138 = vector.broadcast %mul3A_137 : i32 to vector<16xi32>
          %mul3A_139 = arith.muli %sub3A_120, %mul3A_138 : vector<16xi32>
          %add3A_140 = arith.addi %mul3A_139, %get3A_119 : vector<16xi32>
          tpu.vector_store_idx %arg9[%sub3A_136], %add3A_140 masked %and3A : memref<3136xi32, #tpu.memory_space<vmem>>[vector<16xi32>], vector<16xi32>, vector<16xi1>
          %all_reduce_population_count3A = tpu.all_reduce %and3A {dim = 0 : i64, kind = #tpu.reduction_kind<sum>} : vector<16xi1> -> vector<16xi32>
          %add3A_141 = arith.addi %scan3A_112, %all_reduce_population_count3A : vector<16xi32>
          scf.yield %add3A_141 : vector<16xi32>
        }
        %scan3A_74 = arith.constant 196 : i32
        %slice3A = vector.extract_strided_slice %scan3A_73 {offsets = [0], sizes = [1], strides = [1]} : vector<16xi32> to vector<1xi32>
        %squeeze3A = vector.extract %slice3A[0] : i32 from vector<1xi32>
        %mul3A_75 = arith.constant 3136 : i32
        %mul3A_76 = arith.muli %arg1, %mul3A_75 : i32
        "tpu.region"() ({
          %run_scoped3A = tpu.sem_alloc : memref<!tpu.dma_semaphore, #tpu.memory_space<semaphore_mem>>
          %dma_start3A_111 = tpu.memref_slice %arg19[%mul3A_76] : memref<50176xi32, #tpu.memory_space<vmem_shared>> -> memref<3136xi32, #tpu.memory_space<vmem_shared>>
          %dma_start3A_112 = tpu.memref_slice %arg19[%mul3A_76] : memref<50176xi32, #tpu.memory_space<vmem_shared>> -> memref<3136xi32, #tpu.memory_space<vmem_shared>>
          tpu.enqueue_dma source(%arg9 : memref<3136xi32, #tpu.memory_space<vmem>>) target(%dma_start3A_112 : memref<3136xi32, #tpu.memory_space<vmem_shared>>) target_semaphore(%run_scoped3A : memref<!tpu.dma_semaphore, #tpu.memory_space<semaphore_mem>>)
          %dma_wait3A_113 = tpu.memref_slice %arg19[%mul3A_76] : memref<50176xi32, #tpu.memory_space<vmem_shared>> -> memref<3136xi32, #tpu.memory_space<vmem_shared>>
          %dma_wait3A_114 = tpu.memref_slice %arg19[%mul3A_76] : memref<50176xi32, #tpu.memory_space<vmem_shared>> -> memref<3136xi32, #tpu.memory_space<vmem_shared>>
          tpu.wait_dma2 semaphore(%run_scoped3A : memref<!tpu.dma_semaphore, #tpu.memory_space<semaphore_mem>>) src(%arg9 : memref<3136xi32, #tpu.memory_space<vmem>>) dst(%dma_wait3A_114 : memref<3136xi32, #tpu.memory_space<vmem_shared>>)
          tpu.yield
        }) : () -> ()
        %broadcast_in_dim3A_77 = vector.broadcast %squeeze3A : i32 to vector<16xi32>
        %swap3A = arith.constant 0 : index
        %swap3A_78 = tpu.vector_load %arg10[%swap3A] {strides = array<i32>} : memref<16xi32, #tpu.memory_space<vmem>>, vector<16xi32>,
        tpu.vector_store %arg10[%swap3A], %broadcast_in_dim3A_77 {strides = array<i32>} : memref<16xi32, #tpu.memory_space<vmem>>, vector<16xi32>,
        %mul3A_79 = arith.constant 16 : i32
        %mul3A_80 = arith.muli %arg1, %mul3A_79 : i32
        "tpu.region"() ({
          %run_scoped3A = tpu.sem_alloc : memref<!tpu.dma_semaphore, #tpu.memory_space<semaphore_mem>>
          %dma_start3A_111 = tpu.memref_slice %arg20[%mul3A_80] : memref<256xi32, #tpu.memory_space<vmem_shared>> -> memref<16xi32, #tpu.memory_space<vmem_shared>>
          %dma_start3A_112 = tpu.memref_slice %arg20[%mul3A_80] : memref<256xi32, #tpu.memory_space<vmem_shared>> -> memref<16xi32, #tpu.memory_space<vmem_shared>>
          tpu.enqueue_dma source(%arg10 : memref<16xi32, #tpu.memory_space<vmem>>) target(%dma_start3A_112 : memref<16xi32, #tpu.memory_space<vmem_shared>>) target_semaphore(%run_scoped3A : memref<!tpu.dma_semaphore, #tpu.memory_space<semaphore_mem>>)
          %dma_wait3A_113 = tpu.memref_slice %arg20[%mul3A_80] : memref<256xi32, #tpu.memory_space<vmem_shared>> -> memref<16xi32, #tpu.memory_space<vmem_shared>>
          %dma_wait3A_114 = tpu.memref_slice %arg20[%mul3A_80] : memref<256xi32, #tpu.memory_space<vmem_shared>> -> memref<16xi32, #tpu.memory_space<vmem_shared>>
          tpu.wait_dma2 semaphore(%run_scoped3A : memref<!tpu.dma_semaphore, #tpu.memory_space<semaphore_mem>>) src(%arg10 : memref<16xi32, #tpu.memory_space<vmem>>) dst(%dma_wait3A_114 : memref<16xi32, #tpu.memory_space<vmem_shared>>)
          tpu.yield
        }) : () -> ()
        %barrier3A_81 = arith.constant 0 : index
        tpu.barrier barrier_id(%barrier3A_81)
        "tpu.region"() ({
          %run_scoped3A = tpu.sem_alloc : memref<!tpu.dma_semaphore, #tpu.memory_space<semaphore_mem>>
          tpu.enqueue_dma source(%arg20 : memref<256xi32, #tpu.memory_space<vmem_shared>>) target(%arg11 : memref<256xi32, #tpu.memory_space<vmem>>) target_semaphore(%run_scoped3A : memref<!tpu.dma_semaphore, #tpu.memory_space<semaphore_mem>>)
          tpu.wait_dma2 semaphore(%run_scoped3A : memref<!tpu.dma_semaphore, #tpu.memory_space<semaphore_mem>>) src(%arg20 : memref<256xi32, #tpu.memory_space<vmem_shared>>) dst(%arg11 : memref<256xi32, #tpu.memory_space<vmem>>)
          tpu.yield
        }) : () -> ()
        %dma_start3A_82 = arith.constant 0 : i32
        %dma_start3A_83 = tpu.memref_slice %arg12[%dma_start3A_82] : memref<1024xi32, #tpu.memory_space<vmem>> -> memref<512xi32, #tpu.memory_space<vmem>>
        %dma_start3A_84 = arith.constant 0 : i32
        %dma_start3A_85 = tpu.memref_slice %arg19[%dma_start3A_84] : memref<50176xi32, #tpu.memory_space<vmem_shared>> -> memref<512xi32, #tpu.memory_space<vmem_shared>>
        %dma_start3A_86 = arith.constant 0 : i32
        %dma_start3A_87 = tpu.memref_slice %arg12[%dma_start3A_86] : memref<1024xi32, #tpu.memory_space<vmem>> -> memref<512xi32, #tpu.memory_space<vmem>>
        %dma_start3A_88 = arith.constant 0 : i32
        %dma_start3A_89 = tpu.memref_slice %arg19[%dma_start3A_88] : memref<50176xi32, #tpu.memory_space<vmem_shared>> -> memref<512xi32, #tpu.memory_space<vmem_shared>>
        tpu.enqueue_dma source(%dma_start3A_89 : memref<512xi32, #tpu.memory_space<vmem_shared>>) target(%dma_start3A_87 : memref<512xi32, #tpu.memory_space<vmem>>) target_semaphore(%arg24 : memref<!tpu.dma_semaphore, #tpu.memory_space<semaphore_mem>>)
        %scan3A_90 = arith.constant 0 : i32
        %scan3A_91 = arith.constant 0 : i32
        %scan3A_92 = arith.constant 16 : i32
        %scan3A_93 = arith.addi %scan3A_91, %scan3A_92 : i32
        %scan3A_94 = arith.constant 1 : i32
        %scan3A_95 = scf.for %scan3A_111 = %scan3A_91 to %scan3A_93 step %scan3A_94 iter_args(%scan3A_112 = %scan3A_90) -> (i32)  : i32 {
          %mul3A_113 = arith.constant 16 : i32
          %mul3A_114 = arith.muli %scan3A_111, %mul3A_113 : i32
          %get3A = arith.index_cast %mul3A_114 : i32 to index
          %get3A_115 = tpu.vector_load %arg11[%get3A] {strides = array<i32>} : memref<256xi32, #tpu.memory_space<vmem>>, vector<16xi32>,
          %slice3A_116 = vector.extract_strided_slice %get3A_115 {offsets = [0], sizes = [1], strides = [1]} : vector<16xi32> to vector<1xi32>
          %squeeze3A_117 = vector.extract %slice3A_116[0] : i32 from vector<1xi32>
          %add3A_118 = arith.constant 511 : i32
          %add3A_119 = arith.addi %squeeze3A_117, %add3A_118 : i32
          %jit3A = arith.constant 512 : i32
          %div3A = arith.divsi %add3A_119, %jit3A : i32
          %sign3A = arith.constant 0 : i32
          %sign3A_120 = arith.cmpi sgt, %add3A_119, %sign3A : i32
          %sign3A_121 = arith.extui %sign3A_120 : i1 to i32
          %sign3A_122 = arith.constant 0 : i32
          %sign3A_123 = arith.cmpi slt, %add3A_119, %sign3A_122 : i32
          %sign3A_124 = arith.extui %sign3A_123 : i1 to i32
          %sign3A_125 = arith.subi %sign3A_121, %sign3A_124 : i32
          %sign3A_126 = arith.constant 0 : i32
          %sign3A_127 = arith.cmpi sgt, %jit3A, %sign3A_126 : i32
          %sign3A_128 = arith.extui %sign3A_127 : i1 to i32
          %sign3A_129 = arith.constant 0 : i32
          %sign3A_130 = arith.cmpi slt, %jit3A, %sign3A_129 : i32
          %sign3A_131 = arith.extui %sign3A_130 : i1 to i32
          %sign3A_132 = arith.subi %sign3A_128, %sign3A_131 : i32
          %ne3A = arith.cmpi ne, %sign3A_125, %sign3A_132 : i32
          %rem3A = arith.remsi %add3A_119, %jit3A : i32
          %ne3A_133 = arith.constant 0 : i32
          %ne3A_134 = arith.cmpi ne, %rem3A, %ne3A_133 : i32
          %and3A = arith.andi %ne3A, %ne3A_134 : i1
          %sub3A = arith.constant 1 : i32
          %sub3A_135 = arith.subi %div3A, %sub3A : i32
          %select_n3A = arith.select %and3A, %sub3A_135, %div3A : i32
          %rem3A_136 = arith.constant 2 : i32
          %rem3A_137 = arith.remsi %scan3A_111, %rem3A_136 : i32
          %mul3A_138 = arith.constant 512 : i32
          %mul3A_139 = arith.muli %rem3A_137, %mul3A_138 : i32
          %dma_wait3A_140 = tpu.memref_slice %arg12[%mul3A_139] : memref<1024xi32, #tpu.memory_space<vmem>> -> memref<512xi32, #tpu.memory_space<vmem>>
          %dma_wait3A_141 = arith.constant 0 : i32
          %dma_wait3A_142 = tpu.memref_slice %arg19[%dma_wait3A_141] : memref<50176xi32, #tpu.memory_space<vmem_shared>> -> memref<512xi32, #tpu.memory_space<vmem_shared>>
          %dma_wait3A_143 = tpu.memref_slice %arg12[%mul3A_139] : memref<1024xi32, #tpu.memory_space<vmem>> -> memref<512xi32, #tpu.memory_space<vmem>>
          %dma_wait3A_144 = arith.constant 0 : i32
          %dma_wait3A_145 = tpu.memref_slice %arg19[%dma_wait3A_144] : memref<50176xi32, #tpu.memory_space<vmem_shared>> -> memref<512xi32, #tpu.memory_space<vmem_shared>>
          tpu.wait_dma2 semaphore(%arg24 : memref<!tpu.dma_semaphore, #tpu.memory_space<semaphore_mem>>) src(%dma_wait3A_145 : memref<512xi32, #tpu.memory_space<vmem_shared>>) dst(%dma_wait3A_143 : memref<512xi32, #tpu.memory_space<vmem>>)
          %add3A_146 = arith.constant 1 : i32
          %add3A_147 = arith.addi %scan3A_111, %add3A_146 : i32
          %lt3A_148 = arith.constant 16 : i32
          %lt3A_149 = arith.cmpi slt, %add3A_147, %lt3A_148 : i32
          %convert_element_type3A_150 = arith.extui %lt3A_149 : i1 to i32
          %cond3A_151 = arith.constant 0 : i32
          %cond3A_152 = arith.cmpi ne, %convert_element_type3A_150, %cond3A_151 : i32
          scf.if %cond3A_152 {
            %add3A_163 = arith.constant 1 : i32
            %add3A_164 = arith.addi %scan3A_111, %add3A_163 : i32
            %mul3A_165 = arith.constant 3136 : i32
            %mul3A_166 = arith.muli %add3A_164, %mul3A_165 : i32
            %sub3A_167 = arith.constant 512 : i32
            %sub3A_168 = arith.subi %sub3A_167, %mul3A_139 : i32
            %dma_start3A_169 = tpu.memref_slice %arg12[%sub3A_168] : memref<1024xi32, #tpu.memory_space<vmem>> -> memref<512xi32, #tpu.memory_space<vmem>>
            %dma_start3A_170 = tpu.memref_slice %arg19[%mul3A_166] : memref<50176xi32, #tpu.memory_space<vmem_shared>> -> memref<512xi32, #tpu.memory_space<vmem_shared>>
            %dma_start3A_171 = tpu.memref_slice %arg12[%sub3A_168] : memref<1024xi32, #tpu.memory_space<vmem>> -> memref<512xi32, #tpu.memory_space<vmem>>
            %dma_start3A_172 = tpu.memref_slice %arg19[%mul3A_166] : memref<50176xi32, #tpu.memory_space<vmem_shared>> -> memref<512xi32, #tpu.memory_space<vmem_shared>>
            tpu.enqueue_dma source(%dma_start3A_172 : memref<512xi32, #tpu.memory_space<vmem_shared>>) target(%dma_start3A_171 : memref<512xi32, #tpu.memory_space<vmem>>) target_semaphore(%arg24 : memref<!tpu.dma_semaphore, #tpu.memory_space<semaphore_mem>>)
          } else {
          }
          %while3A = arith.constant 0 : i32
          %while3A_153 = arith.subi %select_n3A, %while3A : i32
          %while3A_154 = arith.addi %while3A, %while3A_153 : i32
          %while3A_155 = arith.constant 1 : i32
          %while3A_156 = arith.divsi %while3A_153, %while3A_155 : i32
          %while3A_157 = arith.muli %while3A_156, %while3A_155 : i32
          %while3A_158 = arith.addi %while3A, %while3A_157 : i32
          %while3A_159 = arith.constant 1 : i32
          %while3A_160 = scf.for %while3A_163 = %while3A to %while3A_158 step %while3A_159 iter_args(%while3A_164 = %scan3A_112) -> (i32)  : i32 {
            %mul3A_165 = arith.constant 512 : i32
            %mul3A_166 = arith.muli %while3A_163, %mul3A_165 : i32
            %gt3A_167 = arith.constant 0 : i32
            %gt3A_168 = arith.cmpi sgt, %while3A_163, %gt3A_167 : i32
            %convert_element_type3A_169 = arith.extui %gt3A_168 : i1 to i32
            %cond3A_170 = arith.constant 0 : i32
            %cond3A_171 = arith.cmpi ne, %convert_element_type3A_169, %cond3A_170 : i32
            scf.if %cond3A_171 {
              %mul3A_263 = arith.constant 3136 : i32
              %mul3A_264 = arith.muli %scan3A_111, %mul3A_263 : i32
              %add3A_265 = arith.addi %mul3A_264, %mul3A_166 : i32
              "tpu.region"() ({
                %run_scoped3A = tpu.sem_alloc : memref<!tpu.dma_semaphore, #tpu.memory_space<semaphore_mem>>
                %dma_start3A_266 = tpu.memref_slice %arg12[%mul3A_139] : memref<1024xi32, #tpu.memory_space<vmem>> -> memref<512xi32, #tpu.memory_space<vmem>>
                %dma_start3A_267 = tpu.memref_slice %arg19[%add3A_265] : memref<50176xi32, #tpu.memory_space<vmem_shared>> -> memref<512xi32, #tpu.memory_space<vmem_shared>>
                %dma_start3A_268 = tpu.memref_slice %arg12[%mul3A_139] : memref<1024xi32, #tpu.memory_space<vmem>> -> memref<512xi32, #tpu.memory_space<vmem>>
                %dma_start3A_269 = tpu.memref_slice %arg19[%add3A_265] : memref<50176xi32, #tpu.memory_space<vmem_shared>> -> memref<512xi32, #tpu.memory_space<vmem_shared>>
                tpu.enqueue_dma source(%dma_start3A_269 : memref<512xi32, #tpu.memory_space<vmem_shared>>) target(%dma_start3A_268 : memref<512xi32, #tpu.memory_space<vmem>>) target_semaphore(%run_scoped3A : memref<!tpu.dma_semaphore, #tpu.memory_space<semaphore_mem>>)
                %dma_wait3A_270 = tpu.memref_slice %arg12[%mul3A_139] : memref<1024xi32, #tpu.memory_space<vmem>> -> memref<512xi32, #tpu.memory_space<vmem>>
                %dma_wait3A_271 = tpu.memref_slice %arg19[%add3A_265] : memref<50176xi32, #tpu.memory_space<vmem_shared>> -> memref<512xi32, #tpu.memory_space<vmem_shared>>
                %dma_wait3A_272 = tpu.memref_slice %arg12[%mul3A_139] : memref<1024xi32, #tpu.memory_space<vmem>> -> memref<512xi32, #tpu.memory_space<vmem>>
                %dma_wait3A_273 = tpu.memref_slice %arg19[%add3A_265] : memref<50176xi32, #tpu.memory_space<vmem_shared>> -> memref<512xi32, #tpu.memory_space<vmem_shared>>
                tpu.wait_dma2 semaphore(%run_scoped3A : memref<!tpu.dma_semaphore, #tpu.memory_space<semaphore_mem>>) src(%dma_wait3A_273 : memref<512xi32, #tpu.memory_space<vmem_shared>>) dst(%dma_wait3A_272 : memref<512xi32, #tpu.memory_space<vmem>>)
                tpu.yield
              }) : () -> ()
            } else {
            }
            %sub3A_172 = arith.subi %squeeze3A_117, %mul3A_166 : i32
            %min3A = arith.constant 512 : i32
            %min3A_173 = arith.minsi %sub3A_172, %min3A : i32
            %add3A_174 = arith.constant 15 : i32
            %add3A_175 = arith.addi %min3A_173, %add3A_174 : i32
            %jit3A_176 = arith.constant 16 : i32
            %div3A_177 = arith.divsi %add3A_175, %jit3A_176 : i32
            %sign3A_178 = arith.constant 0 : i32
            %sign3A_179 = arith.cmpi sgt, %add3A_175, %sign3A_178 : i32
            %sign3A_180 = arith.extui %sign3A_179 : i1 to i32
            %sign3A_181 = arith.constant 0 : i32
            %sign3A_182 = arith.cmpi slt, %add3A_175, %sign3A_181 : i32
            %sign3A_183 = arith.extui %sign3A_182 : i1 to i32
            %sign3A_184 = arith.subi %sign3A_180, %sign3A_183 : i32
            %sign3A_185 = arith.constant 0 : i32
            %sign3A_186 = arith.cmpi sgt, %jit3A_176, %sign3A_185 : i32
            %sign3A_187 = arith.extui %sign3A_186 : i1 to i32
            %sign3A_188 = arith.constant 0 : i32
            %sign3A_189 = arith.cmpi slt, %jit3A_176, %sign3A_188 : i32
            %sign3A_190 = arith.extui %sign3A_189 : i1 to i32
            %sign3A_191 = arith.subi %sign3A_187, %sign3A_190 : i32
            %ne3A_192 = arith.cmpi ne, %sign3A_184, %sign3A_191 : i32
            %rem3A_193 = arith.remsi %add3A_175, %jit3A_176 : i32
            %ne3A_194 = arith.constant 0 : i32
            %ne3A_195 = arith.cmpi ne, %rem3A_193, %ne3A_194 : i32
            %and3A_196 = arith.andi %ne3A_192, %ne3A_195 : i1
            %sub3A_197 = arith.constant 1 : i32
            %sub3A_198 = arith.subi %div3A_177, %sub3A_197 : i32
            %select_n3A_199 = arith.select %and3A_196, %sub3A_198, %div3A_177 : i32
            %broadcast_in_dim3A_200 = vector.broadcast %while3A_164 : i32 to vector<16xi32>
            %while3A_201 = arith.constant 0 : i32
            %while3A_202 = arith.subi %select_n3A_199, %while3A_201 : i32
            %while3A_203 = arith.addi %while3A_201, %while3A_202 : i32
            %while3A_204 = arith.constant 1 : i32
            %while3A_205 = arith.divsi %while3A_202, %while3A_204 : i32
            %while3A_206 = arith.muli %while3A_205, %while3A_204 : i32
            %while3A_207 = arith.addi %while3A_201, %while3A_206 : i32
            %while3A_208 = arith.constant 1 : i32
            %while3A_209 = scf.for %while3A_263 = %while3A_201 to %while3A_207 step %while3A_208 iter_args(%while3A_264 = %broadcast_in_dim3A_200) -> (vector<16xi32>)  : i32 {
              %mul3A_265 = arith.constant 16 : i32
              %mul3A_266 = arith.muli %while3A_263, %mul3A_265 : i32
              %add3A_267 = arith.addi %mul3A_139, %mul3A_266 : i32
              %get3A_268 = arith.index_cast %add3A_267 : i32 to index
              %get3A_269 = tpu.vector_load %arg12[%get3A_268] {strides = array<i32>} : memref<1024xi32, #tpu.memory_space<vmem>>, vector<16xi32>,
              %jit3A_270 = arith.constant 131072 : i32
              %div3A_271 = vector.broadcast %jit3A_270 : i32 to vector<16xi32>
              %div3A_272 = arith.divsi %get3A_269, %div3A_271 : vector<16xi32>
              %sign3A_273 = arith.constant 0 : i32
              %sign3A_274 = vector.broadcast %sign3A_273 : i32 to vector<16xi32>
              %sign3A_275 = arith.cmpi sgt, %get3A_269, %sign3A_274 : vector<16xi32>
              %sign3A_276 = arith.extui %sign3A_275 : vector<16xi1> to vector<16xi32>
              %sign3A_277 = arith.constant 0 : i32
              %sign3A_278 = vector.broadcast %sign3A_277 : i32 to vector<16xi32>
              %sign3A_279 = arith.cmpi slt, %get3A_269, %sign3A_278 : vector<16xi32>
              %sign3A_280 = arith.extui %sign3A_279 : vector<16xi1> to vector<16xi32>
              %sign3A_281 = arith.subi %sign3A_276, %sign3A_280 : vector<16xi32>
              %sign3A_282 = arith.constant 0 : i32
              %sign3A_283 = arith.cmpi sgt, %jit3A_270, %sign3A_282 : i32
              %sign3A_284 = arith.extui %sign3A_283 : i1 to i32
              %sign3A_285 = arith.constant 0 : i32
              %sign3A_286 = arith.cmpi slt, %jit3A_270, %sign3A_285 : i32
              %sign3A_287 = arith.extui %sign3A_286 : i1 to i32
              %sign3A_288 = arith.subi %sign3A_284, %sign3A_287 : i32
              %ne3A_289 = vector.broadcast %sign3A_288 : i32 to vector<16xi32>
              %ne3A_290 = arith.cmpi ne, %sign3A_281, %ne3A_289 : vector<16xi32>
              %rem3A_291 = vector.broadcast %jit3A_270 : i32 to vector<16xi32>
              %rem3A_292 = arith.remsi %get3A_269, %rem3A_291 : vector<16xi32>
              %ne3A_293 = arith.constant 0 : i32
              %ne3A_294 = vector.broadcast %ne3A_293 : i32 to vector<16xi32>
              %ne3A_295 = arith.cmpi ne, %rem3A_292, %ne3A_294 : vector<16xi32>
              %and3A_296 = arith.andi %ne3A_290, %ne3A_295 : vector<16xi1>
              %sub3A_297 = arith.constant 1 : i32
              %sub3A_298 = vector.broadcast %sub3A_297 : i32 to vector<16xi32>
              %sub3A_299 = arith.subi %div3A_272, %sub3A_298 : vector<16xi32>
              %select_n3A_300 = arith.select %and3A_296, %sub3A_299, %div3A_272 : vector<16xi1>, vector<16xi32>
              %mul3A_301 = arith.constant 131072 : i32
              %mul3A_302 = vector.broadcast %mul3A_301 : i32 to vector<16xi32>
              %mul3A_303 = arith.muli %select_n3A_300, %mul3A_302 : vector<16xi32>
              %sub3A_304 = arith.subi %get3A_269, %mul3A_303 : vector<16xi32>
              %sub3A_305 = vector.broadcast %mul3A_0 : i32 to vector<16xi32>
              %sub3A_306 = arith.subi %select_n3A_300, %sub3A_305 : vector<16xi32>
              %iota3A = tpu.iota {dimensions = array<i32: 0>} : vector<16xi32>
              %mul3A_307 = arith.constant 16 : i32
              %mul3A_308 = arith.muli %while3A_263, %mul3A_307 : i32
              %add3A_309 = vector.broadcast %mul3A_308 : i32 to vector<16xi32>
              %add3A_310 = arith.addi %add3A_309, %iota3A : vector<16xi32>
              %lt3A_311 = vector.broadcast %min3A_173 : i32 to vector<16xi32>
              %lt3A_312 = arith.cmpi slt, %add3A_310, %lt3A_311 : vector<16xi32>
              %ge3A_313 = arith.constant 0 : i32
              %ge3A_314 = vector.broadcast %ge3A_313 : i32 to vector<16xi32>
              %ge3A_315 = arith.cmpi sge, %sub3A_306, %ge3A_314 : vector<16xi32>
              %and3A_316 = arith.andi %lt3A_312, %ge3A_315 : vector<16xi1>
              %lt3A_317 = arith.constant 128 : i32
              %lt3A_318 = vector.broadcast %lt3A_317 : i32 to vector<16xi32>
              %lt3A_319 = arith.cmpi slt, %sub3A_306, %lt3A_318 : vector<16xi32>
              %and3A_320 = arith.andi %and3A_316, %lt3A_319 : vector<16xi1>
              %jit3A_321 = arith.constant 1.000000e+00 : f32
              %jit3A_322 = arith.constant 0.000000e+00 : f32
              %broadcast_in_dim3A_323 = vector.broadcast %jit3A_321 : f32 to vector<16xf32>
              %broadcast_in_dim3A_324 = vector.broadcast %jit3A_322 : f32 to vector<16xf32>
              %select_n3A_325 = arith.select %and3A_320, %broadcast_in_dim3A_323, %broadcast_in_dim3A_324 : vector<16xi1>, vector<16xf32>
              %broadcast_in_dim3A_326 = arith.constant true
              %broadcast_in_dim3A_327 = vector.broadcast %broadcast_in_dim3A_326 : i1 to vector<16xi1>
              %masked_cumsum3A = tpu.scan <sum>, %select_n3A_325 masked %broadcast_in_dim3A_327 : vector<16xf32>, vector<16xi1> -> vector<16xf32>
              %convert_element_type3A_328 = arith.fptosi %masked_cumsum3A : vector<16xf32> to vector<16xi32>
              %add3A_329 = arith.addi %while3A_264, %convert_element_type3A_328 : vector<16xi32>
              %sub3A_330 = arith.constant 1 : i32
              %sub3A_331 = vector.broadcast %sub3A_330 : i32 to vector<16xi32>
              %sub3A_332 = arith.subi %add3A_329, %sub3A_331 : vector<16xi32>
              tpu.vector_store_idx %arg13[%sub3A_332], %sub3A_304 masked %and3A_320 : memref<576xi32, #tpu.memory_space<vmem>>[vector<16xi32>], vector<16xi32>, vector<16xi1>
              tpu.vector_store_idx %arg14[%sub3A_332], %sub3A_306 masked %and3A_320 : memref<576xi32, #tpu.memory_space<vmem>>[vector<16xi32>], vector<16xi32>, vector<16xi1>
              %broadcast_in_dim3A_333 = arith.constant 1.000000e+00 : f32
              %broadcast_in_dim3A_334 = vector.broadcast %broadcast_in_dim3A_333 : f32 to vector<16xf32>
              tpu.vector_store_idx %arg17[%sub3A_306], %broadcast_in_dim3A_334 masked %and3A_320 {add = true} : memref<256xf32, #tpu.memory_space<vmem>>[vector<16xi32>], vector<16xf32>, vector<16xi1>
              %all_reduce_population_count3A = tpu.all_reduce %and3A_320 {dim = 0 : i64, kind = #tpu.reduction_kind<sum>} : vector<16xi1> -> vector<16xi32>
              %add3A_335 = arith.addi %while3A_264, %all_reduce_population_count3A : vector<16xi32>
              scf.yield %add3A_335 : vector<16xi32>
            }
            %while3A_210 = arith.constant 1 : i32
            %while3A_211 = scf.for %while3A_263 = %while3A_207 to %while3A_203 step %while3A_210 iter_args(%while3A_264 = %while3A_209) -> (vector<16xi32>)  : i32 {
              %mul3A_265 = arith.constant 16 : i32
              %mul3A_266 = arith.muli %while3A_263, %mul3A_265 : i32
              %add3A_267 = arith.addi %mul3A_139, %mul3A_266 : i32
              %get3A_268 = arith.index_cast %add3A_267 : i32 to index
              %get3A_269 = tpu.vector_load %arg12[%get3A_268] {strides = array<i32>} : memref<1024xi32, #tpu.memory_space<vmem>>, vector<16xi32>,
              %jit3A_270 = arith.constant 131072 : i32
              %div3A_271 = vector.broadcast %jit3A_270 : i32 to vector<16xi32>
              %div3A_272 = arith.divsi %get3A_269, %div3A_271 : vector<16xi32>
              %sign3A_273 = arith.constant 0 : i32
              %sign3A_274 = vector.broadcast %sign3A_273 : i32 to vector<16xi32>
              %sign3A_275 = arith.cmpi sgt, %get3A_269, %sign3A_274 : vector<16xi32>
              %sign3A_276 = arith.extui %sign3A_275 : vector<16xi1> to vector<16xi32>
              %sign3A_277 = arith.constant 0 : i32
              %sign3A_278 = vector.broadcast %sign3A_277 : i32 to vector<16xi32>
              %sign3A_279 = arith.cmpi slt, %get3A_269, %sign3A_278 : vector<16xi32>
              %sign3A_280 = arith.extui %sign3A_279 : vector<16xi1> to vector<16xi32>
              %sign3A_281 = arith.subi %sign3A_276, %sign3A_280 : vector<16xi32>
              %sign3A_282 = arith.constant 0 : i32
              %sign3A_283 = arith.cmpi sgt, %jit3A_270, %sign3A_282 : i32
              %sign3A_284 = arith.extui %sign3A_283 : i1 to i32
              %sign3A_285 = arith.constant 0 : i32
              %sign3A_286 = arith.cmpi slt, %jit3A_270, %sign3A_285 : i32
              %sign3A_287 = arith.extui %sign3A_286 : i1 to i32
              %sign3A_288 = arith.subi %sign3A_284, %sign3A_287 : i32
              %ne3A_289 = vector.broadcast %sign3A_288 : i32 to vector<16xi32>
              %ne3A_290 = arith.cmpi ne, %sign3A_281, %ne3A_289 : vector<16xi32>
              %rem3A_291 = vector.broadcast %jit3A_270 : i32 to vector<16xi32>
              %rem3A_292 = arith.remsi %get3A_269, %rem3A_291 : vector<16xi32>
              %ne3A_293 = arith.constant 0 : i32
              %ne3A_294 = vector.broadcast %ne3A_293 : i32 to vector<16xi32>
              %ne3A_295 = arith.cmpi ne, %rem3A_292, %ne3A_294 : vector<16xi32>
              %and3A_296 = arith.andi %ne3A_290, %ne3A_295 : vector<16xi1>
              %sub3A_297 = arith.constant 1 : i32
              %sub3A_298 = vector.broadcast %sub3A_297 : i32 to vector<16xi32>
              %sub3A_299 = arith.subi %div3A_272, %sub3A_298 : vector<16xi32>
              %select_n3A_300 = arith.select %and3A_296, %sub3A_299, %div3A_272 : vector<16xi1>, vector<16xi32>
              %mul3A_301 = arith.constant 131072 : i32
              %mul3A_302 = vector.broadcast %mul3A_301 : i32 to vector<16xi32>
              %mul3A_303 = arith.muli %select_n3A_300, %mul3A_302 : vector<16xi32>
              %sub3A_304 = arith.subi %get3A_269, %mul3A_303 : vector<16xi32>
              %sub3A_305 = vector.broadcast %mul3A_0 : i32 to vector<16xi32>
              %sub3A_306 = arith.subi %select_n3A_300, %sub3A_305 : vector<16xi32>
              %iota3A = tpu.iota {dimensions = array<i32: 0>} : vector<16xi32>
              %mul3A_307 = arith.constant 16 : i32
              %mul3A_308 = arith.muli %while3A_263, %mul3A_307 : i32
              %add3A_309 = vector.broadcast %mul3A_308 : i32 to vector<16xi32>
              %add3A_310 = arith.addi %add3A_309, %iota3A : vector<16xi32>
              %lt3A_311 = vector.broadcast %min3A_173 : i32 to vector<16xi32>
              %lt3A_312 = arith.cmpi slt, %add3A_310, %lt3A_311 : vector<16xi32>
              %ge3A_313 = arith.constant 0 : i32
              %ge3A_314 = vector.broadcast %ge3A_313 : i32 to vector<16xi32>
              %ge3A_315 = arith.cmpi sge, %sub3A_306, %ge3A_314 : vector<16xi32>
              %and3A_316 = arith.andi %lt3A_312, %ge3A_315 : vector<16xi1>
              %lt3A_317 = arith.constant 128 : i32
              %lt3A_318 = vector.broadcast %lt3A_317 : i32 to vector<16xi32>
              %lt3A_319 = arith.cmpi slt, %sub3A_306, %lt3A_318 : vector<16xi32>
              %and3A_320 = arith.andi %and3A_316, %lt3A_319 : vector<16xi1>
              %jit3A_321 = arith.constant 1.000000e+00 : f32
              %jit3A_322 = arith.constant 0.000000e+00 : f32
              %broadcast_in_dim3A_323 = vector.broadcast %jit3A_321 : f32 to vector<16xf32>
              %broadcast_in_dim3A_324 = vector.broadcast %jit3A_322 : f32 to vector<16xf32>
              %select_n3A_325 = arith.select %and3A_320, %broadcast_in_dim3A_323, %broadcast_in_dim3A_324 : vector<16xi1>, vector<16xf32>
              %broadcast_in_dim3A_326 = arith.constant true
              %broadcast_in_dim3A_327 = vector.broadcast %broadcast_in_dim3A_326 : i1 to vector<16xi1>
              %masked_cumsum3A = tpu.scan <sum>, %select_n3A_325 masked %broadcast_in_dim3A_327 : vector<16xf32>, vector<16xi1> -> vector<16xf32>
              %convert_element_type3A_328 = arith.fptosi %masked_cumsum3A : vector<16xf32> to vector<16xi32>
              %add3A_329 = arith.addi %while3A_264, %convert_element_type3A_328 : vector<16xi32>
              %sub3A_330 = arith.constant 1 : i32
              %sub3A_331 = vector.broadcast %sub3A_330 : i32 to vector<16xi32>
              %sub3A_332 = arith.subi %add3A_329, %sub3A_331 : vector<16xi32>
              tpu.vector_store_idx %arg13[%sub3A_332], %sub3A_304 masked %and3A_320 : memref<576xi32, #tpu.memory_space<vmem>>[vector<16xi32>], vector<16xi32>, vector<16xi1>
              tpu.vector_store_idx %arg14[%sub3A_332], %sub3A_306 masked %and3A_320 : memref<576xi32, #tpu.memory_space<vmem>>[vector<16xi32>], vector<16xi32>, vector<16xi1>
              %broadcast_in_dim3A_333 = arith.constant 1.000000e+00 : f32
              %broadcast_in_dim3A_334 = vector.broadcast %broadcast_in_dim3A_333 : f32 to vector<16xf32>
              tpu.vector_store_idx %arg17[%sub3A_306], %broadcast_in_dim3A_334 masked %and3A_320 {add = true} : memref<256xf32, #tpu.memory_space<vmem>>[vector<16xi32>], vector<16xf32>, vector<16xi1>
              %all_reduce_population_count3A = tpu.all_reduce %and3A_320 {dim = 0 : i64, kind = #tpu.reduction_kind<sum>} : vector<16xi1> -> vector<16xi32>
              %add3A_335 = arith.addi %while3A_264, %all_reduce_population_count3A : vector<16xi32>
              scf.yield %add3A_335 : vector<16xi32>
            }
            %slice3A_212 = vector.extract_strided_slice %while3A_211 {offsets = [0], sizes = [1], strides = [1]} : vector<16xi32> to vector<1xi32>
            %squeeze3A_213 = vector.extract %slice3A_212[0] : i32 from vector<1xi32>
            %jit3A_214 = arith.constant 64 : i32
            %div3A_215 = arith.divsi %squeeze3A_213, %jit3A_214 : i32
            %sign3A_216 = arith.constant 0 : i32
            %sign3A_217 = arith.cmpi sgt, %squeeze3A_213, %sign3A_216 : i32
            %sign3A_218 = arith.extui %sign3A_217 : i1 to i32
            %sign3A_219 = arith.constant 0 : i32
            %sign3A_220 = arith.cmpi slt, %squeeze3A_213, %sign3A_219 : i32
            %sign3A_221 = arith.extui %sign3A_220 : i1 to i32
            %sign3A_222 = arith.subi %sign3A_218, %sign3A_221 : i32
            %sign3A_223 = arith.constant 0 : i32
            %sign3A_224 = arith.cmpi sgt, %jit3A_214, %sign3A_223 : i32
            %sign3A_225 = arith.extui %sign3A_224 : i1 to i32
            %sign3A_226 = arith.constant 0 : i32
            %sign3A_227 = arith.cmpi slt, %jit3A_214, %sign3A_226 : i32
            %sign3A_228 = arith.extui %sign3A_227 : i1 to i32
            %sign3A_229 = arith.subi %sign3A_225, %sign3A_228 : i32
            %ne3A_230 = arith.cmpi ne, %sign3A_222, %sign3A_229 : i32
            %rem3A_231 = arith.remsi %squeeze3A_213, %jit3A_214 : i32
            %ne3A_232 = arith.constant 0 : i32
            %ne3A_233 = arith.cmpi ne, %rem3A_231, %ne3A_232 : i32
            %and3A_234 = arith.andi %ne3A_230, %ne3A_233 : i1
            %sub3A_235 = arith.constant 1 : i32
            %sub3A_236 = arith.subi %div3A_215, %sub3A_235 : i32
            %select_n3A_237 = arith.select %and3A_234, %sub3A_236, %div3A_215 : i32
            %gt3A_238 = arith.constant 0 : i32
            %gt3A_239 = arith.cmpi sgt, %select_n3A_237, %gt3A_238 : i32
            %convert_element_type3A_240 = arith.extui %gt3A_239 : i1 to i32
            %cond3A_241 = arith.constant 0 : i32
            %cond3A_242 = arith.cmpi ne, %convert_element_type3A_240, %cond3A_241 : i32
            scf.if %cond3A_242 {
              %dma_start3A_263 = arith.constant 0 : i32
              %dma_start3A_264 = arith.constant 0 : i32
              %dma_start3A_265 = arith.constant 0 : i32
              %dma_start3A_266 = tpu.memref_slice %arg15[%dma_start3A_263, %dma_start3A_264, %dma_start3A_265] : memref<2x64x256xf32, #tpu.memory_space<vmem>> -> memref<1x64x256xf32, #tpu.memory_space<vmem>>
              %dma_start3A_267 = tpu.memref_squeeze %dma_start3A_266 : memref<1x64x256xf32, #tpu.memory_space<vmem>> -> memref<64x256xf32, #tpu.memory_space<vmem>>
              %dma_start3A_268 = arith.constant 0 : i32
              %dma_start3A_269 = tpu.memref_slice %arg13[%dma_start3A_268] : memref<576xi32, #tpu.memory_space<vmem>> -> memref<64xi32, #tpu.memory_space<vmem>>
              %dma_start3A_270 = arith.constant 0 : i32
              %dma_start3A_271 = arith.constant 0 : i32
              %dma_start3A_272 = tpu.memref_slice %arg4[%dma_start3A_270, %dma_start3A_271] : memref<80000x256xf32, #tpu.memory_space<hbm>> -> memref<80000x256xf32, #tpu.memory_space<hbm>>
              tpu.enqueue_indirect_dma source(%dma_start3A_272 : memref<80000x256xf32, #tpu.memory_space<hbm>>) target(%dma_start3A_267 : memref<64x256xf32, #tpu.memory_space<vmem>>) offsets(%dma_start3A_269 : memref<64xi32, #tpu.memory_space<vmem>>) semaphore(%arg22 : memref<!tpu.dma_semaphore, #tpu.memory_space<semaphore_mem>>)
            } else {
            }
            %while3A_243 = arith.constant 0 : i32
            %while3A_244 = arith.constant 0 : i32
            %while3A_245 = arith.subi %select_n3A_237, %while3A_243 : i32
            %while3A_246 = arith.addi %while3A_243, %while3A_245 : i32
            %while3A_247 = arith.constant 1 : i32
            %while3A_248 = arith.divsi %while3A_245, %while3A_247 : i32
            %while3A_249 = arith.muli %while3A_248, %while3A_247 : i32
            %while3A_250 = arith.addi %while3A_243, %while3A_249 : i32
            %while3A_251 = arith.constant 1 : i32
            %while3A_252 = scf.for %while3A_263 = %while3A_243 to %while3A_250 step %while3A_251 iter_args(%while3A_264 = %while3A_244) -> (i32)  : i32 {
              %rem3A_265 = arith.constant 2 : i32
              %rem3A_266 = arith.remsi %while3A_263, %rem3A_265 : i32
              %dma_wait3A_267 = arith.constant 0 : i32
              %dma_wait3A_268 = arith.constant 0 : i32
              %dma_wait3A_269 = tpu.memref_slice %arg15[%rem3A_266, %dma_wait3A_267, %dma_wait3A_268] : memref<2x64x256xf32, #tpu.memory_space<vmem>> -> memref<1x64x256xf32, #tpu.memory_space<vmem>>
              %dma_wait3A_270 = tpu.memref_squeeze %dma_wait3A_269 : memref<1x64x256xf32, #tpu.memory_space<vmem>> -> memref<64x256xf32, #tpu.memory_space<vmem>>
              %dma_wait3A_271 = arith.constant 0 : i32
              %dma_wait3A_272 = arith.constant 0 : i32
              %dma_wait3A_273 = tpu.memref_slice %arg4[%dma_wait3A_271, %dma_wait3A_272] : memref<80000x256xf32, #tpu.memory_space<hbm>> -> memref<64x256xf32, #tpu.memory_space<hbm>>
              %dma_wait3A_274 = arith.constant 0 : i32
              %dma_wait3A_275 = arith.constant 0 : i32
              %dma_wait3A_276 = tpu.memref_slice %arg15[%rem3A_266, %dma_wait3A_274, %dma_wait3A_275] : memref<2x64x256xf32, #tpu.memory_space<vmem>> -> memref<1x64x256xf32, #tpu.memory_space<vmem>>
              %dma_wait3A_277 = tpu.memref_squeeze %dma_wait3A_276 : memref<1x64x256xf32, #tpu.memory_space<vmem>> -> memref<64x256xf32, #tpu.memory_space<vmem>>
              %dma_wait3A_278 = arith.constant 0 : i32
              %dma_wait3A_279 = arith.constant 0 : i32
              %dma_wait3A_280 = tpu.memref_slice %arg4[%dma_wait3A_278, %dma_wait3A_279] : memref<80000x256xf32, #tpu.memory_space<hbm>> -> memref<64x256xf32, #tpu.memory_space<hbm>>
              tpu.wait_dma2 semaphore(%arg22 : memref<!tpu.dma_semaphore, #tpu.memory_space<semaphore_mem>>) src(%dma_wait3A_280 : memref<64x256xf32, #tpu.memory_space<hbm>>) dst(%dma_wait3A_277 : memref<64x256xf32, #tpu.memory_space<vmem>>)
              %add3A_281 = arith.constant 1 : i32
              %add3A_282 = arith.addi %while3A_263, %add3A_281 : i32
              %lt3A_283 = arith.cmpi slt, %add3A_282, %select_n3A_237 : i32
              %convert_element_type3A_284 = arith.extui %lt3A_283 : i1 to i32
              %cond3A_285 = arith.constant 0 : i32
              %cond3A_286 = arith.cmpi ne, %convert_element_type3A_284, %cond3A_285 : i32
              scf.if %cond3A_286 {
                %add3A_297 = arith.constant 1 : i32
                %add3A_298 = arith.addi %while3A_263, %add3A_297 : i32
                %mul3A_299 = arith.constant 64 : i32
                %mul3A_300 = arith.muli %add3A_298, %mul3A_299 : i32
                %sub3A_301 = arith.constant 1 : i32
                %sub3A_302 = arith.subi %sub3A_301, %rem3A_266 : i32
                %dma_start3A_303 = arith.constant 0 : i32
                %dma_start3A_304 = arith.constant 0 : i32
                %dma_start3A_305 = tpu.memref_slice %arg15[%sub3A_302, %dma_start3A_303, %dma_start3A_304] : memref<2x64x256xf32, #tpu.memory_space<vmem>> -> memref<1x64x256xf32, #tpu.memory_space<vmem>>
                %dma_start3A_306 = tpu.memref_squeeze %dma_start3A_305 : memref<1x64x256xf32, #tpu.memory_space<vmem>> -> memref<64x256xf32, #tpu.memory_space<vmem>>
                %dma_start3A_307 = tpu.memref_slice %arg13[%mul3A_300] : memref<576xi32, #tpu.memory_space<vmem>> -> memref<64xi32, #tpu.memory_space<vmem>>
                %dma_start3A_308 = arith.constant 0 : i32
                %dma_start3A_309 = arith.constant 0 : i32
                %dma_start3A_310 = tpu.memref_slice %arg4[%dma_start3A_308, %dma_start3A_309] : memref<80000x256xf32, #tpu.memory_space<hbm>> -> memref<80000x256xf32, #tpu.memory_space<hbm>>
                tpu.enqueue_indirect_dma source(%dma_start3A_310 : memref<80000x256xf32, #tpu.memory_space<hbm>>) target(%dma_start3A_306 : memref<64x256xf32, #tpu.memory_space<vmem>>) offsets(%dma_start3A_307 : memref<64xi32, #tpu.memory_space<vmem>>) semaphore(%arg22 : memref<!tpu.dma_semaphore, #tpu.memory_space<semaphore_mem>>)
              } else {
              }
              %mul3A_287 = arith.constant 64 : i32
              %mul3A_288 = arith.muli %while3A_263, %mul3A_287 : i32
              %scan3A_289 = arith.constant 0 : i32
              %scan3A_290 = arith.constant 0 : i32
              %scan3A_291 = arith.constant 64 : i32
              %scan3A_292 = arith.addi %scan3A_290, %scan3A_291 : i32
              %scan3A_293 = arith.constant 2 : i32
              %scan3A_294 = scf.for %scan3A_297 = %scan3A_290 to %scan3A_292 step %scan3A_293 iter_args(%scan3A_298 = %scan3A_289) -> (i32)  : i32 {
                %add3A_299 = arith.addi %mul3A_288, %scan3A_297 : i32
                %get3A_300 = arith.index_cast %add3A_299 : i32 to index
                %get3A_301 = tpu.vector_load %arg14[%get3A_300] {strides = array<i32>} : memref<576xi32, #tpu.memory_space<vmem>>, vector<16xi32>,
                %slice3A_302 = vector.extract_strided_slice %get3A_301 {offsets = [0], sizes = [1], strides = [1]} : vector<16xi32> to vector<1xi32>
                %squeeze3A_303 = vector.extract %slice3A_302[0] : i32 from vector<1xi32>
                %get3A_304 = arith.index_cast %rem3A_266 : i32 to index
                %get3A_305 = arith.index_cast %scan3A_297 : i32 to index
                %get3A_306 = arith.constant 0 : index
                %get3A_307 = tpu.vector_load %arg15[%get3A_304, %get3A_305, %get3A_306] {strides = array<i32>} : memref<2x64x256xf32, #tpu.memory_space<vmem>>, vector<16xf32>,
                %swap3A_308 = arith.index_cast %squeeze3A_303 : i32 to index
                %swap3A_309 = arith.constant 0 : index
                %swap3A_310 = tpu.vector_load %arg16[%swap3A_308, %swap3A_309] {strides = array<i32>} : memref<144x256xf32, #tpu.memory_space<vmem>>, vector<16xf32>,
                tpu.vector_store %arg16[%swap3A_308, %swap3A_309], %get3A_307 {add = true, strides = array<i32>} : memref<144x256xf32, #tpu.memory_space<vmem>>, vector<16xf32>,
                %get3A_311 = arith.index_cast %rem3A_266 : i32 to index
                %get3A_312 = arith.index_cast %scan3A_297 : i32 to index
                %get3A_313 = arith.constant 16 : index
                %get3A_314 = tpu.vector_load %arg15[%get3A_311, %get3A_312, %get3A_313] {strides = array<i32>} : memref<2x64x256xf32, #tpu.memory_space<vmem>>, vector<16xf32>,
                %swap3A_315 = arith.index_cast %squeeze3A_303 : i32 to index
                %swap3A_316 = arith.constant 16 : index
                %swap3A_317 = tpu.vector_load %arg16[%swap3A_315, %swap3A_316] {strides = array<i32>} : memref<144x256xf32, #tpu.memory_space<vmem>>, vector<16xf32>,
                tpu.vector_store %arg16[%swap3A_315, %swap3A_316], %get3A_314 {add = true, strides = array<i32>} : memref<144x256xf32, #tpu.memory_space<vmem>>, vector<16xf32>,
                %get3A_318 = arith.index_cast %rem3A_266 : i32 to index
                %get3A_319 = arith.index_cast %scan3A_297 : i32 to index
                %get3A_320 = arith.constant 32 : index
                %get3A_321 = tpu.vector_load %arg15[%get3A_318, %get3A_319, %get3A_320] {strides = array<i32>} : memref<2x64x256xf32, #tpu.memory_space<vmem>>, vector<16xf32>,
                %swap3A_322 = arith.index_cast %squeeze3A_303 : i32 to index
                %swap3A_323 = arith.constant 32 : index
                %swap3A_324 = tpu.vector_load %arg16[%swap3A_322, %swap3A_323] {strides = array<i32>} : memref<144x256xf32, #tpu.memory_space<vmem>>, vector<16xf32>,
                tpu.vector_store %arg16[%swap3A_322, %swap3A_323], %get3A_321 {add = true, strides = array<i32>} : memref<144x256xf32, #tpu.memory_space<vmem>>, vector<16xf32>,
                %get3A_325 = arith.index_cast %rem3A_266 : i32 to index
                %get3A_326 = arith.index_cast %scan3A_297 : i32 to index
                %get3A_327 = arith.constant 48 : index
                %get3A_328 = tpu.vector_load %arg15[%get3A_325, %get3A_326, %get3A_327] {strides = array<i32>} : memref<2x64x256xf32, #tpu.memory_space<vmem>>, vector<16xf32>,
                %swap3A_329 = arith.index_cast %squeeze3A_303 : i32 to index
                %swap3A_330 = arith.constant 48 : index
                %swap3A_331 = tpu.vector_load %arg16[%swap3A_329, %swap3A_330] {strides = array<i32>} : memref<144x256xf32, #tpu.memory_space<vmem>>, vector<16xf32>,
                tpu.vector_store %arg16[%swap3A_329, %swap3A_330], %get3A_328 {add = true, strides = array<i32>} : memref<144x256xf32, #tpu.memory_space<vmem>>, vector<16xf32>,
                %get3A_332 = arith.index_cast %rem3A_266 : i32 to index
                %get3A_333 = arith.index_cast %scan3A_297 : i32 to index
                %get3A_334 = arith.constant 64 : index
                %get3A_335 = tpu.vector_load %arg15[%get3A_332, %get3A_333, %get3A_334] {strides = array<i32>} : memref<2x64x256xf32, #tpu.memory_space<vmem>>, vector<16xf32>,
                %swap3A_336 = arith.index_cast %squeeze3A_303 : i32 to index
                %swap3A_337 = arith.constant 64 : index
                %swap3A_338 = tpu.vector_load %arg16[%swap3A_336, %swap3A_337] {strides = array<i32>} : memref<144x256xf32, #tpu.memory_space<vmem>>, vector<16xf32>,
                tpu.vector_store %arg16[%swap3A_336, %swap3A_337], %get3A_335 {add = true, strides = array<i32>} : memref<144x256xf32, #tpu.memory_space<vmem>>, vector<16xf32>,
                %get3A_339 = arith.index_cast %rem3A_266 : i32 to index
                %get3A_340 = arith.index_cast %scan3A_297 : i32 to index
                %get3A_341 = arith.constant 80 : index
                %get3A_342 = tpu.vector_load %arg15[%get3A_339, %get3A_340, %get3A_341] {strides = array<i32>} : memref<2x64x256xf32, #tpu.memory_space<vmem>>, vector<16xf32>,
                %swap3A_343 = arith.index_cast %squeeze3A_303 : i32 to index
                %swap3A_344 = arith.constant 80 : index
                %swap3A_345 = tpu.vector_load %arg16[%swap3A_343, %swap3A_344] {strides = array<i32>} : memref<144x256xf32, #tpu.memory_space<vmem>>, vector<16xf32>,
                tpu.vector_store %arg16[%swap3A_343, %swap3A_344], %get3A_342 {add = true, strides = array<i32>} : memref<144x256xf32, #tpu.memory_space<vmem>>, vector<16xf32>,
                %get3A_346 = arith.index_cast %rem3A_266 : i32 to index
                %get3A_347 = arith.index_cast %scan3A_297 : i32 to index
                %get3A_348 = arith.constant 96 : index
                %get3A_349 = tpu.vector_load %arg15[%get3A_346, %get3A_347, %get3A_348] {strides = array<i32>} : memref<2x64x256xf32, #tpu.memory_space<vmem>>, vector<16xf32>,
                %swap3A_350 = arith.index_cast %squeeze3A_303 : i32 to index
                %swap3A_351 = arith.constant 96 : index
                %swap3A_352 = tpu.vector_load %arg16[%swap3A_350, %swap3A_351] {strides = array<i32>} : memref<144x256xf32, #tpu.memory_space<vmem>>, vector<16xf32>,
                tpu.vector_store %arg16[%swap3A_350, %swap3A_351], %get3A_349 {add = true, strides = array<i32>} : memref<144x256xf32, #tpu.memory_space<vmem>>, vector<16xf32>,
                %get3A_353 = arith.index_cast %rem3A_266 : i32 to index
                %get3A_354 = arith.index_cast %scan3A_297 : i32 to index
                %get3A_355 = arith.constant 112 : index
                %get3A_356 = tpu.vector_load %arg15[%get3A_353, %get3A_354, %get3A_355] {strides = array<i32>} : memref<2x64x256xf32, #tpu.memory_space<vmem>>, vector<16xf32>,
                %swap3A_357 = arith.index_cast %squeeze3A_303 : i32 to index
                %swap3A_358 = arith.constant 112 : index
                %swap3A_359 = tpu.vector_load %arg16[%swap3A_357, %swap3A_358] {strides = array<i32>} : memref<144x256xf32, #tpu.memory_space<vmem>>, vector<16xf32>,
                tpu.vector_store %arg16[%swap3A_357, %swap3A_358], %get3A_356 {add = true, strides = array<i32>} : memref<144x256xf32, #tpu.memory_space<vmem>>, vector<16xf32>,
                %get3A_360 = arith.index_cast %rem3A_266 : i32 to index
                %get3A_361 = arith.index_cast %scan3A_297 : i32 to index
                %get3A_362 = arith.constant 128 : index
                %get3A_363 = tpu.vector_load %arg15[%get3A_360, %get3A_361, %get3A_362] {strides = array<i32>} : memref<2x64x256xf32, #tpu.memory_space<vmem>>, vector<16xf32>,
                %swap3A_364 = arith.index_cast %squeeze3A_303 : i32 to index
                %swap3A_365 = arith.constant 128 : index
                %swap3A_366 = tpu.vector_load %arg16[%swap3A_364, %swap3A_365] {strides = array<i32>} : memref<144x256xf32, #tpu.memory_space<vmem>>, vector<16xf32>,
                tpu.vector_store %arg16[%swap3A_364, %swap3A_365], %get3A_363 {add = true, strides = array<i32>} : memref<144x256xf32, #tpu.memory_space<vmem>>, vector<16xf32>,
                %get3A_367 = arith.index_cast %rem3A_266 : i32 to index
                %get3A_368 = arith.index_cast %scan3A_297 : i32 to index
                %get3A_369 = arith.constant 144 : index
                %get3A_370 = tpu.vector_load %arg15[%get3A_367, %get3A_368, %get3A_369] {strides = array<i32>} : memref<2x64x256xf32, #tpu.memory_space<vmem>>, vector<16xf32>,
                %swap3A_371 = arith.index_cast %squeeze3A_303 : i32 to index
                %swap3A_372 = arith.constant 144 : index
                %swap3A_373 = tpu.vector_load %arg16[%swap3A_371, %swap3A_372] {strides = array<i32>} : memref<144x256xf32, #tpu.memory_space<vmem>>, vector<16xf32>,
                tpu.vector_store %arg16[%swap3A_371, %swap3A_372], %get3A_370 {add = true, strides = array<i32>} : memref<144x256xf32, #tpu.memory_space<vmem>>, vector<16xf32>,
                %get3A_374 = arith.index_cast %rem3A_266 : i32 to index
                %get3A_375 = arith.index_cast %scan3A_297 : i32 to index
                %get3A_376 = arith.constant 160 : index
                %get3A_377 = tpu.vector_load %arg15[%get3A_374, %get3A_375, %get3A_376] {strides = array<i32>} : memref<2x64x256xf32, #tpu.memory_space<vmem>>, vector<16xf32>,
                %swap3A_378 = arith.index_cast %squeeze3A_303 : i32 to index
                %swap3A_379 = arith.constant 160 : index
                %swap3A_380 = tpu.vector_load %arg16[%swap3A_378, %swap3A_379] {strides = array<i32>} : memref<144x256xf32, #tpu.memory_space<vmem>>, vector<16xf32>,
                tpu.vector_store %arg16[%swap3A_378, %swap3A_379], %get3A_377 {add = true, strides = array<i32>} : memref<144x256xf32, #tpu.memory_space<vmem>>, vector<16xf32>,
                %get3A_381 = arith.index_cast %rem3A_266 : i32 to index
                %get3A_382 = arith.index_cast %scan3A_297 : i32 to index
                %get3A_383 = arith.constant 176 : index
                %get3A_384 = tpu.vector_load %arg15[%get3A_381, %get3A_382, %get3A_383] {strides = array<i32>} : memref<2x64x256xf32, #tpu.memory_space<vmem>>, vector<16xf32>,
                %swap3A_385 = arith.index_cast %squeeze3A_303 : i32 to index
                %swap3A_386 = arith.constant 176 : index
                %swap3A_387 = tpu.vector_load %arg16[%swap3A_385, %swap3A_386] {strides = array<i32>} : memref<144x256xf32, #tpu.memory_space<vmem>>, vector<16xf32>,
                tpu.vector_store %arg16[%swap3A_385, %swap3A_386], %get3A_384 {add = true, strides = array<i32>} : memref<144x256xf32, #tpu.memory_space<vmem>>, vector<16xf32>,
                %get3A_388 = arith.index_cast %rem3A_266 : i32 to index
                %get3A_389 = arith.index_cast %scan3A_297 : i32 to index
                %get3A_390 = arith.constant 192 : index
                %get3A_391 = tpu.vector_load %arg15[%get3A_388, %get3A_389, %get3A_390] {strides = array<i32>} : memref<2x64x256xf32, #tpu.memory_space<vmem>>, vector<16xf32>,
                %swap3A_392 = arith.index_cast %squeeze3A_303 : i32 to index
                %swap3A_393 = arith.constant 192 : index
                %swap3A_394 = tpu.vector_load %arg16[%swap3A_392, %swap3A_393] {strides = array<i32>} : memref<144x256xf32, #tpu.memory_space<vmem>>, vector<16xf32>,
                tpu.vector_store %arg16[%swap3A_392, %swap3A_393], %get3A_391 {add = true, strides = array<i32>} : memref<144x256xf32, #tpu.memory_space<vmem>>, vector<16xf32>,
                %get3A_395 = arith.index_cast %rem3A_266 : i32 to index
                %get3A_396 = arith.index_cast %scan3A_297 : i32 to index
                %get3A_397 = arith.constant 208 : index
                %get3A_398 = tpu.vector_load %arg15[%get3A_395, %get3A_396, %get3A_397] {strides = array<i32>} : memref<2x64x256xf32, #tpu.memory_space<vmem>>, vector<16xf32>,
                %swap3A_399 = arith.index_cast %squeeze3A_303 : i32 to index
                %swap3A_400 = arith.constant 208 : index
                %swap3A_401 = tpu.vector_load %arg16[%swap3A_399, %swap3A_400] {strides = array<i32>} : memref<144x256xf32, #tpu.memory_space<vmem>>, vector<16xf32>,
                tpu.vector_store %arg16[%swap3A_399, %swap3A_400], %get3A_398 {add = true, strides = array<i32>} : memref<144x256xf32, #tpu.memory_space<vmem>>, vector<16xf32>,
                %get3A_402 = arith.index_cast %rem3A_266 : i32 to index
                %get3A_403 = arith.index_cast %scan3A_297 : i32 to index
                %get3A_404 = arith.constant 224 : index
                %get3A_405 = tpu.vector_load %arg15[%get3A_402, %get3A_403, %get3A_404] {strides = array<i32>} : memref<2x64x256xf32, #tpu.memory_space<vmem>>, vector<16xf32>,
                %swap3A_406 = arith.index_cast %squeeze3A_303 : i32 to index
                %swap3A_407 = arith.constant 224 : index
                %swap3A_408 = tpu.vector_load %arg16[%swap3A_406, %swap3A_407] {strides = array<i32>} : memref<144x256xf32, #tpu.memory_space<vmem>>, vector<16xf32>,
                tpu.vector_store %arg16[%swap3A_406, %swap3A_407], %get3A_405 {add = true, strides = array<i32>} : memref<144x256xf32, #tpu.memory_space<vmem>>, vector<16xf32>,
                %get3A_409 = arith.index_cast %rem3A_266 : i32 to index
                %get3A_410 = arith.index_cast %scan3A_297 : i32 to index
                %get3A_411 = arith.constant 240 : index
                %get3A_412 = tpu.vector_load %arg15[%get3A_409, %get3A_410, %get3A_411] {strides = array<i32>} : memref<2x64x256xf32, #tpu.memory_space<vmem>>, vector<16xf32>,
                %swap3A_413 = arith.index_cast %squeeze3A_303 : i32 to index
                %swap3A_414 = arith.constant 240 : index
                %swap3A_415 = tpu.vector_load %arg16[%swap3A_413, %swap3A_414] {strides = array<i32>} : memref<144x256xf32, #tpu.memory_space<vmem>>, vector<16xf32>,
                tpu.vector_store %arg16[%swap3A_413, %swap3A_414], %get3A_412 {add = true, strides = array<i32>} : memref<144x256xf32, #tpu.memory_space<vmem>>, vector<16xf32>,
                %scan3A_416 = arith.constant 0 : i32
                %scan3A_417 = arith.constant 1 : i32
                %scan3A_418 = arith.addi %scan3A_297, %scan3A_417 : i32
                %add3A_419 = arith.addi %mul3A_288, %scan3A_418 : i32
                %get3A_420 = arith.index_cast %add3A_419 : i32 to index
                %get3A_421 = tpu.vector_load %arg14[%get3A_420] {strides = array<i32>} : memref<576xi32, #tpu.memory_space<vmem>>, vector<16xi32>,
                %slice3A_422 = vector.extract_strided_slice %get3A_421 {offsets = [0], sizes = [1], strides = [1]} : vector<16xi32> to vector<1xi32>
                %squeeze3A_423 = vector.extract %slice3A_422[0] : i32 from vector<1xi32>
                %get3A_424 = arith.index_cast %rem3A_266 : i32 to index
                %get3A_425 = arith.index_cast %scan3A_418 : i32 to index
                %get3A_426 = arith.constant 0 : index
                %get3A_427 = tpu.vector_load %arg15[%get3A_424, %get3A_425, %get3A_426] {strides = array<i32>} : memref<2x64x256xf32, #tpu.memory_space<vmem>>, vector<16xf32>,
                %swap3A_428 = arith.index_cast %squeeze3A_423 : i32 to index
                %swap3A_429 = arith.constant 0 : index
                %swap3A_430 = tpu.vector_load %arg16[%swap3A_428, %swap3A_429] {strides = array<i32>} : memref<144x256xf32, #tpu.memory_space<vmem>>, vector<16xf32>,
                tpu.vector_store %arg16[%swap3A_428, %swap3A_429], %get3A_427 {add = true, strides = array<i32>} : memref<144x256xf32, #tpu.memory_space<vmem>>, vector<16xf32>,
                %get3A_431 = arith.index_cast %rem3A_266 : i32 to index
                %get3A_432 = arith.index_cast %scan3A_418 : i32 to index
                %get3A_433 = arith.constant 16 : index
                %get3A_434 = tpu.vector_load %arg15[%get3A_431, %get3A_432, %get3A_433] {strides = array<i32>} : memref<2x64x256xf32, #tpu.memory_space<vmem>>, vector<16xf32>,
                %swap3A_435 = arith.index_cast %squeeze3A_423 : i32 to index
                %swap3A_436 = arith.constant 16 : index
                %swap3A_437 = tpu.vector_load %arg16[%swap3A_435, %swap3A_436] {strides = array<i32>} : memref<144x256xf32, #tpu.memory_space<vmem>>, vector<16xf32>,
                tpu.vector_store %arg16[%swap3A_435, %swap3A_436], %get3A_434 {add = true, strides = array<i32>} : memref<144x256xf32, #tpu.memory_space<vmem>>, vector<16xf32>,
                %get3A_438 = arith.index_cast %rem3A_266 : i32 to index
                %get3A_439 = arith.index_cast %scan3A_418 : i32 to index
                %get3A_440 = arith.constant 32 : index
                %get3A_441 = tpu.vector_load %arg15[%get3A_438, %get3A_439, %get3A_440] {strides = array<i32>} : memref<2x64x256xf32, #tpu.memory_space<vmem>>, vector<16xf32>,
                %swap3A_442 = arith.index_cast %squeeze3A_423 : i32 to index
                %swap3A_443 = arith.constant 32 : index
                %swap3A_444 = tpu.vector_load %arg16[%swap3A_442, %swap3A_443] {strides = array<i32>} : memref<144x256xf32, #tpu.memory_space<vmem>>, vector<16xf32>,
                tpu.vector_store %arg16[%swap3A_442, %swap3A_443], %get3A_441 {add = true, strides = array<i32>} : memref<144x256xf32, #tpu.memory_space<vmem>>, vector<16xf32>,
                %get3A_445 = arith.index_cast %rem3A_266 : i32 to index
                %get3A_446 = arith.index_cast %scan3A_418 : i32 to index
                %get3A_447 = arith.constant 48 : index
                %get3A_448 = tpu.vector_load %arg15[%get3A_445, %get3A_446, %get3A_447] {strides = array<i32>} : memref<2x64x256xf32, #tpu.memory_space<vmem>>, vector<16xf32>,
                %swap3A_449 = arith.index_cast %squeeze3A_423 : i32 to index
                %swap3A_450 = arith.constant 48 : index
                %swap3A_451 = tpu.vector_load %arg16[%swap3A_449, %swap3A_450] {strides = array<i32>} : memref<144x256xf32, #tpu.memory_space<vmem>>, vector<16xf32>,
                tpu.vector_store %arg16[%swap3A_449, %swap3A_450], %get3A_448 {add = true, strides = array<i32>} : memref<144x256xf32, #tpu.memory_space<vmem>>, vector<16xf32>,
                %get3A_452 = arith.index_cast %rem3A_266 : i32 to index
                %get3A_453 = arith.index_cast %scan3A_418 : i32 to index
                %get3A_454 = arith.constant 64 : index
                %get3A_455 = tpu.vector_load %arg15[%get3A_452, %get3A_453, %get3A_454] {strides = array<i32>} : memref<2x64x256xf32, #tpu.memory_space<vmem>>, vector<16xf32>,
                %swap3A_456 = arith.index_cast %squeeze3A_423 : i32 to index
                %swap3A_457 = arith.constant 64 : index
                %swap3A_458 = tpu.vector_load %arg16[%swap3A_456, %swap3A_457] {strides = array<i32>} : memref<144x256xf32, #tpu.memory_space<vmem>>, vector<16xf32>,
                tpu.vector_store %arg16[%swap3A_456, %swap3A_457], %get3A_455 {add = true, strides = array<i32>} : memref<144x256xf32, #tpu.memory_space<vmem>>, vector<16xf32>,
                %get3A_459 = arith.index_cast %rem3A_266 : i32 to index
                %get3A_460 = arith.index_cast %scan3A_418 : i32 to index
                %get3A_461 = arith.constant 80 : index
                %get3A_462 = tpu.vector_load %arg15[%get3A_459, %get3A_460, %get3A_461] {strides = array<i32>} : memref<2x64x256xf32, #tpu.memory_space<vmem>>, vector<16xf32>,
                %swap3A_463 = arith.index_cast %squeeze3A_423 : i32 to index
                %swap3A_464 = arith.constant 80 : index
                %swap3A_465 = tpu.vector_load %arg16[%swap3A_463, %swap3A_464] {strides = array<i32>} : memref<144x256xf32, #tpu.memory_space<vmem>>, vector<16xf32>,
                tpu.vector_store %arg16[%swap3A_463, %swap3A_464], %get3A_462 {add = true, strides = array<i32>} : memref<144x256xf32, #tpu.memory_space<vmem>>, vector<16xf32>,
                %get3A_466 = arith.index_cast %rem3A_266 : i32 to index
                %get3A_467 = arith.index_cast %scan3A_418 : i32 to index
                %get3A_468 = arith.constant 96 : index
                %get3A_469 = tpu.vector_load %arg15[%get3A_466, %get3A_467, %get3A_468] {strides = array<i32>} : memref<2x64x256xf32, #tpu.memory_space<vmem>>, vector<16xf32>,
                %swap3A_470 = arith.index_cast %squeeze3A_423 : i32 to index
                %swap3A_471 = arith.constant 96 : index
                %swap3A_472 = tpu.vector_load %arg16[%swap3A_470, %swap3A_471] {strides = array<i32>} : memref<144x256xf32, #tpu.memory_space<vmem>>, vector<16xf32>,
                tpu.vector_store %arg16[%swap3A_470, %swap3A_471], %get3A_469 {add = true, strides = array<i32>} : memref<144x256xf32, #tpu.memory_space<vmem>>, vector<16xf32>,
                %get3A_473 = arith.index_cast %rem3A_266 : i32 to index
                %get3A_474 = arith.index_cast %scan3A_418 : i32 to index
                %get3A_475 = arith.constant 112 : index
                %get3A_476 = tpu.vector_load %arg15[%get3A_473, %get3A_474, %get3A_475] {strides = array<i32>} : memref<2x64x256xf32, #tpu.memory_space<vmem>>, vector<16xf32>,
                %swap3A_477 = arith.index_cast %squeeze3A_423 : i32 to index
                %swap3A_478 = arith.constant 112 : index
                %swap3A_479 = tpu.vector_load %arg16[%swap3A_477, %swap3A_478] {strides = array<i32>} : memref<144x256xf32, #tpu.memory_space<vmem>>, vector<16xf32>,
                tpu.vector_store %arg16[%swap3A_477, %swap3A_478], %get3A_476 {add = true, strides = array<i32>} : memref<144x256xf32, #tpu.memory_space<vmem>>, vector<16xf32>,
                %get3A_480 = arith.index_cast %rem3A_266 : i32 to index
                %get3A_481 = arith.index_cast %scan3A_418 : i32 to index
                %get3A_482 = arith.constant 128 : index
                %get3A_483 = tpu.vector_load %arg15[%get3A_480, %get3A_481, %get3A_482] {strides = array<i32>} : memref<2x64x256xf32, #tpu.memory_space<vmem>>, vector<16xf32>,
                %swap3A_484 = arith.index_cast %squeeze3A_423 : i32 to index
                %swap3A_485 = arith.constant 128 : index
                %swap3A_486 = tpu.vector_load %arg16[%swap3A_484, %swap3A_485] {strides = array<i32>} : memref<144x256xf32, #tpu.memory_space<vmem>>, vector<16xf32>,
                tpu.vector_store %arg16[%swap3A_484, %swap3A_485], %get3A_483 {add = true, strides = array<i32>} : memref<144x256xf32, #tpu.memory_space<vmem>>, vector<16xf32>,
                %get3A_487 = arith.index_cast %rem3A_266 : i32 to index
                %get3A_488 = arith.index_cast %scan3A_418 : i32 to index
                %get3A_489 = arith.constant 144 : index
                %get3A_490 = tpu.vector_load %arg15[%get3A_487, %get3A_488, %get3A_489] {strides = array<i32>} : memref<2x64x256xf32, #tpu.memory_space<vmem>>, vector<16xf32>,
                %swap3A_491 = arith.index_cast %squeeze3A_423 : i32 to index
                %swap3A_492 = arith.constant 144 : index
                %swap3A_493 = tpu.vector_load %arg16[%swap3A_491, %swap3A_492] {strides = array<i32>} : memref<144x256xf32, #tpu.memory_space<vmem>>, vector<16xf32>,
                tpu.vector_store %arg16[%swap3A_491, %swap3A_492], %get3A_490 {add = true, strides = array<i32>} : memref<144x256xf32, #tpu.memory_space<vmem>>, vector<16xf32>,
                %get3A_494 = arith.index_cast %rem3A_266 : i32 to index
                %get3A_495 = arith.index_cast %scan3A_418 : i32 to index
                %get3A_496 = arith.constant 160 : index
                %get3A_497 = tpu.vector_load %arg15[%get3A_494, %get3A_495, %get3A_496] {strides = array<i32>} : memref<2x64x256xf32, #tpu.memory_space<vmem>>, vector<16xf32>,
                %swap3A_498 = arith.index_cast %squeeze3A_423 : i32 to index
                %swap3A_499 = arith.constant 160 : index
                %swap3A_500 = tpu.vector_load %arg16[%swap3A_498, %swap3A_499] {strides = array<i32>} : memref<144x256xf32, #tpu.memory_space<vmem>>, vector<16xf32>,
                tpu.vector_store %arg16[%swap3A_498, %swap3A_499], %get3A_497 {add = true, strides = array<i32>} : memref<144x256xf32, #tpu.memory_space<vmem>>, vector<16xf32>,
                %get3A_501 = arith.index_cast %rem3A_266 : i32 to index
                %get3A_502 = arith.index_cast %scan3A_418 : i32 to index
                %get3A_503 = arith.constant 176 : index
                %get3A_504 = tpu.vector_load %arg15[%get3A_501, %get3A_502, %get3A_503] {strides = array<i32>} : memref<2x64x256xf32, #tpu.memory_space<vmem>>, vector<16xf32>,
                %swap3A_505 = arith.index_cast %squeeze3A_423 : i32 to index
                %swap3A_506 = arith.constant 176 : index
                %swap3A_507 = tpu.vector_load %arg16[%swap3A_505, %swap3A_506] {strides = array<i32>} : memref<144x256xf32, #tpu.memory_space<vmem>>, vector<16xf32>,
                tpu.vector_store %arg16[%swap3A_505, %swap3A_506], %get3A_504 {add = true, strides = array<i32>} : memref<144x256xf32, #tpu.memory_space<vmem>>, vector<16xf32>,
                %get3A_508 = arith.index_cast %rem3A_266 : i32 to index
                %get3A_509 = arith.index_cast %scan3A_418 : i32 to index
                %get3A_510 = arith.constant 192 : index
                %get3A_511 = tpu.vector_load %arg15[%get3A_508, %get3A_509, %get3A_510] {strides = array<i32>} : memref<2x64x256xf32, #tpu.memory_space<vmem>>, vector<16xf32>,
                %swap3A_512 = arith.index_cast %squeeze3A_423 : i32 to index
                %swap3A_513 = arith.constant 192 : index
                %swap3A_514 = tpu.vector_load %arg16[%swap3A_512, %swap3A_513] {strides = array<i32>} : memref<144x256xf32, #tpu.memory_space<vmem>>, vector<16xf32>,
                tpu.vector_store %arg16[%swap3A_512, %swap3A_513], %get3A_511 {add = true, strides = array<i32>} : memref<144x256xf32, #tpu.memory_space<vmem>>, vector<16xf32>,
                %get3A_515 = arith.index_cast %rem3A_266 : i32 to index
                %get3A_516 = arith.index_cast %scan3A_418 : i32 to index
                %get3A_517 = arith.constant 208 : index
                %get3A_518 = tpu.vector_load %arg15[%get3A_515, %get3A_516, %get3A_517] {strides = array<i32>} : memref<2x64x256xf32, #tpu.memory_space<vmem>>, vector<16xf32>,
                %swap3A_519 = arith.index_cast %squeeze3A_423 : i32 to index
                %swap3A_520 = arith.constant 208 : index
                %swap3A_521 = tpu.vector_load %arg16[%swap3A_519, %swap3A_520] {strides = array<i32>} : memref<144x256xf32, #tpu.memory_space<vmem>>, vector<16xf32>,
                tpu.vector_store %arg16[%swap3A_519, %swap3A_520], %get3A_518 {add = true, strides = array<i32>} : memref<144x256xf32, #tpu.memory_space<vmem>>, vector<16xf32>,
                %get3A_522 = arith.index_cast %rem3A_266 : i32 to index
                %get3A_523 = arith.index_cast %scan3A_418 : i32 to index
                %get3A_524 = arith.constant 224 : index
                %get3A_525 = tpu.vector_load %arg15[%get3A_522, %get3A_523, %get3A_524] {strides = array<i32>} : memref<2x64x256xf32, #tpu.memory_space<vmem>>, vector<16xf32>,
                %swap3A_526 = arith.index_cast %squeeze3A_423 : i32 to index
                %swap3A_527 = arith.constant 224 : index
                %swap3A_528 = tpu.vector_load %arg16[%swap3A_526, %swap3A_527] {strides = array<i32>} : memref<144x256xf32, #tpu.memory_space<vmem>>, vector<16xf32>,
                tpu.vector_store %arg16[%swap3A_526, %swap3A_527], %get3A_525 {add = true, strides = array<i32>} : memref<144x256xf32, #tpu.memory_space<vmem>>, vector<16xf32>,
                %get3A_529 = arith.index_cast %rem3A_266 : i32 to index
                %get3A_530 = arith.index_cast %scan3A_418 : i32 to index
                %get3A_531 = arith.constant 240 : index
                %get3A_532 = tpu.vector_load %arg15[%get3A_529, %get3A_530, %get3A_531] {strides = array<i32>} : memref<2x64x256xf32, #tpu.memory_space<vmem>>, vector<16xf32>,
                %swap3A_533 = arith.index_cast %squeeze3A_423 : i32 to index
                %swap3A_534 = arith.constant 240 : index
                %swap3A_535 = tpu.vector_load %arg16[%swap3A_533, %swap3A_534] {strides = array<i32>} : memref<144x256xf32, #tpu.memory_space<vmem>>, vector<16xf32>,
                tpu.vector_store %arg16[%swap3A_533, %swap3A_534], %get3A_532 {add = true, strides = array<i32>} : memref<144x256xf32, #tpu.memory_space<vmem>>, vector<16xf32>,
                %scan3A_536 = arith.constant 0 : i32
                scf.yield %scan3A_536 : i32
              }
              %scan3A_295 = arith.constant 64 : i32
              %while3A_296 = arith.constant 0 : i32
              scf.yield %while3A_296 : i32
            }
            %while3A_253 = arith.constant 1 : i32
            %while3A_254 = scf.for %while3A_263 = %while3A_250 to %while3A_246 step %while3A_253 iter_args(%while3A_264 = %while3A_252) -> (i32)  : i32 {
              %rem3A_265 = arith.constant 2 : i32
              %rem3A_266 = arith.remsi %while3A_263, %rem3A_265 : i32
              %dma_wait3A_267 = arith.constant 0 : i32
              %dma_wait3A_268 = arith.constant 0 : i32
              %dma_wait3A_269 = tpu.memref_slice %arg15[%rem3A_266, %dma_wait3A_267, %dma_wait3A_268] : memref<2x64x256xf32, #tpu.memory_space<vmem>> -> memref<1x64x256xf32, #tpu.memory_space<vmem>>
              %dma_wait3A_270 = tpu.memref_squeeze %dma_wait3A_269 : memref<1x64x256xf32, #tpu.memory_space<vmem>> -> memref<64x256xf32, #tpu.memory_space<vmem>>
              %dma_wait3A_271 = arith.constant 0 : i32
              %dma_wait3A_272 = arith.constant 0 : i32
              %dma_wait3A_273 = tpu.memref_slice %arg4[%dma_wait3A_271, %dma_wait3A_272] : memref<80000x256xf32, #tpu.memory_space<hbm>> -> memref<64x256xf32, #tpu.memory_space<hbm>>
              %dma_wait3A_274 = arith.constant 0 : i32
              %dma_wait3A_275 = arith.constant 0 : i32
              %dma_wait3A_276 = tpu.memref_slice %arg15[%rem3A_266, %dma_wait3A_274, %dma_wait3A_275] : memref<2x64x256xf32, #tpu.memory_space<vmem>> -> memref<1x64x256xf32, #tpu.memory_space<vmem>>
              %dma_wait3A_277 = tpu.memref_squeeze %dma_wait3A_276 : memref<1x64x256xf32, #tpu.memory_space<vmem>> -> memref<64x256xf32, #tpu.memory_space<vmem>>
              %dma_wait3A_278 = arith.constant 0 : i32
              %dma_wait3A_279 = arith.constant 0 : i32
              %dma_wait3A_280 = tpu.memref_slice %arg4[%dma_wait3A_278, %dma_wait3A_279] : memref<80000x256xf32, #tpu.memory_space<hbm>> -> memref<64x256xf32, #tpu.memory_space<hbm>>
              tpu.wait_dma2 semaphore(%arg22 : memref<!tpu.dma_semaphore, #tpu.memory_space<semaphore_mem>>) src(%dma_wait3A_280 : memref<64x256xf32, #tpu.memory_space<hbm>>) dst(%dma_wait3A_277 : memref<64x256xf32, #tpu.memory_space<vmem>>)
              %add3A_281 = arith.constant 1 : i32
              %add3A_282 = arith.addi %while3A_263, %add3A_281 : i32
              %lt3A_283 = arith.cmpi slt, %add3A_282, %select_n3A_237 : i32
              %convert_element_type3A_284 = arith.extui %lt3A_283 : i1 to i32
              %cond3A_285 = arith.constant 0 : i32
              %cond3A_286 = arith.cmpi ne, %convert_element_type3A_284, %cond3A_285 : i32
              scf.if %cond3A_286 {
                %add3A_297 = arith.constant 1 : i32
                %add3A_298 = arith.addi %while3A_263, %add3A_297 : i32
                %mul3A_299 = arith.constant 64 : i32
                %mul3A_300 = arith.muli %add3A_298, %mul3A_299 : i32
                %sub3A_301 = arith.constant 1 : i32
                %sub3A_302 = arith.subi %sub3A_301, %rem3A_266 : i32
                %dma_start3A_303 = arith.constant 0 : i32
                %dma_start3A_304 = arith.constant 0 : i32
                %dma_start3A_305 = tpu.memref_slice %arg15[%sub3A_302, %dma_start3A_303, %dma_start3A_304] : memref<2x64x256xf32, #tpu.memory_space<vmem>> -> memref<1x64x256xf32, #tpu.memory_space<vmem>>
                %dma_start3A_306 = tpu.memref_squeeze %dma_start3A_305 : memref<1x64x256xf32, #tpu.memory_space<vmem>> -> memref<64x256xf32, #tpu.memory_space<vmem>>
                %dma_start3A_307 = tpu.memref_slice %arg13[%mul3A_300] : memref<576xi32, #tpu.memory_space<vmem>> -> memref<64xi32, #tpu.memory_space<vmem>>
                %dma_start3A_308 = arith.constant 0 : i32
                %dma_start3A_309 = arith.constant 0 : i32
                %dma_start3A_310 = tpu.memref_slice %arg4[%dma_start3A_308, %dma_start3A_309] : memref<80000x256xf32, #tpu.memory_space<hbm>> -> memref<80000x256xf32, #tpu.memory_space<hbm>>
                tpu.enqueue_indirect_dma source(%dma_start3A_310 : memref<80000x256xf32, #tpu.memory_space<hbm>>) target(%dma_start3A_306 : memref<64x256xf32, #tpu.memory_space<vmem>>) offsets(%dma_start3A_307 : memref<64xi32, #tpu.memory_space<vmem>>) semaphore(%arg22 : memref<!tpu.dma_semaphore, #tpu.memory_space<semaphore_mem>>)
              } else {
              }
              %mul3A_287 = arith.constant 64 : i32
              %mul3A_288 = arith.muli %while3A_263, %mul3A_287 : i32
              %scan3A_289 = arith.constant 0 : i32
              %scan3A_290 = arith.constant 0 : i32
              %scan3A_291 = arith.constant 64 : i32
              %scan3A_292 = arith.addi %scan3A_290, %scan3A_291 : i32
              %scan3A_293 = arith.constant 2 : i32
              %scan3A_294 = scf.for %scan3A_297 = %scan3A_290 to %scan3A_292 step %scan3A_293 iter_args(%scan3A_298 = %scan3A_289) -> (i32)  : i32 {
                %add3A_299 = arith.addi %mul3A_288, %scan3A_297 : i32
                %get3A_300 = arith.index_cast %add3A_299 : i32 to index
                %get3A_301 = tpu.vector_load %arg14[%get3A_300] {strides = array<i32>} : memref<576xi32, #tpu.memory_space<vmem>>, vector<16xi32>,
                %slice3A_302 = vector.extract_strided_slice %get3A_301 {offsets = [0], sizes = [1], strides = [1]} : vector<16xi32> to vector<1xi32>
                %squeeze3A_303 = vector.extract %slice3A_302[0] : i32 from vector<1xi32>
                %get3A_304 = arith.index_cast %rem3A_266 : i32 to index
                %get3A_305 = arith.index_cast %scan3A_297 : i32 to index
                %get3A_306 = arith.constant 0 : index
                %get3A_307 = tpu.vector_load %arg15[%get3A_304, %get3A_305, %get3A_306] {strides = array<i32>} : memref<2x64x256xf32, #tpu.memory_space<vmem>>, vector<16xf32>,
                %swap3A_308 = arith.index_cast %squeeze3A_303 : i32 to index
                %swap3A_309 = arith.constant 0 : index
                %swap3A_310 = tpu.vector_load %arg16[%swap3A_308, %swap3A_309] {strides = array<i32>} : memref<144x256xf32, #tpu.memory_space<vmem>>, vector<16xf32>,
                tpu.vector_store %arg16[%swap3A_308, %swap3A_309], %get3A_307 {add = true, strides = array<i32>} : memref<144x256xf32, #tpu.memory_space<vmem>>, vector<16xf32>,
                %get3A_311 = arith.index_cast %rem3A_266 : i32 to index
                %get3A_312 = arith.index_cast %scan3A_297 : i32 to index
                %get3A_313 = arith.constant 16 : index
                %get3A_314 = tpu.vector_load %arg15[%get3A_311, %get3A_312, %get3A_313] {strides = array<i32>} : memref<2x64x256xf32, #tpu.memory_space<vmem>>, vector<16xf32>,
                %swap3A_315 = arith.index_cast %squeeze3A_303 : i32 to index
                %swap3A_316 = arith.constant 16 : index
                %swap3A_317 = tpu.vector_load %arg16[%swap3A_315, %swap3A_316] {strides = array<i32>} : memref<144x256xf32, #tpu.memory_space<vmem>>, vector<16xf32>,
                tpu.vector_store %arg16[%swap3A_315, %swap3A_316], %get3A_314 {add = true, strides = array<i32>} : memref<144x256xf32, #tpu.memory_space<vmem>>, vector<16xf32>,
                %get3A_318 = arith.index_cast %rem3A_266 : i32 to index
                %get3A_319 = arith.index_cast %scan3A_297 : i32 to index
                %get3A_320 = arith.constant 32 : index
                %get3A_321 = tpu.vector_load %arg15[%get3A_318, %get3A_319, %get3A_320] {strides = array<i32>} : memref<2x64x256xf32, #tpu.memory_space<vmem>>, vector<16xf32>,
                %swap3A_322 = arith.index_cast %squeeze3A_303 : i32 to index
                %swap3A_323 = arith.constant 32 : index
                %swap3A_324 = tpu.vector_load %arg16[%swap3A_322, %swap3A_323] {strides = array<i32>} : memref<144x256xf32, #tpu.memory_space<vmem>>, vector<16xf32>,
                tpu.vector_store %arg16[%swap3A_322, %swap3A_323], %get3A_321 {add = true, strides = array<i32>} : memref<144x256xf32, #tpu.memory_space<vmem>>, vector<16xf32>,
                %get3A_325 = arith.index_cast %rem3A_266 : i32 to index
                %get3A_326 = arith.index_cast %scan3A_297 : i32 to index
                %get3A_327 = arith.constant 48 : index
                %get3A_328 = tpu.vector_load %arg15[%get3A_325, %get3A_326, %get3A_327] {strides = array<i32>} : memref<2x64x256xf32, #tpu.memory_space<vmem>>, vector<16xf32>,
                %swap3A_329 = arith.index_cast %squeeze3A_303 : i32 to index
                %swap3A_330 = arith.constant 48 : index
                %swap3A_331 = tpu.vector_load %arg16[%swap3A_329, %swap3A_330] {strides = array<i32>} : memref<144x256xf32, #tpu.memory_space<vmem>>, vector<16xf32>,
                tpu.vector_store %arg16[%swap3A_329, %swap3A_330], %get3A_328 {add = true, strides = array<i32>} : memref<144x256xf32, #tpu.memory_space<vmem>>, vector<16xf32>,
                %get3A_332 = arith.index_cast %rem3A_266 : i32 to index
                %get3A_333 = arith.index_cast %scan3A_297 : i32 to index
                %get3A_334 = arith.constant 64 : index
                %get3A_335 = tpu.vector_load %arg15[%get3A_332, %get3A_333, %get3A_334] {strides = array<i32>} : memref<2x64x256xf32, #tpu.memory_space<vmem>>, vector<16xf32>,
                %swap3A_336 = arith.index_cast %squeeze3A_303 : i32 to index
                %swap3A_337 = arith.constant 64 : index
                %swap3A_338 = tpu.vector_load %arg16[%swap3A_336, %swap3A_337] {strides = array<i32>} : memref<144x256xf32, #tpu.memory_space<vmem>>, vector<16xf32>,
                tpu.vector_store %arg16[%swap3A_336, %swap3A_337], %get3A_335 {add = true, strides = array<i32>} : memref<144x256xf32, #tpu.memory_space<vmem>>, vector<16xf32>,
                %get3A_339 = arith.index_cast %rem3A_266 : i32 to index
                %get3A_340 = arith.index_cast %scan3A_297 : i32 to index
                %get3A_341 = arith.constant 80 : index
                %get3A_342 = tpu.vector_load %arg15[%get3A_339, %get3A_340, %get3A_341] {strides = array<i32>} : memref<2x64x256xf32, #tpu.memory_space<vmem>>, vector<16xf32>,
                %swap3A_343 = arith.index_cast %squeeze3A_303 : i32 to index
                %swap3A_344 = arith.constant 80 : index
                %swap3A_345 = tpu.vector_load %arg16[%swap3A_343, %swap3A_344] {strides = array<i32>} : memref<144x256xf32, #tpu.memory_space<vmem>>, vector<16xf32>,
                tpu.vector_store %arg16[%swap3A_343, %swap3A_344], %get3A_342 {add = true, strides = array<i32>} : memref<144x256xf32, #tpu.memory_space<vmem>>, vector<16xf32>,
                %get3A_346 = arith.index_cast %rem3A_266 : i32 to index
                %get3A_347 = arith.index_cast %scan3A_297 : i32 to index
                %get3A_348 = arith.constant 96 : index
                %get3A_349 = tpu.vector_load %arg15[%get3A_346, %get3A_347, %get3A_348] {strides = array<i32>} : memref<2x64x256xf32, #tpu.memory_space<vmem>>, vector<16xf32>,
                %swap3A_350 = arith.index_cast %squeeze3A_303 : i32 to index
                %swap3A_351 = arith.constant 96 : index
                %swap3A_352 = tpu.vector_load %arg16[%swap3A_350, %swap3A_351] {strides = array<i32>} : memref<144x256xf32, #tpu.memory_space<vmem>>, vector<16xf32>,
                tpu.vector_store %arg16[%swap3A_350, %swap3A_351], %get3A_349 {add = true, strides = array<i32>} : memref<144x256xf32, #tpu.memory_space<vmem>>, vector<16xf32>,
                %get3A_353 = arith.index_cast %rem3A_266 : i32 to index
                %get3A_354 = arith.index_cast %scan3A_297 : i32 to index
                %get3A_355 = arith.constant 112 : index
                %get3A_356 = tpu.vector_load %arg15[%get3A_353, %get3A_354, %get3A_355] {strides = array<i32>} : memref<2x64x256xf32, #tpu.memory_space<vmem>>, vector<16xf32>,
                %swap3A_357 = arith.index_cast %squeeze3A_303 : i32 to index
                %swap3A_358 = arith.constant 112 : index
                %swap3A_359 = tpu.vector_load %arg16[%swap3A_357, %swap3A_358] {strides = array<i32>} : memref<144x256xf32, #tpu.memory_space<vmem>>, vector<16xf32>,
                tpu.vector_store %arg16[%swap3A_357, %swap3A_358], %get3A_356 {add = true, strides = array<i32>} : memref<144x256xf32, #tpu.memory_space<vmem>>, vector<16xf32>,
                %get3A_360 = arith.index_cast %rem3A_266 : i32 to index
                %get3A_361 = arith.index_cast %scan3A_297 : i32 to index
                %get3A_362 = arith.constant 128 : index
                %get3A_363 = tpu.vector_load %arg15[%get3A_360, %get3A_361, %get3A_362] {strides = array<i32>} : memref<2x64x256xf32, #tpu.memory_space<vmem>>, vector<16xf32>,
                %swap3A_364 = arith.index_cast %squeeze3A_303 : i32 to index
                %swap3A_365 = arith.constant 128 : index
                %swap3A_366 = tpu.vector_load %arg16[%swap3A_364, %swap3A_365] {strides = array<i32>} : memref<144x256xf32, #tpu.memory_space<vmem>>, vector<16xf32>,
                tpu.vector_store %arg16[%swap3A_364, %swap3A_365], %get3A_363 {add = true, strides = array<i32>} : memref<144x256xf32, #tpu.memory_space<vmem>>, vector<16xf32>,
                %get3A_367 = arith.index_cast %rem3A_266 : i32 to index
                %get3A_368 = arith.index_cast %scan3A_297 : i32 to index
                %get3A_369 = arith.constant 144 : index
                %get3A_370 = tpu.vector_load %arg15[%get3A_367, %get3A_368, %get3A_369] {strides = array<i32>} : memref<2x64x256xf32, #tpu.memory_space<vmem>>, vector<16xf32>,
                %swap3A_371 = arith.index_cast %squeeze3A_303 : i32 to index
                %swap3A_372 = arith.constant 144 : index
                %swap3A_373 = tpu.vector_load %arg16[%swap3A_371, %swap3A_372] {strides = array<i32>} : memref<144x256xf32, #tpu.memory_space<vmem>>, vector<16xf32>,
                tpu.vector_store %arg16[%swap3A_371, %swap3A_372], %get3A_370 {add = true, strides = array<i32>} : memref<144x256xf32, #tpu.memory_space<vmem>>, vector<16xf32>,
                %get3A_374 = arith.index_cast %rem3A_266 : i32 to index
                %get3A_375 = arith.index_cast %scan3A_297 : i32 to index
                %get3A_376 = arith.constant 160 : index
                %get3A_377 = tpu.vector_load %arg15[%get3A_374, %get3A_375, %get3A_376] {strides = array<i32>} : memref<2x64x256xf32, #tpu.memory_space<vmem>>, vector<16xf32>,
                %swap3A_378 = arith.index_cast %squeeze3A_303 : i32 to index
                %swap3A_379 = arith.constant 160 : index
                %swap3A_380 = tpu.vector_load %arg16[%swap3A_378, %swap3A_379] {strides = array<i32>} : memref<144x256xf32, #tpu.memory_space<vmem>>, vector<16xf32>,
                tpu.vector_store %arg16[%swap3A_378, %swap3A_379], %get3A_377 {add = true, strides = array<i32>} : memref<144x256xf32, #tpu.memory_space<vmem>>, vector<16xf32>,
                %get3A_381 = arith.index_cast %rem3A_266 : i32 to index
                %get3A_382 = arith.index_cast %scan3A_297 : i32 to index
                %get3A_383 = arith.constant 176 : index
                %get3A_384 = tpu.vector_load %arg15[%get3A_381, %get3A_382, %get3A_383] {strides = array<i32>} : memref<2x64x256xf32, #tpu.memory_space<vmem>>, vector<16xf32>,
                %swap3A_385 = arith.index_cast %squeeze3A_303 : i32 to index
                %swap3A_386 = arith.constant 176 : index
                %swap3A_387 = tpu.vector_load %arg16[%swap3A_385, %swap3A_386] {strides = array<i32>} : memref<144x256xf32, #tpu.memory_space<vmem>>, vector<16xf32>,
                tpu.vector_store %arg16[%swap3A_385, %swap3A_386], %get3A_384 {add = true, strides = array<i32>} : memref<144x256xf32, #tpu.memory_space<vmem>>, vector<16xf32>,
                %get3A_388 = arith.index_cast %rem3A_266 : i32 to index
                %get3A_389 = arith.index_cast %scan3A_297 : i32 to index
                %get3A_390 = arith.constant 192 : index
                %get3A_391 = tpu.vector_load %arg15[%get3A_388, %get3A_389, %get3A_390] {strides = array<i32>} : memref<2x64x256xf32, #tpu.memory_space<vmem>>, vector<16xf32>,
                %swap3A_392 = arith.index_cast %squeeze3A_303 : i32 to index
                %swap3A_393 = arith.constant 192 : index
                %swap3A_394 = tpu.vector_load %arg16[%swap3A_392, %swap3A_393] {strides = array<i32>} : memref<144x256xf32, #tpu.memory_space<vmem>>, vector<16xf32>,
                tpu.vector_store %arg16[%swap3A_392, %swap3A_393], %get3A_391 {add = true, strides = array<i32>} : memref<144x256xf32, #tpu.memory_space<vmem>>, vector<16xf32>,
                %get3A_395 = arith.index_cast %rem3A_266 : i32 to index
                %get3A_396 = arith.index_cast %scan3A_297 : i32 to index
                %get3A_397 = arith.constant 208 : index
                %get3A_398 = tpu.vector_load %arg15[%get3A_395, %get3A_396, %get3A_397] {strides = array<i32>} : memref<2x64x256xf32, #tpu.memory_space<vmem>>, vector<16xf32>,
                %swap3A_399 = arith.index_cast %squeeze3A_303 : i32 to index
                %swap3A_400 = arith.constant 208 : index
                %swap3A_401 = tpu.vector_load %arg16[%swap3A_399, %swap3A_400] {strides = array<i32>} : memref<144x256xf32, #tpu.memory_space<vmem>>, vector<16xf32>,
                tpu.vector_store %arg16[%swap3A_399, %swap3A_400], %get3A_398 {add = true, strides = array<i32>} : memref<144x256xf32, #tpu.memory_space<vmem>>, vector<16xf32>,
                %get3A_402 = arith.index_cast %rem3A_266 : i32 to index
                %get3A_403 = arith.index_cast %scan3A_297 : i32 to index
                %get3A_404 = arith.constant 224 : index
                %get3A_405 = tpu.vector_load %arg15[%get3A_402, %get3A_403, %get3A_404] {strides = array<i32>} : memref<2x64x256xf32, #tpu.memory_space<vmem>>, vector<16xf32>,
                %swap3A_406 = arith.index_cast %squeeze3A_303 : i32 to index
                %swap3A_407 = arith.constant 224 : index
                %swap3A_408 = tpu.vector_load %arg16[%swap3A_406, %swap3A_407] {strides = array<i32>} : memref<144x256xf32, #tpu.memory_space<vmem>>, vector<16xf32>,
                tpu.vector_store %arg16[%swap3A_406, %swap3A_407], %get3A_405 {add = true, strides = array<i32>} : memref<144x256xf32, #tpu.memory_space<vmem>>, vector<16xf32>,
                %get3A_409 = arith.index_cast %rem3A_266 : i32 to index
                %get3A_410 = arith.index_cast %scan3A_297 : i32 to index
                %get3A_411 = arith.constant 240 : index
                %get3A_412 = tpu.vector_load %arg15[%get3A_409, %get3A_410, %get3A_411] {strides = array<i32>} : memref<2x64x256xf32, #tpu.memory_space<vmem>>, vector<16xf32>,
                %swap3A_413 = arith.index_cast %squeeze3A_303 : i32 to index
                %swap3A_414 = arith.constant 240 : index
                %swap3A_415 = tpu.vector_load %arg16[%swap3A_413, %swap3A_414] {strides = array<i32>} : memref<144x256xf32, #tpu.memory_space<vmem>>, vector<16xf32>,
                tpu.vector_store %arg16[%swap3A_413, %swap3A_414], %get3A_412 {add = true, strides = array<i32>} : memref<144x256xf32, #tpu.memory_space<vmem>>, vector<16xf32>,
                %scan3A_416 = arith.constant 0 : i32
                %scan3A_417 = arith.constant 1 : i32
                %scan3A_418 = arith.addi %scan3A_297, %scan3A_417 : i32
                %add3A_419 = arith.addi %mul3A_288, %scan3A_418 : i32
                %get3A_420 = arith.index_cast %add3A_419 : i32 to index
                %get3A_421 = tpu.vector_load %arg14[%get3A_420] {strides = array<i32>} : memref<576xi32, #tpu.memory_space<vmem>>, vector<16xi32>,
                %slice3A_422 = vector.extract_strided_slice %get3A_421 {offsets = [0], sizes = [1], strides = [1]} : vector<16xi32> to vector<1xi32>
                %squeeze3A_423 = vector.extract %slice3A_422[0] : i32 from vector<1xi32>
                %get3A_424 = arith.index_cast %rem3A_266 : i32 to index
                %get3A_425 = arith.index_cast %scan3A_418 : i32 to index
                %get3A_426 = arith.constant 0 : index
                %get3A_427 = tpu.vector_load %arg15[%get3A_424, %get3A_425, %get3A_426] {strides = array<i32>} : memref<2x64x256xf32, #tpu.memory_space<vmem>>, vector<16xf32>,
                %swap3A_428 = arith.index_cast %squeeze3A_423 : i32 to index
                %swap3A_429 = arith.constant 0 : index
                %swap3A_430 = tpu.vector_load %arg16[%swap3A_428, %swap3A_429] {strides = array<i32>} : memref<144x256xf32, #tpu.memory_space<vmem>>, vector<16xf32>,
                tpu.vector_store %arg16[%swap3A_428, %swap3A_429], %get3A_427 {add = true, strides = array<i32>} : memref<144x256xf32, #tpu.memory_space<vmem>>, vector<16xf32>,
                %get3A_431 = arith.index_cast %rem3A_266 : i32 to index
                %get3A_432 = arith.index_cast %scan3A_418 : i32 to index
                %get3A_433 = arith.constant 16 : index
                %get3A_434 = tpu.vector_load %arg15[%get3A_431, %get3A_432, %get3A_433] {strides = array<i32>} : memref<2x64x256xf32, #tpu.memory_space<vmem>>, vector<16xf32>,
                %swap3A_435 = arith.index_cast %squeeze3A_423 : i32 to index
                %swap3A_436 = arith.constant 16 : index
                %swap3A_437 = tpu.vector_load %arg16[%swap3A_435, %swap3A_436] {strides = array<i32>} : memref<144x256xf32, #tpu.memory_space<vmem>>, vector<16xf32>,
                tpu.vector_store %arg16[%swap3A_435, %swap3A_436], %get3A_434 {add = true, strides = array<i32>} : memref<144x256xf32, #tpu.memory_space<vmem>>, vector<16xf32>,
                %get3A_438 = arith.index_cast %rem3A_266 : i32 to index
                %get3A_439 = arith.index_cast %scan3A_418 : i32 to index
                %get3A_440 = arith.constant 32 : index
                %get3A_441 = tpu.vector_load %arg15[%get3A_438, %get3A_439, %get3A_440] {strides = array<i32>} : memref<2x64x256xf32, #tpu.memory_space<vmem>>, vector<16xf32>,
                %swap3A_442 = arith.index_cast %squeeze3A_423 : i32 to index
                %swap3A_443 = arith.constant 32 : index
                %swap3A_444 = tpu.vector_load %arg16[%swap3A_442, %swap3A_443] {strides = array<i32>} : memref<144x256xf32, #tpu.memory_space<vmem>>, vector<16xf32>,
                tpu.vector_store %arg16[%swap3A_442, %swap3A_443], %get3A_441 {add = true, strides = array<i32>} : memref<144x256xf32, #tpu.memory_space<vmem>>, vector<16xf32>,
                %get3A_445 = arith.index_cast %rem3A_266 : i32 to index
                %get3A_446 = arith.index_cast %scan3A_418 : i32 to index
                %get3A_447 = arith.constant 48 : index
                %get3A_448 = tpu.vector_load %arg15[%get3A_445, %get3A_446, %get3A_447] {strides = array<i32>} : memref<2x64x256xf32, #tpu.memory_space<vmem>>, vector<16xf32>,
                %swap3A_449 = arith.index_cast %squeeze3A_423 : i32 to index
                %swap3A_450 = arith.constant 48 : index
                %swap3A_451 = tpu.vector_load %arg16[%swap3A_449, %swap3A_450] {strides = array<i32>} : memref<144x256xf32, #tpu.memory_space<vmem>>, vector<16xf32>,
                tpu.vector_store %arg16[%swap3A_449, %swap3A_450], %get3A_448 {add = true, strides = array<i32>} : memref<144x256xf32, #tpu.memory_space<vmem>>, vector<16xf32>,
                %get3A_452 = arith.index_cast %rem3A_266 : i32 to index
                %get3A_453 = arith.index_cast %scan3A_418 : i32 to index
                %get3A_454 = arith.constant 64 : index
                %get3A_455 = tpu.vector_load %arg15[%get3A_452, %get3A_453, %get3A_454] {strides = array<i32>} : memref<2x64x256xf32, #tpu.memory_space<vmem>>, vector<16xf32>,
                %swap3A_456 = arith.index_cast %squeeze3A_423 : i32 to index
                %swap3A_457 = arith.constant 64 : index
                %swap3A_458 = tpu.vector_load %arg16[%swap3A_456, %swap3A_457] {strides = array<i32>} : memref<144x256xf32, #tpu.memory_space<vmem>>, vector<16xf32>,
                tpu.vector_store %arg16[%swap3A_456, %swap3A_457], %get3A_455 {add = true, strides = array<i32>} : memref<144x256xf32, #tpu.memory_space<vmem>>, vector<16xf32>,
                %get3A_459 = arith.index_cast %rem3A_266 : i32 to index
                %get3A_460 = arith.index_cast %scan3A_418 : i32 to index
                %get3A_461 = arith.constant 80 : index
                %get3A_462 = tpu.vector_load %arg15[%get3A_459, %get3A_460, %get3A_461] {strides = array<i32>} : memref<2x64x256xf32, #tpu.memory_space<vmem>>, vector<16xf32>,
                %swap3A_463 = arith.index_cast %squeeze3A_423 : i32 to index
                %swap3A_464 = arith.constant 80 : index
                %swap3A_465 = tpu.vector_load %arg16[%swap3A_463, %swap3A_464] {strides = array<i32>} : memref<144x256xf32, #tpu.memory_space<vmem>>, vector<16xf32>,
                tpu.vector_store %arg16[%swap3A_463, %swap3A_464], %get3A_462 {add = true, strides = array<i32>} : memref<144x256xf32, #tpu.memory_space<vmem>>, vector<16xf32>,
                %get3A_466 = arith.index_cast %rem3A_266 : i32 to index
                %get3A_467 = arith.index_cast %scan3A_418 : i32 to index
                %get3A_468 = arith.constant 96 : index
                %get3A_469 = tpu.vector_load %arg15[%get3A_466, %get3A_467, %get3A_468] {strides = array<i32>} : memref<2x64x256xf32, #tpu.memory_space<vmem>>, vector<16xf32>,
                %swap3A_470 = arith.index_cast %squeeze3A_423 : i32 to index
                %swap3A_471 = arith.constant 96 : index
                %swap3A_472 = tpu.vector_load %arg16[%swap3A_470, %swap3A_471] {strides = array<i32>} : memref<144x256xf32, #tpu.memory_space<vmem>>, vector<16xf32>,
                tpu.vector_store %arg16[%swap3A_470, %swap3A_471], %get3A_469 {add = true, strides = array<i32>} : memref<144x256xf32, #tpu.memory_space<vmem>>, vector<16xf32>,
                %get3A_473 = arith.index_cast %rem3A_266 : i32 to index
                %get3A_474 = arith.index_cast %scan3A_418 : i32 to index
                %get3A_475 = arith.constant 112 : index
                %get3A_476 = tpu.vector_load %arg15[%get3A_473, %get3A_474, %get3A_475] {strides = array<i32>} : memref<2x64x256xf32, #tpu.memory_space<vmem>>, vector<16xf32>,
                %swap3A_477 = arith.index_cast %squeeze3A_423 : i32 to index
                %swap3A_478 = arith.constant 112 : index
                %swap3A_479 = tpu.vector_load %arg16[%swap3A_477, %swap3A_478] {strides = array<i32>} : memref<144x256xf32, #tpu.memory_space<vmem>>, vector<16xf32>,
                tpu.vector_store %arg16[%swap3A_477, %swap3A_478], %get3A_476 {add = true, strides = array<i32>} : memref<144x256xf32, #tpu.memory_space<vmem>>, vector<16xf32>,
                %get3A_480 = arith.index_cast %rem3A_266 : i32 to index
                %get3A_481 = arith.index_cast %scan3A_418 : i32 to index
                %get3A_482 = arith.constant 128 : index
                %get3A_483 = tpu.vector_load %arg15[%get3A_480, %get3A_481, %get3A_482] {strides = array<i32>} : memref<2x64x256xf32, #tpu.memory_space<vmem>>, vector<16xf32>,
                %swap3A_484 = arith.index_cast %squeeze3A_423 : i32 to index
                %swap3A_485 = arith.constant 128 : index
                %swap3A_486 = tpu.vector_load %arg16[%swap3A_484, %swap3A_485] {strides = array<i32>} : memref<144x256xf32, #tpu.memory_space<vmem>>, vector<16xf32>,
                tpu.vector_store %arg16[%swap3A_484, %swap3A_485], %get3A_483 {add = true, strides = array<i32>} : memref<144x256xf32, #tpu.memory_space<vmem>>, vector<16xf32>,
                %get3A_487 = arith.index_cast %rem3A_266 : i32 to index
                %get3A_488 = arith.index_cast %scan3A_418 : i32 to index
                %get3A_489 = arith.constant 144 : index
                %get3A_490 = tpu.vector_load %arg15[%get3A_487, %get3A_488, %get3A_489] {strides = array<i32>} : memref<2x64x256xf32, #tpu.memory_space<vmem>>, vector<16xf32>,
                %swap3A_491 = arith.index_cast %squeeze3A_423 : i32 to index
                %swap3A_492 = arith.constant 144 : index
                %swap3A_493 = tpu.vector_load %arg16[%swap3A_491, %swap3A_492] {strides = array<i32>} : memref<144x256xf32, #tpu.memory_space<vmem>>, vector<16xf32>,
                tpu.vector_store %arg16[%swap3A_491, %swap3A_492], %get3A_490 {add = true, strides = array<i32>} : memref<144x256xf32, #tpu.memory_space<vmem>>, vector<16xf32>,
                %get3A_494 = arith.index_cast %rem3A_266 : i32 to index
                %get3A_495 = arith.index_cast %scan3A_418 : i32 to index
                %get3A_496 = arith.constant 160 : index
                %get3A_497 = tpu.vector_load %arg15[%get3A_494, %get3A_495, %get3A_496] {strides = array<i32>} : memref<2x64x256xf32, #tpu.memory_space<vmem>>, vector<16xf32>,
                %swap3A_498 = arith.index_cast %squeeze3A_423 : i32 to index
                %swap3A_499 = arith.constant 160 : index
                %swap3A_500 = tpu.vector_load %arg16[%swap3A_498, %swap3A_499] {strides = array<i32>} : memref<144x256xf32, #tpu.memory_space<vmem>>, vector<16xf32>,
                tpu.vector_store %arg16[%swap3A_498, %swap3A_499], %get3A_497 {add = true, strides = array<i32>} : memref<144x256xf32, #tpu.memory_space<vmem>>, vector<16xf32>,
                %get3A_501 = arith.index_cast %rem3A_266 : i32 to index
                %get3A_502 = arith.index_cast %scan3A_418 : i32 to index
                %get3A_503 = arith.constant 176 : index
                %get3A_504 = tpu.vector_load %arg15[%get3A_501, %get3A_502, %get3A_503] {strides = array<i32>} : memref<2x64x256xf32, #tpu.memory_space<vmem>>, vector<16xf32>,
                %swap3A_505 = arith.index_cast %squeeze3A_423 : i32 to index
                %swap3A_506 = arith.constant 176 : index
                %swap3A_507 = tpu.vector_load %arg16[%swap3A_505, %swap3A_506] {strides = array<i32>} : memref<144x256xf32, #tpu.memory_space<vmem>>, vector<16xf32>,
                tpu.vector_store %arg16[%swap3A_505, %swap3A_506], %get3A_504 {add = true, strides = array<i32>} : memref<144x256xf32, #tpu.memory_space<vmem>>, vector<16xf32>,
                %get3A_508 = arith.index_cast %rem3A_266 : i32 to index
                %get3A_509 = arith.index_cast %scan3A_418 : i32 to index
                %get3A_510 = arith.constant 192 : index
                %get3A_511 = tpu.vector_load %arg15[%get3A_508, %get3A_509, %get3A_510] {strides = array<i32>} : memref<2x64x256xf32, #tpu.memory_space<vmem>>, vector<16xf32>,
                %swap3A_512 = arith.index_cast %squeeze3A_423 : i32 to index
                %swap3A_513 = arith.constant 192 : index
                %swap3A_514 = tpu.vector_load %arg16[%swap3A_512, %swap3A_513] {strides = array<i32>} : memref<144x256xf32, #tpu.memory_space<vmem>>, vector<16xf32>,
                tpu.vector_store %arg16[%swap3A_512, %swap3A_513], %get3A_511 {add = true, strides = array<i32>} : memref<144x256xf32, #tpu.memory_space<vmem>>, vector<16xf32>,
                %get3A_515 = arith.index_cast %rem3A_266 : i32 to index
                %get3A_516 = arith.index_cast %scan3A_418 : i32 to index
                %get3A_517 = arith.constant 208 : index
                %get3A_518 = tpu.vector_load %arg15[%get3A_515, %get3A_516, %get3A_517] {strides = array<i32>} : memref<2x64x256xf32, #tpu.memory_space<vmem>>, vector<16xf32>,
                %swap3A_519 = arith.index_cast %squeeze3A_423 : i32 to index
                %swap3A_520 = arith.constant 208 : index
                %swap3A_521 = tpu.vector_load %arg16[%swap3A_519, %swap3A_520] {strides = array<i32>} : memref<144x256xf32, #tpu.memory_space<vmem>>, vector<16xf32>,
                tpu.vector_store %arg16[%swap3A_519, %swap3A_520], %get3A_518 {add = true, strides = array<i32>} : memref<144x256xf32, #tpu.memory_space<vmem>>, vector<16xf32>,
                %get3A_522 = arith.index_cast %rem3A_266 : i32 to index
                %get3A_523 = arith.index_cast %scan3A_418 : i32 to index
                %get3A_524 = arith.constant 224 : index
                %get3A_525 = tpu.vector_load %arg15[%get3A_522, %get3A_523, %get3A_524] {strides = array<i32>} : memref<2x64x256xf32, #tpu.memory_space<vmem>>, vector<16xf32>,
                %swap3A_526 = arith.index_cast %squeeze3A_423 : i32 to index
                %swap3A_527 = arith.constant 224 : index
                %swap3A_528 = tpu.vector_load %arg16[%swap3A_526, %swap3A_527] {strides = array<i32>} : memref<144x256xf32, #tpu.memory_space<vmem>>, vector<16xf32>,
                tpu.vector_store %arg16[%swap3A_526, %swap3A_527], %get3A_525 {add = true, strides = array<i32>} : memref<144x256xf32, #tpu.memory_space<vmem>>, vector<16xf32>,
                %get3A_529 = arith.index_cast %rem3A_266 : i32 to index
                %get3A_530 = arith.index_cast %scan3A_418 : i32 to index
                %get3A_531 = arith.constant 240 : index
                %get3A_532 = tpu.vector_load %arg15[%get3A_529, %get3A_530, %get3A_531] {strides = array<i32>} : memref<2x64x256xf32, #tpu.memory_space<vmem>>, vector<16xf32>,
                %swap3A_533 = arith.index_cast %squeeze3A_423 : i32 to index
                %swap3A_534 = arith.constant 240 : index
                %swap3A_535 = tpu.vector_load %arg16[%swap3A_533, %swap3A_534] {strides = array<i32>} : memref<144x256xf32, #tpu.memory_space<vmem>>, vector<16xf32>,
                tpu.vector_store %arg16[%swap3A_533, %swap3A_534], %get3A_532 {add = true, strides = array<i32>} : memref<144x256xf32, #tpu.memory_space<vmem>>, vector<16xf32>,
                %scan3A_536 = arith.constant 0 : i32
                scf.yield %scan3A_536 : i32
              }
              %scan3A_295 = arith.constant 64 : i32
              %while3A_296 = arith.constant 0 : i32
              scf.yield %while3A_296 : i32
            }
            %gt3A_255 = arith.constant 0 : i32
            %gt3A_256 = arith.cmpi sgt, %select_n3A_237, %gt3A_255 : i32
            %convert_element_type3A_257 = arith.extui %gt3A_256 : i1 to i32
            %cond3A_258 = arith.constant 0 : i32
            %cond3A_259 = arith.cmpi ne, %convert_element_type3A_257, %cond3A_258 : i32
            scf.if %cond3A_259 {
              %mul3A_263 = arith.constant 64 : i32
              %mul3A_264 = arith.muli %select_n3A_237, %mul3A_263 : i32
              %add3A_265 = arith.constant 0 : i32
              %add3A_266 = arith.addi %mul3A_264, %add3A_265 : i32
              %get3A_267 = arith.index_cast %add3A_266 : i32 to index
              %get3A_268 = tpu.vector_load %arg13[%get3A_267] {strides = array<i32>} : memref<576xi32, #tpu.memory_space<vmem>>, vector<16xi32>,
              %mul3A_269 = arith.constant 64 : i32
              %mul3A_270 = arith.muli %select_n3A_237, %mul3A_269 : i32
              %add3A_271 = arith.constant 0 : i32
              %add3A_272 = arith.addi %mul3A_270, %add3A_271 : i32
              %get3A_273 = arith.index_cast %add3A_272 : i32 to index
              %get3A_274 = tpu.vector_load %arg14[%get3A_273] {strides = array<i32>} : memref<576xi32, #tpu.memory_space<vmem>>, vector<16xi32>,
              %swap3A_275 = arith.constant 0 : index
              %swap3A_276 = tpu.vector_load %arg13[%swap3A_275] {strides = array<i32>} : memref<576xi32, #tpu.memory_space<vmem>>, vector<16xi32>,
              tpu.vector_store %arg13[%swap3A_275], %get3A_268 {strides = array<i32>} : memref<576xi32, #tpu.memory_space<vmem>>, vector<16xi32>,
              %swap3A_277 = arith.constant 0 : index
              %swap3A_278 = tpu.vector_load %arg14[%swap3A_277] {strides = array<i32>} : memref<576xi32, #tpu.memory_space<vmem>>, vector<16xi32>,
              tpu.vector_store %arg14[%swap3A_277], %get3A_274 {strides = array<i32>} : memref<576xi32, #tpu.memory_space<vmem>>, vector<16xi32>,
              %mul3A_279 = arith.constant 64 : i32
              %mul3A_280 = arith.muli %select_n3A_237, %mul3A_279 : i32
              %add3A_281 = arith.constant 16 : i32
              %add3A_282 = arith.addi %mul3A_280, %add3A_281 : i32
              %get3A_283 = arith.index_cast %add3A_282 : i32 to index
              %get3A_284 = tpu.vector_load %arg13[%get3A_283] {strides = array<i32>} : memref<576xi32, #tpu.memory_space<vmem>>, vector<16xi32>,
              %mul3A_285 = arith.constant 64 : i32
              %mul3A_286 = arith.muli %select_n3A_237, %mul3A_285 : i32
              %add3A_287 = arith.constant 16 : i32
              %add3A_288 = arith.addi %mul3A_286, %add3A_287 : i32
              %get3A_289 = arith.index_cast %add3A_288 : i32 to index
              %get3A_290 = tpu.vector_load %arg14[%get3A_289] {strides = array<i32>} : memref<576xi32, #tpu.memory_space<vmem>>, vector<16xi32>,
              %swap3A_291 = arith.constant 16 : index
              %swap3A_292 = tpu.vector_load %arg13[%swap3A_291] {strides = array<i32>} : memref<576xi32, #tpu.memory_space<vmem>>, vector<16xi32>,
              tpu.vector_store %arg13[%swap3A_291], %get3A_284 {strides = array<i32>} : memref<576xi32, #tpu.memory_space<vmem>>, vector<16xi32>,
              %swap3A_293 = arith.constant 16 : index
              %swap3A_294 = tpu.vector_load %arg14[%swap3A_293] {strides = array<i32>} : memref<576xi32, #tpu.memory_space<vmem>>, vector<16xi32>,
              tpu.vector_store %arg14[%swap3A_293], %get3A_290 {strides = array<i32>} : memref<576xi32, #tpu.memory_space<vmem>>, vector<16xi32>,
              %mul3A_295 = arith.constant 64 : i32
              %mul3A_296 = arith.muli %select_n3A_237, %mul3A_295 : i32
              %add3A_297 = arith.constant 32 : i32
              %add3A_298 = arith.addi %mul3A_296, %add3A_297 : i32
              %get3A_299 = arith.index_cast %add3A_298 : i32 to index
              %get3A_300 = tpu.vector_load %arg13[%get3A_299] {strides = array<i32>} : memref<576xi32, #tpu.memory_space<vmem>>, vector<16xi32>,
              %mul3A_301 = arith.constant 64 : i32
              %mul3A_302 = arith.muli %select_n3A_237, %mul3A_301 : i32
              %add3A_303 = arith.constant 32 : i32
              %add3A_304 = arith.addi %mul3A_302, %add3A_303 : i32
              %get3A_305 = arith.index_cast %add3A_304 : i32 to index
              %get3A_306 = tpu.vector_load %arg14[%get3A_305] {strides = array<i32>} : memref<576xi32, #tpu.memory_space<vmem>>, vector<16xi32>,
              %swap3A_307 = arith.constant 32 : index
              %swap3A_308 = tpu.vector_load %arg13[%swap3A_307] {strides = array<i32>} : memref<576xi32, #tpu.memory_space<vmem>>, vector<16xi32>,
              tpu.vector_store %arg13[%swap3A_307], %get3A_300 {strides = array<i32>} : memref<576xi32, #tpu.memory_space<vmem>>, vector<16xi32>,
              %swap3A_309 = arith.constant 32 : index
              %swap3A_310 = tpu.vector_load %arg14[%swap3A_309] {strides = array<i32>} : memref<576xi32, #tpu.memory_space<vmem>>, vector<16xi32>,
              tpu.vector_store %arg14[%swap3A_309], %get3A_306 {strides = array<i32>} : memref<576xi32, #tpu.memory_space<vmem>>, vector<16xi32>,
              %mul3A_311 = arith.constant 64 : i32
              %mul3A_312 = arith.muli %select_n3A_237, %mul3A_311 : i32
              %add3A_313 = arith.constant 48 : i32
              %add3A_314 = arith.addi %mul3A_312, %add3A_313 : i32
              %get3A_315 = arith.index_cast %add3A_314 : i32 to index
              %get3A_316 = tpu.vector_load %arg13[%get3A_315] {strides = array<i32>} : memref<576xi32, #tpu.memory_space<vmem>>, vector<16xi32>,
              %mul3A_317 = arith.constant 64 : i32
              %mul3A_318 = arith.muli %select_n3A_237, %mul3A_317 : i32
              %add3A_319 = arith.constant 48 : i32
              %add3A_320 = arith.addi %mul3A_318, %add3A_319 : i32
              %get3A_321 = arith.index_cast %add3A_320 : i32 to index
              %get3A_322 = tpu.vector_load %arg14[%get3A_321] {strides = array<i32>} : memref<576xi32, #tpu.memory_space<vmem>>, vector<16xi32>,
              %swap3A_323 = arith.constant 48 : index
              %swap3A_324 = tpu.vector_load %arg13[%swap3A_323] {strides = array<i32>} : memref<576xi32, #tpu.memory_space<vmem>>, vector<16xi32>,
              tpu.vector_store %arg13[%swap3A_323], %get3A_316 {strides = array<i32>} : memref<576xi32, #tpu.memory_space<vmem>>, vector<16xi32>,
              %swap3A_325 = arith.constant 48 : index
              %swap3A_326 = tpu.vector_load %arg14[%swap3A_325] {strides = array<i32>} : memref<576xi32, #tpu.memory_space<vmem>>, vector<16xi32>,
              tpu.vector_store %arg14[%swap3A_325], %get3A_322 {strides = array<i32>} : memref<576xi32, #tpu.memory_space<vmem>>, vector<16xi32>,
            } else {
            }
            %mul3A_260 = arith.constant 64 : i32
            %mul3A_261 = arith.muli %select_n3A_237, %mul3A_260 : i32
            %sub3A_262 = arith.subi %squeeze3A_213, %mul3A_261 : i32
            scf.yield %sub3A_262 : i32
          }
          %while3A_161 = arith.constant 1 : i32
          %while3A_162 = scf.for %while3A_163 = %while3A_158 to %while3A_154 step %while3A_161 iter_args(%while3A_164 = %while3A_160) -> (i32)  : i32 {
            %mul3A_165 = arith.constant 512 : i32
            %mul3A_166 = arith.muli %while3A_163, %mul3A_165 : i32
            %gt3A_167 = arith.constant 0 : i32
            %gt3A_168 = arith.cmpi sgt, %while3A_163, %gt3A_167 : i32
            %convert_element_type3A_169 = arith.extui %gt3A_168 : i1 to i32
            %cond3A_170 = arith.constant 0 : i32
            %cond3A_171 = arith.cmpi ne, %convert_element_type3A_169, %cond3A_170 : i32
            scf.if %cond3A_171 {
              %mul3A_263 = arith.constant 3136 : i32
              %mul3A_264 = arith.muli %scan3A_111, %mul3A_263 : i32
              %add3A_265 = arith.addi %mul3A_264, %mul3A_166 : i32
              "tpu.region"() ({
                %run_scoped3A = tpu.sem_alloc : memref<!tpu.dma_semaphore, #tpu.memory_space<semaphore_mem>>
                %dma_start3A_266 = tpu.memref_slice %arg12[%mul3A_139] : memref<1024xi32, #tpu.memory_space<vmem>> -> memref<512xi32, #tpu.memory_space<vmem>>
                %dma_start3A_267 = tpu.memref_slice %arg19[%add3A_265] : memref<50176xi32, #tpu.memory_space<vmem_shared>> -> memref<512xi32, #tpu.memory_space<vmem_shared>>
                %dma_start3A_268 = tpu.memref_slice %arg12[%mul3A_139] : memref<1024xi32, #tpu.memory_space<vmem>> -> memref<512xi32, #tpu.memory_space<vmem>>
                %dma_start3A_269 = tpu.memref_slice %arg19[%add3A_265] : memref<50176xi32, #tpu.memory_space<vmem_shared>> -> memref<512xi32, #tpu.memory_space<vmem_shared>>
                tpu.enqueue_dma source(%dma_start3A_269 : memref<512xi32, #tpu.memory_space<vmem_shared>>) target(%dma_start3A_268 : memref<512xi32, #tpu.memory_space<vmem>>) target_semaphore(%run_scoped3A : memref<!tpu.dma_semaphore, #tpu.memory_space<semaphore_mem>>)
                %dma_wait3A_270 = tpu.memref_slice %arg12[%mul3A_139] : memref<1024xi32, #tpu.memory_space<vmem>> -> memref<512xi32, #tpu.memory_space<vmem>>
                %dma_wait3A_271 = tpu.memref_slice %arg19[%add3A_265] : memref<50176xi32, #tpu.memory_space<vmem_shared>> -> memref<512xi32, #tpu.memory_space<vmem_shared>>
                %dma_wait3A_272 = tpu.memref_slice %arg12[%mul3A_139] : memref<1024xi32, #tpu.memory_space<vmem>> -> memref<512xi32, #tpu.memory_space<vmem>>
                %dma_wait3A_273 = tpu.memref_slice %arg19[%add3A_265] : memref<50176xi32, #tpu.memory_space<vmem_shared>> -> memref<512xi32, #tpu.memory_space<vmem_shared>>
                tpu.wait_dma2 semaphore(%run_scoped3A : memref<!tpu.dma_semaphore, #tpu.memory_space<semaphore_mem>>) src(%dma_wait3A_273 : memref<512xi32, #tpu.memory_space<vmem_shared>>) dst(%dma_wait3A_272 : memref<512xi32, #tpu.memory_space<vmem>>)
                tpu.yield
              }) : () -> ()
            } else {
            }
            %sub3A_172 = arith.subi %squeeze3A_117, %mul3A_166 : i32
            %min3A = arith.constant 512 : i32
            %min3A_173 = arith.minsi %sub3A_172, %min3A : i32
            %add3A_174 = arith.constant 15 : i32
            %add3A_175 = arith.addi %min3A_173, %add3A_174 : i32
            %jit3A_176 = arith.constant 16 : i32
            %div3A_177 = arith.divsi %add3A_175, %jit3A_176 : i32
            %sign3A_178 = arith.constant 0 : i32
            %sign3A_179 = arith.cmpi sgt, %add3A_175, %sign3A_178 : i32
            %sign3A_180 = arith.extui %sign3A_179 : i1 to i32
            %sign3A_181 = arith.constant 0 : i32
            %sign3A_182 = arith.cmpi slt, %add3A_175, %sign3A_181 : i32
            %sign3A_183 = arith.extui %sign3A_182 : i1 to i32
            %sign3A_184 = arith.subi %sign3A_180, %sign3A_183 : i32
            %sign3A_185 = arith.constant 0 : i32
            %sign3A_186 = arith.cmpi sgt, %jit3A_176, %sign3A_185 : i32
            %sign3A_187 = arith.extui %sign3A_186 : i1 to i32
            %sign3A_188 = arith.constant 0 : i32
            %sign3A_189 = arith.cmpi slt, %jit3A_176, %sign3A_188 : i32
            %sign3A_190 = arith.extui %sign3A_189 : i1 to i32
            %sign3A_191 = arith.subi %sign3A_187, %sign3A_190 : i32
            %ne3A_192 = arith.cmpi ne, %sign3A_184, %sign3A_191 : i32
            %rem3A_193 = arith.remsi %add3A_175, %jit3A_176 : i32
            %ne3A_194 = arith.constant 0 : i32
            %ne3A_195 = arith.cmpi ne, %rem3A_193, %ne3A_194 : i32
            %and3A_196 = arith.andi %ne3A_192, %ne3A_195 : i1
            %sub3A_197 = arith.constant 1 : i32
            %sub3A_198 = arith.subi %div3A_177, %sub3A_197 : i32
            %select_n3A_199 = arith.select %and3A_196, %sub3A_198, %div3A_177 : i32
            %broadcast_in_dim3A_200 = vector.broadcast %while3A_164 : i32 to vector<16xi32>
            %while3A_201 = arith.constant 0 : i32
            %while3A_202 = arith.subi %select_n3A_199, %while3A_201 : i32
            %while3A_203 = arith.addi %while3A_201, %while3A_202 : i32
            %while3A_204 = arith.constant 1 : i32
            %while3A_205 = arith.divsi %while3A_202, %while3A_204 : i32
            %while3A_206 = arith.muli %while3A_205, %while3A_204 : i32
            %while3A_207 = arith.addi %while3A_201, %while3A_206 : i32
            %while3A_208 = arith.constant 1 : i32
            %while3A_209 = scf.for %while3A_263 = %while3A_201 to %while3A_207 step %while3A_208 iter_args(%while3A_264 = %broadcast_in_dim3A_200) -> (vector<16xi32>)  : i32 {
              %mul3A_265 = arith.constant 16 : i32
              %mul3A_266 = arith.muli %while3A_263, %mul3A_265 : i32
              %add3A_267 = arith.addi %mul3A_139, %mul3A_266 : i32
              %get3A_268 = arith.index_cast %add3A_267 : i32 to index
              %get3A_269 = tpu.vector_load %arg12[%get3A_268] {strides = array<i32>} : memref<1024xi32, #tpu.memory_space<vmem>>, vector<16xi32>,
              %jit3A_270 = arith.constant 131072 : i32
              %div3A_271 = vector.broadcast %jit3A_270 : i32 to vector<16xi32>
              %div3A_272 = arith.divsi %get3A_269, %div3A_271 : vector<16xi32>
              %sign3A_273 = arith.constant 0 : i32
              %sign3A_274 = vector.broadcast %sign3A_273 : i32 to vector<16xi32>
              %sign3A_275 = arith.cmpi sgt, %get3A_269, %sign3A_274 : vector<16xi32>
              %sign3A_276 = arith.extui %sign3A_275 : vector<16xi1> to vector<16xi32>
              %sign3A_277 = arith.constant 0 : i32
              %sign3A_278 = vector.broadcast %sign3A_277 : i32 to vector<16xi32>
              %sign3A_279 = arith.cmpi slt, %get3A_269, %sign3A_278 : vector<16xi32>
              %sign3A_280 = arith.extui %sign3A_279 : vector<16xi1> to vector<16xi32>
              %sign3A_281 = arith.subi %sign3A_276, %sign3A_280 : vector<16xi32>
              %sign3A_282 = arith.constant 0 : i32
              %sign3A_283 = arith.cmpi sgt, %jit3A_270, %sign3A_282 : i32
              %sign3A_284 = arith.extui %sign3A_283 : i1 to i32
              %sign3A_285 = arith.constant 0 : i32
              %sign3A_286 = arith.cmpi slt, %jit3A_270, %sign3A_285 : i32
              %sign3A_287 = arith.extui %sign3A_286 : i1 to i32
              %sign3A_288 = arith.subi %sign3A_284, %sign3A_287 : i32
              %ne3A_289 = vector.broadcast %sign3A_288 : i32 to vector<16xi32>
              %ne3A_290 = arith.cmpi ne, %sign3A_281, %ne3A_289 : vector<16xi32>
              %rem3A_291 = vector.broadcast %jit3A_270 : i32 to vector<16xi32>
              %rem3A_292 = arith.remsi %get3A_269, %rem3A_291 : vector<16xi32>
              %ne3A_293 = arith.constant 0 : i32
              %ne3A_294 = vector.broadcast %ne3A_293 : i32 to vector<16xi32>
              %ne3A_295 = arith.cmpi ne, %rem3A_292, %ne3A_294 : vector<16xi32>
              %and3A_296 = arith.andi %ne3A_290, %ne3A_295 : vector<16xi1>
              %sub3A_297 = arith.constant 1 : i32
              %sub3A_298 = vector.broadcast %sub3A_297 : i32 to vector<16xi32>
              %sub3A_299 = arith.subi %div3A_272, %sub3A_298 : vector<16xi32>
              %select_n3A_300 = arith.select %and3A_296, %sub3A_299, %div3A_272 : vector<16xi1>, vector<16xi32>
              %mul3A_301 = arith.constant 131072 : i32
              %mul3A_302 = vector.broadcast %mul3A_301 : i32 to vector<16xi32>
              %mul3A_303 = arith.muli %select_n3A_300, %mul3A_302 : vector<16xi32>
              %sub3A_304 = arith.subi %get3A_269, %mul3A_303 : vector<16xi32>
              %sub3A_305 = vector.broadcast %mul3A_0 : i32 to vector<16xi32>
              %sub3A_306 = arith.subi %select_n3A_300, %sub3A_305 : vector<16xi32>
              %iota3A = tpu.iota {dimensions = array<i32: 0>} : vector<16xi32>
              %mul3A_307 = arith.constant 16 : i32
              %mul3A_308 = arith.muli %while3A_263, %mul3A_307 : i32
              %add3A_309 = vector.broadcast %mul3A_308 : i32 to vector<16xi32>
              %add3A_310 = arith.addi %add3A_309, %iota3A : vector<16xi32>
              %lt3A_311 = vector.broadcast %min3A_173 : i32 to vector<16xi32>
              %lt3A_312 = arith.cmpi slt, %add3A_310, %lt3A_311 : vector<16xi32>
              %ge3A_313 = arith.constant 0 : i32
              %ge3A_314 = vector.broadcast %ge3A_313 : i32 to vector<16xi32>
              %ge3A_315 = arith.cmpi sge, %sub3A_306, %ge3A_314 : vector<16xi32>
              %and3A_316 = arith.andi %lt3A_312, %ge3A_315 : vector<16xi1>
              %lt3A_317 = arith.constant 128 : i32
              %lt3A_318 = vector.broadcast %lt3A_317 : i32 to vector<16xi32>
              %lt3A_319 = arith.cmpi slt, %sub3A_306, %lt3A_318 : vector<16xi32>
              %and3A_320 = arith.andi %and3A_316, %lt3A_319 : vector<16xi1>
              %jit3A_321 = arith.constant 1.000000e+00 : f32
              %jit3A_322 = arith.constant 0.000000e+00 : f32
              %broadcast_in_dim3A_323 = vector.broadcast %jit3A_321 : f32 to vector<16xf32>
              %broadcast_in_dim3A_324 = vector.broadcast %jit3A_322 : f32 to vector<16xf32>
              %select_n3A_325 = arith.select %and3A_320, %broadcast_in_dim3A_323, %broadcast_in_dim3A_324 : vector<16xi1>, vector<16xf32>
              %broadcast_in_dim3A_326 = arith.constant true
              %broadcast_in_dim3A_327 = vector.broadcast %broadcast_in_dim3A_326 : i1 to vector<16xi1>
              %masked_cumsum3A = tpu.scan <sum>, %select_n3A_325 masked %broadcast_in_dim3A_327 : vector<16xf32>, vector<16xi1> -> vector<16xf32>
              %convert_element_type3A_328 = arith.fptosi %masked_cumsum3A : vector<16xf32> to vector<16xi32>
              %add3A_329 = arith.addi %while3A_264, %convert_element_type3A_328 : vector<16xi32>
              %sub3A_330 = arith.constant 1 : i32
              %sub3A_331 = vector.broadcast %sub3A_330 : i32 to vector<16xi32>
              %sub3A_332 = arith.subi %add3A_329, %sub3A_331 : vector<16xi32>
              tpu.vector_store_idx %arg13[%sub3A_332], %sub3A_304 masked %and3A_320 : memref<576xi32, #tpu.memory_space<vmem>>[vector<16xi32>], vector<16xi32>, vector<16xi1>
              tpu.vector_store_idx %arg14[%sub3A_332], %sub3A_306 masked %and3A_320 : memref<576xi32, #tpu.memory_space<vmem>>[vector<16xi32>], vector<16xi32>, vector<16xi1>
              %broadcast_in_dim3A_333 = arith.constant 1.000000e+00 : f32
              %broadcast_in_dim3A_334 = vector.broadcast %broadcast_in_dim3A_333 : f32 to vector<16xf32>
              tpu.vector_store_idx %arg17[%sub3A_306], %broadcast_in_dim3A_334 masked %and3A_320 {add = true} : memref<256xf32, #tpu.memory_space<vmem>>[vector<16xi32>], vector<16xf32>, vector<16xi1>
              %all_reduce_population_count3A = tpu.all_reduce %and3A_320 {dim = 0 : i64, kind = #tpu.reduction_kind<sum>} : vector<16xi1> -> vector<16xi32>
              %add3A_335 = arith.addi %while3A_264, %all_reduce_population_count3A : vector<16xi32>
              scf.yield %add3A_335 : vector<16xi32>
            }
            %while3A_210 = arith.constant 1 : i32
            %while3A_211 = scf.for %while3A_263 = %while3A_207 to %while3A_203 step %while3A_210 iter_args(%while3A_264 = %while3A_209) -> (vector<16xi32>)  : i32 {
              %mul3A_265 = arith.constant 16 : i32
              %mul3A_266 = arith.muli %while3A_263, %mul3A_265 : i32
              %add3A_267 = arith.addi %mul3A_139, %mul3A_266 : i32
              %get3A_268 = arith.index_cast %add3A_267 : i32 to index
              %get3A_269 = tpu.vector_load %arg12[%get3A_268] {strides = array<i32>} : memref<1024xi32, #tpu.memory_space<vmem>>, vector<16xi32>,
              %jit3A_270 = arith.constant 131072 : i32
              %div3A_271 = vector.broadcast %jit3A_270 : i32 to vector<16xi32>
              %div3A_272 = arith.divsi %get3A_269, %div3A_271 : vector<16xi32>
              %sign3A_273 = arith.constant 0 : i32
              %sign3A_274 = vector.broadcast %sign3A_273 : i32 to vector<16xi32>
              %sign3A_275 = arith.cmpi sgt, %get3A_269, %sign3A_274 : vector<16xi32>
              %sign3A_276 = arith.extui %sign3A_275 : vector<16xi1> to vector<16xi32>
              %sign3A_277 = arith.constant 0 : i32
              %sign3A_278 = vector.broadcast %sign3A_277 : i32 to vector<16xi32>
              %sign3A_279 = arith.cmpi slt, %get3A_269, %sign3A_278 : vector<16xi32>
              %sign3A_280 = arith.extui %sign3A_279 : vector<16xi1> to vector<16xi32>
              %sign3A_281 = arith.subi %sign3A_276, %sign3A_280 : vector<16xi32>
              %sign3A_282 = arith.constant 0 : i32
              %sign3A_283 = arith.cmpi sgt, %jit3A_270, %sign3A_282 : i32
              %sign3A_284 = arith.extui %sign3A_283 : i1 to i32
              %sign3A_285 = arith.constant 0 : i32
              %sign3A_286 = arith.cmpi slt, %jit3A_270, %sign3A_285 : i32
              %sign3A_287 = arith.extui %sign3A_286 : i1 to i32
              %sign3A_288 = arith.subi %sign3A_284, %sign3A_287 : i32
              %ne3A_289 = vector.broadcast %sign3A_288 : i32 to vector<16xi32>
              %ne3A_290 = arith.cmpi ne, %sign3A_281, %ne3A_289 : vector<16xi32>
              %rem3A_291 = vector.broadcast %jit3A_270 : i32 to vector<16xi32>
              %rem3A_292 = arith.remsi %get3A_269, %rem3A_291 : vector<16xi32>
              %ne3A_293 = arith.constant 0 : i32
              %ne3A_294 = vector.broadcast %ne3A_293 : i32 to vector<16xi32>
              %ne3A_295 = arith.cmpi ne, %rem3A_292, %ne3A_294 : vector<16xi32>
              %and3A_296 = arith.andi %ne3A_290, %ne3A_295 : vector<16xi1>
              %sub3A_297 = arith.constant 1 : i32
              %sub3A_298 = vector.broadcast %sub3A_297 : i32 to vector<16xi32>
              %sub3A_299 = arith.subi %div3A_272, %sub3A_298 : vector<16xi32>
              %select_n3A_300 = arith.select %and3A_296, %sub3A_299, %div3A_272 : vector<16xi1>, vector<16xi32>
              %mul3A_301 = arith.constant 131072 : i32
              %mul3A_302 = vector.broadcast %mul3A_301 : i32 to vector<16xi32>
              %mul3A_303 = arith.muli %select_n3A_300, %mul3A_302 : vector<16xi32>
              %sub3A_304 = arith.subi %get3A_269, %mul3A_303 : vector<16xi32>
              %sub3A_305 = vector.broadcast %mul3A_0 : i32 to vector<16xi32>
              %sub3A_306 = arith.subi %select_n3A_300, %sub3A_305 : vector<16xi32>
              %iota3A = tpu.iota {dimensions = array<i32: 0>} : vector<16xi32>
              %mul3A_307 = arith.constant 16 : i32
              %mul3A_308 = arith.muli %while3A_263, %mul3A_307 : i32
              %add3A_309 = vector.broadcast %mul3A_308 : i32 to vector<16xi32>
              %add3A_310 = arith.addi %add3A_309, %iota3A : vector<16xi32>
              %lt3A_311 = vector.broadcast %min3A_173 : i32 to vector<16xi32>
              %lt3A_312 = arith.cmpi slt, %add3A_310, %lt3A_311 : vector<16xi32>
              %ge3A_313 = arith.constant 0 : i32
              %ge3A_314 = vector.broadcast %ge3A_313 : i32 to vector<16xi32>
              %ge3A_315 = arith.cmpi sge, %sub3A_306, %ge3A_314 : vector<16xi32>
              %and3A_316 = arith.andi %lt3A_312, %ge3A_315 : vector<16xi1>
              %lt3A_317 = arith.constant 128 : i32
              %lt3A_318 = vector.broadcast %lt3A_317 : i32 to vector<16xi32>
              %lt3A_319 = arith.cmpi slt, %sub3A_306, %lt3A_318 : vector<16xi32>
              %and3A_320 = arith.andi %and3A_316, %lt3A_319 : vector<16xi1>
              %jit3A_321 = arith.constant 1.000000e+00 : f32
              %jit3A_322 = arith.constant 0.000000e+00 : f32
              %broadcast_in_dim3A_323 = vector.broadcast %jit3A_321 : f32 to vector<16xf32>
              %broadcast_in_dim3A_324 = vector.broadcast %jit3A_322 : f32 to vector<16xf32>
              %select_n3A_325 = arith.select %and3A_320, %broadcast_in_dim3A_323, %broadcast_in_dim3A_324 : vector<16xi1>, vector<16xf32>
              %broadcast_in_dim3A_326 = arith.constant true
              %broadcast_in_dim3A_327 = vector.broadcast %broadcast_in_dim3A_326 : i1 to vector<16xi1>
              %masked_cumsum3A = tpu.scan <sum>, %select_n3A_325 masked %broadcast_in_dim3A_327 : vector<16xf32>, vector<16xi1> -> vector<16xf32>
              %convert_element_type3A_328 = arith.fptosi %masked_cumsum3A : vector<16xf32> to vector<16xi32>
              %add3A_329 = arith.addi %while3A_264, %convert_element_type3A_328 : vector<16xi32>
              %sub3A_330 = arith.constant 1 : i32
              %sub3A_331 = vector.broadcast %sub3A_330 : i32 to vector<16xi32>
              %sub3A_332 = arith.subi %add3A_329, %sub3A_331 : vector<16xi32>
              tpu.vector_store_idx %arg13[%sub3A_332], %sub3A_304 masked %and3A_320 : memref<576xi32, #tpu.memory_space<vmem>>[vector<16xi32>], vector<16xi32>, vector<16xi1>
              tpu.vector_store_idx %arg14[%sub3A_332], %sub3A_306 masked %and3A_320 : memref<576xi32, #tpu.memory_space<vmem>>[vector<16xi32>], vector<16xi32>, vector<16xi1>
              %broadcast_in_dim3A_333 = arith.constant 1.000000e+00 : f32
              %broadcast_in_dim3A_334 = vector.broadcast %broadcast_in_dim3A_333 : f32 to vector<16xf32>
              tpu.vector_store_idx %arg17[%sub3A_306], %broadcast_in_dim3A_334 masked %and3A_320 {add = true} : memref<256xf32, #tpu.memory_space<vmem>>[vector<16xi32>], vector<16xf32>, vector<16xi1>
              %all_reduce_population_count3A = tpu.all_reduce %and3A_320 {dim = 0 : i64, kind = #tpu.reduction_kind<sum>} : vector<16xi1> -> vector<16xi32>
              %add3A_335 = arith.addi %while3A_264, %all_reduce_population_count3A : vector<16xi32>
              scf.yield %add3A_335 : vector<16xi32>
            }
            %slice3A_212 = vector.extract_strided_slice %while3A_211 {offsets = [0], sizes = [1], strides = [1]} : vector<16xi32> to vector<1xi32>
            %squeeze3A_213 = vector.extract %slice3A_212[0] : i32 from vector<1xi32>
            %jit3A_214 = arith.constant 64 : i32
            %div3A_215 = arith.divsi %squeeze3A_213, %jit3A_214 : i32
            %sign3A_216 = arith.constant 0 : i32
            %sign3A_217 = arith.cmpi sgt, %squeeze3A_213, %sign3A_216 : i32
            %sign3A_218 = arith.extui %sign3A_217 : i1 to i32
            %sign3A_219 = arith.constant 0 : i32
            %sign3A_220 = arith.cmpi slt, %squeeze3A_213, %sign3A_219 : i32
            %sign3A_221 = arith.extui %sign3A_220 : i1 to i32
            %sign3A_222 = arith.subi %sign3A_218, %sign3A_221 : i32
            %sign3A_223 = arith.constant 0 : i32
            %sign3A_224 = arith.cmpi sgt, %jit3A_214, %sign3A_223 : i32
            %sign3A_225 = arith.extui %sign3A_224 : i1 to i32
            %sign3A_226 = arith.constant 0 : i32
            %sign3A_227 = arith.cmpi slt, %jit3A_214, %sign3A_226 : i32
            %sign3A_228 = arith.extui %sign3A_227 : i1 to i32
            %sign3A_229 = arith.subi %sign3A_225, %sign3A_228 : i32
            %ne3A_230 = arith.cmpi ne, %sign3A_222, %sign3A_229 : i32
            %rem3A_231 = arith.remsi %squeeze3A_213, %jit3A_214 : i32
            %ne3A_232 = arith.constant 0 : i32
            %ne3A_233 = arith.cmpi ne, %rem3A_231, %ne3A_232 : i32
            %and3A_234 = arith.andi %ne3A_230, %ne3A_233 : i1
            %sub3A_235 = arith.constant 1 : i32
            %sub3A_236 = arith.subi %div3A_215, %sub3A_235 : i32
            %select_n3A_237 = arith.select %and3A_234, %sub3A_236, %div3A_215 : i32
            %gt3A_238 = arith.constant 0 : i32
            %gt3A_239 = arith.cmpi sgt, %select_n3A_237, %gt3A_238 : i32
            %convert_element_type3A_240 = arith.extui %gt3A_239 : i1 to i32
            %cond3A_241 = arith.constant 0 : i32
            %cond3A_242 = arith.cmpi ne, %convert_element_type3A_240, %cond3A_241 : i32
            scf.if %cond3A_242 {
              %dma_start3A_263 = arith.constant 0 : i32
              %dma_start3A_264 = arith.constant 0 : i32
              %dma_start3A_265 = arith.constant 0 : i32
              %dma_start3A_266 = tpu.memref_slice %arg15[%dma_start3A_263, %dma_start3A_264, %dma_start3A_265] : memref<2x64x256xf32, #tpu.memory_space<vmem>> -> memref<1x64x256xf32, #tpu.memory_space<vmem>>
              %dma_start3A_267 = tpu.memref_squeeze %dma_start3A_266 : memref<1x64x256xf32, #tpu.memory_space<vmem>> -> memref<64x256xf32, #tpu.memory_space<vmem>>
              %dma_start3A_268 = arith.constant 0 : i32
              %dma_start3A_269 = tpu.memref_slice %arg13[%dma_start3A_268] : memref<576xi32, #tpu.memory_space<vmem>> -> memref<64xi32, #tpu.memory_space<vmem>>
              %dma_start3A_270 = arith.constant 0 : i32
              %dma_start3A_271 = arith.constant 0 : i32
              %dma_start3A_272 = tpu.memref_slice %arg4[%dma_start3A_270, %dma_start3A_271] : memref<80000x256xf32, #tpu.memory_space<hbm>> -> memref<80000x256xf32, #tpu.memory_space<hbm>>
              tpu.enqueue_indirect_dma source(%dma_start3A_272 : memref<80000x256xf32, #tpu.memory_space<hbm>>) target(%dma_start3A_267 : memref<64x256xf32, #tpu.memory_space<vmem>>) offsets(%dma_start3A_269 : memref<64xi32, #tpu.memory_space<vmem>>) semaphore(%arg22 : memref<!tpu.dma_semaphore, #tpu.memory_space<semaphore_mem>>)
            } else {
            }
            %while3A_243 = arith.constant 0 : i32
            %while3A_244 = arith.constant 0 : i32
            %while3A_245 = arith.subi %select_n3A_237, %while3A_243 : i32
            %while3A_246 = arith.addi %while3A_243, %while3A_245 : i32
            %while3A_247 = arith.constant 1 : i32
            %while3A_248 = arith.divsi %while3A_245, %while3A_247 : i32
            %while3A_249 = arith.muli %while3A_248, %while3A_247 : i32
            %while3A_250 = arith.addi %while3A_243, %while3A_249 : i32
            %while3A_251 = arith.constant 1 : i32
            %while3A_252 = scf.for %while3A_263 = %while3A_243 to %while3A_250 step %while3A_251 iter_args(%while3A_264 = %while3A_244) -> (i32)  : i32 {
              %rem3A_265 = arith.constant 2 : i32
              %rem3A_266 = arith.remsi %while3A_263, %rem3A_265 : i32
              %dma_wait3A_267 = arith.constant 0 : i32
              %dma_wait3A_268 = arith.constant 0 : i32
              %dma_wait3A_269 = tpu.memref_slice %arg15[%rem3A_266, %dma_wait3A_267, %dma_wait3A_268] : memref<2x64x256xf32, #tpu.memory_space<vmem>> -> memref<1x64x256xf32, #tpu.memory_space<vmem>>
              %dma_wait3A_270 = tpu.memref_squeeze %dma_wait3A_269 : memref<1x64x256xf32, #tpu.memory_space<vmem>> -> memref<64x256xf32, #tpu.memory_space<vmem>>
              %dma_wait3A_271 = arith.constant 0 : i32
              %dma_wait3A_272 = arith.constant 0 : i32
              %dma_wait3A_273 = tpu.memref_slice %arg4[%dma_wait3A_271, %dma_wait3A_272] : memref<80000x256xf32, #tpu.memory_space<hbm>> -> memref<64x256xf32, #tpu.memory_space<hbm>>
              %dma_wait3A_274 = arith.constant 0 : i32
              %dma_wait3A_275 = arith.constant 0 : i32
              %dma_wait3A_276 = tpu.memref_slice %arg15[%rem3A_266, %dma_wait3A_274, %dma_wait3A_275] : memref<2x64x256xf32, #tpu.memory_space<vmem>> -> memref<1x64x256xf32, #tpu.memory_space<vmem>>
              %dma_wait3A_277 = tpu.memref_squeeze %dma_wait3A_276 : memref<1x64x256xf32, #tpu.memory_space<vmem>> -> memref<64x256xf32, #tpu.memory_space<vmem>>
              %dma_wait3A_278 = arith.constant 0 : i32
              %dma_wait3A_279 = arith.constant 0 : i32
              %dma_wait3A_280 = tpu.memref_slice %arg4[%dma_wait3A_278, %dma_wait3A_279] : memref<80000x256xf32, #tpu.memory_space<hbm>> -> memref<64x256xf32, #tpu.memory_space<hbm>>
              tpu.wait_dma2 semaphore(%arg22 : memref<!tpu.dma_semaphore, #tpu.memory_space<semaphore_mem>>) src(%dma_wait3A_280 : memref<64x256xf32, #tpu.memory_space<hbm>>) dst(%dma_wait3A_277 : memref<64x256xf32, #tpu.memory_space<vmem>>)
              %add3A_281 = arith.constant 1 : i32
              %add3A_282 = arith.addi %while3A_263, %add3A_281 : i32
              %lt3A_283 = arith.cmpi slt, %add3A_282, %select_n3A_237 : i32
              %convert_element_type3A_284 = arith.extui %lt3A_283 : i1 to i32
              %cond3A_285 = arith.constant 0 : i32
              %cond3A_286 = arith.cmpi ne, %convert_element_type3A_284, %cond3A_285 : i32
              scf.if %cond3A_286 {
                %add3A_297 = arith.constant 1 : i32
                %add3A_298 = arith.addi %while3A_263, %add3A_297 : i32
                %mul3A_299 = arith.constant 64 : i32
                %mul3A_300 = arith.muli %add3A_298, %mul3A_299 : i32
                %sub3A_301 = arith.constant 1 : i32
                %sub3A_302 = arith.subi %sub3A_301, %rem3A_266 : i32
                %dma_start3A_303 = arith.constant 0 : i32
                %dma_start3A_304 = arith.constant 0 : i32
                %dma_start3A_305 = tpu.memref_slice %arg15[%sub3A_302, %dma_start3A_303, %dma_start3A_304] : memref<2x64x256xf32, #tpu.memory_space<vmem>> -> memref<1x64x256xf32, #tpu.memory_space<vmem>>
                %dma_start3A_306 = tpu.memref_squeeze %dma_start3A_305 : memref<1x64x256xf32, #tpu.memory_space<vmem>> -> memref<64x256xf32, #tpu.memory_space<vmem>>
                %dma_start3A_307 = tpu.memref_slice %arg13[%mul3A_300] : memref<576xi32, #tpu.memory_space<vmem>> -> memref<64xi32, #tpu.memory_space<vmem>>
                %dma_start3A_308 = arith.constant 0 : i32
                %dma_start3A_309 = arith.constant 0 : i32
                %dma_start3A_310 = tpu.memref_slice %arg4[%dma_start3A_308, %dma_start3A_309] : memref<80000x256xf32, #tpu.memory_space<hbm>> -> memref<80000x256xf32, #tpu.memory_space<hbm>>
                tpu.enqueue_indirect_dma source(%dma_start3A_310 : memref<80000x256xf32, #tpu.memory_space<hbm>>) target(%dma_start3A_306 : memref<64x256xf32, #tpu.memory_space<vmem>>) offsets(%dma_start3A_307 : memref<64xi32, #tpu.memory_space<vmem>>) semaphore(%arg22 : memref<!tpu.dma_semaphore, #tpu.memory_space<semaphore_mem>>)
              } else {
              }
              %mul3A_287 = arith.constant 64 : i32
              %mul3A_288 = arith.muli %while3A_263, %mul3A_287 : i32
              %scan3A_289 = arith.constant 0 : i32
              %scan3A_290 = arith.constant 0 : i32
              %scan3A_291 = arith.constant 64 : i32
              %scan3A_292 = arith.addi %scan3A_290, %scan3A_291 : i32
              %scan3A_293 = arith.constant 2 : i32
              %scan3A_294 = scf.for %scan3A_297 = %scan3A_290 to %scan3A_292 step %scan3A_293 iter_args(%scan3A_298 = %scan3A_289) -> (i32)  : i32 {
                %add3A_299 = arith.addi %mul3A_288, %scan3A_297 : i32
                %get3A_300 = arith.index_cast %add3A_299 : i32 to index
                %get3A_301 = tpu.vector_load %arg14[%get3A_300] {strides = array<i32>} : memref<576xi32, #tpu.memory_space<vmem>>, vector<16xi32>,
                %slice3A_302 = vector.extract_strided_slice %get3A_301 {offsets = [0], sizes = [1], strides = [1]} : vector<16xi32> to vector<1xi32>
                %squeeze3A_303 = vector.extract %slice3A_302[0] : i32 from vector<1xi32>
                %get3A_304 = arith.index_cast %rem3A_266 : i32 to index
                %get3A_305 = arith.index_cast %scan3A_297 : i32 to index
                %get3A_306 = arith.constant 0 : index
                %get3A_307 = tpu.vector_load %arg15[%get3A_304, %get3A_305, %get3A_306] {strides = array<i32>} : memref<2x64x256xf32, #tpu.memory_space<vmem>>, vector<16xf32>,
                %swap3A_308 = arith.index_cast %squeeze3A_303 : i32 to index
                %swap3A_309 = arith.constant 0 : index
                %swap3A_310 = tpu.vector_load %arg16[%swap3A_308, %swap3A_309] {strides = array<i32>} : memref<144x256xf32, #tpu.memory_space<vmem>>, vector<16xf32>,
                tpu.vector_store %arg16[%swap3A_308, %swap3A_309], %get3A_307 {add = true, strides = array<i32>} : memref<144x256xf32, #tpu.memory_space<vmem>>, vector<16xf32>,
                %get3A_311 = arith.index_cast %rem3A_266 : i32 to index
                %get3A_312 = arith.index_cast %scan3A_297 : i32 to index
                %get3A_313 = arith.constant 16 : index
                %get3A_314 = tpu.vector_load %arg15[%get3A_311, %get3A_312, %get3A_313] {strides = array<i32>} : memref<2x64x256xf32, #tpu.memory_space<vmem>>, vector<16xf32>,
                %swap3A_315 = arith.index_cast %squeeze3A_303 : i32 to index
                %swap3A_316 = arith.constant 16 : index
                %swap3A_317 = tpu.vector_load %arg16[%swap3A_315, %swap3A_316] {strides = array<i32>} : memref<144x256xf32, #tpu.memory_space<vmem>>, vector<16xf32>,
                tpu.vector_store %arg16[%swap3A_315, %swap3A_316], %get3A_314 {add = true, strides = array<i32>} : memref<144x256xf32, #tpu.memory_space<vmem>>, vector<16xf32>,
                %get3A_318 = arith.index_cast %rem3A_266 : i32 to index
                %get3A_319 = arith.index_cast %scan3A_297 : i32 to index
                %get3A_320 = arith.constant 32 : index
                %get3A_321 = tpu.vector_load %arg15[%get3A_318, %get3A_319, %get3A_320] {strides = array<i32>} : memref<2x64x256xf32, #tpu.memory_space<vmem>>, vector<16xf32>,
                %swap3A_322 = arith.index_cast %squeeze3A_303 : i32 to index
                %swap3A_323 = arith.constant 32 : index
                %swap3A_324 = tpu.vector_load %arg16[%swap3A_322, %swap3A_323] {strides = array<i32>} : memref<144x256xf32, #tpu.memory_space<vmem>>, vector<16xf32>,
                tpu.vector_store %arg16[%swap3A_322, %swap3A_323], %get3A_321 {add = true, strides = array<i32>} : memref<144x256xf32, #tpu.memory_space<vmem>>, vector<16xf32>,
                %get3A_325 = arith.index_cast %rem3A_266 : i32 to index
                %get3A_326 = arith.index_cast %scan3A_297 : i32 to index
                %get3A_327 = arith.constant 48 : index
                %get3A_328 = tpu.vector_load %arg15[%get3A_325, %get3A_326, %get3A_327] {strides = array<i32>} : memref<2x64x256xf32, #tpu.memory_space<vmem>>, vector<16xf32>,
                %swap3A_329 = arith.index_cast %squeeze3A_303 : i32 to index
                %swap3A_330 = arith.constant 48 : index
                %swap3A_331 = tpu.vector_load %arg16[%swap3A_329, %swap3A_330] {strides = array<i32>} : memref<144x256xf32, #tpu.memory_space<vmem>>, vector<16xf32>,
                tpu.vector_store %arg16[%swap3A_329, %swap3A_330], %get3A_328 {add = true, strides = array<i32>} : memref<144x256xf32, #tpu.memory_space<vmem>>, vector<16xf32>,
                %get3A_332 = arith.index_cast %rem3A_266 : i32 to index
                %get3A_333 = arith.index_cast %scan3A_297 : i32 to index
                %get3A_334 = arith.constant 64 : index
                %get3A_335 = tpu.vector_load %arg15[%get3A_332, %get3A_333, %get3A_334] {strides = array<i32>} : memref<2x64x256xf32, #tpu.memory_space<vmem>>, vector<16xf32>,
                %swap3A_336 = arith.index_cast %squeeze3A_303 : i32 to index
                %swap3A_337 = arith.constant 64 : index
                %swap3A_338 = tpu.vector_load %arg16[%swap3A_336, %swap3A_337] {strides = array<i32>} : memref<144x256xf32, #tpu.memory_space<vmem>>, vector<16xf32>,
                tpu.vector_store %arg16[%swap3A_336, %swap3A_337], %get3A_335 {add = true, strides = array<i32>} : memref<144x256xf32, #tpu.memory_space<vmem>>, vector<16xf32>,
                %get3A_339 = arith.index_cast %rem3A_266 : i32 to index
                %get3A_340 = arith.index_cast %scan3A_297 : i32 to index
                %get3A_341 = arith.constant 80 : index
                %get3A_342 = tpu.vector_load %arg15[%get3A_339, %get3A_340, %get3A_341] {strides = array<i32>} : memref<2x64x256xf32, #tpu.memory_space<vmem>>, vector<16xf32>,
                %swap3A_343 = arith.index_cast %squeeze3A_303 : i32 to index
                %swap3A_344 = arith.constant 80 : index
                %swap3A_345 = tpu.vector_load %arg16[%swap3A_343, %swap3A_344] {strides = array<i32>} : memref<144x256xf32, #tpu.memory_space<vmem>>, vector<16xf32>,
                tpu.vector_store %arg16[%swap3A_343, %swap3A_344], %get3A_342 {add = true, strides = array<i32>} : memref<144x256xf32, #tpu.memory_space<vmem>>, vector<16xf32>,
                %get3A_346 = arith.index_cast %rem3A_266 : i32 to index
                %get3A_347 = arith.index_cast %scan3A_297 : i32 to index
                %get3A_348 = arith.constant 96 : index
                %get3A_349 = tpu.vector_load %arg15[%get3A_346, %get3A_347, %get3A_348] {strides = array<i32>} : memref<2x64x256xf32, #tpu.memory_space<vmem>>, vector<16xf32>,
                %swap3A_350 = arith.index_cast %squeeze3A_303 : i32 to index
                %swap3A_351 = arith.constant 96 : index
                %swap3A_352 = tpu.vector_load %arg16[%swap3A_350, %swap3A_351] {strides = array<i32>} : memref<144x256xf32, #tpu.memory_space<vmem>>, vector<16xf32>,
                tpu.vector_store %arg16[%swap3A_350, %swap3A_351], %get3A_349 {add = true, strides = array<i32>} : memref<144x256xf32, #tpu.memory_space<vmem>>, vector<16xf32>,
                %get3A_353 = arith.index_cast %rem3A_266 : i32 to index
                %get3A_354 = arith.index_cast %scan3A_297 : i32 to index
                %get3A_355 = arith.constant 112 : index
                %get3A_356 = tpu.vector_load %arg15[%get3A_353, %get3A_354, %get3A_355] {strides = array<i32>} : memref<2x64x256xf32, #tpu.memory_space<vmem>>, vector<16xf32>,
                %swap3A_357 = arith.index_cast %squeeze3A_303 : i32 to index
                %swap3A_358 = arith.constant 112 : index
                %swap3A_359 = tpu.vector_load %arg16[%swap3A_357, %swap3A_358] {strides = array<i32>} : memref<144x256xf32, #tpu.memory_space<vmem>>, vector<16xf32>,
                tpu.vector_store %arg16[%swap3A_357, %swap3A_358], %get3A_356 {add = true, strides = array<i32>} : memref<144x256xf32, #tpu.memory_space<vmem>>, vector<16xf32>,
                %get3A_360 = arith.index_cast %rem3A_266 : i32 to index
                %get3A_361 = arith.index_cast %scan3A_297 : i32 to index
                %get3A_362 = arith.constant 128 : index
                %get3A_363 = tpu.vector_load %arg15[%get3A_360, %get3A_361, %get3A_362] {strides = array<i32>} : memref<2x64x256xf32, #tpu.memory_space<vmem>>, vector<16xf32>,
                %swap3A_364 = arith.index_cast %squeeze3A_303 : i32 to index
                %swap3A_365 = arith.constant 128 : index
                %swap3A_366 = tpu.vector_load %arg16[%swap3A_364, %swap3A_365] {strides = array<i32>} : memref<144x256xf32, #tpu.memory_space<vmem>>, vector<16xf32>,
                tpu.vector_store %arg16[%swap3A_364, %swap3A_365], %get3A_363 {add = true, strides = array<i32>} : memref<144x256xf32, #tpu.memory_space<vmem>>, vector<16xf32>,
                %get3A_367 = arith.index_cast %rem3A_266 : i32 to index
                %get3A_368 = arith.index_cast %scan3A_297 : i32 to index
                %get3A_369 = arith.constant 144 : index
                %get3A_370 = tpu.vector_load %arg15[%get3A_367, %get3A_368, %get3A_369] {strides = array<i32>} : memref<2x64x256xf32, #tpu.memory_space<vmem>>, vector<16xf32>,
                %swap3A_371 = arith.index_cast %squeeze3A_303 : i32 to index
                %swap3A_372 = arith.constant 144 : index
                %swap3A_373 = tpu.vector_load %arg16[%swap3A_371, %swap3A_372] {strides = array<i32>} : memref<144x256xf32, #tpu.memory_space<vmem>>, vector<16xf32>,
                tpu.vector_store %arg16[%swap3A_371, %swap3A_372], %get3A_370 {add = true, strides = array<i32>} : memref<144x256xf32, #tpu.memory_space<vmem>>, vector<16xf32>,
                %get3A_374 = arith.index_cast %rem3A_266 : i32 to index
                %get3A_375 = arith.index_cast %scan3A_297 : i32 to index
                %get3A_376 = arith.constant 160 : index
                %get3A_377 = tpu.vector_load %arg15[%get3A_374, %get3A_375, %get3A_376] {strides = array<i32>} : memref<2x64x256xf32, #tpu.memory_space<vmem>>, vector<16xf32>,
                %swap3A_378 = arith.index_cast %squeeze3A_303 : i32 to index
                %swap3A_379 = arith.constant 160 : index
                %swap3A_380 = tpu.vector_load %arg16[%swap3A_378, %swap3A_379] {strides = array<i32>} : memref<144x256xf32, #tpu.memory_space<vmem>>, vector<16xf32>,
                tpu.vector_store %arg16[%swap3A_378, %swap3A_379], %get3A_377 {add = true, strides = array<i32>} : memref<144x256xf32, #tpu.memory_space<vmem>>, vector<16xf32>,
                %get3A_381 = arith.index_cast %rem3A_266 : i32 to index
                %get3A_382 = arith.index_cast %scan3A_297 : i32 to index
                %get3A_383 = arith.constant 176 : index
                %get3A_384 = tpu.vector_load %arg15[%get3A_381, %get3A_382, %get3A_383] {strides = array<i32>} : memref<2x64x256xf32, #tpu.memory_space<vmem>>, vector<16xf32>,
                %swap3A_385 = arith.index_cast %squeeze3A_303 : i32 to index
                %swap3A_386 = arith.constant 176 : index
                %swap3A_387 = tpu.vector_load %arg16[%swap3A_385, %swap3A_386] {strides = array<i32>} : memref<144x256xf32, #tpu.memory_space<vmem>>, vector<16xf32>,
                tpu.vector_store %arg16[%swap3A_385, %swap3A_386], %get3A_384 {add = true, strides = array<i32>} : memref<144x256xf32, #tpu.memory_space<vmem>>, vector<16xf32>,
                %get3A_388 = arith.index_cast %rem3A_266 : i32 to index
                %get3A_389 = arith.index_cast %scan3A_297 : i32 to index
                %get3A_390 = arith.constant 192 : index
                %get3A_391 = tpu.vector_load %arg15[%get3A_388, %get3A_389, %get3A_390] {strides = array<i32>} : memref<2x64x256xf32, #tpu.memory_space<vmem>>, vector<16xf32>,
                %swap3A_392 = arith.index_cast %squeeze3A_303 : i32 to index
                %swap3A_393 = arith.constant 192 : index
                %swap3A_394 = tpu.vector_load %arg16[%swap3A_392, %swap3A_393] {strides = array<i32>} : memref<144x256xf32, #tpu.memory_space<vmem>>, vector<16xf32>,
                tpu.vector_store %arg16[%swap3A_392, %swap3A_393], %get3A_391 {add = true, strides = array<i32>} : memref<144x256xf32, #tpu.memory_space<vmem>>, vector<16xf32>,
                %get3A_395 = arith.index_cast %rem3A_266 : i32 to index
                %get3A_396 = arith.index_cast %scan3A_297 : i32 to index
                %get3A_397 = arith.constant 208 : index
                %get3A_398 = tpu.vector_load %arg15[%get3A_395, %get3A_396, %get3A_397] {strides = array<i32>} : memref<2x64x256xf32, #tpu.memory_space<vmem>>, vector<16xf32>,
                %swap3A_399 = arith.index_cast %squeeze3A_303 : i32 to index
                %swap3A_400 = arith.constant 208 : index
                %swap3A_401 = tpu.vector_load %arg16[%swap3A_399, %swap3A_400] {strides = array<i32>} : memref<144x256xf32, #tpu.memory_space<vmem>>, vector<16xf32>,
                tpu.vector_store %arg16[%swap3A_399, %swap3A_400], %get3A_398 {add = true, strides = array<i32>} : memref<144x256xf32, #tpu.memory_space<vmem>>, vector<16xf32>,
                %get3A_402 = arith.index_cast %rem3A_266 : i32 to index
                %get3A_403 = arith.index_cast %scan3A_297 : i32 to index
                %get3A_404 = arith.constant 224 : index
                %get3A_405 = tpu.vector_load %arg15[%get3A_402, %get3A_403, %get3A_404] {strides = array<i32>} : memref<2x64x256xf32, #tpu.memory_space<vmem>>, vector<16xf32>,
                %swap3A_406 = arith.index_cast %squeeze3A_303 : i32 to index
                %swap3A_407 = arith.constant 224 : index
                %swap3A_408 = tpu.vector_load %arg16[%swap3A_406, %swap3A_407] {strides = array<i32>} : memref<144x256xf32, #tpu.memory_space<vmem>>, vector<16xf32>,
                tpu.vector_store %arg16[%swap3A_406, %swap3A_407], %get3A_405 {add = true, strides = array<i32>} : memref<144x256xf32, #tpu.memory_space<vmem>>, vector<16xf32>,
                %get3A_409 = arith.index_cast %rem3A_266 : i32 to index
                %get3A_410 = arith.index_cast %scan3A_297 : i32 to index
                %get3A_411 = arith.constant 240 : index
                %get3A_412 = tpu.vector_load %arg15[%get3A_409, %get3A_410, %get3A_411] {strides = array<i32>} : memref<2x64x256xf32, #tpu.memory_space<vmem>>, vector<16xf32>,
                %swap3A_413 = arith.index_cast %squeeze3A_303 : i32 to index
                %swap3A_414 = arith.constant 240 : index
                %swap3A_415 = tpu.vector_load %arg16[%swap3A_413, %swap3A_414] {strides = array<i32>} : memref<144x256xf32, #tpu.memory_space<vmem>>, vector<16xf32>,
                tpu.vector_store %arg16[%swap3A_413, %swap3A_414], %get3A_412 {add = true, strides = array<i32>} : memref<144x256xf32, #tpu.memory_space<vmem>>, vector<16xf32>,
                %scan3A_416 = arith.constant 0 : i32
                %scan3A_417 = arith.constant 1 : i32
                %scan3A_418 = arith.addi %scan3A_297, %scan3A_417 : i32
                %add3A_419 = arith.addi %mul3A_288, %scan3A_418 : i32
                %get3A_420 = arith.index_cast %add3A_419 : i32 to index
                %get3A_421 = tpu.vector_load %arg14[%get3A_420] {strides = array<i32>} : memref<576xi32, #tpu.memory_space<vmem>>, vector<16xi32>,
                %slice3A_422 = vector.extract_strided_slice %get3A_421 {offsets = [0], sizes = [1], strides = [1]} : vector<16xi32> to vector<1xi32>
                %squeeze3A_423 = vector.extract %slice3A_422[0] : i32 from vector<1xi32>
                %get3A_424 = arith.index_cast %rem3A_266 : i32 to index
                %get3A_425 = arith.index_cast %scan3A_418 : i32 to index
                %get3A_426 = arith.constant 0 : index
                %get3A_427 = tpu.vector_load %arg15[%get3A_424, %get3A_425, %get3A_426] {strides = array<i32>} : memref<2x64x256xf32, #tpu.memory_space<vmem>>, vector<16xf32>,
                %swap3A_428 = arith.index_cast %squeeze3A_423 : i32 to index
                %swap3A_429 = arith.constant 0 : index
                %swap3A_430 = tpu.vector_load %arg16[%swap3A_428, %swap3A_429] {strides = array<i32>} : memref<144x256xf32, #tpu.memory_space<vmem>>, vector<16xf32>,
                tpu.vector_store %arg16[%swap3A_428, %swap3A_429], %get3A_427 {add = true, strides = array<i32>} : memref<144x256xf32, #tpu.memory_space<vmem>>, vector<16xf32>,
                %get3A_431 = arith.index_cast %rem3A_266 : i32 to index
                %get3A_432 = arith.index_cast %scan3A_418 : i32 to index
                %get3A_433 = arith.constant 16 : index
                %get3A_434 = tpu.vector_load %arg15[%get3A_431, %get3A_432, %get3A_433] {strides = array<i32>} : memref<2x64x256xf32, #tpu.memory_space<vmem>>, vector<16xf32>,
                %swap3A_435 = arith.index_cast %squeeze3A_423 : i32 to index
                %swap3A_436 = arith.constant 16 : index
                %swap3A_437 = tpu.vector_load %arg16[%swap3A_435, %swap3A_436] {strides = array<i32>} : memref<144x256xf32, #tpu.memory_space<vmem>>, vector<16xf32>,
                tpu.vector_store %arg16[%swap3A_435, %swap3A_436], %get3A_434 {add = true, strides = array<i32>} : memref<144x256xf32, #tpu.memory_space<vmem>>, vector<16xf32>,
                %get3A_438 = arith.index_cast %rem3A_266 : i32 to index
                %get3A_439 = arith.index_cast %scan3A_418 : i32 to index
                %get3A_440 = arith.constant 32 : index
                %get3A_441 = tpu.vector_load %arg15[%get3A_438, %get3A_439, %get3A_440] {strides = array<i32>} : memref<2x64x256xf32, #tpu.memory_space<vmem>>, vector<16xf32>,
                %swap3A_442 = arith.index_cast %squeeze3A_423 : i32 to index
                %swap3A_443 = arith.constant 32 : index
                %swap3A_444 = tpu.vector_load %arg16[%swap3A_442, %swap3A_443] {strides = array<i32>} : memref<144x256xf32, #tpu.memory_space<vmem>>, vector<16xf32>,
                tpu.vector_store %arg16[%swap3A_442, %swap3A_443], %get3A_441 {add = true, strides = array<i32>} : memref<144x256xf32, #tpu.memory_space<vmem>>, vector<16xf32>,
                %get3A_445 = arith.index_cast %rem3A_266 : i32 to index
                %get3A_446 = arith.index_cast %scan3A_418 : i32 to index
                %get3A_447 = arith.constant 48 : index
                %get3A_448 = tpu.vector_load %arg15[%get3A_445, %get3A_446, %get3A_447] {strides = array<i32>} : memref<2x64x256xf32, #tpu.memory_space<vmem>>, vector<16xf32>,
                %swap3A_449 = arith.index_cast %squeeze3A_423 : i32 to index
                %swap3A_450 = arith.constant 48 : index
                %swap3A_451 = tpu.vector_load %arg16[%swap3A_449, %swap3A_450] {strides = array<i32>} : memref<144x256xf32, #tpu.memory_space<vmem>>, vector<16xf32>,
                tpu.vector_store %arg16[%swap3A_449, %swap3A_450], %get3A_448 {add = true, strides = array<i32>} : memref<144x256xf32, #tpu.memory_space<vmem>>, vector<16xf32>,
                %get3A_452 = arith.index_cast %rem3A_266 : i32 to index
                %get3A_453 = arith.index_cast %scan3A_418 : i32 to index
                %get3A_454 = arith.constant 64 : index
                %get3A_455 = tpu.vector_load %arg15[%get3A_452, %get3A_453, %get3A_454] {strides = array<i32>} : memref<2x64x256xf32, #tpu.memory_space<vmem>>, vector<16xf32>,
                %swap3A_456 = arith.index_cast %squeeze3A_423 : i32 to index
                %swap3A_457 = arith.constant 64 : index
                %swap3A_458 = tpu.vector_load %arg16[%swap3A_456, %swap3A_457] {strides = array<i32>} : memref<144x256xf32, #tpu.memory_space<vmem>>, vector<16xf32>,
                tpu.vector_store %arg16[%swap3A_456, %swap3A_457], %get3A_455 {add = true, strides = array<i32>} : memref<144x256xf32, #tpu.memory_space<vmem>>, vector<16xf32>,
                %get3A_459 = arith.index_cast %rem3A_266 : i32 to index
                %get3A_460 = arith.index_cast %scan3A_418 : i32 to index
                %get3A_461 = arith.constant 80 : index
                %get3A_462 = tpu.vector_load %arg15[%get3A_459, %get3A_460, %get3A_461] {strides = array<i32>} : memref<2x64x256xf32, #tpu.memory_space<vmem>>, vector<16xf32>,
                %swap3A_463 = arith.index_cast %squeeze3A_423 : i32 to index
                %swap3A_464 = arith.constant 80 : index
                %swap3A_465 = tpu.vector_load %arg16[%swap3A_463, %swap3A_464] {strides = array<i32>} : memref<144x256xf32, #tpu.memory_space<vmem>>, vector<16xf32>,
                tpu.vector_store %arg16[%swap3A_463, %swap3A_464], %get3A_462 {add = true, strides = array<i32>} : memref<144x256xf32, #tpu.memory_space<vmem>>, vector<16xf32>,
                %get3A_466 = arith.index_cast %rem3A_266 : i32 to index
                %get3A_467 = arith.index_cast %scan3A_418 : i32 to index
                %get3A_468 = arith.constant 96 : index
                %get3A_469 = tpu.vector_load %arg15[%get3A_466, %get3A_467, %get3A_468] {strides = array<i32>} : memref<2x64x256xf32, #tpu.memory_space<vmem>>, vector<16xf32>,
                %swap3A_470 = arith.index_cast %squeeze3A_423 : i32 to index
                %swap3A_471 = arith.constant 96 : index
                %swap3A_472 = tpu.vector_load %arg16[%swap3A_470, %swap3A_471] {strides = array<i32>} : memref<144x256xf32, #tpu.memory_space<vmem>>, vector<16xf32>,
                tpu.vector_store %arg16[%swap3A_470, %swap3A_471], %get3A_469 {add = true, strides = array<i32>} : memref<144x256xf32, #tpu.memory_space<vmem>>, vector<16xf32>,
                %get3A_473 = arith.index_cast %rem3A_266 : i32 to index
                %get3A_474 = arith.index_cast %scan3A_418 : i32 to index
                %get3A_475 = arith.constant 112 : index
                %get3A_476 = tpu.vector_load %arg15[%get3A_473, %get3A_474, %get3A_475] {strides = array<i32>} : memref<2x64x256xf32, #tpu.memory_space<vmem>>, vector<16xf32>,
                %swap3A_477 = arith.index_cast %squeeze3A_423 : i32 to index
                %swap3A_478 = arith.constant 112 : index
                %swap3A_479 = tpu.vector_load %arg16[%swap3A_477, %swap3A_478] {strides = array<i32>} : memref<144x256xf32, #tpu.memory_space<vmem>>, vector<16xf32>,
                tpu.vector_store %arg16[%swap3A_477, %swap3A_478], %get3A_476 {add = true, strides = array<i32>} : memref<144x256xf32, #tpu.memory_space<vmem>>, vector<16xf32>,
                %get3A_480 = arith.index_cast %rem3A_266 : i32 to index
                %get3A_481 = arith.index_cast %scan3A_418 : i32 to index
                %get3A_482 = arith.constant 128 : index
                %get3A_483 = tpu.vector_load %arg15[%get3A_480, %get3A_481, %get3A_482] {strides = array<i32>} : memref<2x64x256xf32, #tpu.memory_space<vmem>>, vector<16xf32>,
                %swap3A_484 = arith.index_cast %squeeze3A_423 : i32 to index
                %swap3A_485 = arith.constant 128 : index
                %swap3A_486 = tpu.vector_load %arg16[%swap3A_484, %swap3A_485] {strides = array<i32>} : memref<144x256xf32, #tpu.memory_space<vmem>>, vector<16xf32>,
                tpu.vector_store %arg16[%swap3A_484, %swap3A_485], %get3A_483 {add = true, strides = array<i32>} : memref<144x256xf32, #tpu.memory_space<vmem>>, vector<16xf32>,
                %get3A_487 = arith.index_cast %rem3A_266 : i32 to index
                %get3A_488 = arith.index_cast %scan3A_418 : i32 to index
                %get3A_489 = arith.constant 144 : index
                %get3A_490 = tpu.vector_load %arg15[%get3A_487, %get3A_488, %get3A_489] {strides = array<i32>} : memref<2x64x256xf32, #tpu.memory_space<vmem>>, vector<16xf32>,
                %swap3A_491 = arith.index_cast %squeeze3A_423 : i32 to index
                %swap3A_492 = arith.constant 144 : index
                %swap3A_493 = tpu.vector_load %arg16[%swap3A_491, %swap3A_492] {strides = array<i32>} : memref<144x256xf32, #tpu.memory_space<vmem>>, vector<16xf32>,
                tpu.vector_store %arg16[%swap3A_491, %swap3A_492], %get3A_490 {add = true, strides = array<i32>} : memref<144x256xf32, #tpu.memory_space<vmem>>, vector<16xf32>,
                %get3A_494 = arith.index_cast %rem3A_266 : i32 to index
                %get3A_495 = arith.index_cast %scan3A_418 : i32 to index
                %get3A_496 = arith.constant 160 : index
                %get3A_497 = tpu.vector_load %arg15[%get3A_494, %get3A_495, %get3A_496] {strides = array<i32>} : memref<2x64x256xf32, #tpu.memory_space<vmem>>, vector<16xf32>,
                %swap3A_498 = arith.index_cast %squeeze3A_423 : i32 to index
                %swap3A_499 = arith.constant 160 : index
                %swap3A_500 = tpu.vector_load %arg16[%swap3A_498, %swap3A_499] {strides = array<i32>} : memref<144x256xf32, #tpu.memory_space<vmem>>, vector<16xf32>,
                tpu.vector_store %arg16[%swap3A_498, %swap3A_499], %get3A_497 {add = true, strides = array<i32>} : memref<144x256xf32, #tpu.memory_space<vmem>>, vector<16xf32>,
                %get3A_501 = arith.index_cast %rem3A_266 : i32 to index
                %get3A_502 = arith.index_cast %scan3A_418 : i32 to index
                %get3A_503 = arith.constant 176 : index
                %get3A_504 = tpu.vector_load %arg15[%get3A_501, %get3A_502, %get3A_503] {strides = array<i32>} : memref<2x64x256xf32, #tpu.memory_space<vmem>>, vector<16xf32>,
                %swap3A_505 = arith.index_cast %squeeze3A_423 : i32 to index
                %swap3A_506 = arith.constant 176 : index
                %swap3A_507 = tpu.vector_load %arg16[%swap3A_505, %swap3A_506] {strides = array<i32>} : memref<144x256xf32, #tpu.memory_space<vmem>>, vector<16xf32>,
                tpu.vector_store %arg16[%swap3A_505, %swap3A_506], %get3A_504 {add = true, strides = array<i32>} : memref<144x256xf32, #tpu.memory_space<vmem>>, vector<16xf32>,
                %get3A_508 = arith.index_cast %rem3A_266 : i32 to index
                %get3A_509 = arith.index_cast %scan3A_418 : i32 to index
                %get3A_510 = arith.constant 192 : index
                %get3A_511 = tpu.vector_load %arg15[%get3A_508, %get3A_509, %get3A_510] {strides = array<i32>} : memref<2x64x256xf32, #tpu.memory_space<vmem>>, vector<16xf32>,
                %swap3A_512 = arith.index_cast %squeeze3A_423 : i32 to index
                %swap3A_513 = arith.constant 192 : index
                %swap3A_514 = tpu.vector_load %arg16[%swap3A_512, %swap3A_513] {strides = array<i32>} : memref<144x256xf32, #tpu.memory_space<vmem>>, vector<16xf32>,
                tpu.vector_store %arg16[%swap3A_512, %swap3A_513], %get3A_511 {add = true, strides = array<i32>} : memref<144x256xf32, #tpu.memory_space<vmem>>, vector<16xf32>,
                %get3A_515 = arith.index_cast %rem3A_266 : i32 to index
                %get3A_516 = arith.index_cast %scan3A_418 : i32 to index
                %get3A_517 = arith.constant 208 : index
                %get3A_518 = tpu.vector_load %arg15[%get3A_515, %get3A_516, %get3A_517] {strides = array<i32>} : memref<2x64x256xf32, #tpu.memory_space<vmem>>, vector<16xf32>,
                %swap3A_519 = arith.index_cast %squeeze3A_423 : i32 to index
                %swap3A_520 = arith.constant 208 : index
                %swap3A_521 = tpu.vector_load %arg16[%swap3A_519, %swap3A_520] {strides = array<i32>} : memref<144x256xf32, #tpu.memory_space<vmem>>, vector<16xf32>,
                tpu.vector_store %arg16[%swap3A_519, %swap3A_520], %get3A_518 {add = true, strides = array<i32>} : memref<144x256xf32, #tpu.memory_space<vmem>>, vector<16xf32>,
                %get3A_522 = arith.index_cast %rem3A_266 : i32 to index
                %get3A_523 = arith.index_cast %scan3A_418 : i32 to index
                %get3A_524 = arith.constant 224 : index
                %get3A_525 = tpu.vector_load %arg15[%get3A_522, %get3A_523, %get3A_524] {strides = array<i32>} : memref<2x64x256xf32, #tpu.memory_space<vmem>>, vector<16xf32>,
                %swap3A_526 = arith.index_cast %squeeze3A_423 : i32 to index
                %swap3A_527 = arith.constant 224 : index
                %swap3A_528 = tpu.vector_load %arg16[%swap3A_526, %swap3A_527] {strides = array<i32>} : memref<144x256xf32, #tpu.memory_space<vmem>>, vector<16xf32>,
                tpu.vector_store %arg16[%swap3A_526, %swap3A_527], %get3A_525 {add = true, strides = array<i32>} : memref<144x256xf32, #tpu.memory_space<vmem>>, vector<16xf32>,
                %get3A_529 = arith.index_cast %rem3A_266 : i32 to index
                %get3A_530 = arith.index_cast %scan3A_418 : i32 to index
                %get3A_531 = arith.constant 240 : index
                %get3A_532 = tpu.vector_load %arg15[%get3A_529, %get3A_530, %get3A_531] {strides = array<i32>} : memref<2x64x256xf32, #tpu.memory_space<vmem>>, vector<16xf32>,
                %swap3A_533 = arith.index_cast %squeeze3A_423 : i32 to index
                %swap3A_534 = arith.constant 240 : index
                %swap3A_535 = tpu.vector_load %arg16[%swap3A_533, %swap3A_534] {strides = array<i32>} : memref<144x256xf32, #tpu.memory_space<vmem>>, vector<16xf32>,
                tpu.vector_store %arg16[%swap3A_533, %swap3A_534], %get3A_532 {add = true, strides = array<i32>} : memref<144x256xf32, #tpu.memory_space<vmem>>, vector<16xf32>,
                %scan3A_536 = arith.constant 0 : i32
                scf.yield %scan3A_536 : i32
              }
              %scan3A_295 = arith.constant 64 : i32
              %while3A_296 = arith.constant 0 : i32
              scf.yield %while3A_296 : i32
            }
            %while3A_253 = arith.constant 1 : i32
            %while3A_254 = scf.for %while3A_263 = %while3A_250 to %while3A_246 step %while3A_253 iter_args(%while3A_264 = %while3A_252) -> (i32)  : i32 {
              %rem3A_265 = arith.constant 2 : i32
              %rem3A_266 = arith.remsi %while3A_263, %rem3A_265 : i32
              %dma_wait3A_267 = arith.constant 0 : i32
              %dma_wait3A_268 = arith.constant 0 : i32
              %dma_wait3A_269 = tpu.memref_slice %arg15[%rem3A_266, %dma_wait3A_267, %dma_wait3A_268] : memref<2x64x256xf32, #tpu.memory_space<vmem>> -> memref<1x64x256xf32, #tpu.memory_space<vmem>>
              %dma_wait3A_270 = tpu.memref_squeeze %dma_wait3A_269 : memref<1x64x256xf32, #tpu.memory_space<vmem>> -> memref<64x256xf32, #tpu.memory_space<vmem>>
              %dma_wait3A_271 = arith.constant 0 : i32
              %dma_wait3A_272 = arith.constant 0 : i32
              %dma_wait3A_273 = tpu.memref_slice %arg4[%dma_wait3A_271, %dma_wait3A_272] : memref<80000x256xf32, #tpu.memory_space<hbm>> -> memref<64x256xf32, #tpu.memory_space<hbm>>
              %dma_wait3A_274 = arith.constant 0 : i32
              %dma_wait3A_275 = arith.constant 0 : i32
              %dma_wait3A_276 = tpu.memref_slice %arg15[%rem3A_266, %dma_wait3A_274, %dma_wait3A_275] : memref<2x64x256xf32, #tpu.memory_space<vmem>> -> memref<1x64x256xf32, #tpu.memory_space<vmem>>
              %dma_wait3A_277 = tpu.memref_squeeze %dma_wait3A_276 : memref<1x64x256xf32, #tpu.memory_space<vmem>> -> memref<64x256xf32, #tpu.memory_space<vmem>>
              %dma_wait3A_278 = arith.constant 0 : i32
              %dma_wait3A_279 = arith.constant 0 : i32
              %dma_wait3A_280 = tpu.memref_slice %arg4[%dma_wait3A_278, %dma_wait3A_279] : memref<80000x256xf32, #tpu.memory_space<hbm>> -> memref<64x256xf32, #tpu.memory_space<hbm>>
              tpu.wait_dma2 semaphore(%arg22 : memref<!tpu.dma_semaphore, #tpu.memory_space<semaphore_mem>>) src(%dma_wait3A_280 : memref<64x256xf32, #tpu.memory_space<hbm>>) dst(%dma_wait3A_277 : memref<64x256xf32, #tpu.memory_space<vmem>>)
              %add3A_281 = arith.constant 1 : i32
              %add3A_282 = arith.addi %while3A_263, %add3A_281 : i32
              %lt3A_283 = arith.cmpi slt, %add3A_282, %select_n3A_237 : i32
              %convert_element_type3A_284 = arith.extui %lt3A_283 : i1 to i32
              %cond3A_285 = arith.constant 0 : i32
              %cond3A_286 = arith.cmpi ne, %convert_element_type3A_284, %cond3A_285 : i32
              scf.if %cond3A_286 {
                %add3A_297 = arith.constant 1 : i32
                %add3A_298 = arith.addi %while3A_263, %add3A_297 : i32
                %mul3A_299 = arith.constant 64 : i32
                %mul3A_300 = arith.muli %add3A_298, %mul3A_299 : i32
                %sub3A_301 = arith.constant 1 : i32
                %sub3A_302 = arith.subi %sub3A_301, %rem3A_266 : i32
                %dma_start3A_303 = arith.constant 0 : i32
                %dma_start3A_304 = arith.constant 0 : i32
                %dma_start3A_305 = tpu.memref_slice %arg15[%sub3A_302, %dma_start3A_303, %dma_start3A_304] : memref<2x64x256xf32, #tpu.memory_space<vmem>> -> memref<1x64x256xf32, #tpu.memory_space<vmem>>
                %dma_start3A_306 = tpu.memref_squeeze %dma_start3A_305 : memref<1x64x256xf32, #tpu.memory_space<vmem>> -> memref<64x256xf32, #tpu.memory_space<vmem>>
                %dma_start3A_307 = tpu.memref_slice %arg13[%mul3A_300] : memref<576xi32, #tpu.memory_space<vmem>> -> memref<64xi32, #tpu.memory_space<vmem>>
                %dma_start3A_308 = arith.constant 0 : i32
                %dma_start3A_309 = arith.constant 0 : i32
                %dma_start3A_310 = tpu.memref_slice %arg4[%dma_start3A_308, %dma_start3A_309] : memref<80000x256xf32, #tpu.memory_space<hbm>> -> memref<80000x256xf32, #tpu.memory_space<hbm>>
                tpu.enqueue_indirect_dma source(%dma_start3A_310 : memref<80000x256xf32, #tpu.memory_space<hbm>>) target(%dma_start3A_306 : memref<64x256xf32, #tpu.memory_space<vmem>>) offsets(%dma_start3A_307 : memref<64xi32, #tpu.memory_space<vmem>>) semaphore(%arg22 : memref<!tpu.dma_semaphore, #tpu.memory_space<semaphore_mem>>)
              } else {
              }
              %mul3A_287 = arith.constant 64 : i32
              %mul3A_288 = arith.muli %while3A_263, %mul3A_287 : i32
              %scan3A_289 = arith.constant 0 : i32
              %scan3A_290 = arith.constant 0 : i32
              %scan3A_291 = arith.constant 64 : i32
              %scan3A_292 = arith.addi %scan3A_290, %scan3A_291 : i32
              %scan3A_293 = arith.constant 2 : i32
              %scan3A_294 = scf.for %scan3A_297 = %scan3A_290 to %scan3A_292 step %scan3A_293 iter_args(%scan3A_298 = %scan3A_289) -> (i32)  : i32 {
                %add3A_299 = arith.addi %mul3A_288, %scan3A_297 : i32
                %get3A_300 = arith.index_cast %add3A_299 : i32 to index
                %get3A_301 = tpu.vector_load %arg14[%get3A_300] {strides = array<i32>} : memref<576xi32, #tpu.memory_space<vmem>>, vector<16xi32>,
                %slice3A_302 = vector.extract_strided_slice %get3A_301 {offsets = [0], sizes = [1], strides = [1]} : vector<16xi32> to vector<1xi32>
                %squeeze3A_303 = vector.extract %slice3A_302[0] : i32 from vector<1xi32>
                %get3A_304 = arith.index_cast %rem3A_266 : i32 to index
                %get3A_305 = arith.index_cast %scan3A_297 : i32 to index
                %get3A_306 = arith.constant 0 : index
                %get3A_307 = tpu.vector_load %arg15[%get3A_304, %get3A_305, %get3A_306] {strides = array<i32>} : memref<2x64x256xf32, #tpu.memory_space<vmem>>, vector<16xf32>,
                %swap3A_308 = arith.index_cast %squeeze3A_303 : i32 to index
                %swap3A_309 = arith.constant 0 : index
                %swap3A_310 = tpu.vector_load %arg16[%swap3A_308, %swap3A_309] {strides = array<i32>} : memref<144x256xf32, #tpu.memory_space<vmem>>, vector<16xf32>,
                tpu.vector_store %arg16[%swap3A_308, %swap3A_309], %get3A_307 {add = true, strides = array<i32>} : memref<144x256xf32, #tpu.memory_space<vmem>>, vector<16xf32>,
                %get3A_311 = arith.index_cast %rem3A_266 : i32 to index
                %get3A_312 = arith.index_cast %scan3A_297 : i32 to index
                %get3A_313 = arith.constant 16 : index
                %get3A_314 = tpu.vector_load %arg15[%get3A_311, %get3A_312, %get3A_313] {strides = array<i32>} : memref<2x64x256xf32, #tpu.memory_space<vmem>>, vector<16xf32>,
                %swap3A_315 = arith.index_cast %squeeze3A_303 : i32 to index
                %swap3A_316 = arith.constant 16 : index
                %swap3A_317 = tpu.vector_load %arg16[%swap3A_315, %swap3A_316] {strides = array<i32>} : memref<144x256xf32, #tpu.memory_space<vmem>>, vector<16xf32>,
                tpu.vector_store %arg16[%swap3A_315, %swap3A_316], %get3A_314 {add = true, strides = array<i32>} : memref<144x256xf32, #tpu.memory_space<vmem>>, vector<16xf32>,
                %get3A_318 = arith.index_cast %rem3A_266 : i32 to index
                %get3A_319 = arith.index_cast %scan3A_297 : i32 to index
                %get3A_320 = arith.constant 32 : index
                %get3A_321 = tpu.vector_load %arg15[%get3A_318, %get3A_319, %get3A_320] {strides = array<i32>} : memref<2x64x256xf32, #tpu.memory_space<vmem>>, vector<16xf32>,
                %swap3A_322 = arith.index_cast %squeeze3A_303 : i32 to index
                %swap3A_323 = arith.constant 32 : index
                %swap3A_324 = tpu.vector_load %arg16[%swap3A_322, %swap3A_323] {strides = array<i32>} : memref<144x256xf32, #tpu.memory_space<vmem>>, vector<16xf32>,
                tpu.vector_store %arg16[%swap3A_322, %swap3A_323], %get3A_321 {add = true, strides = array<i32>} : memref<144x256xf32, #tpu.memory_space<vmem>>, vector<16xf32>,
                %get3A_325 = arith.index_cast %rem3A_266 : i32 to index
                %get3A_326 = arith.index_cast %scan3A_297 : i32 to index
                %get3A_327 = arith.constant 48 : index
                %get3A_328 = tpu.vector_load %arg15[%get3A_325, %get3A_326, %get3A_327] {strides = array<i32>} : memref<2x64x256xf32, #tpu.memory_space<vmem>>, vector<16xf32>,
                %swap3A_329 = arith.index_cast %squeeze3A_303 : i32 to index
                %swap3A_330 = arith.constant 48 : index
                %swap3A_331 = tpu.vector_load %arg16[%swap3A_329, %swap3A_330] {strides = array<i32>} : memref<144x256xf32, #tpu.memory_space<vmem>>, vector<16xf32>,
                tpu.vector_store %arg16[%swap3A_329, %swap3A_330], %get3A_328 {add = true, strides = array<i32>} : memref<144x256xf32, #tpu.memory_space<vmem>>, vector<16xf32>,
                %get3A_332 = arith.index_cast %rem3A_266 : i32 to index
                %get3A_333 = arith.index_cast %scan3A_297 : i32 to index
                %get3A_334 = arith.constant 64 : index
                %get3A_335 = tpu.vector_load %arg15[%get3A_332, %get3A_333, %get3A_334] {strides = array<i32>} : memref<2x64x256xf32, #tpu.memory_space<vmem>>, vector<16xf32>,
                %swap3A_336 = arith.index_cast %squeeze3A_303 : i32 to index
                %swap3A_337 = arith.constant 64 : index
                %swap3A_338 = tpu.vector_load %arg16[%swap3A_336, %swap3A_337] {strides = array<i32>} : memref<144x256xf32, #tpu.memory_space<vmem>>, vector<16xf32>,
                tpu.vector_store %arg16[%swap3A_336, %swap3A_337], %get3A_335 {add = true, strides = array<i32>} : memref<144x256xf32, #tpu.memory_space<vmem>>, vector<16xf32>,
                %get3A_339 = arith.index_cast %rem3A_266 : i32 to index
                %get3A_340 = arith.index_cast %scan3A_297 : i32 to index
                %get3A_341 = arith.constant 80 : index
                %get3A_342 = tpu.vector_load %arg15[%get3A_339, %get3A_340, %get3A_341] {strides = array<i32>} : memref<2x64x256xf32, #tpu.memory_space<vmem>>, vector<16xf32>,
                %swap3A_343 = arith.index_cast %squeeze3A_303 : i32 to index
                %swap3A_344 = arith.constant 80 : index
                %swap3A_345 = tpu.vector_load %arg16[%swap3A_343, %swap3A_344] {strides = array<i32>} : memref<144x256xf32, #tpu.memory_space<vmem>>, vector<16xf32>,
                tpu.vector_store %arg16[%swap3A_343, %swap3A_344], %get3A_342 {add = true, strides = array<i32>} : memref<144x256xf32, #tpu.memory_space<vmem>>, vector<16xf32>,
                %get3A_346 = arith.index_cast %rem3A_266 : i32 to index
                %get3A_347 = arith.index_cast %scan3A_297 : i32 to index
                %get3A_348 = arith.constant 96 : index
                %get3A_349 = tpu.vector_load %arg15[%get3A_346, %get3A_347, %get3A_348] {strides = array<i32>} : memref<2x64x256xf32, #tpu.memory_space<vmem>>, vector<16xf32>,
                %swap3A_350 = arith.index_cast %squeeze3A_303 : i32 to index
                %swap3A_351 = arith.constant 96 : index
                %swap3A_352 = tpu.vector_load %arg16[%swap3A_350, %swap3A_351] {strides = array<i32>} : memref<144x256xf32, #tpu.memory_space<vmem>>, vector<16xf32>,
                tpu.vector_store %arg16[%swap3A_350, %swap3A_351], %get3A_349 {add = true, strides = array<i32>} : memref<144x256xf32, #tpu.memory_space<vmem>>, vector<16xf32>,
                %get3A_353 = arith.index_cast %rem3A_266 : i32 to index
                %get3A_354 = arith.index_cast %scan3A_297 : i32 to index
                %get3A_355 = arith.constant 112 : index
                %get3A_356 = tpu.vector_load %arg15[%get3A_353, %get3A_354, %get3A_355] {strides = array<i32>} : memref<2x64x256xf32, #tpu.memory_space<vmem>>, vector<16xf32>,
                %swap3A_357 = arith.index_cast %squeeze3A_303 : i32 to index
                %swap3A_358 = arith.constant 112 : index
                %swap3A_359 = tpu.vector_load %arg16[%swap3A_357, %swap3A_358] {strides = array<i32>} : memref<144x256xf32, #tpu.memory_space<vmem>>, vector<16xf32>,
                tpu.vector_store %arg16[%swap3A_357, %swap3A_358], %get3A_356 {add = true, strides = array<i32>} : memref<144x256xf32, #tpu.memory_space<vmem>>, vector<16xf32>,
                %get3A_360 = arith.index_cast %rem3A_266 : i32 to index
                %get3A_361 = arith.index_cast %scan3A_297 : i32 to index
                %get3A_362 = arith.constant 128 : index
                %get3A_363 = tpu.vector_load %arg15[%get3A_360, %get3A_361, %get3A_362] {strides = array<i32>} : memref<2x64x256xf32, #tpu.memory_space<vmem>>, vector<16xf32>,
                %swap3A_364 = arith.index_cast %squeeze3A_303 : i32 to index
                %swap3A_365 = arith.constant 128 : index
                %swap3A_366 = tpu.vector_load %arg16[%swap3A_364, %swap3A_365] {strides = array<i32>} : memref<144x256xf32, #tpu.memory_space<vmem>>, vector<16xf32>,
                tpu.vector_store %arg16[%swap3A_364, %swap3A_365], %get3A_363 {add = true, strides = array<i32>} : memref<144x256xf32, #tpu.memory_space<vmem>>, vector<16xf32>,
                %get3A_367 = arith.index_cast %rem3A_266 : i32 to index
                %get3A_368 = arith.index_cast %scan3A_297 : i32 to index
                %get3A_369 = arith.constant 144 : index
                %get3A_370 = tpu.vector_load %arg15[%get3A_367, %get3A_368, %get3A_369] {strides = array<i32>} : memref<2x64x256xf32, #tpu.memory_space<vmem>>, vector<16xf32>,
                %swap3A_371 = arith.index_cast %squeeze3A_303 : i32 to index
                %swap3A_372 = arith.constant 144 : index
                %swap3A_373 = tpu.vector_load %arg16[%swap3A_371, %swap3A_372] {strides = array<i32>} : memref<144x256xf32, #tpu.memory_space<vmem>>, vector<16xf32>,
                tpu.vector_store %arg16[%swap3A_371, %swap3A_372], %get3A_370 {add = true, strides = array<i32>} : memref<144x256xf32, #tpu.memory_space<vmem>>, vector<16xf32>,
                %get3A_374 = arith.index_cast %rem3A_266 : i32 to index
                %get3A_375 = arith.index_cast %scan3A_297 : i32 to index
                %get3A_376 = arith.constant 160 : index
                %get3A_377 = tpu.vector_load %arg15[%get3A_374, %get3A_375, %get3A_376] {strides = array<i32>} : memref<2x64x256xf32, #tpu.memory_space<vmem>>, vector<16xf32>,
                %swap3A_378 = arith.index_cast %squeeze3A_303 : i32 to index
                %swap3A_379 = arith.constant 160 : index
                %swap3A_380 = tpu.vector_load %arg16[%swap3A_378, %swap3A_379] {strides = array<i32>} : memref<144x256xf32, #tpu.memory_space<vmem>>, vector<16xf32>,
                tpu.vector_store %arg16[%swap3A_378, %swap3A_379], %get3A_377 {add = true, strides = array<i32>} : memref<144x256xf32, #tpu.memory_space<vmem>>, vector<16xf32>,
                %get3A_381 = arith.index_cast %rem3A_266 : i32 to index
                %get3A_382 = arith.index_cast %scan3A_297 : i32 to index
                %get3A_383 = arith.constant 176 : index
                %get3A_384 = tpu.vector_load %arg15[%get3A_381, %get3A_382, %get3A_383] {strides = array<i32>} : memref<2x64x256xf32, #tpu.memory_space<vmem>>, vector<16xf32>,
                %swap3A_385 = arith.index_cast %squeeze3A_303 : i32 to index
                %swap3A_386 = arith.constant 176 : index
                %swap3A_387 = tpu.vector_load %arg16[%swap3A_385, %swap3A_386] {strides = array<i32>} : memref<144x256xf32, #tpu.memory_space<vmem>>, vector<16xf32>,
                tpu.vector_store %arg16[%swap3A_385, %swap3A_386], %get3A_384 {add = true, strides = array<i32>} : memref<144x256xf32, #tpu.memory_space<vmem>>, vector<16xf32>,
                %get3A_388 = arith.index_cast %rem3A_266 : i32 to index
                %get3A_389 = arith.index_cast %scan3A_297 : i32 to index
                %get3A_390 = arith.constant 192 : index
                %get3A_391 = tpu.vector_load %arg15[%get3A_388, %get3A_389, %get3A_390] {strides = array<i32>} : memref<2x64x256xf32, #tpu.memory_space<vmem>>, vector<16xf32>,
                %swap3A_392 = arith.index_cast %squeeze3A_303 : i32 to index
                %swap3A_393 = arith.constant 192 : index
                %swap3A_394 = tpu.vector_load %arg16[%swap3A_392, %swap3A_393] {strides = array<i32>} : memref<144x256xf32, #tpu.memory_space<vmem>>, vector<16xf32>,
                tpu.vector_store %arg16[%swap3A_392, %swap3A_393], %get3A_391 {add = true, strides = array<i32>} : memref<144x256xf32, #tpu.memory_space<vmem>>, vector<16xf32>,
                %get3A_395 = arith.index_cast %rem3A_266 : i32 to index
                %get3A_396 = arith.index_cast %scan3A_297 : i32 to index
                %get3A_397 = arith.constant 208 : index
                %get3A_398 = tpu.vector_load %arg15[%get3A_395, %get3A_396, %get3A_397] {strides = array<i32>} : memref<2x64x256xf32, #tpu.memory_space<vmem>>, vector<16xf32>,
                %swap3A_399 = arith.index_cast %squeeze3A_303 : i32 to index
                %swap3A_400 = arith.constant 208 : index
                %swap3A_401 = tpu.vector_load %arg16[%swap3A_399, %swap3A_400] {strides = array<i32>} : memref<144x256xf32, #tpu.memory_space<vmem>>, vector<16xf32>,
                tpu.vector_store %arg16[%swap3A_399, %swap3A_400], %get3A_398 {add = true, strides = array<i32>} : memref<144x256xf32, #tpu.memory_space<vmem>>, vector<16xf32>,
                %get3A_402 = arith.index_cast %rem3A_266 : i32 to index
                %get3A_403 = arith.index_cast %scan3A_297 : i32 to index
                %get3A_404 = arith.constant 224 : index
                %get3A_405 = tpu.vector_load %arg15[%get3A_402, %get3A_403, %get3A_404] {strides = array<i32>} : memref<2x64x256xf32, #tpu.memory_space<vmem>>, vector<16xf32>,
                %swap3A_406 = arith.index_cast %squeeze3A_303 : i32 to index
                %swap3A_407 = arith.constant 224 : index
                %swap3A_408 = tpu.vector_load %arg16[%swap3A_406, %swap3A_407] {strides = array<i32>} : memref<144x256xf32, #tpu.memory_space<vmem>>, vector<16xf32>,
                tpu.vector_store %arg16[%swap3A_406, %swap3A_407], %get3A_405 {add = true, strides = array<i32>} : memref<144x256xf32, #tpu.memory_space<vmem>>, vector<16xf32>,
                %get3A_409 = arith.index_cast %rem3A_266 : i32 to index
                %get3A_410 = arith.index_cast %scan3A_297 : i32 to index
                %get3A_411 = arith.constant 240 : index
                %get3A_412 = tpu.vector_load %arg15[%get3A_409, %get3A_410, %get3A_411] {strides = array<i32>} : memref<2x64x256xf32, #tpu.memory_space<vmem>>, vector<16xf32>,
                %swap3A_413 = arith.index_cast %squeeze3A_303 : i32 to index
                %swap3A_414 = arith.constant 240 : index
                %swap3A_415 = tpu.vector_load %arg16[%swap3A_413, %swap3A_414] {strides = array<i32>} : memref<144x256xf32, #tpu.memory_space<vmem>>, vector<16xf32>,
                tpu.vector_store %arg16[%swap3A_413, %swap3A_414], %get3A_412 {add = true, strides = array<i32>} : memref<144x256xf32, #tpu.memory_space<vmem>>, vector<16xf32>,
                %scan3A_416 = arith.constant 0 : i32
                %scan3A_417 = arith.constant 1 : i32
                %scan3A_418 = arith.addi %scan3A_297, %scan3A_417 : i32
                %add3A_419 = arith.addi %mul3A_288, %scan3A_418 : i32
                %get3A_420 = arith.index_cast %add3A_419 : i32 to index
                %get3A_421 = tpu.vector_load %arg14[%get3A_420] {strides = array<i32>} : memref<576xi32, #tpu.memory_space<vmem>>, vector<16xi32>,
                %slice3A_422 = vector.extract_strided_slice %get3A_421 {offsets = [0], sizes = [1], strides = [1]} : vector<16xi32> to vector<1xi32>
                %squeeze3A_423 = vector.extract %slice3A_422[0] : i32 from vector<1xi32>
                %get3A_424 = arith.index_cast %rem3A_266 : i32 to index
                %get3A_425 = arith.index_cast %scan3A_418 : i32 to index
                %get3A_426 = arith.constant 0 : index
                %get3A_427 = tpu.vector_load %arg15[%get3A_424, %get3A_425, %get3A_426] {strides = array<i32>} : memref<2x64x256xf32, #tpu.memory_space<vmem>>, vector<16xf32>,
                %swap3A_428 = arith.index_cast %squeeze3A_423 : i32 to index
                %swap3A_429 = arith.constant 0 : index
                %swap3A_430 = tpu.vector_load %arg16[%swap3A_428, %swap3A_429] {strides = array<i32>} : memref<144x256xf32, #tpu.memory_space<vmem>>, vector<16xf32>,
                tpu.vector_store %arg16[%swap3A_428, %swap3A_429], %get3A_427 {add = true, strides = array<i32>} : memref<144x256xf32, #tpu.memory_space<vmem>>, vector<16xf32>,
                %get3A_431 = arith.index_cast %rem3A_266 : i32 to index
                %get3A_432 = arith.index_cast %scan3A_418 : i32 to index
                %get3A_433 = arith.constant 16 : index
                %get3A_434 = tpu.vector_load %arg15[%get3A_431, %get3A_432, %get3A_433] {strides = array<i32>} : memref<2x64x256xf32, #tpu.memory_space<vmem>>, vector<16xf32>,
                %swap3A_435 = arith.index_cast %squeeze3A_423 : i32 to index
                %swap3A_436 = arith.constant 16 : index
                %swap3A_437 = tpu.vector_load %arg16[%swap3A_435, %swap3A_436] {strides = array<i32>} : memref<144x256xf32, #tpu.memory_space<vmem>>, vector<16xf32>,
                tpu.vector_store %arg16[%swap3A_435, %swap3A_436], %get3A_434 {add = true, strides = array<i32>} : memref<144x256xf32, #tpu.memory_space<vmem>>, vector<16xf32>,
                %get3A_438 = arith.index_cast %rem3A_266 : i32 to index
                %get3A_439 = arith.index_cast %scan3A_418 : i32 to index
                %get3A_440 = arith.constant 32 : index
                %get3A_441 = tpu.vector_load %arg15[%get3A_438, %get3A_439, %get3A_440] {strides = array<i32>} : memref<2x64x256xf32, #tpu.memory_space<vmem>>, vector<16xf32>,
                %swap3A_442 = arith.index_cast %squeeze3A_423 : i32 to index
                %swap3A_443 = arith.constant 32 : index
                %swap3A_444 = tpu.vector_load %arg16[%swap3A_442, %swap3A_443] {strides = array<i32>} : memref<144x256xf32, #tpu.memory_space<vmem>>, vector<16xf32>,
                tpu.vector_store %arg16[%swap3A_442, %swap3A_443], %get3A_441 {add = true, strides = array<i32>} : memref<144x256xf32, #tpu.memory_space<vmem>>, vector<16xf32>,
                %get3A_445 = arith.index_cast %rem3A_266 : i32 to index
                %get3A_446 = arith.index_cast %scan3A_418 : i32 to index
                %get3A_447 = arith.constant 48 : index
                %get3A_448 = tpu.vector_load %arg15[%get3A_445, %get3A_446, %get3A_447] {strides = array<i32>} : memref<2x64x256xf32, #tpu.memory_space<vmem>>, vector<16xf32>,
                %swap3A_449 = arith.index_cast %squeeze3A_423 : i32 to index
                %swap3A_450 = arith.constant 48 : index
                %swap3A_451 = tpu.vector_load %arg16[%swap3A_449, %swap3A_450] {strides = array<i32>} : memref<144x256xf32, #tpu.memory_space<vmem>>, vector<16xf32>,
                tpu.vector_store %arg16[%swap3A_449, %swap3A_450], %get3A_448 {add = true, strides = array<i32>} : memref<144x256xf32, #tpu.memory_space<vmem>>, vector<16xf32>,
                %get3A_452 = arith.index_cast %rem3A_266 : i32 to index
                %get3A_453 = arith.index_cast %scan3A_418 : i32 to index
                %get3A_454 = arith.constant 64 : index
                %get3A_455 = tpu.vector_load %arg15[%get3A_452, %get3A_453, %get3A_454] {strides = array<i32>} : memref<2x64x256xf32, #tpu.memory_space<vmem>>, vector<16xf32>,
                %swap3A_456 = arith.index_cast %squeeze3A_423 : i32 to index
                %swap3A_457 = arith.constant 64 : index
                %swap3A_458 = tpu.vector_load %arg16[%swap3A_456, %swap3A_457] {strides = array<i32>} : memref<144x256xf32, #tpu.memory_space<vmem>>, vector<16xf32>,
                tpu.vector_store %arg16[%swap3A_456, %swap3A_457], %get3A_455 {add = true, strides = array<i32>} : memref<144x256xf32, #tpu.memory_space<vmem>>, vector<16xf32>,
                %get3A_459 = arith.index_cast %rem3A_266 : i32 to index
                %get3A_460 = arith.index_cast %scan3A_418 : i32 to index
                %get3A_461 = arith.constant 80 : index
                %get3A_462 = tpu.vector_load %arg15[%get3A_459, %get3A_460, %get3A_461] {strides = array<i32>} : memref<2x64x256xf32, #tpu.memory_space<vmem>>, vector<16xf32>,
                %swap3A_463 = arith.index_cast %squeeze3A_423 : i32 to index
                %swap3A_464 = arith.constant 80 : index
                %swap3A_465 = tpu.vector_load %arg16[%swap3A_463, %swap3A_464] {strides = array<i32>} : memref<144x256xf32, #tpu.memory_space<vmem>>, vector<16xf32>,
                tpu.vector_store %arg16[%swap3A_463, %swap3A_464], %get3A_462 {add = true, strides = array<i32>} : memref<144x256xf32, #tpu.memory_space<vmem>>, vector<16xf32>,
                %get3A_466 = arith.index_cast %rem3A_266 : i32 to index
                %get3A_467 = arith.index_cast %scan3A_418 : i32 to index
                %get3A_468 = arith.constant 96 : index
                %get3A_469 = tpu.vector_load %arg15[%get3A_466, %get3A_467, %get3A_468] {strides = array<i32>} : memref<2x64x256xf32, #tpu.memory_space<vmem>>, vector<16xf32>,
                %swap3A_470 = arith.index_cast %squeeze3A_423 : i32 to index
                %swap3A_471 = arith.constant 96 : index
                %swap3A_472 = tpu.vector_load %arg16[%swap3A_470, %swap3A_471] {strides = array<i32>} : memref<144x256xf32, #tpu.memory_space<vmem>>, vector<16xf32>,
                tpu.vector_store %arg16[%swap3A_470, %swap3A_471], %get3A_469 {add = true, strides = array<i32>} : memref<144x256xf32, #tpu.memory_space<vmem>>, vector<16xf32>,
                %get3A_473 = arith.index_cast %rem3A_266 : i32 to index
                %get3A_474 = arith.index_cast %scan3A_418 : i32 to index
                %get3A_475 = arith.constant 112 : index
                %get3A_476 = tpu.vector_load %arg15[%get3A_473, %get3A_474, %get3A_475] {strides = array<i32>} : memref<2x64x256xf32, #tpu.memory_space<vmem>>, vector<16xf32>,
                %swap3A_477 = arith.index_cast %squeeze3A_423 : i32 to index
                %swap3A_478 = arith.constant 112 : index
                %swap3A_479 = tpu.vector_load %arg16[%swap3A_477, %swap3A_478] {strides = array<i32>} : memref<144x256xf32, #tpu.memory_space<vmem>>, vector<16xf32>,
                tpu.vector_store %arg16[%swap3A_477, %swap3A_478], %get3A_476 {add = true, strides = array<i32>} : memref<144x256xf32, #tpu.memory_space<vmem>>, vector<16xf32>,
                %get3A_480 = arith.index_cast %rem3A_266 : i32 to index
                %get3A_481 = arith.index_cast %scan3A_418 : i32 to index
                %get3A_482 = arith.constant 128 : index
                %get3A_483 = tpu.vector_load %arg15[%get3A_480, %get3A_481, %get3A_482] {strides = array<i32>} : memref<2x64x256xf32, #tpu.memory_space<vmem>>, vector<16xf32>,
                %swap3A_484 = arith.index_cast %squeeze3A_423 : i32 to index
                %swap3A_485 = arith.constant 128 : index
                %swap3A_486 = tpu.vector_load %arg16[%swap3A_484, %swap3A_485] {strides = array<i32>} : memref<144x256xf32, #tpu.memory_space<vmem>>, vector<16xf32>,
                tpu.vector_store %arg16[%swap3A_484, %swap3A_485], %get3A_483 {add = true, strides = array<i32>} : memref<144x256xf32, #tpu.memory_space<vmem>>, vector<16xf32>,
                %get3A_487 = arith.index_cast %rem3A_266 : i32 to index
                %get3A_488 = arith.index_cast %scan3A_418 : i32 to index
                %get3A_489 = arith.constant 144 : index
                %get3A_490 = tpu.vector_load %arg15[%get3A_487, %get3A_488, %get3A_489] {strides = array<i32>} : memref<2x64x256xf32, #tpu.memory_space<vmem>>, vector<16xf32>,
                %swap3A_491 = arith.index_cast %squeeze3A_423 : i32 to index
                %swap3A_492 = arith.constant 144 : index
                %swap3A_493 = tpu.vector_load %arg16[%swap3A_491, %swap3A_492] {strides = array<i32>} : memref<144x256xf32, #tpu.memory_space<vmem>>, vector<16xf32>,
                tpu.vector_store %arg16[%swap3A_491, %swap3A_492], %get3A_490 {add = true, strides = array<i32>} : memref<144x256xf32, #tpu.memory_space<vmem>>, vector<16xf32>,
                %get3A_494 = arith.index_cast %rem3A_266 : i32 to index
                %get3A_495 = arith.index_cast %scan3A_418 : i32 to index
                %get3A_496 = arith.constant 160 : index
                %get3A_497 = tpu.vector_load %arg15[%get3A_494, %get3A_495, %get3A_496] {strides = array<i32>} : memref<2x64x256xf32, #tpu.memory_space<vmem>>, vector<16xf32>,
                %swap3A_498 = arith.index_cast %squeeze3A_423 : i32 to index
                %swap3A_499 = arith.constant 160 : index
                %swap3A_500 = tpu.vector_load %arg16[%swap3A_498, %swap3A_499] {strides = array<i32>} : memref<144x256xf32, #tpu.memory_space<vmem>>, vector<16xf32>,
                tpu.vector_store %arg16[%swap3A_498, %swap3A_499], %get3A_497 {add = true, strides = array<i32>} : memref<144x256xf32, #tpu.memory_space<vmem>>, vector<16xf32>,
                %get3A_501 = arith.index_cast %rem3A_266 : i32 to index
                %get3A_502 = arith.index_cast %scan3A_418 : i32 to index
                %get3A_503 = arith.constant 176 : index
                %get3A_504 = tpu.vector_load %arg15[%get3A_501, %get3A_502, %get3A_503] {strides = array<i32>} : memref<2x64x256xf32, #tpu.memory_space<vmem>>, vector<16xf32>,
                %swap3A_505 = arith.index_cast %squeeze3A_423 : i32 to index
                %swap3A_506 = arith.constant 176 : index
                %swap3A_507 = tpu.vector_load %arg16[%swap3A_505, %swap3A_506] {strides = array<i32>} : memref<144x256xf32, #tpu.memory_space<vmem>>, vector<16xf32>,
                tpu.vector_store %arg16[%swap3A_505, %swap3A_506], %get3A_504 {add = true, strides = array<i32>} : memref<144x256xf32, #tpu.memory_space<vmem>>, vector<16xf32>,
                %get3A_508 = arith.index_cast %rem3A_266 : i32 to index
                %get3A_509 = arith.index_cast %scan3A_418 : i32 to index
                %get3A_510 = arith.constant 192 : index
                %get3A_511 = tpu.vector_load %arg15[%get3A_508, %get3A_509, %get3A_510] {strides = array<i32>} : memref<2x64x256xf32, #tpu.memory_space<vmem>>, vector<16xf32>,
                %swap3A_512 = arith.index_cast %squeeze3A_423 : i32 to index
                %swap3A_513 = arith.constant 192 : index
                %swap3A_514 = tpu.vector_load %arg16[%swap3A_512, %swap3A_513] {strides = array<i32>} : memref<144x256xf32, #tpu.memory_space<vmem>>, vector<16xf32>,
                tpu.vector_store %arg16[%swap3A_512, %swap3A_513], %get3A_511 {add = true, strides = array<i32>} : memref<144x256xf32, #tpu.memory_space<vmem>>, vector<16xf32>,
                %get3A_515 = arith.index_cast %rem3A_266 : i32 to index
                %get3A_516 = arith.index_cast %scan3A_418 : i32 to index
                %get3A_517 = arith.constant 208 : index
                %get3A_518 = tpu.vector_load %arg15[%get3A_515, %get3A_516, %get3A_517] {strides = array<i32>} : memref<2x64x256xf32, #tpu.memory_space<vmem>>, vector<16xf32>,
                %swap3A_519 = arith.index_cast %squeeze3A_423 : i32 to index
                %swap3A_520 = arith.constant 208 : index
                %swap3A_521 = tpu.vector_load %arg16[%swap3A_519, %swap3A_520] {strides = array<i32>} : memref<144x256xf32, #tpu.memory_space<vmem>>, vector<16xf32>,
                tpu.vector_store %arg16[%swap3A_519, %swap3A_520], %get3A_518 {add = true, strides = array<i32>} : memref<144x256xf32, #tpu.memory_space<vmem>>, vector<16xf32>,
                %get3A_522 = arith.index_cast %rem3A_266 : i32 to index
                %get3A_523 = arith.index_cast %scan3A_418 : i32 to index
                %get3A_524 = arith.constant 224 : index
                %get3A_525 = tpu.vector_load %arg15[%get3A_522, %get3A_523, %get3A_524] {strides = array<i32>} : memref<2x64x256xf32, #tpu.memory_space<vmem>>, vector<16xf32>,
                %swap3A_526 = arith.index_cast %squeeze3A_423 : i32 to index
                %swap3A_527 = arith.constant 224 : index
                %swap3A_528 = tpu.vector_load %arg16[%swap3A_526, %swap3A_527] {strides = array<i32>} : memref<144x256xf32, #tpu.memory_space<vmem>>, vector<16xf32>,
                tpu.vector_store %arg16[%swap3A_526, %swap3A_527], %get3A_525 {add = true, strides = array<i32>} : memref<144x256xf32, #tpu.memory_space<vmem>>, vector<16xf32>,
                %get3A_529 = arith.index_cast %rem3A_266 : i32 to index
                %get3A_530 = arith.index_cast %scan3A_418 : i32 to index
                %get3A_531 = arith.constant 240 : index
                %get3A_532 = tpu.vector_load %arg15[%get3A_529, %get3A_530, %get3A_531] {strides = array<i32>} : memref<2x64x256xf32, #tpu.memory_space<vmem>>, vector<16xf32>,
                %swap3A_533 = arith.index_cast %squeeze3A_423 : i32 to index
                %swap3A_534 = arith.constant 240 : index
                %swap3A_535 = tpu.vector_load %arg16[%swap3A_533, %swap3A_534] {strides = array<i32>} : memref<144x256xf32, #tpu.memory_space<vmem>>, vector<16xf32>,
                tpu.vector_store %arg16[%swap3A_533, %swap3A_534], %get3A_532 {add = true, strides = array<i32>} : memref<144x256xf32, #tpu.memory_space<vmem>>, vector<16xf32>,
                %scan3A_536 = arith.constant 0 : i32
                scf.yield %scan3A_536 : i32
              }
              %scan3A_295 = arith.constant 64 : i32
              %while3A_296 = arith.constant 0 : i32
              scf.yield %while3A_296 : i32
            }
            %gt3A_255 = arith.constant 0 : i32
            %gt3A_256 = arith.cmpi sgt, %select_n3A_237, %gt3A_255 : i32
            %convert_element_type3A_257 = arith.extui %gt3A_256 : i1 to i32
            %cond3A_258 = arith.constant 0 : i32
            %cond3A_259 = arith.cmpi ne, %convert_element_type3A_257, %cond3A_258 : i32
            scf.if %cond3A_259 {
              %mul3A_263 = arith.constant 64 : i32
              %mul3A_264 = arith.muli %select_n3A_237, %mul3A_263 : i32
              %add3A_265 = arith.constant 0 : i32
              %add3A_266 = arith.addi %mul3A_264, %add3A_265 : i32
              %get3A_267 = arith.index_cast %add3A_266 : i32 to index
              %get3A_268 = tpu.vector_load %arg13[%get3A_267] {strides = array<i32>} : memref<576xi32, #tpu.memory_space<vmem>>, vector<16xi32>,
              %mul3A_269 = arith.constant 64 : i32
              %mul3A_270 = arith.muli %select_n3A_237, %mul3A_269 : i32
              %add3A_271 = arith.constant 0 : i32
              %add3A_272 = arith.addi %mul3A_270, %add3A_271 : i32
              %get3A_273 = arith.index_cast %add3A_272 : i32 to index
              %get3A_274 = tpu.vector_load %arg14[%get3A_273] {strides = array<i32>} : memref<576xi32, #tpu.memory_space<vmem>>, vector<16xi32>,
              %swap3A_275 = arith.constant 0 : index
              %swap3A_276 = tpu.vector_load %arg13[%swap3A_275] {strides = array<i32>} : memref<576xi32, #tpu.memory_space<vmem>>, vector<16xi32>,
              tpu.vector_store %arg13[%swap3A_275], %get3A_268 {strides = array<i32>} : memref<576xi32, #tpu.memory_space<vmem>>, vector<16xi32>,
              %swap3A_277 = arith.constant 0 : index
              %swap3A_278 = tpu.vector_load %arg14[%swap3A_277] {strides = array<i32>} : memref<576xi32, #tpu.memory_space<vmem>>, vector<16xi32>,
              tpu.vector_store %arg14[%swap3A_277], %get3A_274 {strides = array<i32>} : memref<576xi32, #tpu.memory_space<vmem>>, vector<16xi32>,
              %mul3A_279 = arith.constant 64 : i32
              %mul3A_280 = arith.muli %select_n3A_237, %mul3A_279 : i32
              %add3A_281 = arith.constant 16 : i32
              %add3A_282 = arith.addi %mul3A_280, %add3A_281 : i32
              %get3A_283 = arith.index_cast %add3A_282 : i32 to index
              %get3A_284 = tpu.vector_load %arg13[%get3A_283] {strides = array<i32>} : memref<576xi32, #tpu.memory_space<vmem>>, vector<16xi32>,
              %mul3A_285 = arith.constant 64 : i32
              %mul3A_286 = arith.muli %select_n3A_237, %mul3A_285 : i32
              %add3A_287 = arith.constant 16 : i32
              %add3A_288 = arith.addi %mul3A_286, %add3A_287 : i32
              %get3A_289 = arith.index_cast %add3A_288 : i32 to index
              %get3A_290 = tpu.vector_load %arg14[%get3A_289] {strides = array<i32>} : memref<576xi32, #tpu.memory_space<vmem>>, vector<16xi32>,
              %swap3A_291 = arith.constant 16 : index
              %swap3A_292 = tpu.vector_load %arg13[%swap3A_291] {strides = array<i32>} : memref<576xi32, #tpu.memory_space<vmem>>, vector<16xi32>,
              tpu.vector_store %arg13[%swap3A_291], %get3A_284 {strides = array<i32>} : memref<576xi32, #tpu.memory_space<vmem>>, vector<16xi32>,
              %swap3A_293 = arith.constant 16 : index
              %swap3A_294 = tpu.vector_load %arg14[%swap3A_293] {strides = array<i32>} : memref<576xi32, #tpu.memory_space<vmem>>, vector<16xi32>,
              tpu.vector_store %arg14[%swap3A_293], %get3A_290 {strides = array<i32>} : memref<576xi32, #tpu.memory_space<vmem>>, vector<16xi32>,
              %mul3A_295 = arith.constant 64 : i32
              %mul3A_296 = arith.muli %select_n3A_237, %mul3A_295 : i32
              %add3A_297 = arith.constant 32 : i32
              %add3A_298 = arith.addi %mul3A_296, %add3A_297 : i32
              %get3A_299 = arith.index_cast %add3A_298 : i32 to index
              %get3A_300 = tpu.vector_load %arg13[%get3A_299] {strides = array<i32>} : memref<576xi32, #tpu.memory_space<vmem>>, vector<16xi32>,
              %mul3A_301 = arith.constant 64 : i32
              %mul3A_302 = arith.muli %select_n3A_237, %mul3A_301 : i32
              %add3A_303 = arith.constant 32 : i32
              %add3A_304 = arith.addi %mul3A_302, %add3A_303 : i32
              %get3A_305 = arith.index_cast %add3A_304 : i32 to index
              %get3A_306 = tpu.vector_load %arg14[%get3A_305] {strides = array<i32>} : memref<576xi32, #tpu.memory_space<vmem>>, vector<16xi32>,
              %swap3A_307 = arith.constant 32 : index
              %swap3A_308 = tpu.vector_load %arg13[%swap3A_307] {strides = array<i32>} : memref<576xi32, #tpu.memory_space<vmem>>, vector<16xi32>,
              tpu.vector_store %arg13[%swap3A_307], %get3A_300 {strides = array<i32>} : memref<576xi32, #tpu.memory_space<vmem>>, vector<16xi32>,
              %swap3A_309 = arith.constant 32 : index
              %swap3A_310 = tpu.vector_load %arg14[%swap3A_309] {strides = array<i32>} : memref<576xi32, #tpu.memory_space<vmem>>, vector<16xi32>,
              tpu.vector_store %arg14[%swap3A_309], %get3A_306 {strides = array<i32>} : memref<576xi32, #tpu.memory_space<vmem>>, vector<16xi32>,
              %mul3A_311 = arith.constant 64 : i32
              %mul3A_312 = arith.muli %select_n3A_237, %mul3A_311 : i32
              %add3A_313 = arith.constant 48 : i32
              %add3A_314 = arith.addi %mul3A_312, %add3A_313 : i32
              %get3A_315 = arith.index_cast %add3A_314 : i32 to index
              %get3A_316 = tpu.vector_load %arg13[%get3A_315] {strides = array<i32>} : memref<576xi32, #tpu.memory_space<vmem>>, vector<16xi32>,
              %mul3A_317 = arith.constant 64 : i32
              %mul3A_318 = arith.muli %select_n3A_237, %mul3A_317 : i32
              %add3A_319 = arith.constant 48 : i32
              %add3A_320 = arith.addi %mul3A_318, %add3A_319 : i32
              %get3A_321 = arith.index_cast %add3A_320 : i32 to index
              %get3A_322 = tpu.vector_load %arg14[%get3A_321] {strides = array<i32>} : memref<576xi32, #tpu.memory_space<vmem>>, vector<16xi32>,
              %swap3A_323 = arith.constant 48 : index
              %swap3A_324 = tpu.vector_load %arg13[%swap3A_323] {strides = array<i32>} : memref<576xi32, #tpu.memory_space<vmem>>, vector<16xi32>,
              tpu.vector_store %arg13[%swap3A_323], %get3A_316 {strides = array<i32>} : memref<576xi32, #tpu.memory_space<vmem>>, vector<16xi32>,
              %swap3A_325 = arith.constant 48 : index
              %swap3A_326 = tpu.vector_load %arg14[%swap3A_325] {strides = array<i32>} : memref<576xi32, #tpu.memory_space<vmem>>, vector<16xi32>,
              tpu.vector_store %arg14[%swap3A_325], %get3A_322 {strides = array<i32>} : memref<576xi32, #tpu.memory_space<vmem>>, vector<16xi32>,
            } else {
            }
            %mul3A_260 = arith.constant 64 : i32
            %mul3A_261 = arith.muli %select_n3A_237, %mul3A_260 : i32
            %sub3A_262 = arith.subi %squeeze3A_213, %mul3A_261 : i32
            scf.yield %sub3A_262 : i32
          }
          scf.yield %while3A_162 : i32
        }
        %scan3A_96 = arith.constant 16 : i32
        %gt3A = arith.constant 0 : i32
        %gt3A_97 = arith.cmpi sgt, %scan3A_95, %gt3A : i32
        %convert_element_type3A_98 = arith.extui %gt3A_97 : i1 to i32
        %cond3A_99 = arith.constant 0 : i32
        %cond3A_100 = arith.cmpi ne, %convert_element_type3A_98, %cond3A_99 : i32
        scf.if %cond3A_100 {
          %iota3A = tpu.iota {dimensions = array<i32: 0>} : vector<16xi32>
          %add3A_111 = arith.constant 0 : i32
          %add3A_112 = arith.addi %scan3A_95, %add3A_111 : i32
          %swap3A_113 = arith.index_cast %add3A_112 : i32 to index
          %swap3A_114 = tpu.vector_load %arg13[%swap3A_113] {strides = array<i32>} : memref<576xi32, #tpu.memory_space<vmem>>, vector<16xi32>,
          tpu.vector_store %arg13[%swap3A_113], %iota3A {strides = array<i32>} : memref<576xi32, #tpu.memory_space<vmem>>, vector<16xi32>,
          %add3A_115 = arith.constant 128 : i32
          %add3A_116 = vector.broadcast %add3A_115 : i32 to vector<16xi32>
          %add3A_117 = arith.addi %add3A_116, %iota3A : vector<16xi32>
          %add3A_118 = arith.constant 0 : i32
          %add3A_119 = arith.addi %scan3A_95, %add3A_118 : i32
          %swap3A_120 = arith.index_cast %add3A_119 : i32 to index
          %swap3A_121 = tpu.vector_load %arg14[%swap3A_120] {strides = array<i32>} : memref<576xi32, #tpu.memory_space<vmem>>, vector<16xi32>,
          tpu.vector_store %arg14[%swap3A_120], %add3A_117 {strides = array<i32>} : memref<576xi32, #tpu.memory_space<vmem>>, vector<16xi32>,
          %iota3A_122 = tpu.iota {dimensions = array<i32: 0>} : vector<16xi32>
          %add3A_123 = arith.constant 16 : i32
          %add3A_124 = arith.addi %scan3A_95, %add3A_123 : i32
          %swap3A_125 = arith.index_cast %add3A_124 : i32 to index
          %swap3A_126 = tpu.vector_load %arg13[%swap3A_125] {strides = array<i32>} : memref<576xi32, #tpu.memory_space<vmem>>, vector<16xi32>,
          tpu.vector_store %arg13[%swap3A_125], %iota3A_122 {strides = array<i32>} : memref<576xi32, #tpu.memory_space<vmem>>, vector<16xi32>,
          %add3A_127 = arith.constant 128 : i32
          %add3A_128 = vector.broadcast %add3A_127 : i32 to vector<16xi32>
          %add3A_129 = arith.addi %add3A_128, %iota3A_122 : vector<16xi32>
          %add3A_130 = arith.constant 16 : i32
          %add3A_131 = arith.addi %scan3A_95, %add3A_130 : i32
          %swap3A_132 = arith.index_cast %add3A_131 : i32 to index
          %swap3A_133 = tpu.vector_load %arg14[%swap3A_132] {strides = array<i32>} : memref<576xi32, #tpu.memory_space<vmem>>, vector<16xi32>,
          tpu.vector_store %arg14[%swap3A_132], %add3A_129 {strides = array<i32>} : memref<576xi32, #tpu.memory_space<vmem>>, vector<16xi32>,
          %iota3A_134 = tpu.iota {dimensions = array<i32: 0>} : vector<16xi32>
          %add3A_135 = arith.constant 32 : i32
          %add3A_136 = arith.addi %scan3A_95, %add3A_135 : i32
          %swap3A_137 = arith.index_cast %add3A_136 : i32 to index
          %swap3A_138 = tpu.vector_load %arg13[%swap3A_137] {strides = array<i32>} : memref<576xi32, #tpu.memory_space<vmem>>, vector<16xi32>,
          tpu.vector_store %arg13[%swap3A_137], %iota3A_134 {strides = array<i32>} : memref<576xi32, #tpu.memory_space<vmem>>, vector<16xi32>,
          %add3A_139 = arith.constant 128 : i32
          %add3A_140 = vector.broadcast %add3A_139 : i32 to vector<16xi32>
          %add3A_141 = arith.addi %add3A_140, %iota3A_134 : vector<16xi32>
          %add3A_142 = arith.constant 32 : i32
          %add3A_143 = arith.addi %scan3A_95, %add3A_142 : i32
          %swap3A_144 = arith.index_cast %add3A_143 : i32 to index
          %swap3A_145 = tpu.vector_load %arg14[%swap3A_144] {strides = array<i32>} : memref<576xi32, #tpu.memory_space<vmem>>, vector<16xi32>,
          tpu.vector_store %arg14[%swap3A_144], %add3A_141 {strides = array<i32>} : memref<576xi32, #tpu.memory_space<vmem>>, vector<16xi32>,
          %iota3A_146 = tpu.iota {dimensions = array<i32: 0>} : vector<16xi32>
          %add3A_147 = arith.constant 48 : i32
          %add3A_148 = arith.addi %scan3A_95, %add3A_147 : i32
          %swap3A_149 = arith.index_cast %add3A_148 : i32 to index
          %swap3A_150 = tpu.vector_load %arg13[%swap3A_149] {strides = array<i32>} : memref<576xi32, #tpu.memory_space<vmem>>, vector<16xi32>,
          tpu.vector_store %arg13[%swap3A_149], %iota3A_146 {strides = array<i32>} : memref<576xi32, #tpu.memory_space<vmem>>, vector<16xi32>,
          %add3A_151 = arith.constant 128 : i32
          %add3A_152 = vector.broadcast %add3A_151 : i32 to vector<16xi32>
          %add3A_153 = arith.addi %add3A_152, %iota3A_146 : vector<16xi32>
          %add3A_154 = arith.constant 48 : i32
          %add3A_155 = arith.addi %scan3A_95, %add3A_154 : i32
          %swap3A_156 = arith.index_cast %add3A_155 : i32 to index
          %swap3A_157 = tpu.vector_load %arg14[%swap3A_156] {strides = array<i32>} : memref<576xi32, #tpu.memory_space<vmem>>, vector<16xi32>,
          tpu.vector_store %arg14[%swap3A_156], %add3A_153 {strides = array<i32>} : memref<576xi32, #tpu.memory_space<vmem>>, vector<16xi32>,
          %dma_start3A_158 = arith.constant 0 : i32
          %dma_start3A_159 = arith.constant 0 : i32
          %dma_start3A_160 = arith.constant 0 : i32
          %dma_start3A_161 = tpu.memref_slice %arg15[%dma_start3A_158, %dma_start3A_159, %dma_start3A_160] : memref<2x64x256xf32, #tpu.memory_space<vmem>> -> memref<1x64x256xf32, #tpu.memory_space<vmem>>
          %dma_start3A_162 = tpu.memref_squeeze %dma_start3A_161 : memref<1x64x256xf32, #tpu.memory_space<vmem>> -> memref<64x256xf32, #tpu.memory_space<vmem>>
          %dma_start3A_163 = arith.constant 0 : i32
          %dma_start3A_164 = tpu.memref_slice %arg13[%dma_start3A_163] : memref<576xi32, #tpu.memory_space<vmem>> -> memref<64xi32, #tpu.memory_space<vmem>>
          %dma_start3A_165 = arith.constant 0 : i32
          %dma_start3A_166 = arith.constant 0 : i32
          %dma_start3A_167 = tpu.memref_slice %arg4[%dma_start3A_165, %dma_start3A_166] : memref<80000x256xf32, #tpu.memory_space<hbm>> -> memref<80000x256xf32, #tpu.memory_space<hbm>>
          tpu.enqueue_indirect_dma source(%dma_start3A_167 : memref<80000x256xf32, #tpu.memory_space<hbm>>) target(%dma_start3A_162 : memref<64x256xf32, #tpu.memory_space<vmem>>) offsets(%dma_start3A_164 : memref<64xi32, #tpu.memory_space<vmem>>) semaphore(%arg22 : memref<!tpu.dma_semaphore, #tpu.memory_space<semaphore_mem>>)
          %dma_wait3A_168 = arith.constant 0 : i32
          %dma_wait3A_169 = arith.constant 0 : i32
          %dma_wait3A_170 = arith.constant 0 : i32
          %dma_wait3A_171 = tpu.memref_slice %arg15[%dma_wait3A_168, %dma_wait3A_169, %dma_wait3A_170] : memref<2x64x256xf32, #tpu.memory_space<vmem>> -> memref<1x64x256xf32, #tpu.memory_space<vmem>>
          %dma_wait3A_172 = tpu.memref_squeeze %dma_wait3A_171 : memref<1x64x256xf32, #tpu.memory_space<vmem>> -> memref<64x256xf32, #tpu.memory_space<vmem>>
          %dma_wait3A_173 = arith.constant 0 : i32
          %dma_wait3A_174 = arith.constant 0 : i32
          %dma_wait3A_175 = tpu.memref_slice %arg4[%dma_wait3A_173, %dma_wait3A_174] : memref<80000x256xf32, #tpu.memory_space<hbm>> -> memref<64x256xf32, #tpu.memory_space<hbm>>
          %dma_wait3A_176 = arith.constant 0 : i32
          %dma_wait3A_177 = arith.constant 0 : i32
          %dma_wait3A_178 = tpu.memref_slice %arg15[%dma_wait3A_168, %dma_wait3A_176, %dma_wait3A_177] : memref<2x64x256xf32, #tpu.memory_space<vmem>> -> memref<1x64x256xf32, #tpu.memory_space<vmem>>
          %dma_wait3A_179 = tpu.memref_squeeze %dma_wait3A_178 : memref<1x64x256xf32, #tpu.memory_space<vmem>> -> memref<64x256xf32, #tpu.memory_space<vmem>>
          %dma_wait3A_180 = arith.constant 0 : i32
          %dma_wait3A_181 = arith.constant 0 : i32
          %dma_wait3A_182 = tpu.memref_slice %arg4[%dma_wait3A_180, %dma_wait3A_181] : memref<80000x256xf32, #tpu.memory_space<hbm>> -> memref<64x256xf32, #tpu.memory_space<hbm>>
          tpu.wait_dma2 semaphore(%arg22 : memref<!tpu.dma_semaphore, #tpu.memory_space<semaphore_mem>>) src(%dma_wait3A_182 : memref<64x256xf32, #tpu.memory_space<hbm>>) dst(%dma_wait3A_179 : memref<64x256xf32, #tpu.memory_space<vmem>>)
          %scan3A_183 = arith.constant 0 : i32
          %scan3A_184 = arith.constant 0 : i32
          %scan3A_185 = arith.constant 64 : i32
          %scan3A_186 = arith.addi %scan3A_184, %scan3A_185 : i32
          %scan3A_187 = arith.constant 2 : i32
          %scan3A_188 = scf.for %scan3A_190 = %scan3A_184 to %scan3A_186 step %scan3A_187 iter_args(%scan3A_191 = %scan3A_183) -> (i32)  : i32 {
            %add3A_192 = arith.constant 0 : i32
            %add3A_193 = arith.addi %add3A_192, %scan3A_190 : i32
            %get3A = arith.index_cast %add3A_193 : i32 to index
            %get3A_194 = tpu.vector_load %arg14[%get3A] {strides = array<i32>} : memref<576xi32, #tpu.memory_space<vmem>>, vector<16xi32>,
            %slice3A_195 = vector.extract_strided_slice %get3A_194 {offsets = [0], sizes = [1], strides = [1]} : vector<16xi32> to vector<1xi32>
            %squeeze3A_196 = vector.extract %slice3A_195[0] : i32 from vector<1xi32>
            %get3A_197 = arith.constant 0 : i32
            %get3A_198 = arith.index_cast %get3A_197 : i32 to index
            %get3A_199 = arith.index_cast %scan3A_190 : i32 to index
            %get3A_200 = arith.constant 0 : index
            %get3A_201 = tpu.vector_load %arg15[%get3A_198, %get3A_199, %get3A_200] {strides = array<i32>} : memref<2x64x256xf32, #tpu.memory_space<vmem>>, vector<16xf32>,
            %swap3A_202 = arith.index_cast %squeeze3A_196 : i32 to index
            %swap3A_203 = arith.constant 0 : index
            %swap3A_204 = tpu.vector_load %arg16[%swap3A_202, %swap3A_203] {strides = array<i32>} : memref<144x256xf32, #tpu.memory_space<vmem>>, vector<16xf32>,
            tpu.vector_store %arg16[%swap3A_202, %swap3A_203], %get3A_201 {add = true, strides = array<i32>} : memref<144x256xf32, #tpu.memory_space<vmem>>, vector<16xf32>,
            %get3A_205 = arith.constant 0 : i32
            %get3A_206 = arith.index_cast %get3A_205 : i32 to index
            %get3A_207 = arith.index_cast %scan3A_190 : i32 to index
            %get3A_208 = arith.constant 16 : index
            %get3A_209 = tpu.vector_load %arg15[%get3A_206, %get3A_207, %get3A_208] {strides = array<i32>} : memref<2x64x256xf32, #tpu.memory_space<vmem>>, vector<16xf32>,
            %swap3A_210 = arith.index_cast %squeeze3A_196 : i32 to index
            %swap3A_211 = arith.constant 16 : index
            %swap3A_212 = tpu.vector_load %arg16[%swap3A_210, %swap3A_211] {strides = array<i32>} : memref<144x256xf32, #tpu.memory_space<vmem>>, vector<16xf32>,
            tpu.vector_store %arg16[%swap3A_210, %swap3A_211], %get3A_209 {add = true, strides = array<i32>} : memref<144x256xf32, #tpu.memory_space<vmem>>, vector<16xf32>,
            %get3A_213 = arith.constant 0 : i32
            %get3A_214 = arith.index_cast %get3A_213 : i32 to index
            %get3A_215 = arith.index_cast %scan3A_190 : i32 to index
            %get3A_216 = arith.constant 32 : index
            %get3A_217 = tpu.vector_load %arg15[%get3A_214, %get3A_215, %get3A_216] {strides = array<i32>} : memref<2x64x256xf32, #tpu.memory_space<vmem>>, vector<16xf32>,
            %swap3A_218 = arith.index_cast %squeeze3A_196 : i32 to index
            %swap3A_219 = arith.constant 32 : index
            %swap3A_220 = tpu.vector_load %arg16[%swap3A_218, %swap3A_219] {strides = array<i32>} : memref<144x256xf32, #tpu.memory_space<vmem>>, vector<16xf32>,
            tpu.vector_store %arg16[%swap3A_218, %swap3A_219], %get3A_217 {add = true, strides = array<i32>} : memref<144x256xf32, #tpu.memory_space<vmem>>, vector<16xf32>,
            %get3A_221 = arith.constant 0 : i32
            %get3A_222 = arith.index_cast %get3A_221 : i32 to index
            %get3A_223 = arith.index_cast %scan3A_190 : i32 to index
            %get3A_224 = arith.constant 48 : index
            %get3A_225 = tpu.vector_load %arg15[%get3A_222, %get3A_223, %get3A_224] {strides = array<i32>} : memref<2x64x256xf32, #tpu.memory_space<vmem>>, vector<16xf32>,
            %swap3A_226 = arith.index_cast %squeeze3A_196 : i32 to index
            %swap3A_227 = arith.constant 48 : index
            %swap3A_228 = tpu.vector_load %arg16[%swap3A_226, %swap3A_227] {strides = array<i32>} : memref<144x256xf32, #tpu.memory_space<vmem>>, vector<16xf32>,
            tpu.vector_store %arg16[%swap3A_226, %swap3A_227], %get3A_225 {add = true, strides = array<i32>} : memref<144x256xf32, #tpu.memory_space<vmem>>, vector<16xf32>,
            %get3A_229 = arith.constant 0 : i32
            %get3A_230 = arith.index_cast %get3A_229 : i32 to index
            %get3A_231 = arith.index_cast %scan3A_190 : i32 to index
            %get3A_232 = arith.constant 64 : index
            %get3A_233 = tpu.vector_load %arg15[%get3A_230, %get3A_231, %get3A_232] {strides = array<i32>} : memref<2x64x256xf32, #tpu.memory_space<vmem>>, vector<16xf32>,
            %swap3A_234 = arith.index_cast %squeeze3A_196 : i32 to index
            %swap3A_235 = arith.constant 64 : index
            %swap3A_236 = tpu.vector_load %arg16[%swap3A_234, %swap3A_235] {strides = array<i32>} : memref<144x256xf32, #tpu.memory_space<vmem>>, vector<16xf32>,
            tpu.vector_store %arg16[%swap3A_234, %swap3A_235], %get3A_233 {add = true, strides = array<i32>} : memref<144x256xf32, #tpu.memory_space<vmem>>, vector<16xf32>,
            %get3A_237 = arith.constant 0 : i32
            %get3A_238 = arith.index_cast %get3A_237 : i32 to index
            %get3A_239 = arith.index_cast %scan3A_190 : i32 to index
            %get3A_240 = arith.constant 80 : index
            %get3A_241 = tpu.vector_load %arg15[%get3A_238, %get3A_239, %get3A_240] {strides = array<i32>} : memref<2x64x256xf32, #tpu.memory_space<vmem>>, vector<16xf32>,
            %swap3A_242 = arith.index_cast %squeeze3A_196 : i32 to index
            %swap3A_243 = arith.constant 80 : index
            %swap3A_244 = tpu.vector_load %arg16[%swap3A_242, %swap3A_243] {strides = array<i32>} : memref<144x256xf32, #tpu.memory_space<vmem>>, vector<16xf32>,
            tpu.vector_store %arg16[%swap3A_242, %swap3A_243], %get3A_241 {add = true, strides = array<i32>} : memref<144x256xf32, #tpu.memory_space<vmem>>, vector<16xf32>,
            %get3A_245 = arith.constant 0 : i32
            %get3A_246 = arith.index_cast %get3A_245 : i32 to index
            %get3A_247 = arith.index_cast %scan3A_190 : i32 to index
            %get3A_248 = arith.constant 96 : index
            %get3A_249 = tpu.vector_load %arg15[%get3A_246, %get3A_247, %get3A_248] {strides = array<i32>} : memref<2x64x256xf32, #tpu.memory_space<vmem>>, vector<16xf32>,
            %swap3A_250 = arith.index_cast %squeeze3A_196 : i32 to index
            %swap3A_251 = arith.constant 96 : index
            %swap3A_252 = tpu.vector_load %arg16[%swap3A_250, %swap3A_251] {strides = array<i32>} : memref<144x256xf32, #tpu.memory_space<vmem>>, vector<16xf32>,
            tpu.vector_store %arg16[%swap3A_250, %swap3A_251], %get3A_249 {add = true, strides = array<i32>} : memref<144x256xf32, #tpu.memory_space<vmem>>, vector<16xf32>,
            %get3A_253 = arith.constant 0 : i32
            %get3A_254 = arith.index_cast %get3A_253 : i32 to index
            %get3A_255 = arith.index_cast %scan3A_190 : i32 to index
            %get3A_256 = arith.constant 112 : index
            %get3A_257 = tpu.vector_load %arg15[%get3A_254, %get3A_255, %get3A_256] {strides = array<i32>} : memref<2x64x256xf32, #tpu.memory_space<vmem>>, vector<16xf32>,
            %swap3A_258 = arith.index_cast %squeeze3A_196 : i32 to index
            %swap3A_259 = arith.constant 112 : index
            %swap3A_260 = tpu.vector_load %arg16[%swap3A_258, %swap3A_259] {strides = array<i32>} : memref<144x256xf32, #tpu.memory_space<vmem>>, vector<16xf32>,
            tpu.vector_store %arg16[%swap3A_258, %swap3A_259], %get3A_257 {add = true, strides = array<i32>} : memref<144x256xf32, #tpu.memory_space<vmem>>, vector<16xf32>,
            %get3A_261 = arith.constant 0 : i32
            %get3A_262 = arith.index_cast %get3A_261 : i32 to index
            %get3A_263 = arith.index_cast %scan3A_190 : i32 to index
            %get3A_264 = arith.constant 128 : index
            %get3A_265 = tpu.vector_load %arg15[%get3A_262, %get3A_263, %get3A_264] {strides = array<i32>} : memref<2x64x256xf32, #tpu.memory_space<vmem>>, vector<16xf32>,
            %swap3A_266 = arith.index_cast %squeeze3A_196 : i32 to index
            %swap3A_267 = arith.constant 128 : index
            %swap3A_268 = tpu.vector_load %arg16[%swap3A_266, %swap3A_267] {strides = array<i32>} : memref<144x256xf32, #tpu.memory_space<vmem>>, vector<16xf32>,
            tpu.vector_store %arg16[%swap3A_266, %swap3A_267], %get3A_265 {add = true, strides = array<i32>} : memref<144x256xf32, #tpu.memory_space<vmem>>, vector<16xf32>,
            %get3A_269 = arith.constant 0 : i32
            %get3A_270 = arith.index_cast %get3A_269 : i32 to index
            %get3A_271 = arith.index_cast %scan3A_190 : i32 to index
            %get3A_272 = arith.constant 144 : index
            %get3A_273 = tpu.vector_load %arg15[%get3A_270, %get3A_271, %get3A_272] {strides = array<i32>} : memref<2x64x256xf32, #tpu.memory_space<vmem>>, vector<16xf32>,
            %swap3A_274 = arith.index_cast %squeeze3A_196 : i32 to index
            %swap3A_275 = arith.constant 144 : index
            %swap3A_276 = tpu.vector_load %arg16[%swap3A_274, %swap3A_275] {strides = array<i32>} : memref<144x256xf32, #tpu.memory_space<vmem>>, vector<16xf32>,
            tpu.vector_store %arg16[%swap3A_274, %swap3A_275], %get3A_273 {add = true, strides = array<i32>} : memref<144x256xf32, #tpu.memory_space<vmem>>, vector<16xf32>,
            %get3A_277 = arith.constant 0 : i32
            %get3A_278 = arith.index_cast %get3A_277 : i32 to index
            %get3A_279 = arith.index_cast %scan3A_190 : i32 to index
            %get3A_280 = arith.constant 160 : index
            %get3A_281 = tpu.vector_load %arg15[%get3A_278, %get3A_279, %get3A_280] {strides = array<i32>} : memref<2x64x256xf32, #tpu.memory_space<vmem>>, vector<16xf32>,
            %swap3A_282 = arith.index_cast %squeeze3A_196 : i32 to index
            %swap3A_283 = arith.constant 160 : index
            %swap3A_284 = tpu.vector_load %arg16[%swap3A_282, %swap3A_283] {strides = array<i32>} : memref<144x256xf32, #tpu.memory_space<vmem>>, vector<16xf32>,
            tpu.vector_store %arg16[%swap3A_282, %swap3A_283], %get3A_281 {add = true, strides = array<i32>} : memref<144x256xf32, #tpu.memory_space<vmem>>, vector<16xf32>,
            %get3A_285 = arith.constant 0 : i32
            %get3A_286 = arith.index_cast %get3A_285 : i32 to index
            %get3A_287 = arith.index_cast %scan3A_190 : i32 to index
            %get3A_288 = arith.constant 176 : index
            %get3A_289 = tpu.vector_load %arg15[%get3A_286, %get3A_287, %get3A_288] {strides = array<i32>} : memref<2x64x256xf32, #tpu.memory_space<vmem>>, vector<16xf32>,
            %swap3A_290 = arith.index_cast %squeeze3A_196 : i32 to index
            %swap3A_291 = arith.constant 176 : index
            %swap3A_292 = tpu.vector_load %arg16[%swap3A_290, %swap3A_291] {strides = array<i32>} : memref<144x256xf32, #tpu.memory_space<vmem>>, vector<16xf32>,
            tpu.vector_store %arg16[%swap3A_290, %swap3A_291], %get3A_289 {add = true, strides = array<i32>} : memref<144x256xf32, #tpu.memory_space<vmem>>, vector<16xf32>,
            %get3A_293 = arith.constant 0 : i32
            %get3A_294 = arith.index_cast %get3A_293 : i32 to index
            %get3A_295 = arith.index_cast %scan3A_190 : i32 to index
            %get3A_296 = arith.constant 192 : index
            %get3A_297 = tpu.vector_load %arg15[%get3A_294, %get3A_295, %get3A_296] {strides = array<i32>} : memref<2x64x256xf32, #tpu.memory_space<vmem>>, vector<16xf32>,
            %swap3A_298 = arith.index_cast %squeeze3A_196 : i32 to index
            %swap3A_299 = arith.constant 192 : index
            %swap3A_300 = tpu.vector_load %arg16[%swap3A_298, %swap3A_299] {strides = array<i32>} : memref<144x256xf32, #tpu.memory_space<vmem>>, vector<16xf32>,
            tpu.vector_store %arg16[%swap3A_298, %swap3A_299], %get3A_297 {add = true, strides = array<i32>} : memref<144x256xf32, #tpu.memory_space<vmem>>, vector<16xf32>,
            %get3A_301 = arith.constant 0 : i32
            %get3A_302 = arith.index_cast %get3A_301 : i32 to index
            %get3A_303 = arith.index_cast %scan3A_190 : i32 to index
            %get3A_304 = arith.constant 208 : index
            %get3A_305 = tpu.vector_load %arg15[%get3A_302, %get3A_303, %get3A_304] {strides = array<i32>} : memref<2x64x256xf32, #tpu.memory_space<vmem>>, vector<16xf32>,
            %swap3A_306 = arith.index_cast %squeeze3A_196 : i32 to index
            %swap3A_307 = arith.constant 208 : index
            %swap3A_308 = tpu.vector_load %arg16[%swap3A_306, %swap3A_307] {strides = array<i32>} : memref<144x256xf32, #tpu.memory_space<vmem>>, vector<16xf32>,
            tpu.vector_store %arg16[%swap3A_306, %swap3A_307], %get3A_305 {add = true, strides = array<i32>} : memref<144x256xf32, #tpu.memory_space<vmem>>, vector<16xf32>,
            %get3A_309 = arith.constant 0 : i32
            %get3A_310 = arith.index_cast %get3A_309 : i32 to index
            %get3A_311 = arith.index_cast %scan3A_190 : i32 to index
            %get3A_312 = arith.constant 224 : index
            %get3A_313 = tpu.vector_load %arg15[%get3A_310, %get3A_311, %get3A_312] {strides = array<i32>} : memref<2x64x256xf32, #tpu.memory_space<vmem>>, vector<16xf32>,
            %swap3A_314 = arith.index_cast %squeeze3A_196 : i32 to index
            %swap3A_315 = arith.constant 224 : index
            %swap3A_316 = tpu.vector_load %arg16[%swap3A_314, %swap3A_315] {strides = array<i32>} : memref<144x256xf32, #tpu.memory_space<vmem>>, vector<16xf32>,
            tpu.vector_store %arg16[%swap3A_314, %swap3A_315], %get3A_313 {add = true, strides = array<i32>} : memref<144x256xf32, #tpu.memory_space<vmem>>, vector<16xf32>,
            %get3A_317 = arith.constant 0 : i32
            %get3A_318 = arith.index_cast %get3A_317 : i32 to index
            %get3A_319 = arith.index_cast %scan3A_190 : i32 to index
            %get3A_320 = arith.constant 240 : index
            %get3A_321 = tpu.vector_load %arg15[%get3A_318, %get3A_319, %get3A_320] {strides = array<i32>} : memref<2x64x256xf32, #tpu.memory_space<vmem>>, vector<16xf32>,
            %swap3A_322 = arith.index_cast %squeeze3A_196 : i32 to index
            %swap3A_323 = arith.constant 240 : index
            %swap3A_324 = tpu.vector_load %arg16[%swap3A_322, %swap3A_323] {strides = array<i32>} : memref<144x256xf32, #tpu.memory_space<vmem>>, vector<16xf32>,
            tpu.vector_store %arg16[%swap3A_322, %swap3A_323], %get3A_321 {add = true, strides = array<i32>} : memref<144x256xf32, #tpu.memory_space<vmem>>, vector<16xf32>,
            %scan3A_325 = arith.constant 0 : i32
            %scan3A_326 = arith.constant 1 : i32
            %scan3A_327 = arith.addi %scan3A_190, %scan3A_326 : i32
            %add3A_328 = arith.constant 0 : i32
            %add3A_329 = arith.addi %add3A_328, %scan3A_327 : i32
            %get3A_330 = arith.index_cast %add3A_329 : i32 to index
            %get3A_331 = tpu.vector_load %arg14[%get3A_330] {strides = array<i32>} : memref<576xi32, #tpu.memory_space<vmem>>, vector<16xi32>,
            %slice3A_332 = vector.extract_strided_slice %get3A_331 {offsets = [0], sizes = [1], strides = [1]} : vector<16xi32> to vector<1xi32>
            %squeeze3A_333 = vector.extract %slice3A_332[0] : i32 from vector<1xi32>
            %get3A_334 = arith.constant 0 : i32
            %get3A_335 = arith.index_cast %get3A_334 : i32 to index
            %get3A_336 = arith.index_cast %scan3A_327 : i32 to index
            %get3A_337 = arith.constant 0 : index
            %get3A_338 = tpu.vector_load %arg15[%get3A_335, %get3A_336, %get3A_337] {strides = array<i32>} : memref<2x64x256xf32, #tpu.memory_space<vmem>>, vector<16xf32>,
            %swap3A_339 = arith.index_cast %squeeze3A_333 : i32 to index
            %swap3A_340 = arith.constant 0 : index
            %swap3A_341 = tpu.vector_load %arg16[%swap3A_339, %swap3A_340] {strides = array<i32>} : memref<144x256xf32, #tpu.memory_space<vmem>>, vector<16xf32>,
            tpu.vector_store %arg16[%swap3A_339, %swap3A_340], %get3A_338 {add = true, strides = array<i32>} : memref<144x256xf32, #tpu.memory_space<vmem>>, vector<16xf32>,
            %get3A_342 = arith.constant 0 : i32
            %get3A_343 = arith.index_cast %get3A_342 : i32 to index
            %get3A_344 = arith.index_cast %scan3A_327 : i32 to index
            %get3A_345 = arith.constant 16 : index
            %get3A_346 = tpu.vector_load %arg15[%get3A_343, %get3A_344, %get3A_345] {strides = array<i32>} : memref<2x64x256xf32, #tpu.memory_space<vmem>>, vector<16xf32>,
            %swap3A_347 = arith.index_cast %squeeze3A_333 : i32 to index
            %swap3A_348 = arith.constant 16 : index
            %swap3A_349 = tpu.vector_load %arg16[%swap3A_347, %swap3A_348] {strides = array<i32>} : memref<144x256xf32, #tpu.memory_space<vmem>>, vector<16xf32>,
            tpu.vector_store %arg16[%swap3A_347, %swap3A_348], %get3A_346 {add = true, strides = array<i32>} : memref<144x256xf32, #tpu.memory_space<vmem>>, vector<16xf32>,
            %get3A_350 = arith.constant 0 : i32
            %get3A_351 = arith.index_cast %get3A_350 : i32 to index
            %get3A_352 = arith.index_cast %scan3A_327 : i32 to index
            %get3A_353 = arith.constant 32 : index
            %get3A_354 = tpu.vector_load %arg15[%get3A_351, %get3A_352, %get3A_353] {strides = array<i32>} : memref<2x64x256xf32, #tpu.memory_space<vmem>>, vector<16xf32>,
            %swap3A_355 = arith.index_cast %squeeze3A_333 : i32 to index
            %swap3A_356 = arith.constant 32 : index
            %swap3A_357 = tpu.vector_load %arg16[%swap3A_355, %swap3A_356] {strides = array<i32>} : memref<144x256xf32, #tpu.memory_space<vmem>>, vector<16xf32>,
            tpu.vector_store %arg16[%swap3A_355, %swap3A_356], %get3A_354 {add = true, strides = array<i32>} : memref<144x256xf32, #tpu.memory_space<vmem>>, vector<16xf32>,
            %get3A_358 = arith.constant 0 : i32
            %get3A_359 = arith.index_cast %get3A_358 : i32 to index
            %get3A_360 = arith.index_cast %scan3A_327 : i32 to index
            %get3A_361 = arith.constant 48 : index
            %get3A_362 = tpu.vector_load %arg15[%get3A_359, %get3A_360, %get3A_361] {strides = array<i32>} : memref<2x64x256xf32, #tpu.memory_space<vmem>>, vector<16xf32>,
            %swap3A_363 = arith.index_cast %squeeze3A_333 : i32 to index
            %swap3A_364 = arith.constant 48 : index
            %swap3A_365 = tpu.vector_load %arg16[%swap3A_363, %swap3A_364] {strides = array<i32>} : memref<144x256xf32, #tpu.memory_space<vmem>>, vector<16xf32>,
            tpu.vector_store %arg16[%swap3A_363, %swap3A_364], %get3A_362 {add = true, strides = array<i32>} : memref<144x256xf32, #tpu.memory_space<vmem>>, vector<16xf32>,
            %get3A_366 = arith.constant 0 : i32
            %get3A_367 = arith.index_cast %get3A_366 : i32 to index
            %get3A_368 = arith.index_cast %scan3A_327 : i32 to index
            %get3A_369 = arith.constant 64 : index
            %get3A_370 = tpu.vector_load %arg15[%get3A_367, %get3A_368, %get3A_369] {strides = array<i32>} : memref<2x64x256xf32, #tpu.memory_space<vmem>>, vector<16xf32>,
            %swap3A_371 = arith.index_cast %squeeze3A_333 : i32 to index
            %swap3A_372 = arith.constant 64 : index
            %swap3A_373 = tpu.vector_load %arg16[%swap3A_371, %swap3A_372] {strides = array<i32>} : memref<144x256xf32, #tpu.memory_space<vmem>>, vector<16xf32>,
            tpu.vector_store %arg16[%swap3A_371, %swap3A_372], %get3A_370 {add = true, strides = array<i32>} : memref<144x256xf32, #tpu.memory_space<vmem>>, vector<16xf32>,
            %get3A_374 = arith.constant 0 : i32
            %get3A_375 = arith.index_cast %get3A_374 : i32 to index
            %get3A_376 = arith.index_cast %scan3A_327 : i32 to index
            %get3A_377 = arith.constant 80 : index
            %get3A_378 = tpu.vector_load %arg15[%get3A_375, %get3A_376, %get3A_377] {strides = array<i32>} : memref<2x64x256xf32, #tpu.memory_space<vmem>>, vector<16xf32>,
            %swap3A_379 = arith.index_cast %squeeze3A_333 : i32 to index
            %swap3A_380 = arith.constant 80 : index
            %swap3A_381 = tpu.vector_load %arg16[%swap3A_379, %swap3A_380] {strides = array<i32>} : memref<144x256xf32, #tpu.memory_space<vmem>>, vector<16xf32>,
            tpu.vector_store %arg16[%swap3A_379, %swap3A_380], %get3A_378 {add = true, strides = array<i32>} : memref<144x256xf32, #tpu.memory_space<vmem>>, vector<16xf32>,
            %get3A_382 = arith.constant 0 : i32
            %get3A_383 = arith.index_cast %get3A_382 : i32 to index
            %get3A_384 = arith.index_cast %scan3A_327 : i32 to index
            %get3A_385 = arith.constant 96 : index
            %get3A_386 = tpu.vector_load %arg15[%get3A_383, %get3A_384, %get3A_385] {strides = array<i32>} : memref<2x64x256xf32, #tpu.memory_space<vmem>>, vector<16xf32>,
            %swap3A_387 = arith.index_cast %squeeze3A_333 : i32 to index
            %swap3A_388 = arith.constant 96 : index
            %swap3A_389 = tpu.vector_load %arg16[%swap3A_387, %swap3A_388] {strides = array<i32>} : memref<144x256xf32, #tpu.memory_space<vmem>>, vector<16xf32>,
            tpu.vector_store %arg16[%swap3A_387, %swap3A_388], %get3A_386 {add = true, strides = array<i32>} : memref<144x256xf32, #tpu.memory_space<vmem>>, vector<16xf32>,
            %get3A_390 = arith.constant 0 : i32
            %get3A_391 = arith.index_cast %get3A_390 : i32 to index
            %get3A_392 = arith.index_cast %scan3A_327 : i32 to index
            %get3A_393 = arith.constant 112 : index
            %get3A_394 = tpu.vector_load %arg15[%get3A_391, %get3A_392, %get3A_393] {strides = array<i32>} : memref<2x64x256xf32, #tpu.memory_space<vmem>>, vector<16xf32>,
            %swap3A_395 = arith.index_cast %squeeze3A_333 : i32 to index
            %swap3A_396 = arith.constant 112 : index
            %swap3A_397 = tpu.vector_load %arg16[%swap3A_395, %swap3A_396] {strides = array<i32>} : memref<144x256xf32, #tpu.memory_space<vmem>>, vector<16xf32>,
            tpu.vector_store %arg16[%swap3A_395, %swap3A_396], %get3A_394 {add = true, strides = array<i32>} : memref<144x256xf32, #tpu.memory_space<vmem>>, vector<16xf32>,
            %get3A_398 = arith.constant 0 : i32
            %get3A_399 = arith.index_cast %get3A_398 : i32 to index
            %get3A_400 = arith.index_cast %scan3A_327 : i32 to index
            %get3A_401 = arith.constant 128 : index
            %get3A_402 = tpu.vector_load %arg15[%get3A_399, %get3A_400, %get3A_401] {strides = array<i32>} : memref<2x64x256xf32, #tpu.memory_space<vmem>>, vector<16xf32>,
            %swap3A_403 = arith.index_cast %squeeze3A_333 : i32 to index
            %swap3A_404 = arith.constant 128 : index
            %swap3A_405 = tpu.vector_load %arg16[%swap3A_403, %swap3A_404] {strides = array<i32>} : memref<144x256xf32, #tpu.memory_space<vmem>>, vector<16xf32>,
            tpu.vector_store %arg16[%swap3A_403, %swap3A_404], %get3A_402 {add = true, strides = array<i32>} : memref<144x256xf32, #tpu.memory_space<vmem>>, vector<16xf32>,
            %get3A_406 = arith.constant 0 : i32
            %get3A_407 = arith.index_cast %get3A_406 : i32 to index
            %get3A_408 = arith.index_cast %scan3A_327 : i32 to index
            %get3A_409 = arith.constant 144 : index
            %get3A_410 = tpu.vector_load %arg15[%get3A_407, %get3A_408, %get3A_409] {strides = array<i32>} : memref<2x64x256xf32, #tpu.memory_space<vmem>>, vector<16xf32>,
            %swap3A_411 = arith.index_cast %squeeze3A_333 : i32 to index
            %swap3A_412 = arith.constant 144 : index
            %swap3A_413 = tpu.vector_load %arg16[%swap3A_411, %swap3A_412] {strides = array<i32>} : memref<144x256xf32, #tpu.memory_space<vmem>>, vector<16xf32>,
            tpu.vector_store %arg16[%swap3A_411, %swap3A_412], %get3A_410 {add = true, strides = array<i32>} : memref<144x256xf32, #tpu.memory_space<vmem>>, vector<16xf32>,
            %get3A_414 = arith.constant 0 : i32
            %get3A_415 = arith.index_cast %get3A_414 : i32 to index
            %get3A_416 = arith.index_cast %scan3A_327 : i32 to index
            %get3A_417 = arith.constant 160 : index
            %get3A_418 = tpu.vector_load %arg15[%get3A_415, %get3A_416, %get3A_417] {strides = array<i32>} : memref<2x64x256xf32, #tpu.memory_space<vmem>>, vector<16xf32>,
            %swap3A_419 = arith.index_cast %squeeze3A_333 : i32 to index
            %swap3A_420 = arith.constant 160 : index
            %swap3A_421 = tpu.vector_load %arg16[%swap3A_419, %swap3A_420] {strides = array<i32>} : memref<144x256xf32, #tpu.memory_space<vmem>>, vector<16xf32>,
            tpu.vector_store %arg16[%swap3A_419, %swap3A_420], %get3A_418 {add = true, strides = array<i32>} : memref<144x256xf32, #tpu.memory_space<vmem>>, vector<16xf32>,
            %get3A_422 = arith.constant 0 : i32
            %get3A_423 = arith.index_cast %get3A_422 : i32 to index
            %get3A_424 = arith.index_cast %scan3A_327 : i32 to index
            %get3A_425 = arith.constant 176 : index
            %get3A_426 = tpu.vector_load %arg15[%get3A_423, %get3A_424, %get3A_425] {strides = array<i32>} : memref<2x64x256xf32, #tpu.memory_space<vmem>>, vector<16xf32>,
            %swap3A_427 = arith.index_cast %squeeze3A_333 : i32 to index
            %swap3A_428 = arith.constant 176 : index
            %swap3A_429 = tpu.vector_load %arg16[%swap3A_427, %swap3A_428] {strides = array<i32>} : memref<144x256xf32, #tpu.memory_space<vmem>>, vector<16xf32>,
            tpu.vector_store %arg16[%swap3A_427, %swap3A_428], %get3A_426 {add = true, strides = array<i32>} : memref<144x256xf32, #tpu.memory_space<vmem>>, vector<16xf32>,
            %get3A_430 = arith.constant 0 : i32
            %get3A_431 = arith.index_cast %get3A_430 : i32 to index
            %get3A_432 = arith.index_cast %scan3A_327 : i32 to index
            %get3A_433 = arith.constant 192 : index
            %get3A_434 = tpu.vector_load %arg15[%get3A_431, %get3A_432, %get3A_433] {strides = array<i32>} : memref<2x64x256xf32, #tpu.memory_space<vmem>>, vector<16xf32>,
            %swap3A_435 = arith.index_cast %squeeze3A_333 : i32 to index
            %swap3A_436 = arith.constant 192 : index
            %swap3A_437 = tpu.vector_load %arg16[%swap3A_435, %swap3A_436] {strides = array<i32>} : memref<144x256xf32, #tpu.memory_space<vmem>>, vector<16xf32>,
            tpu.vector_store %arg16[%swap3A_435, %swap3A_436], %get3A_434 {add = true, strides = array<i32>} : memref<144x256xf32, #tpu.memory_space<vmem>>, vector<16xf32>,
            %get3A_438 = arith.constant 0 : i32
            %get3A_439 = arith.index_cast %get3A_438 : i32 to index
            %get3A_440 = arith.index_cast %scan3A_327 : i32 to index
            %get3A_441 = arith.constant 208 : index
            %get3A_442 = tpu.vector_load %arg15[%get3A_439, %get3A_440, %get3A_441] {strides = array<i32>} : memref<2x64x256xf32, #tpu.memory_space<vmem>>, vector<16xf32>,
            %swap3A_443 = arith.index_cast %squeeze3A_333 : i32 to index
            %swap3A_444 = arith.constant 208 : index
            %swap3A_445 = tpu.vector_load %arg16[%swap3A_443, %swap3A_444] {strides = array<i32>} : memref<144x256xf32, #tpu.memory_space<vmem>>, vector<16xf32>,
            tpu.vector_store %arg16[%swap3A_443, %swap3A_444], %get3A_442 {add = true, strides = array<i32>} : memref<144x256xf32, #tpu.memory_space<vmem>>, vector<16xf32>,
            %get3A_446 = arith.constant 0 : i32
            %get3A_447 = arith.index_cast %get3A_446 : i32 to index
            %get3A_448 = arith.index_cast %scan3A_327 : i32 to index
            %get3A_449 = arith.constant 224 : index
            %get3A_450 = tpu.vector_load %arg15[%get3A_447, %get3A_448, %get3A_449] {strides = array<i32>} : memref<2x64x256xf32, #tpu.memory_space<vmem>>, vector<16xf32>,
            %swap3A_451 = arith.index_cast %squeeze3A_333 : i32 to index
            %swap3A_452 = arith.constant 224 : index
            %swap3A_453 = tpu.vector_load %arg16[%swap3A_451, %swap3A_452] {strides = array<i32>} : memref<144x256xf32, #tpu.memory_space<vmem>>, vector<16xf32>,
            tpu.vector_store %arg16[%swap3A_451, %swap3A_452], %get3A_450 {add = true, strides = array<i32>} : memref<144x256xf32, #tpu.memory_space<vmem>>, vector<16xf32>,
            %get3A_454 = arith.constant 0 : i32
            %get3A_455 = arith.index_cast %get3A_454 : i32 to index
            %get3A_456 = arith.index_cast %scan3A_327 : i32 to index
            %get3A_457 = arith.constant 240 : index
            %get3A_458 = tpu.vector_load %arg15[%get3A_455, %get3A_456, %get3A_457] {strides = array<i32>} : memref<2x64x256xf32, #tpu.memory_space<vmem>>, vector<16xf32>,
            %swap3A_459 = arith.index_cast %squeeze3A_333 : i32 to index
            %swap3A_460 = arith.constant 240 : index
            %swap3A_461 = tpu.vector_load %arg16[%swap3A_459, %swap3A_460] {strides = array<i32>} : memref<144x256xf32, #tpu.memory_space<vmem>>, vector<16xf32>,
            tpu.vector_store %arg16[%swap3A_459, %swap3A_460], %get3A_458 {add = true, strides = array<i32>} : memref<144x256xf32, #tpu.memory_space<vmem>>, vector<16xf32>,
            %scan3A_462 = arith.constant 0 : i32
            scf.yield %scan3A_462 : i32
          }
          %scan3A_189 = arith.constant 64 : i32
        } else {
        }
        %lt3A_101 = arith.constant 15 : i32
        %lt3A_102 = arith.cmpi slt, %arg1, %lt3A_101 : i32
        %convert_element_type3A_103 = arith.extui %lt3A_102 : i1 to i32
        %cond3A_104 = arith.constant 0 : i32
        %cond3A_105 = arith.cmpi ne, %convert_element_type3A_103, %cond3A_104 : i32
        scf.if %cond3A_105 {
          %add3A_111 = arith.addi %mul3A_26, %mul3A_0 : i32
          "tpu.region"() ({
            %run_scoped3A = tpu.sem_alloc : memref<!tpu.dma_semaphore, #tpu.memory_space<semaphore_mem>>
            %dma_start3A_113 = arith.constant 0 : i32
            %dma_start3A_114 = arith.constant 0 : i32
            %dma_start3A_115 = tpu.memref_slice %arg16[%dma_start3A_113, %dma_start3A_114] : memref<144x256xf32, #tpu.memory_space<vmem>> -> memref<128x256xf32, #tpu.memory_space<vmem>>
            %dma_start3A_116 = arith.constant 0 : i32
            %dma_start3A_117 = tpu.memref_slice %arg5[%add3A_111, %dma_start3A_116] : memref<170000x256xf32, #tpu.memory_space<hbm>> -> memref<128x256xf32, #tpu.memory_space<hbm>>
            %dma_start3A_118 = arith.constant 0 : i32
            %dma_start3A_119 = tpu.memref_slice %arg5[%add3A_111, %dma_start3A_118] : memref<170000x256xf32, #tpu.memory_space<hbm>> -> memref<128x256xf32, #tpu.memory_space<hbm>>
            %dma_start3A_120 = arith.constant 0 : i32
            %dma_start3A_121 = arith.constant 0 : i32
            %dma_start3A_122 = tpu.memref_slice %arg16[%dma_start3A_120, %dma_start3A_121] : memref<144x256xf32, #tpu.memory_space<vmem>> -> memref<128x256xf32, #tpu.memory_space<vmem>>
            tpu.enqueue_dma source(%dma_start3A_122 : memref<128x256xf32, #tpu.memory_space<vmem>>) target(%dma_start3A_119 : memref<128x256xf32, #tpu.memory_space<hbm>>) target_semaphore(%run_scoped3A : memref<!tpu.dma_semaphore, #tpu.memory_space<semaphore_mem>>)
            %dma_wait3A_123 = arith.constant 0 : i32
            %dma_wait3A_124 = arith.constant 0 : i32
            %dma_wait3A_125 = tpu.memref_slice %arg16[%dma_wait3A_123, %dma_wait3A_124] : memref<144x256xf32, #tpu.memory_space<vmem>> -> memref<128x256xf32, #tpu.memory_space<vmem>>
            %dma_wait3A_126 = arith.constant 0 : i32
            %dma_wait3A_127 = tpu.memref_slice %arg5[%add3A_111, %dma_wait3A_126] : memref<170000x256xf32, #tpu.memory_space<hbm>> -> memref<128x256xf32, #tpu.memory_space<hbm>>
            %dma_wait3A_128 = arith.constant 0 : i32
            %dma_wait3A_129 = tpu.memref_slice %arg5[%add3A_111, %dma_wait3A_128] : memref<170000x256xf32, #tpu.memory_space<hbm>> -> memref<128x256xf32, #tpu.memory_space<hbm>>
            %dma_wait3A_130 = arith.constant 0 : i32
            %dma_wait3A_131 = arith.constant 0 : i32
            %dma_wait3A_132 = tpu.memref_slice %arg16[%dma_wait3A_130, %dma_wait3A_131] : memref<144x256xf32, #tpu.memory_space<vmem>> -> memref<128x256xf32, #tpu.memory_space<vmem>>
            tpu.wait_dma2 semaphore(%run_scoped3A : memref<!tpu.dma_semaphore, #tpu.memory_space<semaphore_mem>>) src(%dma_wait3A_132 : memref<128x256xf32, #tpu.memory_space<vmem>>) dst(%dma_wait3A_129 : memref<128x256xf32, #tpu.memory_space<hbm>>)
            tpu.yield
          }) : () -> ()
          %add3A_112 = arith.addi %mul3A_26, %mul3A_0 : i32
          "tpu.region"() ({
            %run_scoped3A = tpu.sem_alloc : memref<!tpu.dma_semaphore, #tpu.memory_space<semaphore_mem>>
            %dma_start3A_113 = arith.constant 0 : i32
            %dma_start3A_114 = tpu.memref_slice %arg17[%dma_start3A_113] : memref<256xf32, #tpu.memory_space<vmem>> -> memref<128xf32, #tpu.memory_space<vmem>>
            %dma_start3A_115 = tpu.memref_slice %arg6[%add3A_112] : memref<170000xf32, #tpu.memory_space<hbm>> -> memref<128xf32, #tpu.memory_space<hbm>>
            %dma_start3A_116 = tpu.memref_slice %arg6[%add3A_112] : memref<170000xf32, #tpu.memory_space<hbm>> -> memref<128xf32, #tpu.memory_space<hbm>>
            %dma_start3A_117 = arith.constant 0 : i32
            %dma_start3A_118 = tpu.memref_slice %arg17[%dma_start3A_117] : memref<256xf32, #tpu.memory_space<vmem>> -> memref<128xf32, #tpu.memory_space<vmem>>
            tpu.enqueue_dma source(%dma_start3A_118 : memref<128xf32, #tpu.memory_space<vmem>>) target(%dma_start3A_116 : memref<128xf32, #tpu.memory_space<hbm>>) target_semaphore(%run_scoped3A : memref<!tpu.dma_semaphore, #tpu.memory_space<semaphore_mem>>)
            %dma_wait3A_119 = arith.constant 0 : i32
            %dma_wait3A_120 = tpu.memref_slice %arg17[%dma_wait3A_119] : memref<256xf32, #tpu.memory_space<vmem>> -> memref<128xf32, #tpu.memory_space<vmem>>
            %dma_wait3A_121 = tpu.memref_slice %arg6[%add3A_112] : memref<170000xf32, #tpu.memory_space<hbm>> -> memref<128xf32, #tpu.memory_space<hbm>>
            %dma_wait3A_122 = tpu.memref_slice %arg6[%add3A_112] : memref<170000xf32, #tpu.memory_space<hbm>> -> memref<128xf32, #tpu.memory_space<hbm>>
            %dma_wait3A_123 = arith.constant 0 : i32
            %dma_wait3A_124 = tpu.memref_slice %arg17[%dma_wait3A_123] : memref<256xf32, #tpu.memory_space<vmem>> -> memref<128xf32, #tpu.memory_space<vmem>>
            tpu.wait_dma2 semaphore(%run_scoped3A : memref<!tpu.dma_semaphore, #tpu.memory_space<semaphore_mem>>) src(%dma_wait3A_124 : memref<128xf32, #tpu.memory_space<vmem>>) dst(%dma_wait3A_122 : memref<128xf32, #tpu.memory_space<hbm>>)
            tpu.yield
          }) : () -> ()
        } else {
        }
        %eq3A_106 = arith.constant 15 : i32
        %eq3A_107 = arith.cmpi eq, %arg1, %eq3A_106 : i32
        %convert_element_type3A_108 = arith.extui %eq3A_107 : i1 to i32
        %cond3A_109 = arith.constant 0 : i32
        %cond3A_110 = arith.cmpi ne, %convert_element_type3A_108, %cond3A_109 : i32
        scf.if %cond3A_110 {
          %add3A_111 = arith.constant 1920 : i32
          %add3A_112 = arith.addi %mul3A_26, %add3A_111 : i32
          "tpu.region"() ({
            %run_scoped3A = tpu.sem_alloc : memref<!tpu.dma_semaphore, #tpu.memory_space<semaphore_mem>>
            %dma_start3A_115 = arith.constant 0 : i32
            %dma_start3A_116 = arith.constant 0 : i32
            %dma_start3A_117 = tpu.memref_slice %arg16[%dma_start3A_115, %dma_start3A_116] : memref<144x256xf32, #tpu.memory_space<vmem>> -> memref<80x256xf32, #tpu.memory_space<vmem>>
            %dma_start3A_118 = arith.constant 0 : i32
            %dma_start3A_119 = tpu.memref_slice %arg5[%add3A_112, %dma_start3A_118] : memref<170000x256xf32, #tpu.memory_space<hbm>> -> memref<80x256xf32, #tpu.memory_space<hbm>>
            %dma_start3A_120 = arith.constant 0 : i32
            %dma_start3A_121 = tpu.memref_slice %arg5[%add3A_112, %dma_start3A_120] : memref<170000x256xf32, #tpu.memory_space<hbm>> -> memref<80x256xf32, #tpu.memory_space<hbm>>
            %dma_start3A_122 = arith.constant 0 : i32
            %dma_start3A_123 = arith.constant 0 : i32
            %dma_start3A_124 = tpu.memref_slice %arg16[%dma_start3A_122, %dma_start3A_123] : memref<144x256xf32, #tpu.memory_space<vmem>> -> memref<80x256xf32, #tpu.memory_space<vmem>>
            tpu.enqueue_dma source(%dma_start3A_124 : memref<80x256xf32, #tpu.memory_space<vmem>>) target(%dma_start3A_121 : memref<80x256xf32, #tpu.memory_space<hbm>>) target_semaphore(%run_scoped3A : memref<!tpu.dma_semaphore, #tpu.memory_space<semaphore_mem>>)
            %dma_wait3A_125 = arith.constant 0 : i32
            %dma_wait3A_126 = arith.constant 0 : i32
            %dma_wait3A_127 = tpu.memref_slice %arg16[%dma_wait3A_125, %dma_wait3A_126] : memref<144x256xf32, #tpu.memory_space<vmem>> -> memref<80x256xf32, #tpu.memory_space<vmem>>
            %dma_wait3A_128 = arith.constant 0 : i32
            %dma_wait3A_129 = tpu.memref_slice %arg5[%add3A_112, %dma_wait3A_128] : memref<170000x256xf32, #tpu.memory_space<hbm>> -> memref<80x256xf32, #tpu.memory_space<hbm>>
            %dma_wait3A_130 = arith.constant 0 : i32
            %dma_wait3A_131 = tpu.memref_slice %arg5[%add3A_112, %dma_wait3A_130] : memref<170000x256xf32, #tpu.memory_space<hbm>> -> memref<80x256xf32, #tpu.memory_space<hbm>>
            %dma_wait3A_132 = arith.constant 0 : i32
            %dma_wait3A_133 = arith.constant 0 : i32
            %dma_wait3A_134 = tpu.memref_slice %arg16[%dma_wait3A_132, %dma_wait3A_133] : memref<144x256xf32, #tpu.memory_space<vmem>> -> memref<80x256xf32, #tpu.memory_space<vmem>>
            tpu.wait_dma2 semaphore(%run_scoped3A : memref<!tpu.dma_semaphore, #tpu.memory_space<semaphore_mem>>) src(%dma_wait3A_134 : memref<80x256xf32, #tpu.memory_space<vmem>>) dst(%dma_wait3A_131 : memref<80x256xf32, #tpu.memory_space<hbm>>)
            tpu.yield
          }) : () -> ()
          %add3A_113 = arith.constant 1920 : i32
          %add3A_114 = arith.addi %mul3A_26, %add3A_113 : i32
          "tpu.region"() ({
            %run_scoped3A = tpu.sem_alloc : memref<!tpu.dma_semaphore, #tpu.memory_space<semaphore_mem>>
            %dma_start3A_115 = arith.constant 0 : i32
            %dma_start3A_116 = tpu.memref_slice %arg17[%dma_start3A_115] : memref<256xf32, #tpu.memory_space<vmem>> -> memref<80xf32, #tpu.memory_space<vmem>>
            %dma_start3A_117 = tpu.memref_slice %arg6[%add3A_114] : memref<170000xf32, #tpu.memory_space<hbm>> -> memref<80xf32, #tpu.memory_space<hbm>>
            %dma_start3A_118 = tpu.memref_slice %arg6[%add3A_114] : memref<170000xf32, #tpu.memory_space<hbm>> -> memref<80xf32, #tpu.memory_space<hbm>>
            %dma_start3A_119 = arith.constant 0 : i32
            %dma_start3A_120 = tpu.memref_slice %arg17[%dma_start3A_119] : memref<256xf32, #tpu.memory_space<vmem>> -> memref<80xf32, #tpu.memory_space<vmem>>
            tpu.enqueue_dma source(%dma_start3A_120 : memref<80xf32, #tpu.memory_space<vmem>>) target(%dma_start3A_118 : memref<80xf32, #tpu.memory_space<hbm>>) target_semaphore(%run_scoped3A : memref<!tpu.dma_semaphore, #tpu.memory_space<semaphore_mem>>)
            %dma_wait3A_121 = arith.constant 0 : i32
            %dma_wait3A_122 = tpu.memref_slice %arg17[%dma_wait3A_121] : memref<256xf32, #tpu.memory_space<vmem>> -> memref<80xf32, #tpu.memory_space<vmem>>
            %dma_wait3A_123 = tpu.memref_slice %arg6[%add3A_114] : memref<170000xf32, #tpu.memory_space<hbm>> -> memref<80xf32, #tpu.memory_space<hbm>>
            %dma_wait3A_124 = tpu.memref_slice %arg6[%add3A_114] : memref<170000xf32, #tpu.memory_space<hbm>> -> memref<80xf32, #tpu.memory_space<hbm>>
            %dma_wait3A_125 = arith.constant 0 : i32
            %dma_wait3A_126 = tpu.memref_slice %arg17[%dma_wait3A_125] : memref<256xf32, #tpu.memory_space<vmem>> -> memref<80xf32, #tpu.memory_space<vmem>>
            tpu.wait_dma2 semaphore(%run_scoped3A : memref<!tpu.dma_semaphore, #tpu.memory_space<semaphore_mem>>) src(%dma_wait3A_126 : memref<80xf32, #tpu.memory_space<vmem>>) dst(%dma_wait3A_124 : memref<80xf32, #tpu.memory_space<hbm>>)
            tpu.yield
          }) : () -> ()
        } else {
        }
      } else {
      }
      %scan3A_24 = arith.constant 0 : i32
      scf.yield %scan3A_24 : i32
    }
    %scan3A_15 = arith.constant 43 : i32
    return
  }
}

module attributes {stable_mosaic.version = 14 : i64} {
  func.func @_proj_body(%arg0: i32, %arg1: memref<1000x1280xf32, #tpu.memory_space<vmem>>, %arg2: memref<1000x1280xf32, #tpu.memory_space<vmem>>, %arg3: memref<1000x768xf32, #tpu.memory_space<vmem>>, %arg4: memref<1280x256xf32, #tpu.memory_space<vmem>>, %arg5: memref<1280x256xf32, #tpu.memory_space<vmem>>, %arg6: memref<768x256xf32, #tpu.memory_space<vmem>>, %arg7: memref<1x256xf32, #tpu.memory_space<vmem>>, %arg8: memref<1x256xf32, #tpu.memory_space<vmem>>, %arg9: memref<1x256xf32, #tpu.memory_space<vmem>>, %arg10: memref<1000x256xf32, #tpu.memory_space<vmem>>) attributes {dimension_semantics = [#tpu.dimension_semantics<arbitrary>], iteration_bounds = array<i64: 80>, scalar_prefetch = 0 : i64, scratch_operands = 0 : i64, tpu.core_type = #tpu.core_type<tc>, window_params = [{transform_indices = @transform_0, window_bounds = array<i64: 1000, 1280>}, {transform_indices = @transform_1, window_bounds = array<i64: 1000, 1280>}, {transform_indices = @transform_2, window_bounds = array<i64: 1000, 768>}, {pipeline_mode = #tpu.pipeline_mode<synchronous>, transform_indices = @transform_3, window_bounds = array<i64: 1280, 256>}, {pipeline_mode = #tpu.pipeline_mode<synchronous>, transform_indices = @transform_4, window_bounds = array<i64: 1280, 256>}, {pipeline_mode = #tpu.pipeline_mode<synchronous>, transform_indices = @transform_5, window_bounds = array<i64: 768, 256>}, {pipeline_mode = #tpu.pipeline_mode<synchronous>, transform_indices = @transform_6, window_bounds = array<i64: 1, 256>}, {pipeline_mode = #tpu.pipeline_mode<synchronous>, transform_indices = @transform_7, window_bounds = array<i64: 1, 256>}, {pipeline_mode = #tpu.pipeline_mode<synchronous>, transform_indices = @transform_8, window_bounds = array<i64: 1, 256>}, {transform_indices = @transform_9, window_bounds = array<i64: 1000, 256>}]} {
    %lt3A = arith.constant 10 : i32
    %lt3A_0 = arith.cmpi slt, %arg0, %lt3A : i32
    %convert_element_type3A = arith.extui %lt3A_0 : i1 to i32
    %cond3A = arith.constant 0 : i32
    %cond3A_1 = arith.cmpi ne, %convert_element_type3A, %cond3A : i32
    scf.if %cond3A_1 {
      %get3A = arith.constant 0 : index
      %get3A_13 = arith.constant 0 : index
      %get3A_14 = vector.load %arg1[%get3A, %get3A_13] : memref<1000x1280xf32, #tpu.memory_space<vmem>>, vector<1000x1280xf32>
      %get3A_15 = arith.constant 0 : index
      %get3A_16 = arith.constant 0 : index
      %get3A_17 = vector.load %arg4[%get3A_15, %get3A_16] : memref<1280x256xf32, #tpu.memory_space<vmem>>, vector<1280x256xf32>
      %dot_general3A = arith.constant dense<0.000000e+00> : vector<1000x256xf32>
      %dot_general3A_18 = tpu.matmul %get3A_14, %get3A_17, %dot_general3A {dimension_numbers = #tpu.dot_dimension_numbers<[1], [0], [0], [1], [0, 0, 1, 1], [], []>, transpose_lhs_hint = false} : vector<1000x1280xf32>, vector<1280x256xf32>, vector<1000x256xf32> -> vector<1000x256xf32>
      %get3A_19 = arith.constant 0 : index
      %get3A_20 = arith.constant 0 : index
      %get3A_21 = vector.load %arg7[%get3A_19, %get3A_20] : memref<1x256xf32, #tpu.memory_space<vmem>>, vector<1x256xf32>
      %add3A = vector.broadcast %get3A_21 : vector<1x256xf32> to vector<1000x256xf32>
      %add3A_22 = arith.addf %dot_general3A_18, %add3A : vector<1000x256xf32>
      %swap3A = arith.constant 0 : index
      %swap3A_23 = arith.constant 0 : index
      %swap3A_24 = vector.load %arg10[%swap3A, %swap3A_23] : memref<1000x256xf32, #tpu.memory_space<vmem>>, vector<1000x256xf32>
      tpu.vector_store %arg10[%swap3A, %swap3A_23], %add3A_22 {strides = array<i32>} : memref<1000x256xf32, #tpu.memory_space<vmem>>, vector<1000x256xf32>,
    } else {
    }
    %ge3A = arith.constant 10 : i32
    %ge3A_2 = arith.cmpi sge, %arg0, %ge3A : i32
    %lt3A_3 = arith.constant 30 : i32
    %lt3A_4 = arith.cmpi slt, %arg0, %lt3A_3 : i32
    %and3A = arith.andi %ge3A_2, %lt3A_4 : i1
    %convert_element_type3A_5 = arith.extui %and3A : i1 to i32
    %cond3A_6 = arith.constant 0 : i32
    %cond3A_7 = arith.cmpi ne, %convert_element_type3A_5, %cond3A_6 : i32
    scf.if %cond3A_7 {
      %get3A = arith.constant 0 : index
      %get3A_13 = arith.constant 0 : index
      %get3A_14 = vector.load %arg2[%get3A, %get3A_13] : memref<1000x1280xf32, #tpu.memory_space<vmem>>, vector<1000x1280xf32>
      %get3A_15 = arith.constant 0 : index
      %get3A_16 = arith.constant 0 : index
      %get3A_17 = vector.load %arg5[%get3A_15, %get3A_16] : memref<1280x256xf32, #tpu.memory_space<vmem>>, vector<1280x256xf32>
      %dot_general3A = arith.constant dense<0.000000e+00> : vector<1000x256xf32>
      %dot_general3A_18 = tpu.matmul %get3A_14, %get3A_17, %dot_general3A {dimension_numbers = #tpu.dot_dimension_numbers<[1], [0], [0], [1], [0, 0, 1, 1], [], []>, transpose_lhs_hint = false} : vector<1000x1280xf32>, vector<1280x256xf32>, vector<1000x256xf32> -> vector<1000x256xf32>
      %get3A_19 = arith.constant 0 : index
      %get3A_20 = arith.constant 0 : index
      %get3A_21 = vector.load %arg8[%get3A_19, %get3A_20] : memref<1x256xf32, #tpu.memory_space<vmem>>, vector<1x256xf32>
      %add3A = vector.broadcast %get3A_21 : vector<1x256xf32> to vector<1000x256xf32>
      %add3A_22 = arith.addf %dot_general3A_18, %add3A : vector<1000x256xf32>
      %swap3A = arith.constant 0 : index
      %swap3A_23 = arith.constant 0 : index
      %swap3A_24 = vector.load %arg10[%swap3A, %swap3A_23] : memref<1000x256xf32, #tpu.memory_space<vmem>>, vector<1000x256xf32>
      tpu.vector_store %arg10[%swap3A, %swap3A_23], %add3A_22 {strides = array<i32>} : memref<1000x256xf32, #tpu.memory_space<vmem>>, vector<1000x256xf32>,
    } else {
    }
    %ge3A_8 = arith.constant 30 : i32
    %ge3A_9 = arith.cmpi sge, %arg0, %ge3A_8 : i32
    %convert_element_type3A_10 = arith.extui %ge3A_9 : i1 to i32
    %cond3A_11 = arith.constant 0 : i32
    %cond3A_12 = arith.cmpi ne, %convert_element_type3A_10, %cond3A_11 : i32
    scf.if %cond3A_12 {
      %get3A = arith.constant 0 : index
      %get3A_13 = arith.constant 0 : index
      %get3A_14 = vector.load %arg3[%get3A, %get3A_13] : memref<1000x768xf32, #tpu.memory_space<vmem>>, vector<1000x768xf32>
      %get3A_15 = arith.constant 0 : index
      %get3A_16 = arith.constant 0 : index
      %get3A_17 = vector.load %arg6[%get3A_15, %get3A_16] : memref<768x256xf32, #tpu.memory_space<vmem>>, vector<768x256xf32>
      %dot_general3A = arith.constant dense<0.000000e+00> : vector<1000x256xf32>
      %dot_general3A_18 = tpu.matmul %get3A_14, %get3A_17, %dot_general3A {dimension_numbers = #tpu.dot_dimension_numbers<[1], [0], [0], [1], [0, 0, 1, 1], [], []>, transpose_lhs_hint = false} : vector<1000x768xf32>, vector<768x256xf32>, vector<1000x256xf32> -> vector<1000x256xf32>
      %get3A_19 = arith.constant 0 : index
      %get3A_20 = arith.constant 0 : index
      %get3A_21 = vector.load %arg9[%get3A_19, %get3A_20] : memref<1x256xf32, #tpu.memory_space<vmem>>, vector<1x256xf32>
      %add3A = vector.broadcast %get3A_21 : vector<1x256xf32> to vector<1000x256xf32>
      %add3A_22 = arith.addf %dot_general3A_18, %add3A : vector<1000x256xf32>
      %swap3A = arith.constant 0 : index
      %swap3A_23 = arith.constant 0 : index
      %swap3A_24 = vector.load %arg10[%swap3A, %swap3A_23] : memref<1000x256xf32, #tpu.memory_space<vmem>>, vector<1000x256xf32>
      tpu.vector_store %arg10[%swap3A, %swap3A_23], %add3A_22 {strides = array<i32>} : memref<1000x256xf32, #tpu.memory_space<vmem>>, vector<1000x256xf32>,
    } else {
    }
    return
  }
  func.func @transform_0(%arg0: i32) -> (i32, i32) {
    %min3A = arith.constant 9 : i32
    %min3A_0 = arith.minsi %arg0, %min3A : i32
    %c0_i32 = arith.constant 0 : i32
    %c0_i32_1 = arith.constant 0 : i32
    return %min3A_0, %c0_i32 : i32, i32
  }
  func.func @transform_1(%arg0: i32) -> (i32, i32) {
    %sub3A = arith.constant 10 : i32
    %sub3A_0 = arith.subi %arg0, %sub3A : i32
    %jit3A = arith.constant 0 : i32
    %jit3A_1 = arith.constant 19 : i32
    %max3A = arith.maxsi %jit3A, %sub3A_0 : i32
    %min3A = arith.minsi %jit3A_1, %max3A : i32
    %c0_i32 = arith.constant 0 : i32
    %c0_i32_2 = arith.constant 0 : i32
    return %min3A, %c0_i32 : i32, i32
  }
  func.func @transform_2(%arg0: i32) -> (i32, i32) {
    %sub3A = arith.constant 30 : i32
    %sub3A_0 = arith.subi %arg0, %sub3A : i32
    %jit3A = arith.constant 0 : i32
    %jit3A_1 = arith.constant 49 : i32
    %max3A = arith.maxsi %jit3A, %sub3A_0 : i32
    %min3A = arith.minsi %jit3A_1, %max3A : i32
    %c0_i32 = arith.constant 0 : i32
    %c0_i32_2 = arith.constant 0 : i32
    return %min3A, %c0_i32 : i32, i32
  }
  func.func @transform_3(%arg0: i32) -> (i32, i32) {
    %c0_i32 = arith.constant 0 : i32
    %c0_i32_0 = arith.constant 0 : i32
    %c0_i32_1 = arith.constant 0 : i32
    return %c0_i32, %c0_i32_0 : i32, i32
  }
  func.func @transform_4(%arg0: i32) -> (i32, i32) {
    %c0_i32 = arith.constant 0 : i32
    %c0_i32_0 = arith.constant 0 : i32
    %c0_i32_1 = arith.constant 0 : i32
    return %c0_i32, %c0_i32_0 : i32, i32
  }
  func.func @transform_5(%arg0: i32) -> (i32, i32) {
    %c0_i32 = arith.constant 0 : i32
    %c0_i32_0 = arith.constant 0 : i32
    %c0_i32_1 = arith.constant 0 : i32
    return %c0_i32, %c0_i32_0 : i32, i32
  }
  func.func @transform_6(%arg0: i32) -> (i32, i32) {
    %c0_i32 = arith.constant 0 : i32
    %c0_i32_0 = arith.constant 0 : i32
    %c0_i32_1 = arith.constant 0 : i32
    return %c0_i32, %c0_i32_0 : i32, i32
  }
  func.func @transform_7(%arg0: i32) -> (i32, i32) {
    %c0_i32 = arith.constant 0 : i32
    %c0_i32_0 = arith.constant 0 : i32
    %c0_i32_1 = arith.constant 0 : i32
    return %c0_i32, %c0_i32_0 : i32, i32
  }
  func.func @transform_8(%arg0: i32) -> (i32, i32) {
    %c0_i32 = arith.constant 0 : i32
    %c0_i32_0 = arith.constant 0 : i32
    %c0_i32_1 = arith.constant 0 : i32
    return %c0_i32, %c0_i32_0 : i32, i32
  }
  func.func @transform_9(%arg0: i32) -> (i32, i32) {
    %c0_i32 = arith.constant 0 : i32
    %c0_i32_0 = arith.constant 0 : i32
    return %arg0, %c0_i32 : i32, i32
  }
}

module attributes {stable_mosaic.version = 14 : i64} {
  func.func @_combine1_body(%arg0: i32, %arg1: memref<1000x256xf32, #tpu.memory_space<vmem>>, %arg2: memref<1000x1xf32, #tpu.memory_space<vmem>>, %arg3: memref<1000x256xf32, #tpu.memory_space<vmem>>, %arg4: memref<256x256xf32, #tpu.memory_space<vmem>>, %arg5: memref<256x256xf32, #tpu.memory_space<vmem>>, %arg6: memref<1x256xf32, #tpu.memory_space<vmem>>, %arg7: memref<1000x256xf32, #tpu.memory_space<vmem>>) attributes {dimension_semantics = [#tpu.dimension_semantics<arbitrary>], iteration_bounds = array<i64: 10>, scalar_prefetch = 0 : i64, scratch_operands = 0 : i64, tpu.core_type = #tpu.core_type<tc>, window_params = [{transform_indices = @transform_0, window_bounds = array<i64: 1000, 256>}, {transform_indices = @transform_1, window_bounds = array<i64: 1000, 1>}, {transform_indices = @transform_2, window_bounds = array<i64: 1000, 256>}, {pipeline_mode = #tpu.pipeline_mode<synchronous>, transform_indices = @transform_3, window_bounds = array<i64: 256, 256>}, {pipeline_mode = #tpu.pipeline_mode<synchronous>, transform_indices = @transform_4, window_bounds = array<i64: 256, 256>}, {pipeline_mode = #tpu.pipeline_mode<synchronous>, transform_indices = @transform_5, window_bounds = array<i64: 1, 256>}, {transform_indices = @transform_6, window_bounds = array<i64: 1000, 256>}]} {
    %get3A = arith.constant 0 : index
    %get3A_0 = arith.constant 0 : index
    %get3A_1 = vector.load %arg2[%get3A, %get3A_0] : memref<1000x1xf32, #tpu.memory_space<vmem>>, vector<1000x1xf32>
    %max3A = arith.constant 1.000000e+00 : f32
    %max3A_2 = vector.broadcast %max3A : f32 to vector<1000x1xf32>
    %max3A_3 = arith.maximumf %get3A_1, %max3A_2 : vector<1000x1xf32>
    %div3A = arith.constant 1.000000e+00 : f32
    %div3A_4 = vector.broadcast %div3A : f32 to vector<1000x1xf32>
    %div3A_5 = arith.divf %div3A_4, %max3A_3 : vector<1000x1xf32>
    %get3A_6 = arith.constant 0 : index
    %get3A_7 = arith.constant 0 : index
    %get3A_8 = vector.load %arg1[%get3A_6, %get3A_7] : memref<1000x256xf32, #tpu.memory_space<vmem>>, vector<1000x256xf32>
    %get3A_9 = arith.constant 0 : index
    %get3A_10 = arith.constant 0 : index
    %get3A_11 = vector.load %arg4[%get3A_9, %get3A_10] : memref<256x256xf32, #tpu.memory_space<vmem>>, vector<256x256xf32>
    %dot_general3A = arith.constant dense<0.000000e+00> : vector<1000x256xf32>
    %dot_general3A_12 = tpu.matmul %get3A_8, %get3A_11, %dot_general3A {dimension_numbers = #tpu.dot_dimension_numbers<[1], [0], [0], [1], [0, 0, 1, 1], [], []>, transpose_lhs_hint = false} : vector<1000x256xf32>, vector<256x256xf32>, vector<1000x256xf32> -> vector<1000x256xf32>
    %mul3A = vector.broadcast %div3A_5 : vector<1000x1xf32> to vector<1000x256xf32>
    %mul3A_13 = arith.mulf %dot_general3A_12, %mul3A : vector<1000x256xf32>
    %get3A_14 = arith.constant 0 : index
    %get3A_15 = arith.constant 0 : index
    %get3A_16 = vector.load %arg3[%get3A_14, %get3A_15] : memref<1000x256xf32, #tpu.memory_space<vmem>>, vector<1000x256xf32>
    %get3A_17 = arith.constant 0 : index
    %get3A_18 = arith.constant 0 : index
    %get3A_19 = vector.load %arg5[%get3A_17, %get3A_18] : memref<256x256xf32, #tpu.memory_space<vmem>>, vector<256x256xf32>
    %dot_general3A_20 = arith.constant dense<0.000000e+00> : vector<1000x256xf32>
    %dot_general3A_21 = tpu.matmul %get3A_16, %get3A_19, %dot_general3A_20 {dimension_numbers = #tpu.dot_dimension_numbers<[1], [0], [0], [1], [0, 0, 1, 1], [], []>, transpose_lhs_hint = false} : vector<1000x256xf32>, vector<256x256xf32>, vector<1000x256xf32> -> vector<1000x256xf32>
    %add3A = arith.addf %mul3A_13, %dot_general3A_21 : vector<1000x256xf32>
    %get3A_22 = arith.constant 0 : index
    %get3A_23 = arith.constant 0 : index
    %get3A_24 = vector.load %arg6[%get3A_22, %get3A_23] : memref<1x256xf32, #tpu.memory_space<vmem>>, vector<1x256xf32>
    %add3A_25 = vector.broadcast %get3A_24 : vector<1x256xf32> to vector<1000x256xf32>
    %add3A_26 = arith.addf %add3A, %add3A_25 : vector<1000x256xf32>
    %swap3A = arith.constant 0 : index
    %swap3A_27 = arith.constant 0 : index
    %swap3A_28 = vector.load %arg7[%swap3A, %swap3A_27] : memref<1000x256xf32, #tpu.memory_space<vmem>>, vector<1000x256xf32>
    tpu.vector_store %arg7[%swap3A, %swap3A_27], %add3A_26 {strides = array<i32>} : memref<1000x256xf32, #tpu.memory_space<vmem>>, vector<1000x256xf32>,
    return
  }
  func.func @transform_0(%arg0: i32) -> (i32, i32) {
    %add3A = arith.constant 160 : i32
    %add3A_0 = arith.addi %arg0, %add3A : i32
    %c0_i32 = arith.constant 0 : i32
    %c0_i32_1 = arith.constant 0 : i32
    return %add3A_0, %c0_i32 : i32, i32
  }
  func.func @transform_1(%arg0: i32) -> (i32, i32) {
    %add3A = arith.constant 160 : i32
    %add3A_0 = arith.addi %arg0, %add3A : i32
    %c0_i32 = arith.constant 0 : i32
    %c0_i32_1 = arith.constant 0 : i32
    return %add3A_0, %c0_i32 : i32, i32
  }
  func.func @transform_2(%arg0: i32) -> (i32, i32) {
    %add3A = arith.constant 0 : i32
    %add3A_0 = arith.addi %arg0, %add3A : i32
    %c0_i32 = arith.constant 0 : i32
    %c0_i32_1 = arith.constant 0 : i32
    return %add3A_0, %c0_i32 : i32, i32
  }
  func.func @transform_3(%arg0: i32) -> (i32, i32) {
    %c0_i32 = arith.constant 0 : i32
    %c0_i32_0 = arith.constant 0 : i32
    %c0_i32_1 = arith.constant 0 : i32
    return %c0_i32, %c0_i32_0 : i32, i32
  }
  func.func @transform_4(%arg0: i32) -> (i32, i32) {
    %c0_i32 = arith.constant 0 : i32
    %c0_i32_0 = arith.constant 0 : i32
    %c0_i32_1 = arith.constant 0 : i32
    return %c0_i32, %c0_i32_0 : i32, i32
  }
  func.func @transform_5(%arg0: i32) -> (i32, i32) {
    %c0_i32 = arith.constant 0 : i32
    %c0_i32_0 = arith.constant 0 : i32
    %c0_i32_1 = arith.constant 0 : i32
    return %c0_i32, %c0_i32_0 : i32, i32
  }
  func.func @transform_6(%arg0: i32) -> (i32, i32) {
    %c0_i32 = arith.constant 0 : i32
    %c0_i32_0 = arith.constant 0 : i32
    return %arg0, %c0_i32 : i32, i32
  }
}

module attributes {stable_mosaic.version = 14 : i64} {
  func.func @_combine2_body(%arg0: i32, %arg1: memref<1000x256xf32, #tpu.memory_space<vmem>>, %arg2: memref<1000x256xf32, #tpu.memory_space<vmem>>, %arg3: memref<1000x1xf32, #tpu.memory_space<vmem>>, %arg4: memref<1000x1xf32, #tpu.memory_space<vmem>>, %arg5: memref<1000x256xf32, #tpu.memory_space<vmem>>, %arg6: memref<256x256xf32, #tpu.memory_space<vmem>>, %arg7: memref<256x256xf32, #tpu.memory_space<vmem>>, %arg8: memref<256x256xf32, #tpu.memory_space<vmem>>, %arg9: memref<1x256xf32, #tpu.memory_space<vmem>>, %arg10: memref<1000x256xf32, #tpu.memory_space<vmem>>) attributes {dimension_semantics = [#tpu.dimension_semantics<arbitrary>], iteration_bounds = array<i64: 50>, scalar_prefetch = 0 : i64, scratch_operands = 0 : i64, tpu.core_type = #tpu.core_type<tc>, window_params = [{transform_indices = @transform_0, window_bounds = array<i64: 1000, 256>}, {transform_indices = @transform_1, window_bounds = array<i64: 1000, 256>}, {transform_indices = @transform_2, window_bounds = array<i64: 1000, 1>}, {transform_indices = @transform_3, window_bounds = array<i64: 1000, 1>}, {transform_indices = @transform_4, window_bounds = array<i64: 1000, 256>}, {pipeline_mode = #tpu.pipeline_mode<synchronous>, transform_indices = @transform_5, window_bounds = array<i64: 256, 256>}, {pipeline_mode = #tpu.pipeline_mode<synchronous>, transform_indices = @transform_6, window_bounds = array<i64: 256, 256>}, {pipeline_mode = #tpu.pipeline_mode<synchronous>, transform_indices = @transform_7, window_bounds = array<i64: 256, 256>}, {pipeline_mode = #tpu.pipeline_mode<synchronous>, transform_indices = @transform_8, window_bounds = array<i64: 1, 256>}, {transform_indices = @transform_9, window_bounds = array<i64: 1000, 256>}]} {
    %get3A = arith.constant 0 : index
    %get3A_0 = arith.constant 0 : index
    %get3A_1 = vector.load %arg3[%get3A, %get3A_0] : memref<1000x1xf32, #tpu.memory_space<vmem>>, vector<1000x1xf32>
    %max3A = arith.constant 1.000000e+00 : f32
    %max3A_2 = vector.broadcast %max3A : f32 to vector<1000x1xf32>
    %max3A_3 = arith.maximumf %get3A_1, %max3A_2 : vector<1000x1xf32>
    %div3A = arith.constant 1.000000e+00 : f32
    %div3A_4 = vector.broadcast %div3A : f32 to vector<1000x1xf32>
    %div3A_5 = arith.divf %div3A_4, %max3A_3 : vector<1000x1xf32>
    %get3A_6 = arith.constant 0 : index
    %get3A_7 = arith.constant 0 : index
    %get3A_8 = vector.load %arg4[%get3A_6, %get3A_7] : memref<1000x1xf32, #tpu.memory_space<vmem>>, vector<1000x1xf32>
    %max3A_9 = arith.constant 1.000000e+00 : f32
    %max3A_10 = vector.broadcast %max3A_9 : f32 to vector<1000x1xf32>
    %max3A_11 = arith.maximumf %get3A_8, %max3A_10 : vector<1000x1xf32>
    %div3A_12 = arith.constant 1.000000e+00 : f32
    %div3A_13 = vector.broadcast %div3A_12 : f32 to vector<1000x1xf32>
    %div3A_14 = arith.divf %div3A_13, %max3A_11 : vector<1000x1xf32>
    %get3A_15 = arith.constant 0 : index
    %get3A_16 = arith.constant 0 : index
    %get3A_17 = vector.load %arg1[%get3A_15, %get3A_16] : memref<1000x256xf32, #tpu.memory_space<vmem>>, vector<1000x256xf32>
    %get3A_18 = arith.constant 0 : index
    %get3A_19 = arith.constant 0 : index
    %get3A_20 = vector.load %arg6[%get3A_18, %get3A_19] : memref<256x256xf32, #tpu.memory_space<vmem>>, vector<256x256xf32>
    %dot_general3A = arith.constant dense<0.000000e+00> : vector<1000x256xf32>
    %dot_general3A_21 = tpu.matmul %get3A_17, %get3A_20, %dot_general3A {dimension_numbers = #tpu.dot_dimension_numbers<[1], [0], [0], [1], [0, 0, 1, 1], [], []>, transpose_lhs_hint = false} : vector<1000x256xf32>, vector<256x256xf32>, vector<1000x256xf32> -> vector<1000x256xf32>
    %mul3A = vector.broadcast %div3A_5 : vector<1000x1xf32> to vector<1000x256xf32>
    %mul3A_22 = arith.mulf %dot_general3A_21, %mul3A : vector<1000x256xf32>
    %get3A_23 = arith.constant 0 : index
    %get3A_24 = arith.constant 0 : index
    %get3A_25 = vector.load %arg2[%get3A_23, %get3A_24] : memref<1000x256xf32, #tpu.memory_space<vmem>>, vector<1000x256xf32>
    %get3A_26 = arith.constant 0 : index
    %get3A_27 = arith.constant 0 : index
    %get3A_28 = vector.load %arg7[%get3A_26, %get3A_27] : memref<256x256xf32, #tpu.memory_space<vmem>>, vector<256x256xf32>
    %dot_general3A_29 = arith.constant dense<0.000000e+00> : vector<1000x256xf32>
    %dot_general3A_30 = tpu.matmul %get3A_25, %get3A_28, %dot_general3A_29 {dimension_numbers = #tpu.dot_dimension_numbers<[1], [0], [0], [1], [0, 0, 1, 1], [], []>, transpose_lhs_hint = false} : vector<1000x256xf32>, vector<256x256xf32>, vector<1000x256xf32> -> vector<1000x256xf32>
    %mul3A_31 = vector.broadcast %div3A_14 : vector<1000x1xf32> to vector<1000x256xf32>
    %mul3A_32 = arith.mulf %dot_general3A_30, %mul3A_31 : vector<1000x256xf32>
    %add3A = arith.addf %mul3A_22, %mul3A_32 : vector<1000x256xf32>
    %get3A_33 = arith.constant 0 : index
    %get3A_34 = arith.constant 0 : index
    %get3A_35 = vector.load %arg5[%get3A_33, %get3A_34] : memref<1000x256xf32, #tpu.memory_space<vmem>>, vector<1000x256xf32>
    %get3A_36 = arith.constant 0 : index
    %get3A_37 = arith.constant 0 : index
    %get3A_38 = vector.load %arg8[%get3A_36, %get3A_37] : memref<256x256xf32, #tpu.memory_space<vmem>>, vector<256x256xf32>
    %dot_general3A_39 = arith.constant dense<0.000000e+00> : vector<1000x256xf32>
    %dot_general3A_40 = tpu.matmul %get3A_35, %get3A_38, %dot_general3A_39 {dimension_numbers = #tpu.dot_dimension_numbers<[1], [0], [0], [1], [0, 0, 1, 1], [], []>, transpose_lhs_hint = false} : vector<1000x256xf32>, vector<256x256xf32>, vector<1000x256xf32> -> vector<1000x256xf32>
    %add3A_41 = arith.addf %add3A, %dot_general3A_40 : vector<1000x256xf32>
    %get3A_42 = arith.constant 0 : index
    %get3A_43 = arith.constant 0 : index
    %get3A_44 = vector.load %arg9[%get3A_42, %get3A_43] : memref<1x256xf32, #tpu.memory_space<vmem>>, vector<1x256xf32>
    %add3A_45 = vector.broadcast %get3A_44 : vector<1x256xf32> to vector<1000x256xf32>
    %add3A_46 = arith.addf %add3A_41, %add3A_45 : vector<1000x256xf32>
    %swap3A = arith.constant 0 : index
    %swap3A_47 = arith.constant 0 : index
    %swap3A_48 = vector.load %arg10[%swap3A, %swap3A_47] : memref<1000x256xf32, #tpu.memory_space<vmem>>, vector<1000x256xf32>
    tpu.vector_store %arg10[%swap3A, %swap3A_47], %add3A_46 {strides = array<i32>} : memref<1000x256xf32, #tpu.memory_space<vmem>>, vector<1000x256xf32>,
    return
  }
  func.func @transform_0(%arg0: i32) -> (i32, i32) {
    %add3A = arith.constant 60 : i32
    %add3A_0 = arith.addi %arg0, %add3A : i32
    %c0_i32 = arith.constant 0 : i32
    %c0_i32_1 = arith.constant 0 : i32
    return %add3A_0, %c0_i32 : i32, i32
  }
  func.func @transform_1(%arg0: i32) -> (i32, i32) {
    %add3A = arith.constant 110 : i32
    %add3A_0 = arith.addi %arg0, %add3A : i32
    %c0_i32 = arith.constant 0 : i32
    %c0_i32_1 = arith.constant 0 : i32
    return %add3A_0, %c0_i32 : i32, i32
  }
  func.func @transform_2(%arg0: i32) -> (i32, i32) {
    %add3A = arith.constant 60 : i32
    %add3A_0 = arith.addi %arg0, %add3A : i32
    %c0_i32 = arith.constant 0 : i32
    %c0_i32_1 = arith.constant 0 : i32
    return %add3A_0, %c0_i32 : i32, i32
  }
  func.func @transform_3(%arg0: i32) -> (i32, i32) {
    %add3A = arith.constant 110 : i32
    %add3A_0 = arith.addi %arg0, %add3A : i32
    %c0_i32 = arith.constant 0 : i32
    %c0_i32_1 = arith.constant 0 : i32
    return %add3A_0, %c0_i32 : i32, i32
  }
  func.func @transform_4(%arg0: i32) -> (i32, i32) {
    %add3A = arith.constant 30 : i32
    %add3A_0 = arith.addi %arg0, %add3A : i32
    %c0_i32 = arith.constant 0 : i32
    %c0_i32_1 = arith.constant 0 : i32
    return %add3A_0, %c0_i32 : i32, i32
  }
  func.func @transform_5(%arg0: i32) -> (i32, i32) {
    %c0_i32 = arith.constant 0 : i32
    %c0_i32_0 = arith.constant 0 : i32
    %c0_i32_1 = arith.constant 0 : i32
    return %c0_i32, %c0_i32_0 : i32, i32
  }
  func.func @transform_6(%arg0: i32) -> (i32, i32) {
    %c0_i32 = arith.constant 0 : i32
    %c0_i32_0 = arith.constant 0 : i32
    %c0_i32_1 = arith.constant 0 : i32
    return %c0_i32, %c0_i32_0 : i32, i32
  }
  func.func @transform_7(%arg0: i32) -> (i32, i32) {
    %c0_i32 = arith.constant 0 : i32
    %c0_i32_0 = arith.constant 0 : i32
    %c0_i32_1 = arith.constant 0 : i32
    return %c0_i32, %c0_i32_0 : i32, i32
  }
  func.func @transform_8(%arg0: i32) -> (i32, i32) {
    %c0_i32 = arith.constant 0 : i32
    %c0_i32_0 = arith.constant 0 : i32
    %c0_i32_1 = arith.constant 0 : i32
    return %c0_i32, %c0_i32_0 : i32, i32
  }
  func.func @transform_9(%arg0: i32) -> (i32, i32) {
    %c0_i32 = arith.constant 0 : i32
    %c0_i32_0 = arith.constant 0 : i32
    return %arg0, %c0_i32 : i32, i32
  }
}

module attributes {stable_mosaic.version = 14 : i64} {
  func.func @_combine3_body(%arg0: i32, %arg1: memref<1000x256xf32, #tpu.memory_space<vmem>>, %arg2: memref<1000x256xf32, #tpu.memory_space<vmem>>, %arg3: memref<1000x256xf32, #tpu.memory_space<vmem>>, %arg4: memref<1000x1xf32, #tpu.memory_space<vmem>>, %arg5: memref<1000x1xf32, #tpu.memory_space<vmem>>, %arg6: memref<1000x1xf32, #tpu.memory_space<vmem>>, %arg7: memref<1000x256xf32, #tpu.memory_space<vmem>>, %arg8: memref<256x256xf32, #tpu.memory_space<vmem>>, %arg9: memref<256x256xf32, #tpu.memory_space<vmem>>, %arg10: memref<256x256xf32, #tpu.memory_space<vmem>>, %arg11: memref<256x256xf32, #tpu.memory_space<vmem>>, %arg12: memref<1x256xf32, #tpu.memory_space<vmem>>, %arg13: memref<1000x256xf32, #tpu.memory_space<vmem>>) attributes {dimension_semantics = [#tpu.dimension_semantics<arbitrary>], iteration_bounds = array<i64: 20>, scalar_prefetch = 0 : i64, scratch_operands = 0 : i64, tpu.core_type = #tpu.core_type<tc>, window_params = [{transform_indices = @transform_0, window_bounds = array<i64: 1000, 256>}, {transform_indices = @transform_1, window_bounds = array<i64: 1000, 256>}, {transform_indices = @transform_2, window_bounds = array<i64: 1000, 256>}, {transform_indices = @transform_3, window_bounds = array<i64: 1000, 1>}, {transform_indices = @transform_4, window_bounds = array<i64: 1000, 1>}, {transform_indices = @transform_5, window_bounds = array<i64: 1000, 1>}, {transform_indices = @transform_6, window_bounds = array<i64: 1000, 256>}, {pipeline_mode = #tpu.pipeline_mode<synchronous>, transform_indices = @transform_7, window_bounds = array<i64: 256, 256>}, {pipeline_mode = #tpu.pipeline_mode<synchronous>, transform_indices = @transform_8, window_bounds = array<i64: 256, 256>}, {pipeline_mode = #tpu.pipeline_mode<synchronous>, transform_indices = @transform_9, window_bounds = array<i64: 256, 256>}, {pipeline_mode = #tpu.pipeline_mode<synchronous>, transform_indices = @transform_10, window_bounds = array<i64: 256, 256>}, {pipeline_mode = #tpu.pipeline_mode<synchronous>, transform_indices = @transform_11, window_bounds = array<i64: 1, 256>}, {transform_indices = @transform_12, window_bounds = array<i64: 1000, 256>}]} {
    %get3A = arith.constant 0 : index
    %get3A_0 = arith.constant 0 : index
    %get3A_1 = vector.load %arg4[%get3A, %get3A_0] : memref<1000x1xf32, #tpu.memory_space<vmem>>, vector<1000x1xf32>
    %max3A = arith.constant 1.000000e+00 : f32
    %max3A_2 = vector.broadcast %max3A : f32 to vector<1000x1xf32>
    %max3A_3 = arith.maximumf %get3A_1, %max3A_2 : vector<1000x1xf32>
    %div3A = arith.constant 1.000000e+00 : f32
    %div3A_4 = vector.broadcast %div3A : f32 to vector<1000x1xf32>
    %div3A_5 = arith.divf %div3A_4, %max3A_3 : vector<1000x1xf32>
    %get3A_6 = arith.constant 0 : index
    %get3A_7 = arith.constant 0 : index
    %get3A_8 = vector.load %arg5[%get3A_6, %get3A_7] : memref<1000x1xf32, #tpu.memory_space<vmem>>, vector<1000x1xf32>
    %max3A_9 = arith.constant 1.000000e+00 : f32
    %max3A_10 = vector.broadcast %max3A_9 : f32 to vector<1000x1xf32>
    %max3A_11 = arith.maximumf %get3A_8, %max3A_10 : vector<1000x1xf32>
    %div3A_12 = arith.constant 1.000000e+00 : f32
    %div3A_13 = vector.broadcast %div3A_12 : f32 to vector<1000x1xf32>
    %div3A_14 = arith.divf %div3A_13, %max3A_11 : vector<1000x1xf32>
    %get3A_15 = arith.constant 0 : index
    %get3A_16 = arith.constant 0 : index
    %get3A_17 = vector.load %arg6[%get3A_15, %get3A_16] : memref<1000x1xf32, #tpu.memory_space<vmem>>, vector<1000x1xf32>
    %max3A_18 = arith.constant 1.000000e+00 : f32
    %max3A_19 = vector.broadcast %max3A_18 : f32 to vector<1000x1xf32>
    %max3A_20 = arith.maximumf %get3A_17, %max3A_19 : vector<1000x1xf32>
    %div3A_21 = arith.constant 1.000000e+00 : f32
    %div3A_22 = vector.broadcast %div3A_21 : f32 to vector<1000x1xf32>
    %div3A_23 = arith.divf %div3A_22, %max3A_20 : vector<1000x1xf32>
    %get3A_24 = arith.constant 0 : index
    %get3A_25 = arith.constant 0 : index
    %get3A_26 = vector.load %arg1[%get3A_24, %get3A_25] : memref<1000x256xf32, #tpu.memory_space<vmem>>, vector<1000x256xf32>
    %get3A_27 = arith.constant 0 : index
    %get3A_28 = arith.constant 0 : index
    %get3A_29 = vector.load %arg8[%get3A_27, %get3A_28] : memref<256x256xf32, #tpu.memory_space<vmem>>, vector<256x256xf32>
    %dot_general3A = arith.constant dense<0.000000e+00> : vector<1000x256xf32>
    %dot_general3A_30 = tpu.matmul %get3A_26, %get3A_29, %dot_general3A {dimension_numbers = #tpu.dot_dimension_numbers<[1], [0], [0], [1], [0, 0, 1, 1], [], []>, transpose_lhs_hint = false} : vector<1000x256xf32>, vector<256x256xf32>, vector<1000x256xf32> -> vector<1000x256xf32>
    %mul3A = vector.broadcast %div3A_5 : vector<1000x1xf32> to vector<1000x256xf32>
    %mul3A_31 = arith.mulf %dot_general3A_30, %mul3A : vector<1000x256xf32>
    %get3A_32 = arith.constant 0 : index
    %get3A_33 = arith.constant 0 : index
    %get3A_34 = vector.load %arg2[%get3A_32, %get3A_33] : memref<1000x256xf32, #tpu.memory_space<vmem>>, vector<1000x256xf32>
    %get3A_35 = arith.constant 0 : index
    %get3A_36 = arith.constant 0 : index
    %get3A_37 = vector.load %arg9[%get3A_35, %get3A_36] : memref<256x256xf32, #tpu.memory_space<vmem>>, vector<256x256xf32>
    %dot_general3A_38 = arith.constant dense<0.000000e+00> : vector<1000x256xf32>
    %dot_general3A_39 = tpu.matmul %get3A_34, %get3A_37, %dot_general3A_38 {dimension_numbers = #tpu.dot_dimension_numbers<[1], [0], [0], [1], [0, 0, 1, 1], [], []>, transpose_lhs_hint = false} : vector<1000x256xf32>, vector<256x256xf32>, vector<1000x256xf32> -> vector<1000x256xf32>
    %mul3A_40 = vector.broadcast %div3A_14 : vector<1000x1xf32> to vector<1000x256xf32>
    %mul3A_41 = arith.mulf %dot_general3A_39, %mul3A_40 : vector<1000x256xf32>
    %add3A = arith.addf %mul3A_31, %mul3A_41 : vector<1000x256xf32>
    %get3A_42 = arith.constant 0 : index
    %get3A_43 = arith.constant 0 : index
    %get3A_44 = vector.load %arg3[%get3A_42, %get3A_43] : memref<1000x256xf32, #tpu.memory_space<vmem>>, vector<1000x256xf32>
    %get3A_45 = arith.constant 0 : index
    %get3A_46 = arith.constant 0 : index
    %get3A_47 = vector.load %arg10[%get3A_45, %get3A_46] : memref<256x256xf32, #tpu.memory_space<vmem>>, vector<256x256xf32>
    %dot_general3A_48 = arith.constant dense<0.000000e+00> : vector<1000x256xf32>
    %dot_general3A_49 = tpu.matmul %get3A_44, %get3A_47, %dot_general3A_48 {dimension_numbers = #tpu.dot_dimension_numbers<[1], [0], [0], [1], [0, 0, 1, 1], [], []>, transpose_lhs_hint = false} : vector<1000x256xf32>, vector<256x256xf32>, vector<1000x256xf32> -> vector<1000x256xf32>
    %mul3A_50 = vector.broadcast %div3A_23 : vector<1000x1xf32> to vector<1000x256xf32>
    %mul3A_51 = arith.mulf %dot_general3A_49, %mul3A_50 : vector<1000x256xf32>
    %add3A_52 = arith.addf %add3A, %mul3A_51 : vector<1000x256xf32>
    %get3A_53 = arith.constant 0 : index
    %get3A_54 = arith.constant 0 : index
    %get3A_55 = vector.load %arg7[%get3A_53, %get3A_54] : memref<1000x256xf32, #tpu.memory_space<vmem>>, vector<1000x256xf32>
    %get3A_56 = arith.constant 0 : index
    %get3A_57 = arith.constant 0 : index
    %get3A_58 = vector.load %arg11[%get3A_56, %get3A_57] : memref<256x256xf32, #tpu.memory_space<vmem>>, vector<256x256xf32>
    %dot_general3A_59 = arith.constant dense<0.000000e+00> : vector<1000x256xf32>
    %dot_general3A_60 = tpu.matmul %get3A_55, %get3A_58, %dot_general3A_59 {dimension_numbers = #tpu.dot_dimension_numbers<[1], [0], [0], [1], [0, 0, 1, 1], [], []>, transpose_lhs_hint = false} : vector<1000x256xf32>, vector<256x256xf32>, vector<1000x256xf32> -> vector<1000x256xf32>
    %add3A_61 = arith.addf %add3A_52, %dot_general3A_60 : vector<1000x256xf32>
    %get3A_62 = arith.constant 0 : index
    %get3A_63 = arith.constant 0 : index
    %get3A_64 = vector.load %arg12[%get3A_62, %get3A_63] : memref<1x256xf32, #tpu.memory_space<vmem>>, vector<1x256xf32>
    %add3A_65 = vector.broadcast %get3A_64 : vector<1x256xf32> to vector<1000x256xf32>
    %add3A_66 = arith.addf %add3A_61, %add3A_65 : vector<1000x256xf32>
    %swap3A = arith.constant 0 : index
    %swap3A_67 = arith.constant 0 : index
    %swap3A_68 = vector.load %arg13[%swap3A, %swap3A_67] : memref<1000x256xf32, #tpu.memory_space<vmem>>, vector<1000x256xf32>
    tpu.vector_store %arg13[%swap3A, %swap3A_67], %add3A_66 {strides = array<i32>} : memref<1000x256xf32, #tpu.memory_space<vmem>>, vector<1000x256xf32>,
    return
  }
  func.func @transform_0(%arg0: i32) -> (i32, i32) {
    %add3A = arith.constant 0 : i32
    %add3A_0 = arith.addi %arg0, %add3A : i32
    %c0_i32 = arith.constant 0 : i32
    %c0_i32_1 = arith.constant 0 : i32
    return %add3A_0, %c0_i32 : i32, i32
  }
  func.func @transform_1(%arg0: i32) -> (i32, i32) {
    %add3A = arith.constant 20 : i32
    %add3A_0 = arith.addi %arg0, %add3A : i32
    %c0_i32 = arith.constant 0 : i32
    %c0_i32_1 = arith.constant 0 : i32
    return %add3A_0, %c0_i32 : i32, i32
  }
  func.func @transform_2(%arg0: i32) -> (i32, i32) {
    %add3A = arith.constant 40 : i32
    %add3A_0 = arith.addi %arg0, %add3A : i32
    %c0_i32 = arith.constant 0 : i32
    %c0_i32_1 = arith.constant 0 : i32
    return %add3A_0, %c0_i32 : i32, i32
  }
  func.func @transform_3(%arg0: i32) -> (i32, i32) {
    %add3A = arith.constant 0 : i32
    %add3A_0 = arith.addi %arg0, %add3A : i32
    %c0_i32 = arith.constant 0 : i32
    %c0_i32_1 = arith.constant 0 : i32
    return %add3A_0, %c0_i32 : i32, i32
  }
  func.func @transform_4(%arg0: i32) -> (i32, i32) {
    %add3A = arith.constant 20 : i32
    %add3A_0 = arith.addi %arg0, %add3A : i32
    %c0_i32 = arith.constant 0 : i32
    %c0_i32_1 = arith.constant 0 : i32
    return %add3A_0, %c0_i32 : i32, i32
  }
  func.func @transform_5(%arg0: i32) -> (i32, i32) {
    %add3A = arith.constant 40 : i32
    %add3A_0 = arith.addi %arg0, %add3A : i32
    %c0_i32 = arith.constant 0 : i32
    %c0_i32_1 = arith.constant 0 : i32
    return %add3A_0, %c0_i32 : i32, i32
  }
  func.func @transform_6(%arg0: i32) -> (i32, i32) {
    %add3A = arith.constant 10 : i32
    %add3A_0 = arith.addi %arg0, %add3A : i32
    %c0_i32 = arith.constant 0 : i32
    %c0_i32_1 = arith.constant 0 : i32
    return %add3A_0, %c0_i32 : i32, i32
  }
  func.func @transform_7(%arg0: i32) -> (i32, i32) {
    %c0_i32 = arith.constant 0 : i32
    %c0_i32_0 = arith.constant 0 : i32
    %c0_i32_1 = arith.constant 0 : i32
    return %c0_i32, %c0_i32_0 : i32, i32
  }
  func.func @transform_8(%arg0: i32) -> (i32, i32) {
    %c0_i32 = arith.constant 0 : i32
    %c0_i32_0 = arith.constant 0 : i32
    %c0_i32_1 = arith.constant 0 : i32
    return %c0_i32, %c0_i32_0 : i32, i32
  }
  func.func @transform_9(%arg0: i32) -> (i32, i32) {
    %c0_i32 = arith.constant 0 : i32
    %c0_i32_0 = arith.constant 0 : i32
    %c0_i32_1 = arith.constant 0 : i32
    return %c0_i32, %c0_i32_0 : i32, i32
  }
  func.func @transform_10(%arg0: i32) -> (i32, i32) {
    %c0_i32 = arith.constant 0 : i32
    %c0_i32_0 = arith.constant 0 : i32
    %c0_i32_1 = arith.constant 0 : i32
    return %c0_i32, %c0_i32_0 : i32, i32
  }
  func.func @transform_11(%arg0: i32) -> (i32, i32) {
    %c0_i32 = arith.constant 0 : i32
    %c0_i32_0 = arith.constant 0 : i32
    %c0_i32_1 = arith.constant 0 : i32
    return %c0_i32, %c0_i32_0 : i32, i32
  }
  func.func @transform_12(%arg0: i32) -> (i32, i32) {
    %c0_i32 = arith.constant 0 : i32
    %c0_i32_0 = arith.constant 0 : i32
    return %arg0, %c0_i32 : i32, i32
  }
}

</mosaic_0001>

<sc_bundles>
// kernel: kernel.7.cloned.1.call-start
scs
__scs_entry_jumppad:
0x0: {  	(pc) =	sbr.rel $0x88, $3  }
0x1: {  	(tag) =	ssettag $0x0;
	lr =	simm.s32 $0x1  }
0x2: {  	[smem:$0x3F80] =	sst lr;
	_ =	strace $0xD0000000  }
0x3: {  	_ = 	snop  }
0x4: {  	_ = 	snop  }
0x5: {  	_ = 	snop  }
0x6: {  	_ = 	snop  }
0x7: {  	_ = 	snop  }
__scs_overlays_trampoline_lowered:
0x8: {  	[smem:$0x3F8F] =	sst s0  }
0x9: {  	[smem:$0x3F90] =	sst s1  }
0xa: {  	[smem:$0x3F91] =	sst s2  }
0xb: {  	[smem:$0x3F92] =	sst s3  }
0xc: {  	[smem:$0x3F93] =	sst s4  }
0xd: {  	[smem:$0x3F94] =	sst s5  }
0xe: {  	[smem:$0x3F95] =	sst s6  }
0xf: {  	[smem:$0x3F96] =	sst s7  }
0x10: {  	[smem:$0x3F97] =	sst s8  }
0x11: {  	[smem:$0x3F98] =	sst s9;
	s0 =	simm.s32 @!p0 $0x0  }
0x12: {  	s1 =	sld [smem:$0x3F7E];
	s0 =	simm.s32 @p0 $0x1  }
0x13: {  	[smem:$0x3F99] =	sst s0;
	s0 =	simm.s32 @!p1 $0x0  }
0x14: {  	s2 =	sld [smem:$0x3F7D];
	s0 =	simm.s32 @p1 $0x1  }
0x15: {  	[smem:$0x3F9A] =	sst s0;
	s0 =	simm.s32 @!p2 $0x0  }
0x16: {  	s3 =	sld [smem:$0x3FDB];
	s0 =	simm.s32 @p2 $0x1  }
0x17: {  	s4 =	simm.s32 $0x1BF5;
	[smem:$0x3F9C] =	sst s0  }
0x18: {  	s0 =	sld [smem:$0x3F7F];
	_ =	swait.ge [sflag:s4], $0x0  }
0x19: {  	s7 =	sld [smem:$0x3F80]  }
0x1a: {  	s8 =	sadd.s32 $0xFFFFE003, lr  }
0x1b: {  	s9 =	sadd.s32 $0xFFFFFEF7, lr;
	s5 =	simm.s32 $0xFFFFFFFF;
	p2 =	slt.u32 s8, $0xFFFFF086  }
0x1c: {  	p1 =	slt.u32 s9, $0xF7A;
	s5 =	simm.s32 @!p2 $0x0  }
0x1d: {  	s5 =	simm.s32 @p1 $0x1;
	p0 =	seq.s32 s7, s2  }
0x1e: {  	s7 =	smul.u32 @!p0 $0xF7A, s2;
	p2 =	seq.s32 @!p0 s5, $0x0  }
0x1f: {  	s9 =	smul.u32 $0xF7A, s1;
	s8 =	simm.s32 @!p0 $0x1BF5;
	p2 =	por !p2, p0  }
0x20: {  	[sflag:s8] =	ssyncset.s32 @!p0 $0xFFFFF086;
	s6 =	sadd.s32 @!p0 s3, s7;
	s7 =	simm.s32 @!p0 $0x108  }
0x21: {  	s3 =	sadd.s32 s3, s9;
	s6 =	sadd.s32 @!p0 $0x88, s6;
	s7 =	simm.s32 @p2 $0x1082  }
0x22: {  	[simem:s7], [sflag:s8] =	dma.local @!p0 [hbm:s6], $0xF7A  }
0x23: {  	s9 =	sor.u32 $0xD0000000, s2;
	s6 =	simm.s32 $0x108;
	_ =	swait.ge @!p0 [sflag:s8], $0x0  }
0x24: {  	s3 =	sadd.s32 $0x88, s3;
	s6 =	simm.s32 @!p1 $0x1082;
	[sflag:s4] =	ssyncset.s32 $0xFFFFF086  }
0x25: {  	[simem:s6], [sflag:s4] =	dma.local [hbm:s3], $0xF7A  }
0x26: {  	[smem:$0x3F80] =	sst s1;
	(tag) =	ssettag s2;
	_ =	strace s9  }
0x27: {  	s1 =	sld [smem:$0x3F90]  }
0x28: {  	s2 =	sld [smem:$0x3F91]  }
0x29: {  	s4 =	sld [smem:$0x3F93]  }
0x2a: {  	p0 =	seq.s32 s5, $0x0;
	s5 =	sld [smem:$0x3F94]  }
0x2b: {  	s6 =	sld [smem:$0x3F95]  }
0x2c: {  	s7 =	sld [smem:$0x3F96]  }
0x2d: {  	s3 =	simm.s32 $0x108;
	s8 =	sld [smem:$0x3F97]  }
0x2e: {  	s3 =	simm.s32 @!p0 $0x1082;
	s9 =	sld [smem:$0x3F98]  }
0x2f: {  	lr =	sadd.s32 s0, s3;
	s0 =	sld [smem:$0x3F8F]  }
0x30: {  	s3 =	sld [smem:$0x3F92]  }
0x31: {  	[smem:$0x3F9B] =	sst s10  }
0x32: {  	s10 =	sld [smem:$0x3F99];
	_ =	sdelay $0x3  }
0x33: {  	p0 =	seq.s32 s10, $0x1;
	s10 =	sld [smem:$0x3F9B];
	_ =	sdelay $0x3  }
0x34: {  	[smem:$0x3F9B] =	sst s10  }
0x35: {  	s10 =	sld [smem:$0x3F9A];
	_ =	sdelay $0x3  }
0x36: {  	p1 =	seq.s32 s10, $0x1;
	s10 =	sld [smem:$0x3F9B];
	_ =	sdelay $0x3  }
0x37: {  	[smem:$0x3F9B] =	sst s10  }
0x38: {  	s10 =	sld [smem:$0x3F9C]  }
0x39: {  	_ = 	snop;
	(pc) =	sbr.ind lr, $3  }
0x3a: {  	_ = 	snop  }
0x3b: {  	_ = 	snop  }
0x3c: {  	p2 =	seq.s32 s10, $0x1;
	s10 =	sld [smem:$0x3F9B]  }
0x3d: {  	_ =	shalt  }
0x3e: {  	_ =	shalt  }
0x3f: {  	_ =	shalt  }
0x40: {  	_ =	shalt  }
0x41: {  	_ =	shalt  }
0x42: {  	_ =	shalt  }
0x43: {  	_ =	shalt  }
0x44: {  	_ =	shalt  }
0x45: {  	_ =	shalt  }
0x46: {  	_ =	shalt  }
0x47: {  	_ =	shalt  }
0x48: {  	_ =	shalt  }
0x49: {  	_ =	shalt  }
0x4a: {  	_ =	shalt  }
0x4b: {  	_ =	shalt  }
0x4c: {  	_ =	shalt  }
0x4d: {  	_ =	shalt  }
0x4e: {  	_ =	shalt  }
0x4f: {  	_ =	shalt  }
0x50: {  	_ =	shalt  }
0x51: {  	_ =	shalt  }
0x52: {  	_ =	shalt  }
0x53: {  	_ =	shalt  }
0x54: {  	_ =	shalt  }
0x55: {  	_ =	shalt  }
0x56: {  	_ =	shalt  }
0x57: {  	_ =	shalt  }
0x58: {  	_ =	shalt  }
0x59: {  	_ =	shalt  }
0x5a: {  	_ =	shalt  }
0x5b: {  	_ =	shalt  }
0x5c: {  	_ =	shalt  }
0x5d: {  	_ =	shalt  }
0x5e: {  	_ =	shalt  }
0x5f: {  	_ =	shalt  }
0x60: {  	_ =	shalt  }
0x61: {  	_ =	shalt  }
0x62: {  	_ =	shalt  }
0x63: {  	_ =	shalt  }
0x64: {  	_ =	shalt  }
0x65: {  	_ =	shalt  }
0x66: {  	_ =	shalt  }
0x67: {  	_ =	shalt  }
0x68: {  	_ =	shalt  }
0x69: {  	_ =	shalt  }
0x6a: {  	_ =	shalt  }
0x6b: {  	_ =	shalt  }
0x6c: {  	_ =	shalt  }
0x6d: {  	_ =	shalt  }
0x6e: {  	_ =	shalt  }
0x6f: {  	_ =	shalt  }
0x70: {  	_ =	shalt  }
0x71: {  	_ =	shalt  }
0x72: {  	_ =	shalt  }
0x73: {  	_ =	shalt  }
0x74: {  	_ =	shalt  }
0x75: {  	_ =	shalt  }
0x76: {  	_ =	shalt  }
0x77: {  	_ =	shalt  }
0x78: {  	_ =	shalt  }
0x79: {  	_ =	shalt  }
0x7a: {  	_ =	shalt  }
0x7b: {  	_ =	shalt  }
0x7c: {  	_ =	shalt  }
0x7d: {  	_ =	shalt  }
0x7e: {  	_ =	shalt  }
0x7f: {  	_ =	shalt  }
0x80: {  	_ =	shalt  }
0x81: {  	_ =	shalt  }
0x82: {  	_ =	shalt  }
0x83: {  	_ =	shalt  }
0x84: {  	_ =	shalt  }
0x85: {  	_ =	shalt  }
0x86: {  	_ =	shalt  }
0x87: {  	_ =	shalt  }
.Lfunc_end0:
.L_simem_size_0:
called_computation_lowered:
.L_overlay_start_0:
0x88: {  	s2 =	sld [smem:$0x3FD9]  }
0x89: {  	s3 =	sld [smem:$0x3FFE];
	_ =	sdelay $0x1  }
0x8a: {  	s1 =	srdreg.scid  }
0x8b: {  	s0 =	sand.u32 $0x1, s1  }
0x8c: {  	s14 =	sshll.u32 s0, $0xA;
	s2 =	sadd.s32 s3, s2  }
0x8d: {  	s2 =	sadd.s32 s2, s14  }
0x8e: {  	[smem:$0x3FA7] =	sst s2  }
0x8f: {  	_ = 	snop  }
0x90: {  	s2 =	sld [smem:$0x3FD0];
	_ =	sdelay $0x2  }
0x91: {  	s15 =	simm.s32 $0xA;
	s4 =	simm.s32 $0x10  }
0x92: {  	[smem:s4], [sflag:s15] =	dma.local [hbm:s2], $0x1  }
0x93: {  	_ =	swait.eq [sflag:s15], $0x1  }
0x94: {  	s16 =	sld [smem:$0x10];
	[sflag:s15] =	ssyncset.done $0x0  }
0x95: {  	s17 =	sld [smem:$0x11];
	[sflag:s15] =	ssyncadd.s32 $0xFFFFFFFF  }
0x96: {  	s18 =	sld [smem:$0x12];
	(tm) =	ssettm $0x1  }
0x97: {  	s5 =	sld [smem:$0x3FFB];
	_ =	sdelay $0x3  }
0x98: {  	_ =	strace s5  }
0x99: {  	s5 =	sld [smem:$0x3FFC];
	_ =	sdelay $0x3  }
0x9a: {  	_ =	strace s5  }
0x9b: {  	s5 =	sld [smem:$0x3FFD];
	_ =	sdelay $0x3  }
0x9c: {  	_ =	strace s5  }
0x9d: {  	_ =	strace $0x8FFFFFFF  }
0x9e: {  	s19 =	sld [smem:$0x3FDB];
	_ =	sdelay $0x1  }
0x9f: {  	s6 =	simm.s32 $_scs_section_size  }
0xa0: {  	s7 =	simm.s32 $_size__tile_overlayer_lowered;
	s8 =	simm.s32 $_tile_overlayer_lowered  }
0xa1: {  	s22 =	simm.s32 $0x1BFF;
	s21 =	sshll.u32 s8, $0x1;
	s5 =	sadd.s32 s6, s19  }
0xa2: {  	s9 =	simm.s32 $0x0;
	s20 =	sshll.u32 s7, $0x1;
	s7 =	sadd.s32 s21, s5  }
0xa3: {  	[timem:s9], [sflag:s22] =	dma.local [hbm:s7], s20  }
0xa4: {  	_ =	swait.ge [sflag:s22], s20  }
0xa5: {  	s6 =	ssub.s32 $0x0, s20;
	[sflag:s22] =	ssyncset.done $0x0  }
0xa6: {  	[sflag:s22] =	ssyncadd.s32 s6;
	_ =	sdelay $0x1  }
0xa7: {  	s23 =	simm.s32 $0x1B8B  }
0xa8: {  	_ =	swait.ge [sflag:s23], $0x1  }
0xa9: {  	[sflag:s23] =	ssyncset.done $0x0  }
0xaa: {  	s25 =	simm.s32 $0x1B8E;
	s24 =	sld [smem:$0x3FFE];
	[sflag:s23] =	ssyncadd.s32 $0xFFFFFFFF  }
0xab: {  	s26 =	simm.s32 $execute0_lowered;
	[smem:$0x3FD2] =	sst s25  }
0xac: {  	s7 =	sshll.u32 s26, $0x1;
	_ =	strace $0x80000046;
	[dreg:$0x1] =	wrdreg $0xFFFFFFFF  }
0xad: {  	s28 =	simm.s32 $_size_execute0_lowered;
	s5 =	sadd.s32 s5, s7;
	[dreg:$0x0] =	wrdreg $0x0  }
0xae: {  	s7 =	sshll.u32 s28, $0x1;
	[dreg:$0x2] =	wrdreg s5  }
0xaf: {  	[dreg:$0x3] =	wrdreg s7  }
0xb0: {  	[dreg:$0x4] =	wrdreg $0xC0  }
0xb1: {  	_ =	task [dreg:s9], $0x5FFFF  }
0xb2: {  	[dreg:$0x1] =	wrdreg $0xFFFFFFFF  }
0xb3: {  	[dreg:$0x0] =	wrdreg $0x60  }
0xb4: {  	[dreg:$0x2] =	wrdreg s16  }
0xb5: {  	[dreg:$0x3] =	wrdreg s17  }
0xb6: {  	[dreg:$0x4] =	wrdreg s24  }
0xb7: {  	[dreg:$0x5] =	wrdreg s18  }
0xb8: {  	[dreg:$0x6] =	wrdreg $0x16D500  }
0xb9: {  	[dreg:$0x7] =	wrdreg $0x161000  }
0xba: {  	[dreg:$0x8] =	wrdreg $0x16D400  }
0xbb: {  	[dreg:$0x9] =	wrdreg $0x9  }
0xbc: {  	_ =	task.clear_ibuf [dreg:s9], $0xAFFFF;
	_ =	strace $0x90000046  }
0xbd: {  	s29 =	simm.s32 $0x9;
	_ =	strace $0x80000048  }
0xbe: {  	_ =	swait.ge [sflag:s29], $0x1  }
0xbf: {  	[sflag:s29] =	ssyncadd.s32 $0xFFFFFFFF  }
0xc0: {  	_ =	strace $0x90000048  }
0xc1: {  	_ =	sfence  }
0xc2: {  	s30 =	sld [smem:$0x0];
	_ =	sdelay $0x2  }
0xc3: {  	s31 =	sshll.u32 s1, $0xD;
	s1 =	sshrl.u32 s1, $0x2  }
0xc4: {  	s3 =	sand.u32 $0x4000, s31;
	s1 =	sadd.s32 s1, s30  }
0xc5: {  	s0 =	sor.u32 s3, s0;
	s1 =	sshll.u32 s1, $0x11  }
0xc6: {  	s0 =	sor.u32 s1, s0  }
0xc7: {  	s0 =	sadd.s32 $0x8F2B, s0  }
0xc8: {  	[sflag:s0] =	ssyncadd.remote.s32 $0x1  }
0xc9: {  	_ =	sfence.sel $0xFFFF  }
0xca: {  	[dreg:$0x0] =	wrdreg $0xFFFFFFFF;
	(pc) =	sbr.abs _section_cstart, $3  }
0xcb: {  	[dreg:$0x1] =	wrdreg $0xFFFFFFFF  }
0xcc: {  	_ =	task.clear_ibuf [dreg:s9], $0x2FFFF;
	_ =	strace $0x9FFFFFFF  }
0xcd: {  	(tm) =	ssettm $0x7FFFFFFF  }
tec
execute0_lowered:
.L_overlay_start_1:
0x0: {  	(tag) =	ssettag $0x1  }
0x1: {  	s2 =	rddreg [dreg:$0x2]  }
0x2: {  	s11 =	rddreg [dreg:$0x5]  }
0x3: {  	s4 =	rddreg [dreg:$0x6];
	s0 =	srdreg.scid;
	s3 =	simm.s32 $0x0  }
0x4: {  	s24 =	stileid.u32;
	s16 =	simm.s32 $0x1;
	s10 =	simm.s32 $0x5  }
0x5: {  	s31 =	simm.s32 $0x2B00;
	s9 =	simm.s32 $0x14000;
	s17 =	simm.s32 $0x5000  }
0x6: {  	s18 =	simm.s32 $0x5800;
	s20 =	simm.s32 $0x6000;
	s21 =	simm.s32 $0x6800  }
0x7: {  	s30 =	simm.s32 $0x0;
	[smem:$0x7FF] =	sst s3;
	s6 =	sadd.s32 $0x271000, s2  }
0x8: {  	s26 =	sshll.u32 s24, $0x7;
	_ =	strace $0x80000047;
	[dreg:$0xa] =	wrdreg s6  }
0x9: {  	s7 =	sand.u32 $0x1, s0;
	s5 =	smul.u32 $0xC40, s24;
	[dreg:$0xb] =	wrdreg s26  }
0xa: {  	s29 =	sshll.u32 s24, $0x4;
	p0 =	sne.s32 s24, $0x0;
	[dreg:$0xf] =	wrdreg s30  }
.Ltmp0:
0xb: {  	s1 =	ssub.s32 $0x2, s7;
	[dreg:$0x8] =	wrdreg s7;
	(pc) =	sbr.rel .LBB2_1-.Ltmp0, $4  }
0xc: {  	v1 =	vlaneseq.u32;
	v2 =	vimm.f32 $0.0e+00;
	s3 =	sadd.s32 s29, s4;
	s25 =	sshrl.u32 s1, $0x1;
	[dreg:$0x9] =	wrdreg s5  }
0xd: {  	v3 =	vimm.s32 $0x0;
	v4 =	vimm.f32 $1.000000000e+00;
	vm0 =	vmmov $0xffff;
	s28 =	sadd.s32 s5, s11;
	[dreg:$0xd] =	wrdreg s3;
	s1 =	ssub.s32 s1, s25  }
0xe: {  	p1 =	seq.s32 s24, $0xF;
	v6 =	vshrl.u32 v1, $0x3;
	v5 =	vand.u32 $0x7, v1;
	v7 =	vor.u32 $0x8, v1;
	[dreg:$0xc] =	wrdreg s28;
	s1 =	smax.u32 s1, $0x1  }
0xf: {  	v8 =	vor.u32 $0x80, v1;
	v0 =	vmov s26;
	v6 =	vmul.u32 $0x8, v6;
	s3 =	simm.s32 $0x2D80;
	s25 =	simm.s32 $0x1900;
	[dreg:$0xe] =	wrdreg s1  }
.LBB2_30:
0x10: {  	s1 =	rddreg [dreg:$0xf]  }
0x11: {  	s0 =	rddreg [dreg:$0xe];
	s1 =	sadd.s32 $0x1, s1  }
0x12: {  	p2 =	sne.s32 s1, s0  }
.Ltmp1:
0x13: {  	_ = 	snop;
	(pc) =	sbr.rel @!p2 .LBB2_31-.Ltmp1, $2  }
0x14: {  	_ =	sdelay $0x2  }
0x15: {  	[dreg:$0xf] =	wrdreg s1  }
.LBB2_1:
0x16: {  	s0 =	simm.s32 $0x0;
	s5 =	simm.s32 $0x0  }
0x17: {  	s4 =	simm.s32 $0x0;
	s0 =	sand.u32 $0x1800, s0;
	s1 =	sand.u32 $0x400, s5  }
0x18: {  	s4 =	sand.u32 $0x380, s4;
	s0 =	sor.u32 s1, s0  }
0x19: {  	s30 =	sand.u32 $0x70, s5;
	s0 =	sor.u32 s0, s4  }
0x1a: {  	s1 =	sor.u32 s30, s0  }
0x1b: {  	s4 =	simm.s32 $0x0;
	s0 =	simm.s32 $0x1;
	[tilespmem:s1+$0x14100] =	vst v2;
	s1 =	simm.s32 $0x80  }
.LBB2_2:
0x1c: {  	s5 =	sshll.u32 s0, $0x4;
	p2 =	sne.s32 s0, $0x1FF  }
0x1d: {  	s6 =	smov.u32 s0;
	s0 =	sadd.s32 $0x1, s0;
	s8 =	sand.u32 $0x400, s1  }
.Ltmp2:
0x1e: {  	s5 =	sand.u32 $0x1800, s5;
	s6 =	sshll.u32 s6, $0x3;
	(pc) =	sbr.rel @p2 .LBB2_2-.Ltmp2, $4  }
0x1f: {  	s4 =	sadd.s32 $0x10, s4;
	s6 =	sand.u32 $0x380, s6;
	s5 =	sor.u32 s8, s5  }
0x20: {  	s8 =	sand.u32 $0x70, s4;
	s5 =	sor.u32 s5, s6  }
0x21: {  	s5 =	sor.u32 s8, s5  }
0x22: {  	s1 =	sadd.s32 $0x80, s1;
	[tilespmem:s5+$0x14100] =	vst v2  }
0x23: {  	s0 =	simm.s32 @!p0 $0x14100;
	s1 =	rddreg [dreg:$0x4]  }
0x24: {  	[spmem:s1] =	stream.linear.scatter @!p0 [tilespmem:s0], [sflag:$0x4], $0x2000, $0x38;
	[tilespmem:$0x16F50] =	vst v63  }
0x25: {  	s0 =	simm.s32 @!p0 $0x4  }
.Ltmp3:
0x26: {  	_ =	swait.ge @!p0 [sflag:s0], $0x2000;
	(pc) =	sbr.rel .LBB2_4-.Ltmp3, $4  }
0x27: {  	[sflag:s0] =	ssyncset.done @!p0 $0x0  }
0x28: {  	[sflag:s0] =	ssyncadd.s32 @!p0 $0xFFFFE000  }
0x29: {  	[bflag:$0x0] =	sbarrier.arrive $0xFFFF  }
0x2a: {  	s6 =	simm.s32 $0x0  }
.LBB2_28:
0x2b: {  	s8 =	rddreg [dreg:$0x11]  }
0x2c: {  	s0 =	sadd.s32 @p1 $0x780, s8  }
0x2d: {  	s7 =	rddreg [dreg:$0xa];
	s1 =	sshll.u32 @p1 s0, $0x5  }
0x2e: {  	s4 =	simm.s32 @p1 $0x0;
	s5 =	simm.s32 @p1 $0xB000;
	s1 =	sadd.s32 @p1 s7, s1  }
0x2f: {  	[hbm4b:s1+s4] =	stream.linear.scatter @p1 [tilespmem:s5], [sflag:$0x5], $0x5000, $0x38;
	[tilespmem:$0x16F50] =	vst v63  }
0x30: {  	s1 =	simm.s32 @p1 $0x5  }
0x31: {  	_ =	swait.ge @p1 [sflag:s1], $0x5000  }
0x32: {  	[sflag:s1] =	ssyncset.done @p1 $0x0  }
0x33: {  	[sflag:s1] =	ssyncadd.s32 @p1 $0xFFFFB000  }
0x34: {  	s0 =	sshrl.u32 @p1 s0, $0x3;
	s6 =	rddreg [dreg:$0x3]  }
0x35: {  	s1 =	simm.s32 @p1 $0x14000;
	s0 =	sadd.s32 @p1 s6, s0  }
0x36: {  	[hbm4b:s0+s4] =	stream.linear.scatter @p1 [tilespmem:s1], [sflag:$0x4], $0x50, $0x38;
	[tilespmem:$0x16F50] =	vst v63  }
0x37: {  	s0 =	simm.s32 @p1 $0x4  }
0x38: {  	_ =	swait.ge @p1 [sflag:s0], $0x50  }
0x39: {  	s1 =	rddreg [dreg:$0xb]  }
0x3a: {  	[sflag:s0] =	ssyncset.done @p1 $0x0;
	s1 =	sadd.s32 @!p1 s1, s8  }
0x3b: {  	[sflag:s0] =	ssyncadd.s32 @p1 $0xFFFFFFB0;
	s0 =	sshll.u32 @!p1 s1, $0x5  }
0x3c: {  	s5 =	simm.s32 @!p1 $0xB000;
	s4 =	simm.s32 @!p1 $0x0;
	s0 =	sadd.s32 @!p1 s7, s0  }
0x3d: {  	[hbm4b:s0+s4] =	stream.linear.scatter @!p1 [tilespmem:s5], [sflag:$0x5], $0x8000, $0x38;
	[tilespmem:$0x16F50] =	vst v63  }
0x3e: {  	s0 =	simm.s32 @!p1 $0x5  }
0x3f: {  	_ =	swait.ge @!p1 [sflag:s0], $0x8000  }
0x40: {  	s1 =	sshrl.u32 @!p1 s1, $0x3;
	[sflag:s0] =	ssyncset.done @!p1 $0x0  }
0x41: {  	s1 =	sadd.s32 @!p1 s6, s1;
	s5 =	simm.s32 @!p1 $0x14000;
	[sflag:s0] =	ssyncadd.s32 @!p1 $0xFFFF8000  }
0x42: {  	[hbm4b:s1+s4] =	stream.linear.scatter @!p1 [tilespmem:s5], [sflag:$0x5], $0x80, $0x38;
	[tilespmem:$0x16F50] =	vst v63  }
0x43: {  	_ =	swait.ge @!p1 [sflag:s0], $0x80  }
0x44: {  	[sflag:s0] =	ssyncset.done @!p1 $0x0;
	s7 =	rddreg [dreg:$0x8]  }
0x45: {  	s10 =	simm.s32 $0x5;
	s6 =	rddreg [dreg:$0x10];
	[sflag:s0] =	ssyncadd.s32 @!p1 $0xFFFFFF80  }
.LBB2_29:
0x46: {  	s6 =	sadd.s32 $0x1, s6  }
0x47: {  	p2 =	sne.s32 s6, $0x2B  }
.Ltmp4:
0x48: {  	_ = 	snop;
	(pc) =	sbr.rel @!p2 .LBB2_30-.Ltmp4, $1  }
0x49: {  	_ =	sdelay $0x3  }
.LBB2_4:
0x4a: {  	s0 =	sshll.u32 s6, $0x1  }
0x4b: {  	s0 =	sor.u32 s7, s0  }
0x4c: {  	p2 =	sgt.u32 s0, $0x54  }
.Ltmp5:
0x4d: {  	_ = 	snop;
	(pc) =	sbr.rel @p2 .LBB2_29-.Ltmp5, $1  }
0x4e: {  	_ =	sdelay $0x3  }
0x4f: {  	p2 =	sgt.u32 s6, $0x4;
	s1 =	simm.s32 $0x1  }
0x50: {  	s4 =	simm.s32 $0x1;
	s1 =	simm.s32 @!p2 $0x0;
	p2 =	sgt.u32 s6, $0x9  }
0x51: {  	s5 =	simm.s32 $0x1;
	s4 =	simm.s32 @!p2 $0x0;
	p2 =	sgt.u32 s6, $0xE  }
0x52: {  	s1 =	sadd.s32 s4, s1;
	s5 =	simm.s32 @!p2 $0x0  }
0x53: {  	p2 =	sgt.u32 s6, $0x27;
	s4 =	simm.s32 $0x1;
	s1 =	sadd.s32 s5, s1  }
0x54: {  	s4 =	simm.s32 @!p2 $0x0;
	p2 =	sgt.u32 s0, $0x36;
	s5 =	simm.s32 $0x1  }
0x55: {  	s5 =	simm.s32 @!p2 $0x0;
	s1 =	sadd.s32 s4, s1  }
0x56: {  	s1 =	sadd.s32 s5, s1  }
0x57: {  	[dreg:$0x10] =	wrdreg s6;
	s1 =	smul.u32 $0xC400, s1  }
0x58: {  	s8 =	rddreg [dreg:$0x9]  }
0x59: {  	[bflag:$0x0] =	sbarrier.arrive $0xFFFF;
	s1 =	sadd.s32 s8, s1  }
0x5a: {  	s12 =	rddreg [dreg:$0x0];
	s1 =	sshrl.u32 s1, $0x3  }
0x5b: {  	s13 =	simm.s32 $0x0;
	s14 =	rddreg [dreg:$0x1];
	s4 =	sadd.s32 s12, s1  }
0x5c: {  	[tilespmem:s13], [sflag:$0x2] =	stream.linear.gather [hbm4b:s4+s13], $0xC40, $0x38;
	[tilespmem:$0x16F50] =	vst v63  }
0x5d: {  	s15 =	simm.s32 $0xC80;
	s1 =	sadd.s32 s14, s1  }
0x5e: {  	[tilespmem:s15], [sflag:$0x2] =	stream.linear.gather [hbm4b:s1+s13], $0xC40, $0x38;
	[tilespmem:$0x16F50] =	vst v63  }
0x5f: {  	s22 =	simm.s32 $0xB000;
	s19 =	rddreg [dreg:$0x4]  }
0x60: {  	[tilespmem:s22], [sflag:$0x5] =	stream.linear.gather [spmem:s19], $0x2000, $0x38;
	[tilespmem:$0x16F50] =	vst v63  }
0x61: {  	_ =	swait.ge [sflag:s10], $0x2000  }
0x62: {  	[sflag:s10] =	ssyncset.done $0x0  }
0x63: {  	s23 =	simm.s32 $0xD000;
	[sflag:s10] =	ssyncadd.s32 $0xFFFFE000  }
0x64: {  	[tilespmem:s23], [sflag:$0x5] =	stream.linear.gather [spmem:s19], $0x2000, $0x38;
	[tilespmem:$0x16F50] =	vst v63  }
0x65: {  	_ =	swait.ge [sflag:s10], $0x2000  }
0x66: {  	[sflag:s10] =	ssyncset.done $0x0  }
0x67: {  	s24 =	simm.s32 $0xF000;
	[sflag:s10] =	ssyncadd.s32 $0xFFFFE000  }
0x68: {  	[tilespmem:s24], [sflag:$0x5] =	stream.linear.gather [spmem:s19], $0x2000, $0x38;
	[tilespmem:$0x16F50] =	vst v63  }
0x69: {  	_ =	swait.ge [sflag:s10], $0x2000  }
0x6a: {  	[sflag:s10] =	ssyncset.done $0x0  }
0x6b: {  	s26 =	simm.s32 $0x11000;
	[sflag:s10] =	ssyncadd.s32 $0xFFFFE000  }
0x6c: {  	[tilespmem:s26], [sflag:$0x5] =	stream.linear.gather [spmem:s19], $0x2000, $0x38;
	[tilespmem:$0x16F50] =	vst v63  }
0x6d: {  	_ =	swait.ge [sflag:s10], $0x2000  }
0x6e: {  	[sflag:s10] =	ssyncset.done $0x0  }
0x6f: {  	s28 =	simm.s32 $0x13000;
	[sflag:s10] =	ssyncadd.s32 $0xFFFFE000  }
0x70: {  	[tilespmem:s28], [sflag:$0x5] =	stream.linear.gather [spmem:s19], $0x1000, $0x38;
	[tilespmem:$0x16F50] =	vst v63  }
0x71: {  	_ =	swait.ge [sflag:s10], $0x1000  }
0x72: {  	[sflag:s10] =	ssyncset.done $0x0  }
0x73: {  	[sflag:s10] =	ssyncadd.s32 $0xFFFFF000  }
0x74: {  	[tilespmem:$0x14000] =	vst v2  }
0x75: {  	[tilespmem:$0x14010] =	vst v2  }
0x76: {  	[tilespmem:$0x14020] =	vst v2  }
0x77: {  	[tilespmem:$0x14030] =	vst v2  }
0x78: {  	[tilespmem:$0x14040] =	vst v2  }
0x79: {  	[tilespmem:$0x14050] =	vst v2  }
0x7a: {  	[tilespmem:$0x14060] =	vst v2  }
0x7b: {  	[tilespmem:$0x14070] =	vst v2  }
0x7c: {  	[tilespmem:$0x14080] =	vst v2  }
0x7d: {  	[tilespmem:$0x14090] =	vst v2  }
0x7e: {  	[tilespmem:$0x140A0] =	vst v2  }
0x7f: {  	[tilespmem:$0x140B0] =	vst v2  }
0x80: {  	[tilespmem:$0x140C0] =	vst v2  }
0x81: {  	[tilespmem:$0x140D0] =	vst v2  }
0x82: {  	[tilespmem:$0x140E0] =	vst v2  }
0x83: {  	s29 =	simm.s32 $0x2;
	[tilespmem:$0x140F0] =	vst v2  }
0x84: {  	_ =	swait.ge [sflag:s29], $0xC40  }
0x85: {  	[sflag:s29] =	ssyncset.done $0x0  }
0x86: {  	[sflag:s29] =	ssyncadd.s32 $0xFFFFF3C0  }
0x87: {  	s30 =	smul.u32 $0x7D0, s0;
	_ =	swait.ge [sflag:s29], $0xC40  }
0x88: {  	s0 =	simm.s32 $0x40;
	[sflag:s29] =	ssyncset.done $0x0  }
0x89: {  	v9 =	vimm.s32 $0x0;
	v10 =	vimm.s32 $0x0;
	v11 =	vmov s30;
	s1 =	simm.s32 $0x0;
	[dreg:$0x11] =	wrdreg s30;
	[sflag:s29] =	ssyncadd.s32 $0xFFFFF3C0  }
.LBB2_6:
0x8a: {  	p2 =	sne.s32 s0, $0x30C0;
	v12 =	vld [tilespmem:s1+$0xC80];
	_ =	sdelay $0x4  }
0x8b: {  	v12 =	vsub.s32 v12, v11  }
0x8c: {  	vm1 =	vlt.u32 v12, $0x7D0  }
0x8d: {  	v13 =	vsel vm1, $0x3F800000, v2;
	v14 =	vmpcnt.ones.xlane vm1  }
0x8e: {  	(xrf2) =	vadd.scan.msk.f32 $0xffff, v13  }
0x8f: {  	v9 =	vadd.s32 v9, v14;
	_ =	sdelay $0x8  }
0x90: {  	v13, _, _ =	vpop (xrf2)  }
0x91: {  	v13 =	vtrunc.f32 v13  }
0x92: {  	v13 =	vcvt.f32.s32 v13;
	_ =	sdelay $0x1  }
0x93: {  	v14 =	vld [tilespmem:s1+$0x0];
	v13 =	vadd.s32 v13, v10;
	v10 =	vmov v9  }
0x94: {  	v13 =	vadd.s32 $0xFFFFFFFF, v13  }
.Ltmp6:
0x95: {  	(pc) =	sbr.rel @p2 .LBB2_6-.Ltmp6, $4  }
0x96: {  	_ = 	snop  }
0x97: {  	v12 =	vshll.u32 v12, $0x11  }
0x98: {  	v12 =	vadd.s32 v14, v12  }
0x99: {  	s1 =	sshra.s32 s0, $0x2;
	s0 =	sadd.s32 $0x40, s0;
	[tilespmem:v13+s25+$0x0] =	vst.idx.msk vm1, v12  }
0x9a: {  	v12 =	vld [tilespmem:s1+$0xC80];
	_ =	sdelay $0x4  }
0x9b: {  	v11 =	vsub.s32 v12, v11  }
0x9c: {  	vm1 =	vlt.u32 v11, $0x7D0  }
0x9d: {  	v62 =	vsel vm1, $0x3F800000, v2  }
0x9e: {  	(xrf2) =	vadd.scan.msk.f32 $0xffff, v62;
	_ =	sdelay $0x9  }
0x9f: {  	v12, _, _ =	vpop (xrf2)  }
0xa0: {  	v12 =	vtrunc.f32 v12  }
0xa1: {  	v12 =	vcvt.f32.s32 v12;
	_ =	sdelay $0x1  }
0xa2: {  	v13 =	vld [tilespmem:s1+$0x0];
	v10 =	vadd.s32 v12, v10  }
0xa3: {  	v10 =	vadd.s32 $0xFFFFFFFF, v10;
	_ =	sdelay $0x2  }
0xa4: {  	v11 =	vshll.u32 v11, $0x11  }
0xa5: {  	v11 =	vadd.s32 v13, v11  }
0xa6: {  	s0 =	rddreg [dreg:$0xc];
	v63 =	vmpcnt.ones.xlane vm1;
	[tilespmem:v10+s25+$0x0] =	vst.idx.msk vm1, v11  }
0xa7: {  	[spmem:s0] =	stream.linear.scatter [tilespmem:s25], [sflag:$0x5], $0xC40, $0x38;
	[tilespmem:$0x16F50] =	vst v63  }
0xa8: {  	v9 =	vadd.s32 v9, v63;
	_ =	swait.ge [sflag:s10], $0xC40  }
0xa9: {  	v9 =	vbroadcast v9, $0x0;
	[sflag:s10] =	ssyncset.done $0x0  }
0xaa: {  	[sflag:s10] =	ssyncadd.s32 $0xFFFFF3C0  }
0xab: {  	s26 =	simm.s32 $0x2580;
	s24 =	rddreg [dreg:$0xd];
	[tilespmem:$0x2580] =	vst v9  }
0xac: {  	[spmem:s24] =	stream.linear.scatter [tilespmem:s26], [sflag:$0x5], $0x10, $0x38;
	[tilespmem:$0x16F50] =	vst v63  }
0xad: {  	_ =	swait.ge [sflag:s10], $0x10  }
0xae: {  	[sflag:s10] =	ssyncset.done $0x0  }
0xaf: {  	[sflag:s10] =	ssyncadd.s32 $0xFFFFFFF0  }
0xb0: {  	[bflag:$0x0] =	sbarrier.arrive $0xFFFF  }
0xb1: {  	s29 =	simm.s32 $0x2600;
	s28 =	rddreg [dreg:$0x6]  }
0xb2: {  	[tilespmem:s29], [sflag:$0x5] =	stream.linear.gather [spmem:s28], $0x100, $0x38;
	[tilespmem:$0x16F50] =	vst v63  }
.Ltmp7:
0xb3: {  	_ = 	snop;
	(pc) =	sbr.rel .LBB2_9-.Ltmp7, $4  }
0xb4: {  	_ =	swait.ge [sflag:s10], $0x100  }
0xb5: {  	s30 =	simm.s32 $0x2700;
	p2 =	por $0x0, $0x0;
	[sflag:s10] =	ssyncset.done $0x0  }
0xb6: {  	s0 =	simm.s32 $0x0;
	s26 =	simm.s32 $0x0;
	[sflag:s10] =	ssyncadd.s32 $0xFFFFFF00  }
0xb7: {  	[tilespmem:s30], [sflag:$0x3] =	stream.linear.gather [spmem:s11], $0x200, $0x38;
	[tilespmem:$0x16F50] =	vst v63  }
.LBB2_8:
0xb8: {  	p3 =	seq.s32 s26, $0x10  }
.Ltmp8:
0xb9: {  	_ = 	snop;
	(pc) =	sbr.rel @p3 .LBB2_24-.Ltmp8, $2  }
0xba: {  	_ =	sdelay $0x2  }
0xbb: {  	p2 =	por !p2, !p2;
	s11 =	rddreg [dreg:$0x5]  }
.LBB2_9:
0xbc: {  	s4 =	sshll.u32 s26, $0x4  }
0xbd: {  	s4 =	sand.u32 $0x3FFFFFF0, s4  }
0xbe: {  	v9 =	vld [tilespmem:s4+$0x2600];
	_ =	sdelay $0x4  }
0xbf: {  	(v2sf) =	vpush v9, $0x0;
	_ =	sdelay $0xe  }
0xc0: {  	s28 =	spop (v2sf)  }
0xc1: {  	s23 =	sadd.s32 $0x1FF, s28  }
0xc2: {  	s5 =	sand.u32 $0x1FF, s23  }
0xc3: {  	s6 =	sshra.s32 s23, $0x1F;
	p3 =	slt.s32 s23, $0x1;
	p4 =	sne.s32 s5, $0x0  }
0xc4: {  	s24 =	sshrl.u32 s6, $0x17;
	p3 =	por !p3, !p4  }
0xc5: {  	s5 =	simm.s32 $0x1;
	s4 =	sadd.s32 s24, s23;
	p3 =	por !p3, !p3  }
0xc6: {  	s1 =	smov.u32 s26;
	s4 =	sshra.s32 s4, $0x9;
	s5 =	simm.s32 @!p3 $0x0  }
0xc7: {  	s26 =	sadd.s32 $0x1, s26;
	p4 =	seq.s32 s1, $0xF;
	s29 =	ssub.s32 s4, s5  }
0xc8: {  	s6 =	smul.u32 @!p4 $0x3100, s26;
	p3 =	slt.s32 s29, $0x1  }
.Ltmp9:
0xc9: {  	s7 =	simm.s32 $0x3;
	(pc) =	sbr.rel @p3 .LBB2_8-.Ltmp9, $4  }
0xca: {  	s30 =	sshll.u32 s1, $0x9;
	_ =	swait.ge [sflag:s7], $0x200  }
0xcb: {  	[sflag:s7] =	ssyncset.done $0x0;
	s5 =	sand.u32 $0x200, s30;
	s4 =	sshra.s32 @!p4 s6, $0x2  }
0xcc: {  	[sflag:s7] =	ssyncadd.s32 $0xFFFFFE00;
	s6 =	ssub.s32 @!p4 $0x2900, s5;
	s4 =	sadd.s32 @!p4 s4, s11  }
0xcd: {  	[tilespmem:s6], [sflag:$0x3] =	stream.linear.gather @!p4 [spmem:s4], $0x200, $0x38;
	[tilespmem:$0x16F50] =	vst v63  }
.Ltmp10:
0xce: {  	(pc) =	sbr.rel .LBB2_11-.Ltmp10, $4  }
0xcf: {  	s1 =	smul.u32 $0x3100, s1  }
0xd0: {  	s4 =	simm.s32 $0x1  }
0xd1: {  	s10 =	sadd.s32 $0x2700, s5;
	s4 =	simm.s32 @!p2 $0x0;
	s1 =	sshra.s32 s1, $0x2  }
0xd2: {  	s14 =	simm.s32 $0x0;
	s4 =	sshll.u32 s4, $0x9;
	s13 =	sadd.s32 s1, s11  }
.LBB2_21:
0xd3: {  	s0 =	sshll.u32 s8, $0x6  }
.LBB2_23:
0xd4: {  	s14 =	sadd.s32 $0x1, s14  }
0xd5: {  	p3 =	seq.s32 s14, s29  }
.Ltmp11:
0xd6: {  	_ = 	snop;
	(pc) =	sbr.rel @p3 .LBB2_8-.Ltmp11, $2  }
0xd7: {  	_ =	sdelay $0x2  }
0xd8: {  	s0 =	ssub.s32 s12, s0  }
.LBB2_11:
0xd9: {  	s1 =	sshll.u32 s14, $0x9;
	p3 =	seq.s32 s14, $0x0  }
0xda: {  	s5 =	sadd.s32 @!p3 s1, s13;
	s1 =	ssub.s32 s28, s1  }
0xdb: {  	[tilespmem:s10], [sflag:$0x5] =	stream.linear.gather @!p3 [spmem:s5], $0x200, $0x38;
	[tilespmem:$0x16F50] =	vst v63  }
0xdc: {  	p4 =	slt.s32 s1, $0x200  }
0xdd: {  	p5 =	slt.s32 s1, $0xFFFFFFF2;
	s1 =	simm.s32 @!p4 $0x200  }
0xde: {  	s24 =	sadd.s32 $0xF, s1  }
0xdf: {  	s6 =	sand.u32 $0xF, s24  }
0xe0: {  	s8 =	sshra.s32 s24, $0x1F;
	p6 =	sne.s32 s6, $0x0  }
0xe1: {  	s30 =	sshrl.u32 s8, $0x1C;
	p4 =	por !p5, !p6  }
0xe2: {  	s6 =	simm.s32 $0x1;
	s5 =	sadd.s32 s30, s24;
	p4 =	por !p4, !p4  }
0xe3: {  	s5 =	sshra.s32 s5, $0x4;
	s6 =	simm.s32 @!p4 $0x0  }
0xe4: {  	s5 =	ssub.s32 s5, s6  }
0xe5: {  	p4 =	slt.s32 s5, $0x1  }
.Ltmp12:
0xe6: {  	_ = 	snop;
	(pc) =	sbr.rel @p4 .LBB2_15-.Ltmp12, $4  }
0xe7: {  	s8 =	simm.s32 @!p3 $0x5  }
0xe8: {  	_ =	swait.ge @!p3 [sflag:s8], $0x200  }
0xe9: {  	[sflag:s8] =	ssyncset.done @!p3 $0x0  }
0xea: {  	v9 =	vmov s0;
	[sflag:s8] =	ssyncadd.s32 @!p3 $0xFFFFFE00  }
0xeb: {  	p3 =	sne.s32 s5, $0x1  }
.Ltmp13:
0xec: {  	_ = 	snop;
	(pc) =	sbr.rel @!p3 .LBB2_14-.Ltmp13, $4  }
0xed: {  	_ = 	snop  }
0xee: {  	s0 =	simm.s32 $0x0;
	s6 =	sadd.s32 $0x0, s4  }
0xef: {  	s6 =	sand.u32 $0xFFFFFF80, s6;
	s8 =	sand.u32 $0x70, s0  }
0xf0: {  	v11 =	vmov s1;
	s1 =	sadd.s32 $0xFFFFFFFF, s5;
	v10 =	vmov v9;
	s6 =	sor.u32 s8, s6  }
.LBB2_13:
0xf1: {  	p3 =	sne.s32 s1, $0x1;
	v12 =	vld [tilespmem:s6+$0x2700];
	_ =	sdelay $0x4  }
0xf2: {  	v13 =	vshra.s32 v12, $0x1F;
	v14 =	vand.u32 $0x1FFFF, v12  }
0xf3: {  	vm1 =	vlt.s32 v12, $0x1;
	v13 =	vshrl.u32 v13, $0xF;
	vm2 =	vne.s32 v14, $0x0  }
0xf4: {  	v13 =	vadd.s32 v13, v12;
	vm1 =	vmand vm1, vm2  }
0xf5: {  	v13 =	vshra.s32 v13, $0x11;
	v14 =	vsel vm1, $0xFFFFFFFF, v3  }
0xf6: {  	v13 =	vadd.s32 v14, v13  }
0xf7: {  	v15 =	vor.u32 s0, v1;
	v14 =	vsub.s32 v13, v0  }
0xf8: {  	vm1 =	vlt.s32 v15, v11;
	vm2 =	vlt.u32 v14, $0x80  }
0xf9: {  	vm1 =	vmand vm1, vm2  }
0xfa: {  	v15 =	vsel vm1, $0x3F800000, v2;
	v16 =	vmpcnt.ones.xlane vm1  }
0xfb: {  	(xrf2) =	vadd.scan.msk.f32 $0xffff, v15  }
0xfc: {  	v9 =	vadd.s32 v9, v16;
	_ =	sdelay $0x8  }
0xfd: {  	v15, _, _ =	vpop (xrf2)  }
0xfe: {  	v15 =	vtrunc.f32 v15  }
0xff: {  	v15 =	vcvt.f32.s32 v15;
	_ =	sdelay $0x1  }
0x100: {  	v15 =	vadd.s32 v15, v10;
	v10 =	vmov v9  }
0x101: {  	v15 =	vadd.s32 $0xFFFFFFFF, v15  }
0x102: {  	v17 =	vand.u32 $0x7F, v13;
	v16 =	vand.u32 $0xFFFFFF80, v14  }
0x103: {  	v16 =	vor.u32 v17, v16  }
.Ltmp14:
0x104: {  	v13 =	vshll.u32 v13, $0x11;
	(pc) =	sbr.rel @p3 .LBB2_13-.Ltmp14, $4  }
0x105: {  	s0 =	sadd.s32 $0x10, s0;
	v12 =	vsub.s32 v12, v13  }
0x106: {  	s5 =	sadd.s32 s0, s4;
	[tilespmem:v15+s31+$0x0] =	vst.idx.msk vm1, v12  }
0x107: {  	s6 =	sand.u32 $0x70, s0;
	s5 =	sand.u32 $0xFFFFFF80, s5;
	[tilespmem:v15+s3+$0x0] =	vst.idx.msk vm1, v14  }
0x108: {  	s1 =	sadd.s32 $0xFFFFFFFF, s1;
	s6 =	sor.u32 s6, s5;
	[tilespmem:v16+s9+$0x0] =	vst.idx.add.f32.msk vm1, v4  }
.LBB2_14:
0x109: {  	v12 =	vld [tilespmem:s6+$0x2700];
	_ =	sdelay $0x4  }
0x10a: {  	v13 =	vshra.s32 v12, $0x1F;
	v14 =	vand.u32 $0x1FFFF, v12  }
0x10b: {  	vm1 =	vlt.s32 v12, $0x1;
	v13 =	vshrl.u32 v13, $0xF;
	vm2 =	vne.s32 v14, $0x0  }
0x10c: {  	v13 =	vadd.s32 v13, v12;
	vm1 =	vmand vm1, vm2  }
0x10d: {  	v13 =	vshra.s32 v13, $0x11;
	v61 =	vsel vm1, $0xFFFFFFFF, v3  }
0x10e: {  	v13 =	vadd.s32 v61, v13  }
0x10f: {  	v15 =	vor.u32 s0, v1;
	v14 =	vsub.s32 v13, v0  }
0x110: {  	vm1 =	vlt.s32 v15, v11;
	vm2 =	vlt.u32 v14, $0x80  }
0x111: {  	vm1 =	vmand vm1, vm2  }
0x112: {  	v11 =	vsel vm1, $0x3F800000, v2  }
0x113: {  	(xrf2) =	vadd.scan.msk.f32 $0xffff, v11;
	_ =	sdelay $0x9  }
0x114: {  	v11, _, _ =	vpop (xrf2)  }
0x115: {  	v11 =	vtrunc.f32 v11  }
0x116: {  	v11 =	vcvt.f32.s32 v11;
	_ =	sdelay $0x1  }
0x117: {  	v10 =	vadd.s32 v11, v10  }
0x118: {  	v10 =	vadd.s32 $0xFFFFFFFF, v10  }
0x119: {  	v62 =	vand.u32 $0x7F, v13;
	v11 =	vand.u32 $0xFFFFFF80, v14  }
0x11a: {  	v11 =	vor.u32 v62, v11  }
0x11b: {  	v13 =	vshll.u32 v13, $0x11  }
0x11c: {  	v12 =	vsub.s32 v12, v13  }
0x11d: {  	v63 =	vmpcnt.ones.xlane vm1;
	[tilespmem:v10+s31+$0x0] =	vst.idx.msk vm1, v12  }
0x11e: {  	[tilespmem:v10+s3+$0x0] =	vst.idx.msk vm1, v14  }
0x11f: {  	v9 =	vadd.s32 v9, v63;
	[tilespmem:v11+s9+$0x0] =	vst.idx.add.f32.msk vm1, v4  }
.LBB2_15:
0x120: {  	(v2sf) =	vpush v9, $0x0;
	_ =	sdelay $0xe  }
0x121: {  	s12 =	spop (v2sf)  }
0x122: {  	s0 =	sand.u32 $0x3F, s12  }
0x123: {  	s1 =	sshra.s32 s12, $0x1F;
	p3 =	slt.s32 s12, $0x1;
	p4 =	sne.s32 s0, $0x0  }
0x124: {  	s30 =	sshrl.u32 s1, $0x1A;
	p3 =	por !p3, !p4  }
0x125: {  	s1 =	simm.s32 $0x1;
	s0 =	sadd.s32 s30, s12;
	p3 =	por !p3, !p3  }
0x126: {  	s0 =	sshra.s32 s0, $0x6;
	s1 =	simm.s32 @!p3 $0x0  }
0x127: {  	s8 =	ssub.s32 s0, s1  }
0x128: {  	p3 =	slt.s32 s8, $0x1  }
.Ltmp15:
0x129: {  	_ = 	snop;
	(pc) =	sbr.rel @p3 .LBB2_21-.Ltmp15, $1  }
0x12a: {  	_ =	sdelay $0x3  }
0x12b: {  	v9 =	vld [tilespmem:$0x2B00];
	_ =	sdelay $0x4  }
0x12c: {  	v10 =	vshll.u32 v9, $0x1  }
0x12d: {  	v9 =	vand.u32 $0x7, v9;
	v10 =	vand.u32 $0xFFFFFFF0, v10  }
0x12e: {  	v9 =	vor.u32 v9, v10  }
0x12f: {  	v10 =	vperm.xlane v9, v5;
	_ =	sdelay $0x1  }
0x130: {  	v9 =	vperm.xlane v9, v7;
	v10 =	vadd.s32 v6, v10;
	_ =	sdelay $0x1  }
0x131: {  	v9 =	vadd.s32 v6, v9;
	_ =	sdelay $0x1  }
0x132: {  	s11 =	simm.s32 $0x0;
	s0 =	simm.s32 $0x3000  }
0x133: {  	[tilespmem:s0], [sflag:$0x1] =	stream.indirect_vreg.gather [hbm4b:s2+s11], $0x80, v10, vm0, $0xb8;
	[tilespmem:$0x16F50] =	vst v63  }
0x134: {  	s22 =	simm.s32 $0x3800  }
0x135: {  	[tilespmem:s22], [sflag:$0x1] =	stream.indirect_vreg.gather [hbm4b:s2+s11], $0x80, v9, vm0, $0xb8;
	[tilespmem:$0x16F50] =	vst v63  }
0x136: {  	v9 =	vld [tilespmem:$0x2B10];
	_ =	sdelay $0x4  }
0x137: {  	v10 =	vshll.u32 v9, $0x1  }
0x138: {  	v9 =	vand.u32 $0x7, v9;
	v10 =	vand.u32 $0xFFFFFFF0, v10  }
0x139: {  	v9 =	vor.u32 v9, v10  }
0x13a: {  	v10 =	vperm.xlane v9, v5;
	_ =	sdelay $0x1  }
0x13b: {  	v9 =	vperm.xlane v9, v7;
	v10 =	vadd.s32 v6, v10;
	_ =	sdelay $0x1  }
0x13c: {  	v9 =	vadd.s32 v6, v9;
	_ =	sdelay $0x1  }
0x13d: {  	s23 =	simm.s32 $0x4000  }
0x13e: {  	[tilespmem:s23], [sflag:$0x1] =	stream.indirect_vreg.gather [hbm4b:s2+s11], $0x80, v10, vm0, $0xb8;
	[tilespmem:$0x16F50] =	vst v63  }
0x13f: {  	s24 =	simm.s32 $0x4800  }
0x140: {  	[tilespmem:s24], [sflag:$0x1] =	stream.indirect_vreg.gather [hbm4b:s2+s11], $0x80, v9, vm0, $0xb8;
	[tilespmem:$0x16F50] =	vst v63  }
0x141: {  	v9 =	vld [tilespmem:$0x2B20];
	_ =	sdelay $0x4  }
0x142: {  	v10 =	vshll.u32 v9, $0x1  }
0x143: {  	v9 =	vand.u32 $0x7, v9;
	v10 =	vand.u32 $0xFFFFFFF0, v10  }
0x144: {  	v9 =	vor.u32 v9, v10  }
0x145: {  	v10 =	vperm.xlane v9, v5;
	_ =	sdelay $0x1  }
0x146: {  	v9 =	vperm.xlane v9, v7;
	v10 =	vadd.s32 v6, v10;
	_ =	sdelay $0x1  }
0x147: {  	v9 =	vadd.s32 v6, v9;
	_ =	sdelay $0x2  }
0x148: {  	[tilespmem:s17], [sflag:$0x1] =	stream.indirect_vreg.gather [hbm4b:s2+s11], $0x80, v10, vm0, $0xb8;
	[tilespmem:$0x16F50] =	vst v63  }
0x149: {  	_ = 	snop  }
0x14a: {  	[tilespmem:s18], [sflag:$0x1] =	stream.indirect_vreg.gather [hbm4b:s2+s11], $0x80, v9, vm0, $0xb8;
	[tilespmem:$0x16F50] =	vst v63  }
0x14b: {  	v9 =	vld [tilespmem:$0x2B30];
	_ =	sdelay $0x4  }
0x14c: {  	v10 =	vshll.u32 v9, $0x1  }
0x14d: {  	v9 =	vand.u32 $0x7, v9;
	v10 =	vand.u32 $0xFFFFFFF0, v10  }
0x14e: {  	v9 =	vor.u32 v9, v10  }
0x14f: {  	v10 =	vperm.xlane v9, v5;
	_ =	sdelay $0x1  }
0x150: {  	v9 =	vperm.xlane v9, v7;
	v10 =	vadd.s32 v6, v10;
	_ =	sdelay $0x1  }
0x151: {  	v9 =	vadd.s32 v6, v9;
	_ =	sdelay $0x2  }
0x152: {  	[tilespmem:s20], [sflag:$0x1] =	stream.indirect_vreg.gather [hbm4b:s2+s11], $0x80, v10, vm0, $0xb8;
	[tilespmem:$0x16F50] =	vst v63  }
0x153: {  	s30 =	simm.s32 $0x2D81;
	s24 =	simm.s32 $0x0  }
0x154: {  	[tilespmem:s21], [sflag:$0x1] =	stream.indirect_vreg.gather [hbm4b:s2+s11], $0x80, v9, vm0, $0xb8;
	[tilespmem:$0x16F50] =	vst v63  }
.LBB2_18:
0x155: {  	s0 =	smov.u32 s24;
	s24 =	sadd.s32 $0x1, s24  }
0x156: {  	_ =	swait.ge [sflag:s16], $0x4000;
	p3 =	sge.s32 s24, s8  }
0x157: {  	[sflag:s16] =	ssyncset.done $0x0;
	s1 =	sshll.u32 @!p3 s24, $0x8  }
0x158: {  	[sflag:s16] =	ssyncadd.s32 $0xFFFFC000;
	s1 =	sshra.s32 @!p3 s1, $0x2  }
0x159: {  	v9 =	vld @!p3 [tilespmem:s1+$0x2B00];
	_ =	sdelay $0x4  }
0x15a: {  	v10 =	vshll.u32 @!p3 v9, $0x1  }
0x15b: {  	v11 =	vlaneseq.u32 @!p3;
	v9 =	vand.u32 @!p3 $0x7, v9;
	v10 =	vand.u32 @!p3 $0xFFFFFFF0, v10  }
0x15c: {  	v12 =	vshrl.u32 @!p3 v11, $0x3;
	v9 =	vor.u32 @!p3 v9, v10;
	v10 =	vand.u32 @!p3 $0x7, v11  }
0x15d: {  	v12 =	vmul.u32 @!p3 $0x8, v12;
	v13 =	vperm.xlane @!p3 v9, v10  }
0x15e: {  	v11 =	vor.u32 @!p3 $0x8, v11  }
0x15f: {  	v9 =	vperm.xlane @!p3 v9, v11;
	v13 =	vadd.s32 @!p3 v12, v13;
	_ =	sdelay $0x1  }
0x160: {  	s0 =	sshll.u32 s0, $0xE;
	v9 =	vadd.s32 @!p3 v12, v9  }
0x161: {  	s0 =	sand.u32 $0x4000, s0  }
0x162: {  	vm1 =	vmmov @!p3 $0xffff;
	s6 =	simm.s32 @!p3 $0x0;
	s5 =	ssub.s32 @!p3 $0x7000, s0  }
0x163: {  	[tilespmem:s5], [sflag:$0x1] =	stream.indirect_vreg.gather @!p3 [hbm4b:s2+s6], $0x80, v13, vm1, $0xb8;
	[tilespmem:$0x16F50] =	vst v63  }
0x164: {  	s5 =	ssub.s32 @!p3 $0x7800, s0  }
0x165: {  	[tilespmem:s5], [sflag:$0x1] =	stream.indirect_vreg.gather @!p3 [hbm4b:s2+s6], $0x80, v9, vm1, $0xb8;
	[tilespmem:$0x16F50] =	vst v63  }
0x166: {  	v9 =	vld @!p3 [tilespmem:s1+$0x2B10];
	_ =	sdelay $0x4  }
0x167: {  	v13 =	vshll.u32 @!p3 v9, $0x1  }
0x168: {  	v9 =	vand.u32 @!p3 $0x7, v9;
	v13 =	vand.u32 @!p3 $0xFFFFFFF0, v13  }
0x169: {  	v9 =	vor.u32 @!p3 v9, v13  }
0x16a: {  	v13 =	vperm.xlane @!p3 v9, v10;
	_ =	sdelay $0x1  }
0x16b: {  	v9 =	vperm.xlane @!p3 v9, v11;
	v13 =	vadd.s32 @!p3 v12, v13;
	_ =	sdelay $0x1  }
0x16c: {  	v9 =	vadd.s32 @!p3 v12, v9;
	_ =	sdelay $0x1  }
0x16d: {  	s5 =	ssub.s32 @!p3 $0x8000, s0  }
0x16e: {  	[tilespmem:s5], [sflag:$0x1] =	stream.indirect_vreg.gather @!p3 [hbm4b:s2+s6], $0x80, v13, vm1, $0xb8;
	[tilespmem:$0x16F50] =	vst v63  }
0x16f: {  	s5 =	ssub.s32 @!p3 $0x8800, s0  }
0x170: {  	[tilespmem:s5], [sflag:$0x1] =	stream.indirect_vreg.gather @!p3 [hbm4b:s2+s6], $0x80, v9, vm1, $0xb8;
	[tilespmem:$0x16F50] =	vst v63  }
0x171: {  	v9 =	vld @!p3 [tilespmem:s1+$0x2B20];
	_ =	sdelay $0x4  }
0x172: {  	v13 =	vshll.u32 @!p3 v9, $0x1  }
0x173: {  	v9 =	vand.u32 @!p3 $0x7, v9;
	v13 =	vand.u32 @!p3 $0xFFFFFFF0, v13  }
0x174: {  	v9 =	vor.u32 @!p3 v9, v13  }
0x175: {  	v13 =	vperm.xlane @!p3 v9, v10;
	_ =	sdelay $0x1  }
0x176: {  	v9 =	vperm.xlane @!p3 v9, v11;
	v13 =	vadd.s32 @!p3 v12, v13;
	_ =	sdelay $0x1  }
0x177: {  	v9 =	vadd.s32 @!p3 v12, v9;
	_ =	sdelay $0x1  }
0x178: {  	s5 =	ssub.s32 @!p3 $0x9000, s0  }
0x179: {  	[tilespmem:s5], [sflag:$0x1] =	stream.indirect_vreg.gather @!p3 [hbm4b:s2+s6], $0x80, v13, vm1, $0xb8;
	[tilespmem:$0x16F50] =	vst v63  }
0x17a: {  	s5 =	ssub.s32 @!p3 $0x9800, s0  }
0x17b: {  	[tilespmem:s5], [sflag:$0x1] =	stream.indirect_vreg.gather @!p3 [hbm4b:s2+s6], $0x80, v9, vm1, $0xb8;
	[tilespmem:$0x16F50] =	vst v63  }
0x17c: {  	v9 =	vld @!p3 [tilespmem:s1+$0x2B30];
	_ =	sdelay $0x4  }
0x17d: {  	v13 =	vshll.u32 @!p3 v9, $0x1  }
0x17e: {  	v9 =	vand.u32 @!p3 $0x7, v9;
	v13 =	vand.u32 @!p3 $0xFFFFFFF0, v13  }
0x17f: {  	v9 =	vor.u32 @!p3 v9, v13  }
0x180: {  	v10 =	vperm.xlane @!p3 v9, v10;
	_ =	sdelay $0x1  }
0x181: {  	v9 =	vperm.xlane @!p3 v9, v11;
	v10 =	vadd.s32 @!p3 v12, v10;
	_ =	sdelay $0x1  }
0x182: {  	v9 =	vadd.s32 @!p3 v12, v9;
	_ =	sdelay $0x1  }
0x183: {  	s1 =	ssub.s32 @!p3 $0xA000, s0  }
0x184: {  	[tilespmem:s1], [sflag:$0x1] =	stream.indirect_vreg.gather @!p3 [hbm4b:s2+s6], $0x80, v10, vm1, $0xb8;
	[tilespmem:$0x16F50] =	vst v63  }
0x185: {  	s1 =	ssub.s32 @!p3 $0xA800, s0  }
0x186: {  	[tilespmem:s1], [sflag:$0x1] =	stream.indirect_vreg.gather @!p3 [hbm4b:s2+s6], $0x80, v9, vm1, $0xb8;
	[tilespmem:$0x16F50] =	vst v63  }
0x187: {  	v9 =	vld [tilespmem:s30+$0xFFFFFFFF];
	_ =	sdelay $0x4  }
0x188: {  	(v2sf) =	vpush v9, $0x0;
	_ =	sdelay $0xa  }
0x189: {  	s22 =	sand.u32 $0x3800, s11;
	s23 =	sadd.s32 $0x3000, s0;
	s5 =	simm.s32 $0x0  }
0x18a: {  	s0 =	sadd.s32 s22, s23;
	s1 =	sand.u32 $0x300, s5  }
0x18b: {  	s1 =	sadd.s32 s1, s0  }
0x18c: {  	v9 =	vld [tilespmem:s1+$0x0]  }
0x18d: {  	s6 =	spop (v2sf)  }
0x18e: {  	s7 =	sshll.u32 s6, $0x8;
	s5 =	sshll.u32 s6, $0x7  }
0x18f: {  	s6 =	sand.u32 $0xFFFFF800, s7;
	s5 =	sand.u32 $0x380, s5  }
0x190: {  	s5 =	sor.u32 s5, s6  }
0x191: {  	[tilespmem:s5+$0xB000] =	vst.add.f32.msk $0xffff, v9  }
0x192: {  	v9 =	vld [tilespmem:s1+$0x10];
	_ =	sdelay $0x4  }
0x193: {  	[tilespmem:s5+$0xB010] =	vst.add.f32.msk $0xffff, v9  }
0x194: {  	v9 =	vld [tilespmem:s1+$0x20];
	_ =	sdelay $0x4  }
0x195: {  	[tilespmem:s5+$0xB020] =	vst.add.f32.msk $0xffff, v9  }
0x196: {  	v9 =	vld [tilespmem:s1+$0x30];
	_ =	sdelay $0x4  }
0x197: {  	[tilespmem:s5+$0xB030] =	vst.add.f32.msk $0xffff, v9  }
0x198: {  	v9 =	vld [tilespmem:s1+$0x40];
	_ =	sdelay $0x4  }
0x199: {  	[tilespmem:s5+$0xB040] =	vst.add.f32.msk $0xffff, v9  }
0x19a: {  	v9 =	vld [tilespmem:s1+$0x50];
	_ =	sdelay $0x4  }
0x19b: {  	[tilespmem:s5+$0xB050] =	vst.add.f32.msk $0xffff, v9  }
0x19c: {  	v9 =	vld [tilespmem:s1+$0x60];
	_ =	sdelay $0x4  }
0x19d: {  	[tilespmem:s5+$0xB060] =	vst.add.f32.msk $0xffff, v9  }
0x19e: {  	v9 =	vld [tilespmem:s1+$0x70];
	_ =	sdelay $0x4  }
0x19f: {  	[tilespmem:s5+$0xB070] =	vst.add.f32.msk $0xffff, v9  }
0x1a0: {  	v9 =	vld [tilespmem:s1+$0x400];
	_ =	sdelay $0x4  }
0x1a1: {  	[tilespmem:s5+$0xB400] =	vst.add.f32.msk $0xffff, v9  }
0x1a2: {  	v9 =	vld [tilespmem:s1+$0x410];
	_ =	sdelay $0x4  }
0x1a3: {  	[tilespmem:s5+$0xB410] =	vst.add.f32.msk $0xffff, v9  }
0x1a4: {  	v9 =	vld [tilespmem:s1+$0x420];
	_ =	sdelay $0x4  }
0x1a5: {  	[tilespmem:s5+$0xB420] =	vst.add.f32.msk $0xffff, v9  }
0x1a6: {  	v9 =	vld [tilespmem:s1+$0x430];
	_ =	sdelay $0x4  }
0x1a7: {  	[tilespmem:s5+$0xB430] =	vst.add.f32.msk $0xffff, v9  }
0x1a8: {  	v9 =	vld [tilespmem:s1+$0x440];
	_ =	sdelay $0x4  }
0x1a9: {  	[tilespmem:s5+$0xB440] =	vst.add.f32.msk $0xffff, v9  }
0x1aa: {  	v9 =	vld [tilespmem:s1+$0x450];
	_ =	sdelay $0x4  }
0x1ab: {  	[tilespmem:s5+$0xB450] =	vst.add.f32.msk $0xffff, v9  }
0x1ac: {  	v9 =	vld [tilespmem:s1+$0x460];
	_ =	sdelay $0x4  }
0x1ad: {  	[tilespmem:s5+$0xB460] =	vst.add.f32.msk $0xffff, v9  }
0x1ae: {  	v9 =	vld [tilespmem:s1+$0x470];
	_ =	sdelay $0x4  }
0x1af: {  	[tilespmem:s5+$0xB470] =	vst.add.f32.msk $0xffff, v9  }
0x1b0: {  	v9 =	vld [tilespmem:s30+$0x0];
	_ =	sdelay $0x4  }
0x1b1: {  	(v2sf) =	vpush v9, $0x0;
	_ =	sdelay $0xa  }
0x1b2: {  	s15 =	simm.s32 $0x80  }
0x1b3: {  	s1 =	sand.u32 $0x380, s15  }
0x1b4: {  	s1 =	sadd.s32 s1, s0  }
0x1b5: {  	v9 =	vld [tilespmem:s1+$0x0]  }
0x1b6: {  	s19 =	spop (v2sf)  }
0x1b7: {  	s22 =	sshll.u32 s19, $0x8;
	s0 =	sshll.u32 s19, $0x7  }
0x1b8: {  	s5 =	sand.u32 $0xFFFFF800, s22;
	s0 =	sand.u32 $0x380, s0  }
0x1b9: {  	s0 =	sor.u32 s0, s5  }
0x1ba: {  	[tilespmem:s0+$0xB000] =	vst.add.f32.msk $0xffff, v9  }
0x1bb: {  	v9 =	vld [tilespmem:s1+$0x10];
	_ =	sdelay $0x4  }
0x1bc: {  	[tilespmem:s0+$0xB010] =	vst.add.f32.msk $0xffff, v9  }
0x1bd: {  	v9 =	vld [tilespmem:s1+$0x20];
	_ =	sdelay $0x4  }
0x1be: {  	[tilespmem:s0+$0xB020] =	vst.add.f32.msk $0xffff, v9  }
0x1bf: {  	v9 =	vld [tilespmem:s1+$0x30];
	_ =	sdelay $0x4  }
0x1c0: {  	[tilespmem:s0+$0xB030] =	vst.add.f32.msk $0xffff, v9  }
0x1c1: {  	v9 =	vld [tilespmem:s1+$0x40];
	_ =	sdelay $0x4  }
0x1c2: {  	[tilespmem:s0+$0xB040] =	vst.add.f32.msk $0xffff, v9  }
0x1c3: {  	v9 =	vld [tilespmem:s1+$0x50];
	_ =	sdelay $0x4  }
0x1c4: {  	[tilespmem:s0+$0xB050] =	vst.add.f32.msk $0xffff, v9  }
0x1c5: {  	v9 =	vld [tilespmem:s1+$0x60];
	_ =	sdelay $0x4  }
0x1c6: {  	[tilespmem:s0+$0xB060] =	vst.add.f32.msk $0xffff, v9  }
0x1c7: {  	v9 =	vld [tilespmem:s1+$0x70];
	_ =	sdelay $0x4  }
0x1c8: {  	[tilespmem:s0+$0xB070] =	vst.add.f32.msk $0xffff, v9  }
0x1c9: {  	v9 =	vld [tilespmem:s1+$0x400];
	_ =	sdelay $0x4  }
0x1ca: {  	[tilespmem:s0+$0xB400] =	vst.add.f32.msk $0xffff, v9  }
0x1cb: {  	v9 =	vld [tilespmem:s1+$0x410];
	_ =	sdelay $0x4  }
0x1cc: {  	[tilespmem:s0+$0xB410] =	vst.add.f32.msk $0xffff, v9  }
0x1cd: {  	v9 =	vld [tilespmem:s1+$0x420];
	_ =	sdelay $0x4  }
0x1ce: {  	[tilespmem:s0+$0xB420] =	vst.add.f32.msk $0xffff, v9  }
0x1cf: {  	v9 =	vld [tilespmem:s1+$0x430];
	_ =	sdelay $0x4  }
0x1d0: {  	[tilespmem:s0+$0xB430] =	vst.add.f32.msk $0xffff, v9  }
0x1d1: {  	v9 =	vld [tilespmem:s1+$0x440];
	_ =	sdelay $0x4  }
0x1d2: {  	[tilespmem:s0+$0xB440] =	vst.add.f32.msk $0xffff, v9  }
0x1d3: {  	v9 =	vld [tilespmem:s1+$0x450];
	_ =	sdelay $0x4  }
0x1d4: {  	[tilespmem:s0+$0xB450] =	vst.add.f32.msk $0xffff, v9  }
0x1d5: {  	v9 =	vld [tilespmem:s1+$0x460];
	_ =	sdelay $0x4  }
0x1d6: {  	[tilespmem:s0+$0xB460] =	vst.add.f32.msk $0xffff, v9  }
0x1d7: {  	v9 =	vld [tilespmem:s1+$0x470];
	_ =	sdelay $0x1  }
0x1d8: {  	s6 =	simm.s32 $0x200  }
0x1d9: {  	s19 =	simm.s32 $0x0;
	s22 =	simm.s32 $0x180;
	s5 =	smov.u32 s30  }
.LBB2_19:
0x1da: {  	s1 =	sand.u32 $0x3800, s6;
	s15 =	sadd.s32 $0xFFFFFF80, s22  }
0x1db: {  	s5 =	sadd.s32 $0x2, s5;
	s7 =	sand.u32 $0x300, s15;
	s15 =	sadd.s32 s1, s23;
	[tilespmem:s0+$0xB470] =	vst.add.f32.msk $0xffff, v9  }
0x1dc: {  	s19 =	sadd.s32 $0x2, s19;
	v9 =	vld [tilespmem:s5+$0xFFFFFFFF];
	s0 =	sadd.s32 s7, s15  }
0x1dd: {  	p3 =	slt.u32 s19, $0x3E;
	v10 =	vld [tilespmem:s0+$0x0];
	_ =	sdelay $0x3  }
0x1de: {  	(v2sf) =	vpush v9, $0x0;
	_ =	sdelay $0xe  }
0x1df: {  	s1 =	spop (v2sf)  }
0x1e0: {  	s7 =	sshll.u32 s1, $0x8;
	s1 =	sshll.u32 s1, $0x7  }
0x1e1: {  	s7 =	sand.u32 $0xFFFFF800, s7;
	s1 =	sand.u32 $0x380, s1  }
0x1e2: {  	s1 =	sor.u32 s1, s7  }
0x1e3: {  	[tilespmem:s1+$0xB000] =	vst.add.f32.msk $0xffff, v10  }
0x1e4: {  	v9 =	vld [tilespmem:s0+$0x10];
	_ =	sdelay $0x4  }
0x1e5: {  	[tilespmem:s1+$0xB010] =	vst.add.f32.msk $0xffff, v9  }
0x1e6: {  	v9 =	vld [tilespmem:s0+$0x20];
	_ =	sdelay $0x4  }
0x1e7: {  	[tilespmem:s1+$0xB020] =	vst.add.f32.msk $0xffff, v9  }
0x1e8: {  	v9 =	vld [tilespmem:s0+$0x30];
	_ =	sdelay $0x4  }
0x1e9: {  	[tilespmem:s1+$0xB030] =	vst.add.f32.msk $0xffff, v9  }
0x1ea: {  	v9 =	vld [tilespmem:s0+$0x40];
	_ =	sdelay $0x4  }
0x1eb: {  	[tilespmem:s1+$0xB040] =	vst.add.f32.msk $0xffff, v9  }
0x1ec: {  	v9 =	vld [tilespmem:s0+$0x50];
	_ =	sdelay $0x4  }
0x1ed: {  	[tilespmem:s1+$0xB050] =	vst.add.f32.msk $0xffff, v9  }
0x1ee: {  	v9 =	vld [tilespmem:s0+$0x60];
	_ =	sdelay $0x4  }
0x1ef: {  	[tilespmem:s1+$0xB060] =	vst.add.f32.msk $0xffff, v9  }
0x1f0: {  	v9 =	vld [tilespmem:s0+$0x70];
	_ =	sdelay $0x4  }
0x1f1: {  	[tilespmem:s1+$0xB070] =	vst.add.f32.msk $0xffff, v9  }
0x1f2: {  	v9 =	vld [tilespmem:s0+$0x400];
	_ =	sdelay $0x4  }
0x1f3: {  	[tilespmem:s1+$0xB400] =	vst.add.f32.msk $0xffff, v9  }
0x1f4: {  	v9 =	vld [tilespmem:s0+$0x410];
	_ =	sdelay $0x4  }
0x1f5: {  	[tilespmem:s1+$0xB410] =	vst.add.f32.msk $0xffff, v9  }
0x1f6: {  	v9 =	vld [tilespmem:s0+$0x420];
	_ =	sdelay $0x4  }
0x1f7: {  	[tilespmem:s1+$0xB420] =	vst.add.f32.msk $0xffff, v9  }
0x1f8: {  	v9 =	vld [tilespmem:s0+$0x430];
	_ =	sdelay $0x4  }
0x1f9: {  	[tilespmem:s1+$0xB430] =	vst.add.f32.msk $0xffff, v9  }
0x1fa: {  	v9 =	vld [tilespmem:s0+$0x440];
	_ =	sdelay $0x4  }
0x1fb: {  	[tilespmem:s1+$0xB440] =	vst.add.f32.msk $0xffff, v9  }
0x1fc: {  	v9 =	vld [tilespmem:s0+$0x450];
	_ =	sdelay $0x4  }
0x1fd: {  	[tilespmem:s1+$0xB450] =	vst.add.f32.msk $0xffff, v9  }
0x1fe: {  	v9 =	vld [tilespmem:s0+$0x460];
	_ =	sdelay $0x4  }
0x1ff: {  	[tilespmem:s1+$0xB460] =	vst.add.f32.msk $0xffff, v9  }
0x200: {  	v9 =	vld [tilespmem:s0+$0x470];
	_ =	sdelay $0x4  }
0x201: {  	[tilespmem:s1+$0xB470] =	vst.add.f32.msk $0xffff, v9  }
0x202: {  	v9 =	vld [tilespmem:s5+$0x0];
	_ =	sdelay $0x4  }
0x203: {  	(v2sf) =	vpush v9, $0x0;
	_ =	sdelay $0xb  }
0x204: {  	s0 =	sand.u32 $0x380, s22  }
0x205: {  	s15 =	sadd.s32 s0, s15  }
0x206: {  	v9 =	vld [tilespmem:s15+$0x0]  }
0x207: {  	s0 =	spop (v2sf)  }
0x208: {  	s1 =	sshll.u32 s0, $0x8;
	s0 =	sshll.u32 s0, $0x7  }
0x209: {  	s1 =	sand.u32 $0xFFFFF800, s1;
	s0 =	sand.u32 $0x380, s0  }
0x20a: {  	s0 =	sor.u32 s0, s1  }
0x20b: {  	[tilespmem:s0+$0xB000] =	vst.add.f32.msk $0xffff, v9  }
0x20c: {  	v9 =	vld [tilespmem:s15+$0x10];
	_ =	sdelay $0x4  }
0x20d: {  	[tilespmem:s0+$0xB010] =	vst.add.f32.msk $0xffff, v9  }
0x20e: {  	v9 =	vld [tilespmem:s15+$0x20];
	_ =	sdelay $0x4  }
0x20f: {  	[tilespmem:s0+$0xB020] =	vst.add.f32.msk $0xffff, v9  }
0x210: {  	v9 =	vld [tilespmem:s15+$0x30];
	_ =	sdelay $0x4  }
0x211: {  	[tilespmem:s0+$0xB030] =	vst.add.f32.msk $0xffff, v9  }
0x212: {  	v9 =	vld [tilespmem:s15+$0x40];
	_ =	sdelay $0x4  }
0x213: {  	[tilespmem:s0+$0xB040] =	vst.add.f32.msk $0xffff, v9  }
0x214: {  	v9 =	vld [tilespmem:s15+$0x50];
	_ =	sdelay $0x4  }
0x215: {  	[tilespmem:s0+$0xB050] =	vst.add.f32.msk $0xffff, v9  }
0x216: {  	v9 =	vld [tilespmem:s15+$0x60];
	_ =	sdelay $0x4  }
0x217: {  	[tilespmem:s0+$0xB060] =	vst.add.f32.msk $0xffff, v9  }
0x218: {  	v9 =	vld [tilespmem:s15+$0x70];
	_ =	sdelay $0x4  }
0x219: {  	[tilespmem:s0+$0xB070] =	vst.add.f32.msk $0xffff, v9  }
0x21a: {  	v9 =	vld [tilespmem:s15+$0x400];
	_ =	sdelay $0x4  }
0x21b: {  	[tilespmem:s0+$0xB400] =	vst.add.f32.msk $0xffff, v9  }
0x21c: {  	v9 =	vld [tilespmem:s15+$0x410];
	_ =	sdelay $0x4  }
0x21d: {  	[tilespmem:s0+$0xB410] =	vst.add.f32.msk $0xffff, v9  }
0x21e: {  	v9 =	vld [tilespmem:s15+$0x420];
	_ =	sdelay $0x4  }
0x21f: {  	[tilespmem:s0+$0xB420] =	vst.add.f32.msk $0xffff, v9  }
0x220: {  	v9 =	vld [tilespmem:s15+$0x430];
	_ =	sdelay $0x4  }
0x221: {  	[tilespmem:s0+$0xB430] =	vst.add.f32.msk $0xffff, v9  }
0x222: {  	v9 =	vld [tilespmem:s15+$0x440];
	_ =	sdelay $0x4  }
0x223: {  	[tilespmem:s0+$0xB440] =	vst.add.f32.msk $0xffff, v9  }
0x224: {  	v9 =	vld [tilespmem:s15+$0x450];
	_ =	sdelay $0x4  }
0x225: {  	[tilespmem:s0+$0xB450] =	vst.add.f32.msk $0xffff, v9  }
0x226: {  	v9 =	vld [tilespmem:s15+$0x460];
	_ =	sdelay $0x4  }
.Ltmp16:
0x227: {  	[tilespmem:s0+$0xB460] =	vst.add.f32.msk $0xffff, v9;
	(pc) =	sbr.rel @p3 .LBB2_19-.Ltmp16, $2  }
0x228: {  	v9 =	vld [tilespmem:s15+$0x470];
	_ =	sdelay $0x2  }
0x229: {  	s6 =	sadd.s32 $0x200, s6;
	s22 =	sadd.s32 $0x100, s22  }
0x22a: {  	_ = 	snop  }
0x22b: {  	[tilespmem:s0+$0xB470] =	vst.add.f32.msk $0xffff, v9  }
0x22c: {  	p3 =	seq.s32 s24, s8  }
.Ltmp17:
0x22d: {  	_ = 	snop;
	(pc) =	sbr.rel @!p3 .LBB2_18-.Ltmp17, $2  }
0x22e: {  	_ =	sdelay $0x2  }
0x22f: {  	s30 =	sadd.s32 $0x40, s30  }
0x230: {  	s0 =	sshll.u32 s8, $0x6  }
0x231: {  	v9 =	vld [tilespmem:s0+$0x2B00]  }
0x232: {  	v10 =	vld [tilespmem:s0+$0x2D80];
	_ =	sdelay $0x3  }
0x233: {  	[tilespmem:$0x2B00] =	vst v9  }
0x234: {  	[tilespmem:$0x2D80] =	vst v10  }
0x235: {  	v9 =	vld [tilespmem:s0+$0x2B10]  }
0x236: {  	v10 =	vld [tilespmem:s0+$0x2D90];
	_ =	sdelay $0x3  }
0x237: {  	[tilespmem:$0x2B10] =	vst v9  }
0x238: {  	[tilespmem:$0x2D90] =	vst v10  }
0x239: {  	v9 =	vld [tilespmem:s0+$0x2B20]  }
0x23a: {  	v10 =	vld [tilespmem:s0+$0x2DA0];
	_ =	sdelay $0x3  }
0x23b: {  	[tilespmem:$0x2B20] =	vst v9  }
0x23c: {  	[tilespmem:$0x2DA0] =	vst v10  }
0x23d: {  	v9 =	vld [tilespmem:s0+$0x2B30]  }
0x23e: {  	v10 =	vld [tilespmem:s0+$0x2DB0]  }
.Ltmp18:
0x23f: {  	_ = 	snop;
	(pc) =	sbr.rel .LBB2_23-.Ltmp18, $3  }
0x240: {  	_ =	sdelay $0x1  }
0x241: {  	[tilespmem:$0x2B30] =	vst v9  }
0x242: {  	[tilespmem:$0x2DB0] =	vst v10  }
.LBB2_24:
0x243: {  	p2 =	slt.s32 s0, $0x1  }
.Ltmp19:
0x244: {  	_ = 	snop;
	(pc) =	sbr.rel @p2 .LBB2_28-.Ltmp19, $1  }
0x245: {  	_ =	sdelay $0x3  }
0x246: {  	[tilespmem:s0+$0x2B00] =	vst v1  }
0x247: {  	[tilespmem:s0+$0x2D80] =	vst v8  }
0x248: {  	[tilespmem:s0+$0x2B10] =	vst v1  }
0x249: {  	[tilespmem:s0+$0x2D90] =	vst v8  }
0x24a: {  	[tilespmem:s0+$0x2B20] =	vst v1  }
0x24b: {  	[tilespmem:s0+$0x2DA0] =	vst v8  }
0x24c: {  	[tilespmem:s0+$0x2B30] =	vst v1  }
0x24d: {  	[tilespmem:s0+$0x2DB0] =	vst v8  }
0x24e: {  	v9 =	vld [tilespmem:$0x2B00];
	_ =	sdelay $0x4  }
0x24f: {  	v10 =	vshll.u32 v9, $0x1  }
0x250: {  	v9 =	vand.u32 $0x7, v9;
	v10 =	vand.u32 $0xFFFFFFF0, v10  }
0x251: {  	v9 =	vor.u32 v9, v10  }
0x252: {  	v10 =	vperm.xlane v9, v5;
	_ =	sdelay $0x1  }
0x253: {  	v9 =	vperm.xlane v9, v7;
	v10 =	vadd.s32 v6, v10;
	_ =	sdelay $0x1  }
0x254: {  	v9 =	vadd.s32 v6, v9;
	_ =	sdelay $0x1  }
0x255: {  	s19 =	simm.s32 $0x0;
	s1 =	simm.s32 $0x3000  }
0x256: {  	[tilespmem:s1], [sflag:$0x1] =	stream.indirect_vreg.gather [hbm4b:s2+s19], $0x80, v10, vm0, $0xb8;
	[tilespmem:$0x16F50] =	vst v63  }
0x257: {  	s22 =	simm.s32 $0x3800  }
0x258: {  	[tilespmem:s22], [sflag:$0x1] =	stream.indirect_vreg.gather [hbm4b:s2+s19], $0x80, v9, vm0, $0xb8;
	[tilespmem:$0x16F50] =	vst v63  }
0x259: {  	v9 =	vld [tilespmem:$0x2B10];
	_ =	sdelay $0x4  }
0x25a: {  	v10 =	vshll.u32 v9, $0x1  }
0x25b: {  	v9 =	vand.u32 $0x7, v9;
	v10 =	vand.u32 $0xFFFFFFF0, v10  }
0x25c: {  	v9 =	vor.u32 v9, v10  }
0x25d: {  	v10 =	vperm.xlane v9, v5;
	_ =	sdelay $0x1  }
0x25e: {  	v9 =	vperm.xlane v9, v7;
	v10 =	vadd.s32 v6, v10;
	_ =	sdelay $0x1  }
0x25f: {  	v9 =	vadd.s32 v6, v9;
	_ =	sdelay $0x1  }
0x260: {  	s23 =	simm.s32 $0x4000  }
0x261: {  	[tilespmem:s23], [sflag:$0x1] =	stream.indirect_vreg.gather [hbm4b:s2+s19], $0x80, v10, vm0, $0xb8;
	[tilespmem:$0x16F50] =	vst v63  }
0x262: {  	s24 =	simm.s32 $0x4800  }
0x263: {  	[tilespmem:s24], [sflag:$0x1] =	stream.indirect_vreg.gather [hbm4b:s2+s19], $0x80, v9, vm0, $0xb8;
	[tilespmem:$0x16F50] =	vst v63  }
0x264: {  	v9 =	vld [tilespmem:$0x2B20];
	_ =	sdelay $0x4  }
0x265: {  	v10 =	vshll.u32 v9, $0x1  }
0x266: {  	v9 =	vand.u32 $0x7, v9;
	v10 =	vand.u32 $0xFFFFFFF0, v10  }
0x267: {  	v9 =	vor.u32 v9, v10  }
0x268: {  	v10 =	vperm.xlane v9, v5;
	_ =	sdelay $0x1  }
0x269: {  	v9 =	vperm.xlane v9, v7;
	v10 =	vadd.s32 v6, v10;
	_ =	sdelay $0x1  }
0x26a: {  	v9 =	vadd.s32 v6, v9;
	_ =	sdelay $0x2  }
0x26b: {  	[tilespmem:s17], [sflag:$0x1] =	stream.indirect_vreg.gather [hbm4b:s2+s19], $0x80, v10, vm0, $0xb8;
	[tilespmem:$0x16F50] =	vst v63  }
0x26c: {  	_ = 	snop  }
0x26d: {  	[tilespmem:s18], [sflag:$0x1] =	stream.indirect_vreg.gather [hbm4b:s2+s19], $0x80, v9, vm0, $0xb8;
	[tilespmem:$0x16F50] =	vst v63  }
0x26e: {  	v9 =	vld [tilespmem:$0x2B30];
	_ =	sdelay $0x4  }
0x26f: {  	v10 =	vshll.u32 v9, $0x1  }
0x270: {  	v9 =	vand.u32 $0x7, v9;
	v10 =	vand.u32 $0xFFFFFFF0, v10  }
0x271: {  	v9 =	vor.u32 v9, v10  }
0x272: {  	v10 =	vperm.xlane v9, v5;
	_ =	sdelay $0x1  }
0x273: {  	v9 =	vperm.xlane v9, v7;
	v10 =	vadd.s32 v6, v10;
	_ =	sdelay $0x1  }
0x274: {  	v9 =	vadd.s32 v6, v9;
	_ =	sdelay $0x2  }
0x275: {  	[tilespmem:s20], [sflag:$0x1] =	stream.indirect_vreg.gather [hbm4b:s2+s19], $0x80, v10, vm0, $0xb8;
	[tilespmem:$0x16F50] =	vst v63  }
0x276: {  	_ = 	snop  }
0x277: {  	[tilespmem:s21], [sflag:$0x1] =	stream.indirect_vreg.gather [hbm4b:s2+s19], $0x80, v9, vm0, $0xb8;
	[tilespmem:$0x16F50] =	vst v63  }
0x278: {  	_ =	swait.ge [sflag:s16], $0x4000  }
0x279: {  	[sflag:s16] =	ssyncset.done $0x0  }
0x27a: {  	s4 =	simm.s32 $0x2D81;
	[sflag:s16] =	ssyncadd.s32 $0xFFFFC000  }
0x27b: {  	v9 =	vld [tilespmem:s4+$0xFFFFFFFF];
	_ =	sdelay $0x4  }
0x27c: {  	(v2sf) =	vpush v9, $0x0;
	_ =	sdelay $0xb  }
0x27d: {  	s26 =	sand.u32 $0x3800, s19;
	s0 =	sand.u32 $0x300, s19  }
0x27e: {  	s1 =	sor.u32 s0, s26  }
0x27f: {  	v9 =	vld [tilespmem:s1+$0x3000]  }
0x280: {  	s28 =	spop (v2sf)  }
0x281: {  	s5 =	sshll.u32 s28, $0x8;
	s0 =	sshll.u32 s28, $0x7  }
0x282: {  	s5 =	sand.u32 $0xFFFFF800, s5;
	s0 =	sand.u32 $0x380, s0  }
0x283: {  	s0 =	sor.u32 s0, s5  }
0x284: {  	[tilespmem:s0+$0xB000] =	vst.add.f32.msk $0xffff, v9  }
0x285: {  	v9 =	vld [tilespmem:s1+$0x3010];
	_ =	sdelay $0x4  }
0x286: {  	[tilespmem:s0+$0xB010] =	vst.add.f32.msk $0xffff, v9  }
0x287: {  	v9 =	vld [tilespmem:s1+$0x3020];
	_ =	sdelay $0x4  }
0x288: {  	[tilespmem:s0+$0xB020] =	vst.add.f32.msk $0xffff, v9  }
0x289: {  	v9 =	vld [tilespmem:s1+$0x3030];
	_ =	sdelay $0x4  }
0x28a: {  	[tilespmem:s0+$0xB030] =	vst.add.f32.msk $0xffff, v9  }
0x28b: {  	v9 =	vld [tilespmem:s1+$0x3040];
	_ =	sdelay $0x4  }
0x28c: {  	[tilespmem:s0+$0xB040] =	vst.add.f32.msk $0xffff, v9  }
0x28d: {  	v9 =	vld [tilespmem:s1+$0x3050];
	_ =	sdelay $0x4  }
0x28e: {  	[tilespmem:s0+$0xB050] =	vst.add.f32.msk $0xffff, v9  }
0x28f: {  	v9 =	vld [tilespmem:s1+$0x3060];
	_ =	sdelay $0x4  }
0x290: {  	[tilespmem:s0+$0xB060] =	vst.add.f32.msk $0xffff, v9  }
0x291: {  	v9 =	vld [tilespmem:s1+$0x3070];
	_ =	sdelay $0x4  }
0x292: {  	[tilespmem:s0+$0xB070] =	vst.add.f32.msk $0xffff, v9  }
0x293: {  	v9 =	vld [tilespmem:s1+$0x3400];
	_ =	sdelay $0x4  }
0x294: {  	[tilespmem:s0+$0xB400] =	vst.add.f32.msk $0xffff, v9  }
0x295: {  	v9 =	vld [tilespmem:s1+$0x3410];
	_ =	sdelay $0x4  }
0x296: {  	[tilespmem:s0+$0xB410] =	vst.add.f32.msk $0xffff, v9  }
0x297: {  	v9 =	vld [tilespmem:s1+$0x3420];
	_ =	sdelay $0x4  }
0x298: {  	[tilespmem:s0+$0xB420] =	vst.add.f32.msk $0xffff, v9  }
0x299: {  	v9 =	vld [tilespmem:s1+$0x3430];
	_ =	sdelay $0x4  }
0x29a: {  	[tilespmem:s0+$0xB430] =	vst.add.f32.msk $0xffff, v9  }
0x29b: {  	v9 =	vld [tilespmem:s1+$0x3440];
	_ =	sdelay $0x4  }
0x29c: {  	[tilespmem:s0+$0xB440] =	vst.add.f32.msk $0xffff, v9  }
0x29d: {  	v9 =	vld [tilespmem:s1+$0x3450];
	_ =	sdelay $0x4  }
0x29e: {  	[tilespmem:s0+$0xB450] =	vst.add.f32.msk $0xffff, v9  }
0x29f: {  	v9 =	vld [tilespmem:s1+$0x3460];
	_ =	sdelay $0x4  }
0x2a0: {  	[tilespmem:s0+$0xB460] =	vst.add.f32.msk $0xffff, v9  }
0x2a1: {  	v9 =	vld [tilespmem:s1+$0x3470];
	_ =	sdelay $0x4  }
0x2a2: {  	[tilespmem:s0+$0xB470] =	vst.add.f32.msk $0xffff, v9  }
0x2a3: {  	v9 =	vld [tilespmem:s4+$0x0];
	_ =	sdelay $0x4  }
0x2a4: {  	(v2sf) =	vpush v9, $0x0;
	_ =	sdelay $0xd  }
0x2a5: {  	v9 =	vld [tilespmem:s1+$0x3080]  }
0x2a6: {  	s29 =	spop (v2sf)  }
0x2a7: {  	s30 =	sshll.u32 s29, $0x8;
	s0 =	sshll.u32 s29, $0x7  }
0x2a8: {  	s5 =	sand.u32 $0xFFFFF800, s30;
	s0 =	sand.u32 $0x380, s0  }
0x2a9: {  	s0 =	sor.u32 s0, s5  }
0x2aa: {  	[tilespmem:s0+$0xB000] =	vst.add.f32.msk $0xffff, v9  }
0x2ab: {  	v9 =	vld [tilespmem:s1+$0x3090];
	_ =	sdelay $0x4  }
0x2ac: {  	[tilespmem:s0+$0xB010] =	vst.add.f32.msk $0xffff, v9  }
0x2ad: {  	v9 =	vld [tilespmem:s1+$0x30A0];
	_ =	sdelay $0x4  }
0x2ae: {  	[tilespmem:s0+$0xB020] =	vst.add.f32.msk $0xffff, v9  }
0x2af: {  	v9 =	vld [tilespmem:s1+$0x30B0];
	_ =	sdelay $0x4  }
0x2b0: {  	[tilespmem:s0+$0xB030] =	vst.add.f32.msk $0xffff, v9  }
0x2b1: {  	v9 =	vld [tilespmem:s1+$0x30C0];
	_ =	sdelay $0x4  }
0x2b2: {  	[tilespmem:s0+$0xB040] =	vst.add.f32.msk $0xffff, v9  }
0x2b3: {  	v9 =	vld [tilespmem:s1+$0x30D0];
	_ =	sdelay $0x4  }
0x2b4: {  	[tilespmem:s0+$0xB050] =	vst.add.f32.msk $0xffff, v9  }
0x2b5: {  	v9 =	vld [tilespmem:s1+$0x30E0];
	_ =	sdelay $0x4  }
0x2b6: {  	[tilespmem:s0+$0xB060] =	vst.add.f32.msk $0xffff, v9  }
0x2b7: {  	v9 =	vld [tilespmem:s1+$0x30F0];
	_ =	sdelay $0x4  }
0x2b8: {  	[tilespmem:s0+$0xB070] =	vst.add.f32.msk $0xffff, v9  }
0x2b9: {  	v9 =	vld [tilespmem:s1+$0x3480];
	_ =	sdelay $0x4  }
0x2ba: {  	[tilespmem:s0+$0xB400] =	vst.add.f32.msk $0xffff, v9  }
0x2bb: {  	v9 =	vld [tilespmem:s1+$0x3490];
	_ =	sdelay $0x4  }
0x2bc: {  	[tilespmem:s0+$0xB410] =	vst.add.f32.msk $0xffff, v9  }
0x2bd: {  	v9 =	vld [tilespmem:s1+$0x34A0];
	_ =	sdelay $0x4  }
0x2be: {  	[tilespmem:s0+$0xB420] =	vst.add.f32.msk $0xffff, v9  }
0x2bf: {  	v9 =	vld [tilespmem:s1+$0x34B0];
	_ =	sdelay $0x4  }
0x2c0: {  	[tilespmem:s0+$0xB430] =	vst.add.f32.msk $0xffff, v9  }
0x2c1: {  	v9 =	vld [tilespmem:s1+$0x34C0];
	_ =	sdelay $0x4  }
0x2c2: {  	[tilespmem:s0+$0xB440] =	vst.add.f32.msk $0xffff, v9  }
0x2c3: {  	v9 =	vld [tilespmem:s1+$0x34D0];
	_ =	sdelay $0x4  }
0x2c4: {  	[tilespmem:s0+$0xB450] =	vst.add.f32.msk $0xffff, v9  }
0x2c5: {  	v9 =	vld [tilespmem:s1+$0x34E0];
	_ =	sdelay $0x4  }
0x2c6: {  	[tilespmem:s0+$0xB460] =	vst.add.f32.msk $0xffff, v9  }
0x2c7: {  	v9 =	vld [tilespmem:s1+$0x34F0];
	_ =	sdelay $0x3  }
0x2c8: {  	s6 =	simm.s32 $0x100;
	s8 =	simm.s32 $0x200;
	s5 =	simm.s32 $0x0  }
.LBB2_26:
0x2c9: {  	s1 =	sand.u32 $0x3800, s8;
	s7 =	sand.u32 $0x300, s6;
	[tilespmem:s0+$0xB470] =	vst.add.f32.msk $0xffff, v9;
	s4 =	sadd.s32 $0x2, s4  }
0x2ca: {  	s5 =	sadd.s32 $0x2, s5;
	v9 =	vld [tilespmem:s4+$0xFFFFFFFF];
	s10 =	sor.u32 s7, s1  }
0x2cb: {  	p2 =	slt.u32 s5, $0x3E;
	v10 =	vld [tilespmem:s10+$0x3000];
	_ =	sdelay $0x3  }
0x2cc: {  	(v2sf) =	vpush v9, $0x0;
	_ =	sdelay $0xe  }
0x2cd: {  	s0 =	spop (v2sf)  }
0x2ce: {  	s1 =	sshll.u32 s0, $0x8;
	s0 =	sshll.u32 s0, $0x7  }
0x2cf: {  	s1 =	sand.u32 $0xFFFFF800, s1;
	s0 =	sand.u32 $0x380, s0  }
0x2d0: {  	s0 =	sor.u32 s0, s1  }
0x2d1: {  	[tilespmem:s0+$0xB000] =	vst.add.f32.msk $0xffff, v10  }
0x2d2: {  	v9 =	vld [tilespmem:s10+$0x3010];
	_ =	sdelay $0x4  }
0x2d3: {  	[tilespmem:s0+$0xB010] =	vst.add.f32.msk $0xffff, v9  }
0x2d4: {  	v9 =	vld [tilespmem:s10+$0x3020];
	_ =	sdelay $0x4  }
0x2d5: {  	[tilespmem:s0+$0xB020] =	vst.add.f32.msk $0xffff, v9  }
0x2d6: {  	v9 =	vld [tilespmem:s10+$0x3030];
	_ =	sdelay $0x4  }
0x2d7: {  	[tilespmem:s0+$0xB030] =	vst.add.f32.msk $0xffff, v9  }
0x2d8: {  	v9 =	vld [tilespmem:s10+$0x3040];
	_ =	sdelay $0x4  }
0x2d9: {  	[tilespmem:s0+$0xB040] =	vst.add.f32.msk $0xffff, v9  }
0x2da: {  	v9 =	vld [tilespmem:s10+$0x3050];
	_ =	sdelay $0x4  }
0x2db: {  	[tilespmem:s0+$0xB050] =	vst.add.f32.msk $0xffff, v9  }
0x2dc: {  	v9 =	vld [tilespmem:s10+$0x3060];
	_ =	sdelay $0x4  }
0x2dd: {  	[tilespmem:s0+$0xB060] =	vst.add.f32.msk $0xffff, v9  }
0x2de: {  	v9 =	vld [tilespmem:s10+$0x3070];
	_ =	sdelay $0x4  }
0x2df: {  	[tilespmem:s0+$0xB070] =	vst.add.f32.msk $0xffff, v9  }
0x2e0: {  	v9 =	vld [tilespmem:s10+$0x3400];
	_ =	sdelay $0x4  }
0x2e1: {  	[tilespmem:s0+$0xB400] =	vst.add.f32.msk $0xffff, v9  }
0x2e2: {  	v9 =	vld [tilespmem:s10+$0x3410];
	_ =	sdelay $0x4  }
0x2e3: {  	[tilespmem:s0+$0xB410] =	vst.add.f32.msk $0xffff, v9  }
0x2e4: {  	v9 =	vld [tilespmem:s10+$0x3420];
	_ =	sdelay $0x4  }
0x2e5: {  	[tilespmem:s0+$0xB420] =	vst.add.f32.msk $0xffff, v9  }
0x2e6: {  	v9 =	vld [tilespmem:s10+$0x3430];
	_ =	sdelay $0x4  }
0x2e7: {  	[tilespmem:s0+$0xB430] =	vst.add.f32.msk $0xffff, v9  }
0x2e8: {  	v9 =	vld [tilespmem:s10+$0x3440];
	_ =	sdelay $0x4  }
0x2e9: {  	[tilespmem:s0+$0xB440] =	vst.add.f32.msk $0xffff, v9  }
0x2ea: {  	v9 =	vld [tilespmem:s10+$0x3450];
	_ =	sdelay $0x4  }
0x2eb: {  	[tilespmem:s0+$0xB450] =	vst.add.f32.msk $0xffff, v9  }
0x2ec: {  	v9 =	vld [tilespmem:s10+$0x3460];
	_ =	sdelay $0x4  }
0x2ed: {  	[tilespmem:s0+$0xB460] =	vst.add.f32.msk $0xffff, v9  }
0x2ee: {  	v9 =	vld [tilespmem:s10+$0x3470];
	_ =	sdelay $0x4  }
0x2ef: {  	[tilespmem:s0+$0xB470] =	vst.add.f32.msk $0xffff, v9  }
0x2f0: {  	v9 =	vld [tilespmem:s4+$0x0];
	_ =	sdelay $0x4  }
0x2f1: {  	(v2sf) =	vpush v9, $0x0;
	_ =	sdelay $0xd  }
0x2f2: {  	v9 =	vld [tilespmem:s10+$0x3080]  }
0x2f3: {  	s0 =	spop (v2sf)  }
0x2f4: {  	s1 =	sshll.u32 s0, $0x8;
	s0 =	sshll.u32 s0, $0x7  }
0x2f5: {  	s1 =	sand.u32 $0xFFFFF800, s1;
	s0 =	sand.u32 $0x380, s0  }
0x2f6: {  	s0 =	sor.u32 s0, s1  }
0x2f7: {  	[tilespmem:s0+$0xB000] =	vst.add.f32.msk $0xffff, v9  }
0x2f8: {  	v9 =	vld [tilespmem:s10+$0x3090];
	_ =	sdelay $0x4  }
0x2f9: {  	[tilespmem:s0+$0xB010] =	vst.add.f32.msk $0xffff, v9  }
0x2fa: {  	v9 =	vld [tilespmem:s10+$0x30A0];
	_ =	sdelay $0x4  }
0x2fb: {  	[tilespmem:s0+$0xB020] =	vst.add.f32.msk $0xffff, v9  }
0x2fc: {  	v9 =	vld [tilespmem:s10+$0x30B0];
	_ =	sdelay $0x4  }
0x2fd: {  	[tilespmem:s0+$0xB030] =	vst.add.f32.msk $0xffff, v9  }
0x2fe: {  	v9 =	vld [tilespmem:s10+$0x30C0];
	_ =	sdelay $0x4  }
0x2ff: {  	[tilespmem:s0+$0xB040] =	vst.add.f32.msk $0xffff, v9  }
0x300: {  	v9 =	vld [tilespmem:s10+$0x30D0];
	_ =	sdelay $0x4  }
0x301: {  	[tilespmem:s0+$0xB050] =	vst.add.f32.msk $0xffff, v9  }
0x302: {  	v9 =	vld [tilespmem:s10+$0x30E0];
	_ =	sdelay $0x4  }
0x303: {  	[tilespmem:s0+$0xB060] =	vst.add.f32.msk $0xffff, v9  }
0x304: {  	v9 =	vld [tilespmem:s10+$0x30F0];
	_ =	sdelay $0x4  }
0x305: {  	[tilespmem:s0+$0xB070] =	vst.add.f32.msk $0xffff, v9  }
0x306: {  	v9 =	vld [tilespmem:s10+$0x3480];
	_ =	sdelay $0x4  }
0x307: {  	[tilespmem:s0+$0xB400] =	vst.add.f32.msk $0xffff, v9  }
0x308: {  	v9 =	vld [tilespmem:s10+$0x3490];
	_ =	sdelay $0x4  }
0x309: {  	[tilespmem:s0+$0xB410] =	vst.add.f32.msk $0xffff, v9  }
0x30a: {  	v9 =	vld [tilespmem:s10+$0x34A0];
	_ =	sdelay $0x4  }
0x30b: {  	[tilespmem:s0+$0xB420] =	vst.add.f32.msk $0xffff, v9  }
0x30c: {  	v9 =	vld [tilespmem:s10+$0x34B0];
	_ =	sdelay $0x4  }
0x30d: {  	[tilespmem:s0+$0xB430] =	vst.add.f32.msk $0xffff, v9  }
0x30e: {  	v9 =	vld [tilespmem:s10+$0x34C0];
	_ =	sdelay $0x4  }
0x30f: {  	[tilespmem:s0+$0xB440] =	vst.add.f32.msk $0xffff, v9  }
0x310: {  	v9 =	vld [tilespmem:s10+$0x34D0];
	_ =	sdelay $0x4  }
0x311: {  	[tilespmem:s0+$0xB450] =	vst.add.f32.msk $0xffff, v9  }
0x312: {  	v9 =	vld [tilespmem:s10+$0x34E0];
	_ =	sdelay $0x4  }
0x313: {  	[tilespmem:s0+$0xB460] =	vst.add.f32.msk $0xffff, v9  }
.Ltmp20:
0x314: {  	v9 =	vld [tilespmem:s10+$0x34F0];
	(pc) =	sbr.rel @p2 .LBB2_26-.Ltmp20, $2  }
0x315: {  	_ =	sdelay $0x2  }
0x316: {  	s6 =	sadd.s32 $0x100, s6;
	s8 =	sadd.s32 $0x200, s8  }
.Ltmp21:
0x317: {  	(pc) =	sbr.rel .LBB2_28-.Ltmp21, $2  }
0x318: {  	_ =	sdelay $0x2  }
0x319: {  	[tilespmem:s0+$0xB470] =	vst.add.f32.msk $0xffff, v9  }
.LBB2_31:
0x31a: {  	_ =	sfence.sel $0x180000  }
0x31b: {  	[bflag:$0x0] =	sbarrier.arrive $0xFFFF  }
0x31c: {  	_ =	strace $0x90000047  }
0x31d: {  	[bflag:$0x2] =	sbarrier.arrive $0xFFFF  }
0x31e: {  	s0 =	rddreg [dreg:$0x7]  }
0x31f: {  	s0 =	sadd.s32 @!p0 $0x100000, s0  }
0x320: {  	[sflag:s0] =	ssyncadd.tile.s32 @!p0 $0x1;
	_ =	shalt  }
.Lfunc_end2:
_tile_overlayer_lowered:
.L_overlay_start_2:
0x321: {  	(tag) =	ssettag $0x2  }
0x322: {  	s0 =	rddreg [dreg:$0x0];
	s2 =	stileid.u32  }
0x323: {  	s1 =	rddreg [dreg:$0x1];
	p0 =	sne.s32 s2, $0x0  }
0x324: {  	s3 =	rddreg [dreg:$0x2];
	[bflag:$0x3] =	sbarrier.arrive $0xFFFF;
	s2 =	simm.s32 @!p0 $0x1C04  }
0x325: {  	[timem:s3], [sflag:s2] =	dma.local @!p0 [hbm:s0], s1  }
0x326: {  	s0 =	simm.s32 @!p0 $0x4  }
0x327: {  	_ =	swait.ge @!p0 [sflag:s0], s1  }
0x328: {  	s1 =	ssub.s32 @!p0 $0x0, s1;
	[sflag:s0] =	ssyncset.done @!p0 $0x0  }
0x329: {  	[sflag:s0] =	ssyncadd.s32 @!p0 s1  }
0x32a: {  	[bflag:$0x3] =	sbarrier.arrive $0xFFFF  }
0x32b: {  	_ =	shalt  }

</sc_bundles>
